<compile_context>
chip_gen: v7x
topology: tpu7x:2x2x1
jax: 0.10.2.dev20260603
libtpu: 0.0.44.dev20260713+nightly
codegen_flags: <defaults>
</compile_context>

<pallas_src>
import functools

import jax
import jax.numpy as jnp
from jax import lax
from jax.experimental import pallas as pl
from jax.experimental.pallas import tpu as pltpu
from jax.experimental.pallas import tpu_sc as plsc

B, Cin, C, H, W = 2, 64, 64, 224, 224
C2 = 2 * C
Ns, K = 12544, 9
HW = H * W
HID = (2 * C + 3) // 2
HWp = HW + 16
NW = 32
NKN = B * K * Ns
NN_PER_W = NKN // NW
GCH = 392
PT_PER_W = (B * Ns) // NW
PT_PER_T = Ns // 16

_MESH = plsc.VectorSubcoreMesh(core_axis_name="c", subcore_axis_name="s")


RB = 3584
NB = HW // RB


def _conv1_body(xt_ref, xm_ref, xb_ref, wtab_ref, wf1_ref, b0_ref, b1_ref,
                tab_ref, f1_ref, cat_ref):
    i = pl.program_id(1)
    zero = jnp.zeros((RB, C2), jnp.float32)
    cat_ref[pl.ds(0, RB), :] = jnp.where(i == 0, zero, xt_ref[0])
    cat_ref[pl.ds(RB, RB), :] = xm_ref[0]
    cat_ref[pl.ds(2 * RB, RB), :] = jnp.where(i == NB - 1, zero, xb_ref[0])
    wiota = lax.broadcasted_iota(jnp.int32, (RB, C2), 0) % W
    m_l = wiota != 0
    m_r = wiota != (W - 1)
    acc0 = jnp.zeros((RB, C2), jnp.float32)
    acc1 = jnp.zeros((RB, C2), jnp.float32)
    for t in range(9):
        dy, dx = t // 3 - 1, t % 3 - 1
        xs = cat_ref[pl.ds(RB + dy * W + dx, RB), :]
        if dx == -1:
            xs = jnp.where(m_l, xs, 0.0)
        elif dx == 1:
            xs = jnp.where(m_r, xs, 0.0)
        acc0 = acc0 + jnp.dot(xs, wtab_ref[t], preferred_element_type=jnp.float32)
        acc1 = acc1 + jnp.dot(xs, wf1_ref[t], preferred_element_type=jnp.float32)
    tab_ref[0] = jnp.maximum(acc0 + b0_ref[...], 0.0)
    f1_ref[0] = acc1 + b1_ref[...]


def _conv1(x_cat, wtab, wf1, b0p, b1p):
    blk = pl.BlockSpec((1, RB, C2), lambda b, i: (b, i, 0))
    full3 = pl.BlockSpec(None, lambda b, i: (0, 0, 0))
    full2 = pl.BlockSpec(None, lambda b, i: (0, 0))
    return pl.pallas_call(
        _conv1_body,
        grid=(B, NB),
        in_specs=[
            pl.BlockSpec((1, RB, C2), lambda b, i: (b, jnp.maximum(i - 1, 0), 0)),
            blk,
            pl.BlockSpec((1, RB, C2),
                         lambda b, i: (b, jnp.minimum(i + 1, NB - 1), 0)),
            full3, full3, full2, full2,
        ],
        out_specs=[
            pl.BlockSpec((1, RB, C2), lambda b, i: (b, i, 0)),
            pl.BlockSpec((1, RB, C2), lambda b, i: (b, i, 0)),
        ],
        out_shape=[
            jax.ShapeDtypeStruct((B, HWp, C2), jnp.float32),
            jax.ShapeDtypeStruct((B, HW, C2), jnp.float32),
        ],
        scratch_shapes=[pltpu.VMEM((3 * RB, C2), jnp.float32)],
    )(x_cat, x_cat, x_cat, wtab, wf1, b0p, b1p)


def _conv2_body(tt_ref, tm_ref, tb_ref, f1_ref, w2_ref, b2_ref,
                out_ref, cat_ref):
    i = pl.program_id(1)
    zero = jnp.zeros((RB, C2), jnp.float32)
    cat_ref[pl.ds(0, RB), :] = jnp.where(i == 0, zero, tt_ref[0])
    cat_ref[pl.ds(RB, RB), :] = tm_ref[0]
    cat_ref[pl.ds(2 * RB, RB), :] = jnp.where(i == NB - 1, zero, tb_ref[0])
    wiota = lax.broadcasted_iota(jnp.int32, (RB, C2), 0) % W
    m_l = wiota != 0
    m_r = wiota != (W - 1)
    acc = jnp.zeros((RB, C2), jnp.float32)
    for t in range(9):
        dy, dx = t // 3 - 1, t % 3 - 1
        xs = cat_ref[pl.ds(RB + dy * W + dx, RB), :]
        if dx == -1:
            xs = jnp.where(m_l, xs, 0.0)
        elif dx == 1:
            xs = jnp.where(m_r, xs, 0.0)
        acc = acc + jnp.dot(xs, w2_ref[t], preferred_element_type=jnp.float32)
    out_ref[0] = jnp.maximum(acc + b2_ref[...] + f1_ref[0], 0.0)


def _conv2(tab2, f1, w2p, b2p):
    full3 = pl.BlockSpec(None, lambda b, i: (0, 0, 0))
    full2 = pl.BlockSpec(None, lambda b, i: (0, 0))
    return pl.pallas_call(
        _conv2_body,
        grid=(B, NB),
        in_specs=[
            pl.BlockSpec((1, RB, C2), lambda b, i: (b, jnp.maximum(i - 1, 0), 0)),
            pl.BlockSpec((1, RB, C2), lambda b, i: (b, i, 0)),
            pl.BlockSpec((1, RB, C2),
                         lambda b, i: (b, jnp.minimum(i + 1, NB - 1), 0)),
            pl.BlockSpec((1, RB, C2), lambda b, i: (b, i, 0)),
            full3, full2,
        ],
        out_specs=pl.BlockSpec((1, RB, C2), lambda b, i: (b, i, 0)),
        out_shape=jax.ShapeDtypeStruct((B, HW, C2), jnp.float32),
        scratch_shapes=[pltpu.VMEM((3 * RB, C2), jnp.float32)],
    )(tab2, tab2, tab2, f1, w2p, b2p)




@functools.partial(
    pl.kernel,
    out_type=(
        jax.ShapeDtypeStruct((NKN, C2), jnp.float32),
        jax.ShapeDtypeStruct((B * Ns, C2), jnp.float32),
    ),
    mesh=_MESH,
    scratch_types=[
        pltpu.VMEM((GCH,), jnp.int32),
        pltpu.VMEM((GCH,), jnp.int32),
        pltpu.VMEM((GCH, C2), jnp.float32),
        pltpu.VMEM((GCH, C2), jnp.float32),
        pltpu.SemaphoreType.DMA,
        pltpu.SemaphoreType.DMA,
        pltpu.SemaphoreType.DMA,
        pltpu.SemaphoreType.DMA,
    ],
    compiler_params=pltpu.CompilerParams(needs_layout_passes=False),
)
def _sc_gather(tab, nbrs_g, pc_g, nn_out, pt_out, idx_a, idx_b,
               rows_a, rows_b, gsem_a, gsem_b, osem_a, osem_b):
    wid = lax.axis_index("c") * 16 + lax.axis_index("s")
    nb_base = wid * NN_PER_W
    pt_base = wid * PT_PER_W
    nnc = NN_PER_W // GCH
    ptc = PT_PER_W // GCH

    def src_dst(i):
        if i < nnc:
            return nbrs_g, nn_out, nb_base + i * GCH
        j = i - nnc
        return pc_g, pt_out, pt_base + j * GCH

    n = nnc + ptc
    idx_bufs = (idx_a, idx_b)
    row_bufs = (rows_a, rows_b)
    gsems = (gsem_a, gsem_b)
    osems = (osem_a, osem_b)
    gathers = {}
    outs = {}
    src0, _, base0 = src_dst(0)
    pltpu.sync_copy(src0.at[pl.ds(base0, GCH)], idx_a)
    gathers[0] = pltpu.async_copy(tab.at[idx_a], rows_a, gsem_a)
    for i in range(n):
        s, nx = i % 2, (i + 1) % 2
        if i + 1 < n:
            srcn, _, basen = src_dst(i + 1)
            pltpu.sync_copy(srcn.at[pl.ds(basen, GCH)], idx_bufs[nx])
            if i >= 1:
                outs[i - 1].wait()
            gathers[i + 1] = pltpu.async_copy(tab.at[idx_bufs[nx]],
                                              row_bufs[nx], gsems[nx])
        gathers[i].wait()
        _, dsti, basei = src_dst(i)
        outs[i] = pltpu.async_copy(row_bufs[s], dsti.at[pl.ds(basei, GCH)],
                                   osems[s])
    outs[n - 2].wait()
    outs[n - 1].wait()



BN = 896


def _attn_body(nn_ref, pt_ref, disp_ref, g_ref, pw_ref, wp_ref, w2_ref,
               b1_ref, b2_ref, bias_ref, out_ref):
    pt = pt_ref[0]
    point = (jnp.dot(pt, pw_ref[...], preferred_element_type=jnp.float32)
             + b1_ref[...])
    den = jnp.zeros((BN, 2), jnp.float32)
    accd = jnp.zeros((BN, C), jnp.float32)
    accr = jnp.zeros((BN, C), jnp.float32)
    for k in range(K):
        nk128 = nn_ref[0, k]
        h = (jnp.dot(nk128, g_ref[...], preferred_element_type=jnp.float32)
             + lax.dot_general(disp_ref[0, pl.ds(3 * k, 3)], wp_ref[...],
                               (((0,), (0,)), ((), ())),
                               preferred_element_type=jnp.float32)
             + point)
        h = jnp.where(h >= 0, h, 0.2 * h)
        e = jnp.exp(jnp.dot(h, w2_ref[...], preferred_element_type=jnp.float32)
                    + b2_ref[...])
        den = den + e
        nk = nk128[:, 0:C]
        accd = accd + e[:, 0:1] * nk
        accr = accr + e[:, 1:2] * nk
    inv = 1.0 / den
    accd = accd * inv[:, 0:1]
    accr = accr * inv[:, 1:2]
    acc = jnp.concatenate([accd, accr], axis=1) + bias_ref[...]
    ci = lax.broadcasted_iota(jnp.int32, (BN, C2), 1)
    keep = jnp.logical_and(ci != 0, ci != C)
    out_ref[0] = acc + jnp.where(keep, pt, 0.0)


def _tc_attn(nn, pt, disp, g, pw, wp, w2, b1s, b2s, bias):
    nblk = Ns // BN
    w2d = pl.BlockSpec(None, lambda b, i: (0, 0))
    return pl.pallas_call(
        _attn_body,
        grid=(B, nblk),
        in_specs=[
            pl.BlockSpec((1, K, BN, C2), lambda b, i: (b, 0, i, 0)),
            pl.BlockSpec((1, BN, C2), lambda b, i: (b, i, 0)),
            pl.BlockSpec((1, 3 * K, BN), lambda b, i: (b, 0, i)),
            w2d, w2d, w2d, w2d, w2d, w2d, w2d,
        ],
        out_specs=pl.BlockSpec((1, BN, C2), lambda b, i: (b, i, 0)),
        out_shape=jax.ShapeDtypeStruct((B, Ns, C2), jnp.float32),
    )(nn, pt, disp, g, pw, wp, w2, b1s, b2s, bias)



CPR = HW // 16
CCH = 112
_PASSES = ((0, 384), (384, 384), (768, 16))


@functools.partial(
    pl.kernel,
    out_type=jax.ShapeDtypeStruct((B * HWp, C2), jnp.float32),
    mesh=_MESH,
    scratch_types=[
        pltpu.VMEM((HW,), jnp.int32),
        pltpu.VMEM((Ns,), jnp.int32),
        pltpu.VMEM((PT_PER_T,), jnp.int32),
        pltpu.VMEM((384,), jnp.int32),
        pltpu.VMEM((384, C2), jnp.float32),
        pltpu.VMEM((CCH, C2), jnp.float32),
        pltpu.SemaphoreType.DMA,
        pltpu.SemaphoreType.DMA,
        pltpu.SemaphoreType.DMA,
        pltpu.SemaphoreType.DMA,
    ],
    compiler_params=pltpu.CompilerParams(needs_layout_passes=False),
)
def _sc_scatter(tab, rows, pc_lf, pc_g, out,
                wm_v, pc_v, msk_v, idx_v, rows_v, cp_b,
                isem_a, isem_b, osem_a, sem):
    b = lax.axis_index("c")
    t = lax.axis_index("s")

    row0 = b * HWp + t * CPR
    ncp = CPR // CCH
    bufs = (rows_v.at[pl.ds(0, CCH)], cp_b)
    isems = (isem_a, isem_b)
    osems = (osem_a, sem)
    ins = {}
    outs = {}
    ins[0] = pltpu.async_copy(tab.at[pl.ds(row0, CCH)], bufs[0], isem_a)
    for j in range(ncp):
        s, nx = j % 2, (j + 1) % 2
        if j + 1 < ncp:
            if j >= 1:
                outs[j - 1].wait()
            ins[j + 1] = pltpu.async_copy(
                tab.at[pl.ds(row0 + (j + 1) * CCH, CCH)], bufs[nx], isems[nx])
        ins[j].wait()
        outs[j] = pltpu.async_copy(bufs[s],
                                   out.at[pl.ds(row0 + j * CCH, CCH)],
                                   osems[s])
    outs[ncp - 2].wait()
    outs[ncp - 1].wait()

    pltpu.sync_copy(pc_lf.at[pl.ds(b * Ns, Ns)], pc_v)
    lanes = lax.iota(jnp.int32, 16)

    def scat(i, _):
        idx16 = pc_v[pl.ds(i * 16, 16)]
        plsc.store_scatter(wm_v, [idx16], lanes + i * 16)
        return _

    lax.fori_loop(0, Ns // 16, scat, 0)

    tb = t * PT_PER_T

    def wmask(i, _):
        idx16 = pc_v[pl.ds(tb + i * 16, 16)]
        got = plsc.load_gather(wm_v, [idx16])
        msk_v[pl.ds(i * 16, 16)] = jnp.where(got == lanes + (tb + i * 16), 1, 0)
        return _

    lax.fori_loop(0, PT_PER_T // 16, wmask, 0)

    plsc.subcore_barrier()

    sentinel = b * HWp + HW + t
    gstart = b * Ns + tb

    for off, npt in _PASSES:
        pltpu.sync_copy(pc_g.at[pl.ds(gstart + off, npt)],
                        idx_v.at[pl.ds(0, npt)])
        pltpu.sync_copy(rows.at[pl.ds(gstart + off, npt)],
                        rows_v.at[pl.ds(0, npt)])

        def effidx(i, _):
            w16 = msk_v[pl.ds(off + i * 16, 16)]
            i16 = idx_v[pl.ds(i * 16, 16)]
            idx_v[pl.ds(i * 16, 16)] = jnp.where(w16 == 1, i16, sentinel)
            return _

        lax.fori_loop(0, npt // 16, effidx, 0)

        pltpu.async_copy(rows_v.at[pl.ds(0, npt)],
                         out.at[idx_v.at[pl.ds(0, npt)]], sem).wait()




def _taps(w):
    return w.transpose(2, 3, 1, 0).reshape(9, Cin, C)


def _packtaps(wd, wr):
    z = jnp.zeros((9, C2, C2), jnp.float32)
    return z.at[:, :C, :C].set(_taps(wd)).at[:, C:, C:].set(_taps(wr))


def kernel(rgb, sdepth, pc_idx, nbrs_idx, nbrs_disp,
           d_w0, d_b0, d_w1, d_b1, d_w2, d_b2,
           r_w0, r_b0, r_w1, r_b1, r_w2, r_b2,
           d_mlp_w1, d_mlp_b1, d_mlp_w2, d_mlp_b2,
           r_mlp_w1, r_mlp_b1, r_mlp_w2, r_mlp_b2,
           d_bias, r_bias):
    x_cat = jnp.concatenate([sdepth, rgb], axis=1).transpose(0, 2, 3, 1)
    x_cat = x_cat.reshape(B, HW, C2)

    tab3, f1 = _conv1(x_cat,
                      _packtaps(d_w0, r_w0),
                      _packtaps(d_w1, r_w1),
                      jnp.concatenate([d_b0, r_b0]).reshape(1, C2),
                      jnp.concatenate([d_b1, r_b1]).reshape(1, C2))
    tab = tab3.reshape(B * HWp, C2)

    off_b = jnp.arange(B, dtype=jnp.int32) * HWp
    pc_l = pc_idx.reshape(B, Ns).astype(jnp.int32)
    pc_g = (pc_l + off_b[:, None]).reshape(-1)
    nbrs = nbrs_idx.reshape(B, Ns, K).astype(jnp.int32).transpose(0, 2, 1)
    nbrs_g = (nbrs + off_b[:, None, None]).reshape(-1)
    disp_t = nbrs_disp.transpose(0, 3, 1, 2).reshape(B, 3 * K, Ns)

    nn_f, pt_f = _sc_gather(tab, nbrs_g, pc_g)

    a1d, a2d, a3d = (d_mlp_w1[:, :C], d_mlp_w1[:, C:2 * C], d_mlp_w1[:, 2 * C:])
    a1r, a2r, a3r = (r_mlp_w1[:, :C], r_mlp_w1[:, C:2 * C], r_mlp_w1[:, 2 * C:])
    g_w = jnp.concatenate([(a1d + a2d).T, (a1r + a2r).T], axis=1)
    g_w = jnp.pad(g_w, ((0, C), (0, 0)))
    pw = jnp.concatenate(
        [jnp.concatenate([-a1d.T, -a1r.T], axis=1),
         jnp.concatenate([-a2d.T, -a2r.T], axis=1)], axis=0)
    wp = jnp.concatenate([a3d.T, a3r.T], axis=1)
    w2 = jnp.zeros((2 * HID, 2), jnp.float32)
    w2 = w2.at[:HID, 0].set(d_mlp_w2[0]).at[HID:, 1].set(r_mlp_w2[0])
    b1s = jnp.concatenate([d_mlp_b1, r_mlp_b1]).reshape(1, 2 * HID)
    b2s = jnp.concatenate([d_mlp_b2, r_mlp_b2]).reshape(1, 2)
    bias = jnp.concatenate([d_bias, r_bias]).reshape(1, C2)

    new_rows = _tc_attn(nn_f.reshape(B, K, Ns, C2), pt_f.reshape(B, Ns, C2),
                        disp_t, g_w, pw, wp, w2, b1s, b2s, bias)

    tab2 = _sc_scatter(tab, new_rows.reshape(B * Ns, C2),
                       pc_l.reshape(-1), pc_g)

    y = _conv2(tab2.reshape(B, HWp, C2), f1,
               _packtaps(d_w2, r_w2),
               jnp.concatenate([d_b2, r_b2]).reshape(1, C2))

    out_d = y[..., :C].reshape(B, H, W, C).transpose(0, 3, 1, 2)
    out_r = y[..., C:].reshape(B, H, W, C).transpose(0, 3, 1, 2)
    return out_d, out_r

# --- scband reference (transcript-rebuilt; emitter-appended) ---
"""Pipeline reference for scband-co-attn-gpblock-17351667876070 (READ-ONLY COPY).

The authoritative reference and input builder live on the scoring server;
editing this copy changes nothing except your own understanding.
"""

import jax, jax.numpy as jnp
import numpy as np

B, Cin, Cout, H, W = 2, 64, 64, 224, 224
Ns, K = 12544, 9
HW = H * W
HID = (2 * Cout + 3) // 2


def _conv(x, w, b):
    y = jax.lax.conv_general_dilated(x, w, (1, 1), ((1, 1), (1, 1)), dimension_numbers=('NCHW', 'OIHW', 'NCHW'))
    return y + b[None, :, None, None]


def _mlp(x, w1, b1, w2, b2):
    h = x @ w1.T + b1
    h = jnp.where(h >= 0, h, 0.2 * h)
    return h @ w2.T + b2


def setup_inputs(seed: int = 0) -> dict:
    key = jax.random.key(seed)
    ks = jax.random.split(key, 32)
    s = 0.05
    inp = {}
    inp['rgb'] = jax.random.normal(ks[0], (B, Cin, H, W), jnp.float32)
    inp['sdepth'] = jax.random.normal(ks[1], (B, Cin, H, W), jnp.float32)
    inp['pc_idx'] = jax.random.randint(ks[2], (B, 1, Ns), 0, HW)
    inp['nbrs_idx'] = jax.random.randint(ks[3], (B, 1, Ns, K), 0, HW)
    inp['nbrs_disp'] = jax.random.normal(ks[4], (B, 3, Ns, K), jnp.float32)
    for i, n in enumerate(['d_w0', 'd_w1', 'd_w2', 'r_w0', 'r_w1', 'r_w2']):
        inp[n] = jax.random.normal(ks[5 + i], (Cout, Cin, 3, 3), jnp.float32) * s
        inp[n.replace('w', 'b')] = jnp.zeros((Cout,), jnp.float32)
    inp['d_mlp_w1'] = jax.random.normal(ks[11], (HID, 2 * Cout + 3), jnp.float32) * s
    inp['d_mlp_b1'] = jnp.zeros((HID,), jnp.float32)
    inp['d_mlp_w2'] = jax.random.normal(ks[12], (1, HID), jnp.float32) * s
    inp['d_mlp_b2'] = jnp.zeros((1,), jnp.float32)
    inp['r_mlp_w1'] = jax.random.normal(ks[13], (HID, 2 * Cout + 3), jnp.float32) * s
    inp['r_mlp_b1'] = jnp.zeros((HID,), jnp.float32)
    inp['r_mlp_w2'] = jax.random.normal(ks[14], (1, HID), jnp.float32) * s
    inp['r_mlp_b2'] = jnp.zeros((1,), jnp.float32)
    inp['d_bias'] = jnp.zeros((Cout,), jnp.float32)
    inp['r_bias'] = jnp.zeros((Cout,), jnp.float32)
    return inp


def reference(rgb, sdepth, pc_idx, nbrs_idx, nbrs_disp,
              d_w0, d_b0, d_w1, d_b1, d_w2, d_b2,
              r_w0, r_b0, r_w1, r_b1, r_w2, r_b2,
              d_mlp_w1, d_mlp_b1, d_mlp_w2, d_mlp_b2,
              r_mlp_w1, r_mlp_b1, r_mlp_w2, r_mlp_b2,
              d_bias, r_bias):
    d_feat0 = jax.nn.relu(_conv(sdepth, d_w0, d_b0))
    d_feat1 = _conv(sdepth, d_w1, d_b1)
    r_feat0 = jax.nn.relu(_conv(rgb, r_w0, r_b0))
    r_feat1 = _conv(rgb, r_w1, r_b1)
    Bn, C, Hn, Wn = r_feat1.shape
    N, Kn = nbrs_idx.shape[2], nbrs_idx.shape[3]
    d_flat = d_feat0.reshape(Bn, C, -1)
    r_flat = r_feat0.reshape(Bn, C, -1)
    idx_p = jnp.broadcast_to(pc_idx, (Bn, C, N))
    idx_n = jnp.broadcast_to(nbrs_idx, (Bn, C, N, Kn)).reshape(Bn, C, -1)
    d_sfeat = jnp.take_along_axis(d_flat, idx_p, axis=2)
    d_nnfeat = jnp.take_along_axis(d_flat, idx_n, axis=2).reshape(Bn, C, N, Kn)
    r_sfeat = jnp.take_along_axis(r_flat, idx_p, axis=2)
    r_nnfeat = jnp.take_along_axis(d_flat, idx_n, axis=2).reshape(Bn, C, N, Kn)
    d_dist = d_nnfeat - d_sfeat[..., None]
    r_dist = r_nnfeat - r_sfeat[..., None]
    feats = jnp.concatenate((d_dist, r_dist, nbrs_disp), axis=1).reshape(Bn, 2 * C + 3, -1).transpose(0, 2, 1)
    d_attn = jax.nn.softmax(_mlp(feats, d_mlp_w1, d_mlp_b1, d_mlp_w2, d_mlp_b2).reshape(Bn, N, Kn, 1), axis=2).transpose(0, 3, 1, 2)
    r_attn = jax.nn.softmax(_mlp(feats, r_mlp_w1, r_mlp_b1, r_mlp_w2, r_mlp_b2).reshape(Bn, N, Kn, 1), axis=2).transpose(0, 3, 1, 2)
    d_feat = jnp.sum(d_attn * d_nnfeat, axis=3) + d_bias[None, :, None]
    r_feat = jnp.sum(r_attn * r_nnfeat, axis=3) + r_bias[None, :, None]
    b_ix = jnp.arange(Bn)[:, None, None]
    c_ix = jnp.arange(C)[None, :, None]
    d_new = jnp.zeros((Bn, C, Hn * Wn), jnp.float32).at[b_ix, c_ix, idx_p].set(d_feat).reshape(Bn, C, Hn, Wn)
    r_new = jnp.zeros((Bn, C, Hn * Wn), jnp.float32).at[b_ix, c_ix, idx_p].set(r_feat).reshape(Bn, C, Hn, Wn)
    masks = jnp.zeros((Bn, C, Hn * Wn), jnp.float32).at[jnp.arange(Bn)[:, None], 0, pc_idx[:, 0, :]].set(1.0).reshape(Bn, C, Hn, Wn)
    d_feat0 = (1 - masks) * d_feat0 + d_new
    r_feat0 = (1 - masks) * r_feat0 + r_new
    d_feat2 = _conv(d_feat0, d_w2, d_b2)
    r_feat2 = _conv(r_feat0, r_w2, r_b2)
    return (jax.nn.relu(d_feat2 + d_feat1), jax.nn.relu(r_feat2 + r_feat1))

if __name__ == "__main__":
    import jax
    _d = setup_inputs()
    print(jax.jit(kernel)(*tuple(_d.values())))

</pallas_src>

<mosaic_0001>
#map = affine_map<(d0, d1) -> (0, 0)>
#map1 = affine_map<(d0, d1) -> (0)>
module attributes {stable_mosaic.version = 14 : i64} {
  func.func @_sc_scatter(%arg0: i32, %arg1: i32, %arg2: memref<100384x128xf32, #tpu.memory_space<hbm>>, %arg3: memref<25088x128xf32, #tpu.memory_space<hbm>>, %arg4: memref<25088xi32, #tpu.memory_space<hbm>>, %arg5: memref<25088xi32, #tpu.memory_space<hbm>>, %arg6: memref<100384x128xf32, #tpu.memory_space<hbm>>, %arg7: memref<50176xi32, #tpu.memory_space<vmem>>, %arg8: memref<12544xi32, #tpu.memory_space<vmem>>, %arg9: memref<784xi32, #tpu.memory_space<vmem>>, %arg10: memref<384xi32, #tpu.memory_space<vmem>>, %arg11: memref<384x128xf32, #tpu.memory_space<vmem>>, %arg12: memref<112x128xf32, #tpu.memory_space<vmem>>, %arg13: memref<!tpu.dma_semaphore, #tpu.memory_space<semaphore_mem>>, %arg14: memref<!tpu.dma_semaphore, #tpu.memory_space<semaphore_mem>>, %arg15: memref<!tpu.dma_semaphore, #tpu.memory_space<semaphore_mem>>, %arg16: memref<!tpu.dma_semaphore, #tpu.memory_space<semaphore_mem>>) attributes {dimension_semantics = [#tpu.dimension_semantics<core_parallel>, #tpu.dimension_semantics<subcore_parallel>], iteration_bounds = array<i64: 2, 16>, scalar_prefetch = 0 : i64, scratch_operands = 10 : i64, tpu.core_type = #tpu.core_type<sc_vector_subcore>, window_params = [{transform_indices = #map}, {transform_indices = #map}, {transform_indices = #map1}, {transform_indices = #map1}, {transform_indices = #map}]} {
    %mul3A = arith.constant 50192 : i32
    %mul3A_0 = arith.muli %arg0, %mul3A : i32
    %mul3A_1 = arith.constant 3136 : i32
    %mul3A_2 = arith.muli %arg1, %mul3A_1 : i32
    %add3A = arith.addi %mul3A_0, %mul3A_2 : i32
    %dma_start3A = arith.constant 0 : i32
    %dma_start3A_3 = arith.constant 0 : i32
    %dma_start3A_4 = tpu.memref_slice %arg11[%dma_start3A, %dma_start3A_3] : memref<384x128xf32, #tpu.memory_space<vmem>> -> memref<112x128xf32, #tpu.memory_space<vmem>>
    %dma_start3A_5 = arith.constant 0 : i32
    %dma_start3A_6 = tpu.memref_slice %arg2[%add3A, %dma_start3A_5] : memref<100384x128xf32, #tpu.memory_space<hbm>> -> memref<112x128xf32, #tpu.memory_space<hbm>>
    %dma_start3A_7 = arith.constant 0 : i32
    %dma_start3A_8 = arith.constant 0 : i32
    %dma_start3A_9 = tpu.memref_slice %arg11[%dma_start3A_7, %dma_start3A_8] : memref<384x128xf32, #tpu.memory_space<vmem>> -> memref<112x128xf32, #tpu.memory_space<vmem>>
    %dma_start3A_10 = arith.constant 0 : i32
    %dma_start3A_11 = tpu.memref_slice %arg2[%add3A, %dma_start3A_10] : memref<100384x128xf32, #tpu.memory_space<hbm>> -> memref<112x128xf32, #tpu.memory_space<hbm>>
    tpu.enqueue_dma source(%dma_start3A_11 : memref<112x128xf32, #tpu.memory_space<hbm>>) target(%dma_start3A_9 : memref<112x128xf32, #tpu.memory_space<vmem>>) target_semaphore(%arg13 : memref<!tpu.dma_semaphore, #tpu.memory_space<semaphore_mem>>)
    %add3A_12 = arith.constant 112 : i32
    %add3A_13 = arith.addi %add3A, %add3A_12 : i32
    %dma_start3A_14 = arith.constant 0 : i32
    %dma_start3A_15 = tpu.memref_slice %arg2[%add3A_13, %dma_start3A_14] : memref<100384x128xf32, #tpu.memory_space<hbm>> -> memref<112x128xf32, #tpu.memory_space<hbm>>
    %dma_start3A_16 = arith.constant 0 : i32
    %dma_start3A_17 = tpu.memref_slice %arg2[%add3A_13, %dma_start3A_16] : memref<100384x128xf32, #tpu.memory_space<hbm>> -> memref<112x128xf32, #tpu.memory_space<hbm>>
    tpu.enqueue_dma source(%dma_start3A_17 : memref<112x128xf32, #tpu.memory_space<hbm>>) target(%arg12 : memref<112x128xf32, #tpu.memory_space<vmem>>) target_semaphore(%arg14 : memref<!tpu.dma_semaphore, #tpu.memory_space<semaphore_mem>>)
    %dma_wait3A = arith.constant 0 : i32
    %dma_wait3A_18 = arith.constant 0 : i32
    %dma_wait3A_19 = tpu.memref_slice %arg11[%dma_wait3A, %dma_wait3A_18] : memref<384x128xf32, #tpu.memory_space<vmem>> -> memref<112x128xf32, #tpu.memory_space<vmem>>
    %dma_wait3A_20 = arith.constant 0 : i32
    %dma_wait3A_21 = tpu.memref_slice %arg2[%add3A, %dma_wait3A_20] : memref<100384x128xf32, #tpu.memory_space<hbm>> -> memref<112x128xf32, #tpu.memory_space<hbm>>
    %dma_wait3A_22 = arith.constant 0 : i32
    %dma_wait3A_23 = arith.constant 0 : i32
    %dma_wait3A_24 = tpu.memref_slice %arg11[%dma_wait3A_22, %dma_wait3A_23] : memref<384x128xf32, #tpu.memory_space<vmem>> -> memref<112x128xf32, #tpu.memory_space<vmem>>
    %dma_wait3A_25 = arith.constant 0 : i32
    %dma_wait3A_26 = tpu.memref_slice %arg2[%add3A, %dma_wait3A_25] : memref<100384x128xf32, #tpu.memory_space<hbm>> -> memref<112x128xf32, #tpu.memory_space<hbm>>
    tpu.wait_dma2 semaphore(%arg13 : memref<!tpu.dma_semaphore, #tpu.memory_space<semaphore_mem>>) src(%dma_wait3A_26 : memref<112x128xf32, #tpu.memory_space<hbm>>) dst(%dma_wait3A_24 : memref<112x128xf32, #tpu.memory_space<vmem>>)
    %add3A_27 = arith.constant 0 : i32
    %add3A_28 = arith.addi %add3A, %add3A_27 : i32
    %dma_start3A_29 = arith.constant 0 : i32
    %dma_start3A_30 = arith.constant 0 : i32
    %dma_start3A_31 = tpu.memref_slice %arg11[%dma_start3A_29, %dma_start3A_30] : memref<384x128xf32, #tpu.memory_space<vmem>> -> memref<112x128xf32, #tpu.memory_space<vmem>>
    %dma_start3A_32 = arith.constant 0 : i32
    %dma_start3A_33 = tpu.memref_slice %arg6[%add3A_28, %dma_start3A_32] : memref<100384x128xf32, #tpu.memory_space<hbm>> -> memref<112x128xf32, #tpu.memory_space<hbm>>
    %dma_start3A_34 = arith.constant 0 : i32
    %dma_start3A_35 = tpu.memref_slice %arg6[%add3A_28, %dma_start3A_34] : memref<100384x128xf32, #tpu.memory_space<hbm>> -> memref<112x128xf32, #tpu.memory_space<hbm>>
    %dma_start3A_36 = arith.constant 0 : i32
    %dma_start3A_37 = arith.constant 0 : i32
    %dma_start3A_38 = tpu.memref_slice %arg11[%dma_start3A_36, %dma_start3A_37] : memref<384x128xf32, #tpu.memory_space<vmem>> -> memref<112x128xf32, #tpu.memory_space<vmem>>
    tpu.enqueue_dma source(%dma_start3A_38 : memref<112x128xf32, #tpu.memory_space<vmem>>) target(%dma_start3A_35 : memref<112x128xf32, #tpu.memory_space<hbm>>) target_semaphore(%arg15 : memref<!tpu.dma_semaphore, #tpu.memory_space<semaphore_mem>>)
    %dma_wait3A_39 = arith.constant 0 : i32
    %dma_wait3A_40 = arith.constant 0 : i32
    %dma_wait3A_41 = tpu.memref_slice %arg11[%dma_wait3A_39, %dma_wait3A_40] : memref<384x128xf32, #tpu.memory_space<vmem>> -> memref<112x128xf32, #tpu.memory_space<vmem>>
    %dma_wait3A_42 = arith.constant 0 : i32
    %dma_wait3A_43 = tpu.memref_slice %arg6[%add3A_28, %dma_wait3A_42] : memref<100384x128xf32, #tpu.memory_space<hbm>> -> memref<112x128xf32, #tpu.memory_space<hbm>>
    %dma_wait3A_44 = arith.constant 0 : i32
    %dma_wait3A_45 = tpu.memref_slice %arg6[%add3A_28, %dma_wait3A_44] : memref<100384x128xf32, #tpu.memory_space<hbm>> -> memref<112x128xf32, #tpu.memory_space<hbm>>
    %dma_wait3A_46 = arith.constant 0 : i32
    %dma_wait3A_47 = arith.constant 0 : i32
    %dma_wait3A_48 = tpu.memref_slice %arg11[%dma_wait3A_46, %dma_wait3A_47] : memref<384x128xf32, #tpu.memory_space<vmem>> -> memref<112x128xf32, #tpu.memory_space<vmem>>
    tpu.wait_dma2 semaphore(%arg15 : memref<!tpu.dma_semaphore, #tpu.memory_space<semaphore_mem>>) src(%dma_wait3A_48 : memref<112x128xf32, #tpu.memory_space<vmem>>) dst(%dma_wait3A_45 : memref<112x128xf32, #tpu.memory_space<hbm>>)
    %add3A_49 = arith.constant 224 : i32
    %add3A_50 = arith.addi %add3A, %add3A_49 : i32
    %dma_start3A_51 = arith.constant 0 : i32
    %dma_start3A_52 = arith.constant 0 : i32
    %dma_start3A_53 = tpu.memref_slice %arg11[%dma_start3A_51, %dma_start3A_52] : memref<384x128xf32, #tpu.memory_space<vmem>> -> memref<112x128xf32, #tpu.memory_space<vmem>>
    %dma_start3A_54 = arith.constant 0 : i32
    %dma_start3A_55 = tpu.memref_slice %arg2[%add3A_50, %dma_start3A_54] : memref<100384x128xf32, #tpu.memory_space<hbm>> -> memref<112x128xf32, #tpu.memory_space<hbm>>
    %dma_start3A_56 = arith.constant 0 : i32
    %dma_start3A_57 = arith.constant 0 : i32
    %dma_start3A_58 = tpu.memref_slice %arg11[%dma_start3A_56, %dma_start3A_57] : memref<384x128xf32, #tpu.memory_space<vmem>> -> memref<112x128xf32, #tpu.memory_space<vmem>>
    %dma_start3A_59 = arith.constant 0 : i32
    %dma_start3A_60 = tpu.memref_slice %arg2[%add3A_50, %dma_start3A_59] : memref<100384x128xf32, #tpu.memory_space<hbm>> -> memref<112x128xf32, #tpu.memory_space<hbm>>
    tpu.enqueue_dma source(%dma_start3A_60 : memref<112x128xf32, #tpu.memory_space<hbm>>) target(%dma_start3A_58 : memref<112x128xf32, #tpu.memory_space<vmem>>) target_semaphore(%arg13 : memref<!tpu.dma_semaphore, #tpu.memory_space<semaphore_mem>>)
    %dma_wait3A_61 = arith.constant 0 : i32
    %dma_wait3A_62 = tpu.memref_slice %arg2[%add3A_13, %dma_wait3A_61] : memref<100384x128xf32, #tpu.memory_space<hbm>> -> memref<112x128xf32, #tpu.memory_space<hbm>>
    %dma_wait3A_63 = arith.constant 0 : i32
    %dma_wait3A_64 = tpu.memref_slice %arg2[%add3A_13, %dma_wait3A_63] : memref<100384x128xf32, #tpu.memory_space<hbm>> -> memref<112x128xf32, #tpu.memory_space<hbm>>
    tpu.wait_dma2 semaphore(%arg14 : memref<!tpu.dma_semaphore, #tpu.memory_space<semaphore_mem>>) src(%dma_wait3A_64 : memref<112x128xf32, #tpu.memory_space<hbm>>) dst(%arg12 : memref<112x128xf32, #tpu.memory_space<vmem>>)
    %add3A_65 = arith.constant 112 : i32
    %add3A_66 = arith.addi %add3A, %add3A_65 : i32
    %dma_start3A_67 = arith.constant 0 : i32
    %dma_start3A_68 = tpu.memref_slice %arg6[%add3A_66, %dma_start3A_67] : memref<100384x128xf32, #tpu.memory_space<hbm>> -> memref<112x128xf32, #tpu.memory_space<hbm>>
    %dma_start3A_69 = arith.constant 0 : i32
    %dma_start3A_70 = tpu.memref_slice %arg6[%add3A_66, %dma_start3A_69] : memref<100384x128xf32, #tpu.memory_space<hbm>> -> memref<112x128xf32, #tpu.memory_space<hbm>>
    tpu.enqueue_dma source(%arg12 : memref<112x128xf32, #tpu.memory_space<vmem>>) target(%dma_start3A_70 : memref<112x128xf32, #tpu.memory_space<hbm>>) target_semaphore(%arg16 : memref<!tpu.dma_semaphore, #tpu.memory_space<semaphore_mem>>)
    %dma_wait3A_71 = arith.constant 0 : i32
    %dma_wait3A_72 = tpu.memref_slice %arg6[%add3A_66, %dma_wait3A_71] : memref<100384x128xf32, #tpu.memory_space<hbm>> -> memref<112x128xf32, #tpu.memory_space<hbm>>
    %dma_wait3A_73 = arith.constant 0 : i32
    %dma_wait3A_74 = tpu.memref_slice %arg6[%add3A_66, %dma_wait3A_73] : memref<100384x128xf32, #tpu.memory_space<hbm>> -> memref<112x128xf32, #tpu.memory_space<hbm>>
    tpu.wait_dma2 semaphore(%arg16 : memref<!tpu.dma_semaphore, #tpu.memory_space<semaphore_mem>>) src(%arg12 : memref<112x128xf32, #tpu.memory_space<vmem>>) dst(%dma_wait3A_74 : memref<112x128xf32, #tpu.memory_space<hbm>>)
    %add3A_75 = arith.constant 336 : i32
    %add3A_76 = arith.addi %add3A, %add3A_75 : i32
    %dma_start3A_77 = arith.constant 0 : i32
    %dma_start3A_78 = tpu.memref_slice %arg2[%add3A_76, %dma_start3A_77] : memref<100384x128xf32, #tpu.memory_space<hbm>> -> memref<112x128xf32, #tpu.memory_space<hbm>>
    %dma_start3A_79 = arith.constant 0 : i32
    %dma_start3A_80 = tpu.memref_slice %arg2[%add3A_76, %dma_start3A_79] : memref<100384x128xf32, #tpu.memory_space<hbm>> -> memref<112x128xf32, #tpu.memory_space<hbm>>
    tpu.enqueue_dma source(%dma_start3A_80 : memref<112x128xf32, #tpu.memory_space<hbm>>) target(%arg12 : memref<112x128xf32, #tpu.memory_space<vmem>>) target_semaphore(%arg14 : memref<!tpu.dma_semaphore, #tpu.memory_space<semaphore_mem>>)
    %dma_wait3A_81 = arith.constant 0 : i32
    %dma_wait3A_82 = arith.constant 0 : i32
    %dma_wait3A_83 = tpu.memref_slice %arg11[%dma_wait3A_81, %dma_wait3A_82] : memref<384x128xf32, #tpu.memory_space<vmem>> -> memref<112x128xf32, #tpu.memory_space<vmem>>
    %dma_wait3A_84 = arith.constant 0 : i32
    %dma_wait3A_85 = tpu.memref_slice %arg2[%add3A_50, %dma_wait3A_84] : memref<100384x128xf32, #tpu.memory_space<hbm>> -> memref<112x128xf32, #tpu.memory_space<hbm>>
    %dma_wait3A_86 = arith.constant 0 : i32
    %dma_wait3A_87 = arith.constant 0 : i32
    %dma_wait3A_88 = tpu.memref_slice %arg11[%dma_wait3A_86, %dma_wait3A_87] : memref<384x128xf32, #tpu.memory_space<vmem>> -> memref<112x128xf32, #tpu.memory_space<vmem>>
    %dma_wait3A_89 = arith.constant 0 : i32
    %dma_wait3A_90 = tpu.memref_slice %arg2[%add3A_50, %dma_wait3A_89] : memref<100384x128xf32, #tpu.memory_space<hbm>> -> memref<112x128xf32, #tpu.memory_space<hbm>>
    tpu.wait_dma2 semaphore(%arg13 : memref<!tpu.dma_semaphore, #tpu.memory_space<semaphore_mem>>) src(%dma_wait3A_90 : memref<112x128xf32, #tpu.memory_space<hbm>>) dst(%dma_wait3A_88 : memref<112x128xf32, #tpu.memory_space<vmem>>)
    %add3A_91 = arith.constant 224 : i32
    %add3A_92 = arith.addi %add3A, %add3A_91 : i32
    %dma_start3A_93 = arith.constant 0 : i32
    %dma_start3A_94 = arith.constant 0 : i32
    %dma_start3A_95 = tpu.memref_slice %arg11[%dma_start3A_93, %dma_start3A_94] : memref<384x128xf32, #tpu.memory_space<vmem>> -> memref<112x128xf32, #tpu.memory_space<vmem>>
    %dma_start3A_96 = arith.constant 0 : i32
    %dma_start3A_97 = tpu.memref_slice %arg6[%add3A_92, %dma_start3A_96] : memref<100384x128xf32, #tpu.memory_space<hbm>> -> memref<112x128xf32, #tpu.memory_space<hbm>>
    %dma_start3A_98 = arith.constant 0 : i32
    %dma_start3A_99 = tpu.memref_slice %arg6[%add3A_92, %dma_start3A_98] : memref<100384x128xf32, #tpu.memory_space<hbm>> -> memref<112x128xf32, #tpu.memory_space<hbm>>
    %dma_start3A_100 = arith.constant 0 : i32
    %dma_start3A_101 = arith.constant 0 : i32
    %dma_start3A_102 = tpu.memref_slice %arg11[%dma_start3A_100, %dma_start3A_101] : memref<384x128xf32, #tpu.memory_space<vmem>> -> memref<112x128xf32, #tpu.memory_space<vmem>>
    tpu.enqueue_dma source(%dma_start3A_102 : memref<112x128xf32, #tpu.memory_space<vmem>>) target(%dma_start3A_99 : memref<112x128xf32, #tpu.memory_space<hbm>>) target_semaphore(%arg15 : memref<!tpu.dma_semaphore, #tpu.memory_space<semaphore_mem>>)
    %dma_wait3A_103 = arith.constant 0 : i32
    %dma_wait3A_104 = arith.constant 0 : i32
    %dma_wait3A_105 = tpu.memref_slice %arg11[%dma_wait3A_103, %dma_wait3A_104] : memref<384x128xf32, #tpu.memory_space<vmem>> -> memref<112x128xf32, #tpu.memory_space<vmem>>
    %dma_wait3A_106 = arith.constant 0 : i32
    %dma_wait3A_107 = tpu.memref_slice %arg6[%add3A_92, %dma_wait3A_106] : memref<100384x128xf32, #tpu.memory_space<hbm>> -> memref<112x128xf32, #tpu.memory_space<hbm>>
    %dma_wait3A_108 = arith.constant 0 : i32
    %dma_wait3A_109 = tpu.memref_slice %arg6[%add3A_92, %dma_wait3A_108] : memref<100384x128xf32, #tpu.memory_space<hbm>> -> memref<112x128xf32, #tpu.memory_space<hbm>>
    %dma_wait3A_110 = arith.constant 0 : i32
    %dma_wait3A_111 = arith.constant 0 : i32
    %dma_wait3A_112 = tpu.memref_slice %arg11[%dma_wait3A_110, %dma_wait3A_111] : memref<384x128xf32, #tpu.memory_space<vmem>> -> memref<112x128xf32, #tpu.memory_space<vmem>>
    tpu.wait_dma2 semaphore(%arg15 : memref<!tpu.dma_semaphore, #tpu.memory_space<semaphore_mem>>) src(%dma_wait3A_112 : memref<112x128xf32, #tpu.memory_space<vmem>>) dst(%dma_wait3A_109 : memref<112x128xf32, #tpu.memory_space<hbm>>)
    %add3A_113 = arith.constant 448 : i32
    %add3A_114 = arith.addi %add3A, %add3A_113 : i32
    %dma_start3A_115 = arith.constant 0 : i32
    %dma_start3A_116 = arith.constant 0 : i32
    %dma_start3A_117 = tpu.memref_slice %arg11[%dma_start3A_115, %dma_start3A_116] : memref<384x128xf32, #tpu.memory_space<vmem>> -> memref<112x128xf32, #tpu.memory_space<vmem>>
    %dma_start3A_118 = arith.constant 0 : i32
    %dma_start3A_119 = tpu.memref_slice %arg2[%add3A_114, %dma_start3A_118] : memref<100384x128xf32, #tpu.memory_space<hbm>> -> memref<112x128xf32, #tpu.memory_space<hbm>>
    %dma_start3A_120 = arith.constant 0 : i32
    %dma_start3A_121 = arith.constant 0 : i32
    %dma_start3A_122 = tpu.memref_slice %arg11[%dma_start3A_120, %dma_start3A_121] : memref<384x128xf32, #tpu.memory_space<vmem>> -> memref<112x128xf32, #tpu.memory_space<vmem>>
    %dma_start3A_123 = arith.constant 0 : i32
    %dma_start3A_124 = tpu.memref_slice %arg2[%add3A_114, %dma_start3A_123] : memref<100384x128xf32, #tpu.memory_space<hbm>> -> memref<112x128xf32, #tpu.memory_space<hbm>>
    tpu.enqueue_dma source(%dma_start3A_124 : memref<112x128xf32, #tpu.memory_space<hbm>>) target(%dma_start3A_122 : memref<112x128xf32, #tpu.memory_space<vmem>>) target_semaphore(%arg13 : memref<!tpu.dma_semaphore, #tpu.memory_space<semaphore_mem>>)
    %dma_wait3A_125 = arith.constant 0 : i32
    %dma_wait3A_126 = tpu.memref_slice %arg2[%add3A_76, %dma_wait3A_125] : memref<100384x128xf32, #tpu.memory_space<hbm>> -> memref<112x128xf32, #tpu.memory_space<hbm>>
    %dma_wait3A_127 = arith.constant 0 : i32
    %dma_wait3A_128 = tpu.memref_slice %arg2[%add3A_76, %dma_wait3A_127] : memref<100384x128xf32, #tpu.memory_space<hbm>> -> memref<112x128xf32, #tpu.memory_space<hbm>>
    tpu.wait_dma2 semaphore(%arg14 : memref<!tpu.dma_semaphore, #tpu.memory_space<semaphore_mem>>) src(%dma_wait3A_128 : memref<112x128xf32, #tpu.memory_space<hbm>>) dst(%arg12 : memref<112x128xf32, #tpu.memory_space<vmem>>)
    %add3A_129 = arith.constant 336 : i32
    %add3A_130 = arith.addi %add3A, %add3A_129 : i32
    %dma_start3A_131 = arith.constant 0 : i32
    %dma_start3A_132 = tpu.memref_slice %arg6[%add3A_130, %dma_start3A_131] : memref<100384x128xf32, #tpu.memory_space<hbm>> -> memref<112x128xf32, #tpu.memory_space<hbm>>
    %dma_start3A_133 = arith.constant 0 : i32
    %dma_start3A_134 = tpu.memref_slice %arg6[%add3A_130, %dma_start3A_133] : memref<100384x128xf32, #tpu.memory_space<hbm>> -> memref<112x128xf32, #tpu.memory_space<hbm>>
    tpu.enqueue_dma source(%arg12 : memref<112x128xf32, #tpu.memory_space<vmem>>) target(%dma_start3A_134 : memref<112x128xf32, #tpu.memory_space<hbm>>) target_semaphore(%arg16 : memref<!tpu.dma_semaphore, #tpu.memory_space<semaphore_mem>>)
    %dma_wait3A_135 = arith.constant 0 : i32
    %dma_wait3A_136 = tpu.memref_slice %arg6[%add3A_130, %dma_wait3A_135] : memref<100384x128xf32, #tpu.memory_space<hbm>> -> memref<112x128xf32, #tpu.memory_space<hbm>>
    %dma_wait3A_137 = arith.constant 0 : i32
    %dma_wait3A_138 = tpu.memref_slice %arg6[%add3A_130, %dma_wait3A_137] : memref<100384x128xf32, #tpu.memory_space<hbm>> -> memref<112x128xf32, #tpu.memory_space<hbm>>
    tpu.wait_dma2 semaphore(%arg16 : memref<!tpu.dma_semaphore, #tpu.memory_space<semaphore_mem>>) src(%arg12 : memref<112x128xf32, #tpu.memory_space<vmem>>) dst(%dma_wait3A_138 : memref<112x128xf32, #tpu.memory_space<hbm>>)
    %add3A_139 = arith.constant 560 : i32
    %add3A_140 = arith.addi %add3A, %add3A_139 : i32
    %dma_start3A_141 = arith.constant 0 : i32
    %dma_start3A_142 = tpu.memref_slice %arg2[%add3A_140, %dma_start3A_141] : memref<100384x128xf32, #tpu.memory_space<hbm>> -> memref<112x128xf32, #tpu.memory_space<hbm>>
    %dma_start3A_143 = arith.constant 0 : i32
    %dma_start3A_144 = tpu.memref_slice %arg2[%add3A_140, %dma_start3A_143] : memref<100384x128xf32, #tpu.memory_space<hbm>> -> memref<112x128xf32, #tpu.memory_space<hbm>>
    tpu.enqueue_dma source(%dma_start3A_144 : memref<112x128xf32, #tpu.memory_space<hbm>>) target(%arg12 : memref<112x128xf32, #tpu.memory_space<vmem>>) target_semaphore(%arg14 : memref<!tpu.dma_semaphore, #tpu.memory_space<semaphore_mem>>)
    %dma_wait3A_145 = arith.constant 0 : i32
    %dma_wait3A_146 = arith.constant 0 : i32
    %dma_wait3A_147 = tpu.memref_slice %arg11[%dma_wait3A_145, %dma_wait3A_146] : memref<384x128xf32, #tpu.memory_space<vmem>> -> memref<112x128xf32, #tpu.memory_space<vmem>>
    %dma_wait3A_148 = arith.constant 0 : i32
    %dma_wait3A_149 = tpu.memref_slice %arg2[%add3A_114, %dma_wait3A_148] : memref<100384x128xf32, #tpu.memory_space<hbm>> -> memref<112x128xf32, #tpu.memory_space<hbm>>
    %dma_wait3A_150 = arith.constant 0 : i32
    %dma_wait3A_151 = arith.constant 0 : i32
    %dma_wait3A_152 = tpu.memref_slice %arg11[%dma_wait3A_150, %dma_wait3A_151] : memref<384x128xf32, #tpu.memory_space<vmem>> -> memref<112x128xf32, #tpu.memory_space<vmem>>
    %dma_wait3A_153 = arith.constant 0 : i32
    %dma_wait3A_154 = tpu.memref_slice %arg2[%add3A_114, %dma_wait3A_153] : memref<100384x128xf32, #tpu.memory_space<hbm>> -> memref<112x128xf32, #tpu.memory_space<hbm>>
    tpu.wait_dma2 semaphore(%arg13 : memref<!tpu.dma_semaphore, #tpu.memory_space<semaphore_mem>>) src(%dma_wait3A_154 : memref<112x128xf32, #tpu.memory_space<hbm>>) dst(%dma_wait3A_152 : memref<112x128xf32, #tpu.memory_space<vmem>>)
    %add3A_155 = arith.constant 448 : i32
    %add3A_156 = arith.addi %add3A, %add3A_155 : i32
    %dma_start3A_157 = arith.constant 0 : i32
    %dma_start3A_158 = arith.constant 0 : i32
    %dma_start3A_159 = tpu.memref_slice %arg11[%dma_start3A_157, %dma_start3A_158] : memref<384x128xf32, #tpu.memory_space<vmem>> -> memref<112x128xf32, #tpu.memory_space<vmem>>
    %dma_start3A_160 = arith.constant 0 : i32
    %dma_start3A_161 = tpu.memref_slice %arg6[%add3A_156, %dma_start3A_160] : memref<100384x128xf32, #tpu.memory_space<hbm>> -> memref<112x128xf32, #tpu.memory_space<hbm>>
    %dma_start3A_162 = arith.constant 0 : i32
    %dma_start3A_163 = tpu.memref_slice %arg6[%add3A_156, %dma_start3A_162] : memref<100384x128xf32, #tpu.memory_space<hbm>> -> memref<112x128xf32, #tpu.memory_space<hbm>>
    %dma_start3A_164 = arith.constant 0 : i32
    %dma_start3A_165 = arith.constant 0 : i32
    %dma_start3A_166 = tpu.memref_slice %arg11[%dma_start3A_164, %dma_start3A_165] : memref<384x128xf32, #tpu.memory_space<vmem>> -> memref<112x128xf32, #tpu.memory_space<vmem>>
    tpu.enqueue_dma source(%dma_start3A_166 : memref<112x128xf32, #tpu.memory_space<vmem>>) target(%dma_start3A_163 : memref<112x128xf32, #tpu.memory_space<hbm>>) target_semaphore(%arg15 : memref<!tpu.dma_semaphore, #tpu.memory_space<semaphore_mem>>)
    %dma_wait3A_167 = arith.constant 0 : i32
    %dma_wait3A_168 = arith.constant 0 : i32
    %dma_wait3A_169 = tpu.memref_slice %arg11[%dma_wait3A_167, %dma_wait3A_168] : memref<384x128xf32, #tpu.memory_space<vmem>> -> memref<112x128xf32, #tpu.memory_space<vmem>>
    %dma_wait3A_170 = arith.constant 0 : i32
    %dma_wait3A_171 = tpu.memref_slice %arg6[%add3A_156, %dma_wait3A_170] : memref<100384x128xf32, #tpu.memory_space<hbm>> -> memref<112x128xf32, #tpu.memory_space<hbm>>
    %dma_wait3A_172 = arith.constant 0 : i32
    %dma_wait3A_173 = tpu.memref_slice %arg6[%add3A_156, %dma_wait3A_172] : memref<100384x128xf32, #tpu.memory_space<hbm>> -> memref<112x128xf32, #tpu.memory_space<hbm>>
    %dma_wait3A_174 = arith.constant 0 : i32
    %dma_wait3A_175 = arith.constant 0 : i32
    %dma_wait3A_176 = tpu.memref_slice %arg11[%dma_wait3A_174, %dma_wait3A_175] : memref<384x128xf32, #tpu.memory_space<vmem>> -> memref<112x128xf32, #tpu.memory_space<vmem>>
    tpu.wait_dma2 semaphore(%arg15 : memref<!tpu.dma_semaphore, #tpu.memory_space<semaphore_mem>>) src(%dma_wait3A_176 : memref<112x128xf32, #tpu.memory_space<vmem>>) dst(%dma_wait3A_173 : memref<112x128xf32, #tpu.memory_space<hbm>>)
    %add3A_177 = arith.constant 672 : i32
    %add3A_178 = arith.addi %add3A, %add3A_177 : i32
    %dma_start3A_179 = arith.constant 0 : i32
    %dma_start3A_180 = arith.constant 0 : i32
    %dma_start3A_181 = tpu.memref_slice %arg11[%dma_start3A_179, %dma_start3A_180] : memref<384x128xf32, #tpu.memory_space<vmem>> -> memref<112x128xf32, #tpu.memory_space<vmem>>
    %dma_start3A_182 = arith.constant 0 : i32
    %dma_start3A_183 = tpu.memref_slice %arg2[%add3A_178, %dma_start3A_182] : memref<100384x128xf32, #tpu.memory_space<hbm>> -> memref<112x128xf32, #tpu.memory_space<hbm>>
    %dma_start3A_184 = arith.constant 0 : i32
    %dma_start3A_185 = arith.constant 0 : i32
    %dma_start3A_186 = tpu.memref_slice %arg11[%dma_start3A_184, %dma_start3A_185] : memref<384x128xf32, #tpu.memory_space<vmem>> -> memref<112x128xf32, #tpu.memory_space<vmem>>
    %dma_start3A_187 = arith.constant 0 : i32
    %dma_start3A_188 = tpu.memref_slice %arg2[%add3A_178, %dma_start3A_187] : memref<100384x128xf32, #tpu.memory_space<hbm>> -> memref<112x128xf32, #tpu.memory_space<hbm>>
    tpu.enqueue_dma source(%dma_start3A_188 : memref<112x128xf32, #tpu.memory_space<hbm>>) target(%dma_start3A_186 : memref<112x128xf32, #tpu.memory_space<vmem>>) target_semaphore(%arg13 : memref<!tpu.dma_semaphore, #tpu.memory_space<semaphore_mem>>)
    %dma_wait3A_189 = arith.constant 0 : i32
    %dma_wait3A_190 = tpu.memref_slice %arg2[%add3A_140, %dma_wait3A_189] : memref<100384x128xf32, #tpu.memory_space<hbm>> -> memref<112x128xf32, #tpu.memory_space<hbm>>
    %dma_wait3A_191 = arith.constant 0 : i32
    %dma_wait3A_192 = tpu.memref_slice %arg2[%add3A_140, %dma_wait3A_191] : memref<100384x128xf32, #tpu.memory_space<hbm>> -> memref<112x128xf32, #tpu.memory_space<hbm>>
    tpu.wait_dma2 semaphore(%arg14 : memref<!tpu.dma_semaphore, #tpu.memory_space<semaphore_mem>>) src(%dma_wait3A_192 : memref<112x128xf32, #tpu.memory_space<hbm>>) dst(%arg12 : memref<112x128xf32, #tpu.memory_space<vmem>>)
    %add3A_193 = arith.constant 560 : i32
    %add3A_194 = arith.addi %add3A, %add3A_193 : i32
    %dma_start3A_195 = arith.constant 0 : i32
    %dma_start3A_196 = tpu.memref_slice %arg6[%add3A_194, %dma_start3A_195] : memref<100384x128xf32, #tpu.memory_space<hbm>> -> memref<112x128xf32, #tpu.memory_space<hbm>>
    %dma_start3A_197 = arith.constant 0 : i32
    %dma_start3A_198 = tpu.memref_slice %arg6[%add3A_194, %dma_start3A_197] : memref<100384x128xf32, #tpu.memory_space<hbm>> -> memref<112x128xf32, #tpu.memory_space<hbm>>
    tpu.enqueue_dma source(%arg12 : memref<112x128xf32, #tpu.memory_space<vmem>>) target(%dma_start3A_198 : memref<112x128xf32, #tpu.memory_space<hbm>>) target_semaphore(%arg16 : memref<!tpu.dma_semaphore, #tpu.memory_space<semaphore_mem>>)
    %dma_wait3A_199 = arith.constant 0 : i32
    %dma_wait3A_200 = tpu.memref_slice %arg6[%add3A_194, %dma_wait3A_199] : memref<100384x128xf32, #tpu.memory_space<hbm>> -> memref<112x128xf32, #tpu.memory_space<hbm>>
    %dma_wait3A_201 = arith.constant 0 : i32
    %dma_wait3A_202 = tpu.memref_slice %arg6[%add3A_194, %dma_wait3A_201] : memref<100384x128xf32, #tpu.memory_space<hbm>> -> memref<112x128xf32, #tpu.memory_space<hbm>>
    tpu.wait_dma2 semaphore(%arg16 : memref<!tpu.dma_semaphore, #tpu.memory_space<semaphore_mem>>) src(%arg12 : memref<112x128xf32, #tpu.memory_space<vmem>>) dst(%dma_wait3A_202 : memref<112x128xf32, #tpu.memory_space<hbm>>)
    %add3A_203 = arith.constant 784 : i32
    %add3A_204 = arith.addi %add3A, %add3A_203 : i32
    %dma_start3A_205 = arith.constant 0 : i32
    %dma_start3A_206 = tpu.memref_slice %arg2[%add3A_204, %dma_start3A_205] : memref<100384x128xf32, #tpu.memory_space<hbm>> -> memref<112x128xf32, #tpu.memory_space<hbm>>
    %dma_start3A_207 = arith.constant 0 : i32
    %dma_start3A_208 = tpu.memref_slice %arg2[%add3A_204, %dma_start3A_207] : memref<100384x128xf32, #tpu.memory_space<hbm>> -> memref<112x128xf32, #tpu.memory_space<hbm>>
    tpu.enqueue_dma source(%dma_start3A_208 : memref<112x128xf32, #tpu.memory_space<hbm>>) target(%arg12 : memref<112x128xf32, #tpu.memory_space<vmem>>) target_semaphore(%arg14 : memref<!tpu.dma_semaphore, #tpu.memory_space<semaphore_mem>>)
    %dma_wait3A_209 = arith.constant 0 : i32
    %dma_wait3A_210 = arith.constant 0 : i32
    %dma_wait3A_211 = tpu.memref_slice %arg11[%dma_wait3A_209, %dma_wait3A_210] : memref<384x128xf32, #tpu.memory_space<vmem>> -> memref<112x128xf32, #tpu.memory_space<vmem>>
    %dma_wait3A_212 = arith.constant 0 : i32
    %dma_wait3A_213 = tpu.memref_slice %arg2[%add3A_178, %dma_wait3A_212] : memref<100384x128xf32, #tpu.memory_space<hbm>> -> memref<112x128xf32, #tpu.memory_space<hbm>>
    %dma_wait3A_214 = arith.constant 0 : i32
    %dma_wait3A_215 = arith.constant 0 : i32
    %dma_wait3A_216 = tpu.memref_slice %arg11[%dma_wait3A_214, %dma_wait3A_215] : memref<384x128xf32, #tpu.memory_space<vmem>> -> memref<112x128xf32, #tpu.memory_space<vmem>>
    %dma_wait3A_217 = arith.constant 0 : i32
    %dma_wait3A_218 = tpu.memref_slice %arg2[%add3A_178, %dma_wait3A_217] : memref<100384x128xf32, #tpu.memory_space<hbm>> -> memref<112x128xf32, #tpu.memory_space<hbm>>
    tpu.wait_dma2 semaphore(%arg13 : memref<!tpu.dma_semaphore, #tpu.memory_space<semaphore_mem>>) src(%dma_wait3A_218 : memref<112x128xf32, #tpu.memory_space<hbm>>) dst(%dma_wait3A_216 : memref<112x128xf32, #tpu.memory_space<vmem>>)
    %add3A_219 = arith.constant 672 : i32
    %add3A_220 = arith.addi %add3A, %add3A_219 : i32
    %dma_start3A_221 = arith.constant 0 : i32
    %dma_start3A_222 = arith.constant 0 : i32
    %dma_start3A_223 = tpu.memref_slice %arg11[%dma_start3A_221, %dma_start3A_222] : memref<384x128xf32, #tpu.memory_space<vmem>> -> memref<112x128xf32, #tpu.memory_space<vmem>>
    %dma_start3A_224 = arith.constant 0 : i32
    %dma_start3A_225 = tpu.memref_slice %arg6[%add3A_220, %dma_start3A_224] : memref<100384x128xf32, #tpu.memory_space<hbm>> -> memref<112x128xf32, #tpu.memory_space<hbm>>
    %dma_start3A_226 = arith.constant 0 : i32
    %dma_start3A_227 = tpu.memref_slice %arg6[%add3A_220, %dma_start3A_226] : memref<100384x128xf32, #tpu.memory_space<hbm>> -> memref<112x128xf32, #tpu.memory_space<hbm>>
    %dma_start3A_228 = arith.constant 0 : i32
    %dma_start3A_229 = arith.constant 0 : i32
    %dma_start3A_230 = tpu.memref_slice %arg11[%dma_start3A_228, %dma_start3A_229] : memref<384x128xf32, #tpu.memory_space<vmem>> -> memref<112x128xf32, #tpu.memory_space<vmem>>
    tpu.enqueue_dma source(%dma_start3A_230 : memref<112x128xf32, #tpu.memory_space<vmem>>) target(%dma_start3A_227 : memref<112x128xf32, #tpu.memory_space<hbm>>) target_semaphore(%arg15 : memref<!tpu.dma_semaphore, #tpu.memory_space<semaphore_mem>>)
    %dma_wait3A_231 = arith.constant 0 : i32
    %dma_wait3A_232 = arith.constant 0 : i32
    %dma_wait3A_233 = tpu.memref_slice %arg11[%dma_wait3A_231, %dma_wait3A_232] : memref<384x128xf32, #tpu.memory_space<vmem>> -> memref<112x128xf32, #tpu.memory_space<vmem>>
    %dma_wait3A_234 = arith.constant 0 : i32
    %dma_wait3A_235 = tpu.memref_slice %arg6[%add3A_220, %dma_wait3A_234] : memref<100384x128xf32, #tpu.memory_space<hbm>> -> memref<112x128xf32, #tpu.memory_space<hbm>>
    %dma_wait3A_236 = arith.constant 0 : i32
    %dma_wait3A_237 = tpu.memref_slice %arg6[%add3A_220, %dma_wait3A_236] : memref<100384x128xf32, #tpu.memory_space<hbm>> -> memref<112x128xf32, #tpu.memory_space<hbm>>
    %dma_wait3A_238 = arith.constant 0 : i32
    %dma_wait3A_239 = arith.constant 0 : i32
    %dma_wait3A_240 = tpu.memref_slice %arg11[%dma_wait3A_238, %dma_wait3A_239] : memref<384x128xf32, #tpu.memory_space<vmem>> -> memref<112x128xf32, #tpu.memory_space<vmem>>
    tpu.wait_dma2 semaphore(%arg15 : memref<!tpu.dma_semaphore, #tpu.memory_space<semaphore_mem>>) src(%dma_wait3A_240 : memref<112x128xf32, #tpu.memory_space<vmem>>) dst(%dma_wait3A_237 : memref<112x128xf32, #tpu.memory_space<hbm>>)
    %add3A_241 = arith.constant 896 : i32
    %add3A_242 = arith.addi %add3A, %add3A_241 : i32
    %dma_start3A_243 = arith.constant 0 : i32
    %dma_start3A_244 = arith.constant 0 : i32
    %dma_start3A_245 = tpu.memref_slice %arg11[%dma_start3A_243, %dma_start3A_244] : memref<384x128xf32, #tpu.memory_space<vmem>> -> memref<112x128xf32, #tpu.memory_space<vmem>>
    %dma_start3A_246 = arith.constant 0 : i32
    %dma_start3A_247 = tpu.memref_slice %arg2[%add3A_242, %dma_start3A_246] : memref<100384x128xf32, #tpu.memory_space<hbm>> -> memref<112x128xf32, #tpu.memory_space<hbm>>
    %dma_start3A_248 = arith.constant 0 : i32
    %dma_start3A_249 = arith.constant 0 : i32
    %dma_start3A_250 = tpu.memref_slice %arg11[%dma_start3A_248, %dma_start3A_249] : memref<384x128xf32, #tpu.memory_space<vmem>> -> memref<112x128xf32, #tpu.memory_space<vmem>>
    %dma_start3A_251 = arith.constant 0 : i32
    %dma_start3A_252 = tpu.memref_slice %arg2[%add3A_242, %dma_start3A_251] : memref<100384x128xf32, #tpu.memory_space<hbm>> -> memref<112x128xf32, #tpu.memory_space<hbm>>
    tpu.enqueue_dma source(%dma_start3A_252 : memref<112x128xf32, #tpu.memory_space<hbm>>) target(%dma_start3A_250 : memref<112x128xf32, #tpu.memory_space<vmem>>) target_semaphore(%arg13 : memref<!tpu.dma_semaphore, #tpu.memory_space<semaphore_mem>>)
    %dma_wait3A_253 = arith.constant 0 : i32
    %dma_wait3A_254 = tpu.memref_slice %arg2[%add3A_204, %dma_wait3A_253] : memref<100384x128xf32, #tpu.memory_space<hbm>> -> memref<112x128xf32, #tpu.memory_space<hbm>>
    %dma_wait3A_255 = arith.constant 0 : i32
    %dma_wait3A_256 = tpu.memref_slice %arg2[%add3A_204, %dma_wait3A_255] : memref<100384x128xf32, #tpu.memory_space<hbm>> -> memref<112x128xf32, #tpu.memory_space<hbm>>
    tpu.wait_dma2 semaphore(%arg14 : memref<!tpu.dma_semaphore, #tpu.memory_space<semaphore_mem>>) src(%dma_wait3A_256 : memref<112x128xf32, #tpu.memory_space<hbm>>) dst(%arg12 : memref<112x128xf32, #tpu.memory_space<vmem>>)
    %add3A_257 = arith.constant 784 : i32
    %add3A_258 = arith.addi %add3A, %add3A_257 : i32
    %dma_start3A_259 = arith.constant 0 : i32
    %dma_start3A_260 = tpu.memref_slice %arg6[%add3A_258, %dma_start3A_259] : memref<100384x128xf32, #tpu.memory_space<hbm>> -> memref<112x128xf32, #tpu.memory_space<hbm>>
    %dma_start3A_261 = arith.constant 0 : i32
    %dma_start3A_262 = tpu.memref_slice %arg6[%add3A_258, %dma_start3A_261] : memref<100384x128xf32, #tpu.memory_space<hbm>> -> memref<112x128xf32, #tpu.memory_space<hbm>>
    tpu.enqueue_dma source(%arg12 : memref<112x128xf32, #tpu.memory_space<vmem>>) target(%dma_start3A_262 : memref<112x128xf32, #tpu.memory_space<hbm>>) target_semaphore(%arg16 : memref<!tpu.dma_semaphore, #tpu.memory_space<semaphore_mem>>)
    %dma_wait3A_263 = arith.constant 0 : i32
    %dma_wait3A_264 = tpu.memref_slice %arg6[%add3A_258, %dma_wait3A_263] : memref<100384x128xf32, #tpu.memory_space<hbm>> -> memref<112x128xf32, #tpu.memory_space<hbm>>
    %dma_wait3A_265 = arith.constant 0 : i32
    %dma_wait3A_266 = tpu.memref_slice %arg6[%add3A_258, %dma_wait3A_265] : memref<100384x128xf32, #tpu.memory_space<hbm>> -> memref<112x128xf32, #tpu.memory_space<hbm>>
    tpu.wait_dma2 semaphore(%arg16 : memref<!tpu.dma_semaphore, #tpu.memory_space<semaphore_mem>>) src(%arg12 : memref<112x128xf32, #tpu.memory_space<vmem>>) dst(%dma_wait3A_266 : memref<112x128xf32, #tpu.memory_space<hbm>>)
    %add3A_267 = arith.constant 1008 : i32
    %add3A_268 = arith.addi %add3A, %add3A_267 : i32
    %dma_start3A_269 = arith.constant 0 : i32
    %dma_start3A_270 = tpu.memref_slice %arg2[%add3A_268, %dma_start3A_269] : memref<100384x128xf32, #tpu.memory_space<hbm>> -> memref<112x128xf32, #tpu.memory_space<hbm>>
    %dma_start3A_271 = arith.constant 0 : i32
    %dma_start3A_272 = tpu.memref_slice %arg2[%add3A_268, %dma_start3A_271] : memref<100384x128xf32, #tpu.memory_space<hbm>> -> memref<112x128xf32, #tpu.memory_space<hbm>>
    tpu.enqueue_dma source(%dma_start3A_272 : memref<112x128xf32, #tpu.memory_space<hbm>>) target(%arg12 : memref<112x128xf32, #tpu.memory_space<vmem>>) target_semaphore(%arg14 : memref<!tpu.dma_semaphore, #tpu.memory_space<semaphore_mem>>)
    %dma_wait3A_273 = arith.constant 0 : i32
    %dma_wait3A_274 = arith.constant 0 : i32
    %dma_wait3A_275 = tpu.memref_slice %arg11[%dma_wait3A_273, %dma_wait3A_274] : memref<384x128xf32, #tpu.memory_space<vmem>> -> memref<112x128xf32, #tpu.memory_space<vmem>>
    %dma_wait3A_276 = arith.constant 0 : i32
    %dma_wait3A_277 = tpu.memref_slice %arg2[%add3A_242, %dma_wait3A_276] : memref<100384x128xf32, #tpu.memory_space<hbm>> -> memref<112x128xf32, #tpu.memory_space<hbm>>
    %dma_wait3A_278 = arith.constant 0 : i32
    %dma_wait3A_279 = arith.constant 0 : i32
    %dma_wait3A_280 = tpu.memref_slice %arg11[%dma_wait3A_278, %dma_wait3A_279] : memref<384x128xf32, #tpu.memory_space<vmem>> -> memref<112x128xf32, #tpu.memory_space<vmem>>
    %dma_wait3A_281 = arith.constant 0 : i32
    %dma_wait3A_282 = tpu.memref_slice %arg2[%add3A_242, %dma_wait3A_281] : memref<100384x128xf32, #tpu.memory_space<hbm>> -> memref<112x128xf32, #tpu.memory_space<hbm>>
    tpu.wait_dma2 semaphore(%arg13 : memref<!tpu.dma_semaphore, #tpu.memory_space<semaphore_mem>>) src(%dma_wait3A_282 : memref<112x128xf32, #tpu.memory_space<hbm>>) dst(%dma_wait3A_280 : memref<112x128xf32, #tpu.memory_space<vmem>>)
    %add3A_283 = arith.constant 896 : i32
    %add3A_284 = arith.addi %add3A, %add3A_283 : i32
    %dma_start3A_285 = arith.constant 0 : i32
    %dma_start3A_286 = arith.constant 0 : i32
    %dma_start3A_287 = tpu.memref_slice %arg11[%dma_start3A_285, %dma_start3A_286] : memref<384x128xf32, #tpu.memory_space<vmem>> -> memref<112x128xf32, #tpu.memory_space<vmem>>
    %dma_start3A_288 = arith.constant 0 : i32
    %dma_start3A_289 = tpu.memref_slice %arg6[%add3A_284, %dma_start3A_288] : memref<100384x128xf32, #tpu.memory_space<hbm>> -> memref<112x128xf32, #tpu.memory_space<hbm>>
    %dma_start3A_290 = arith.constant 0 : i32
    %dma_start3A_291 = tpu.memref_slice %arg6[%add3A_284, %dma_start3A_290] : memref<100384x128xf32, #tpu.memory_space<hbm>> -> memref<112x128xf32, #tpu.memory_space<hbm>>
    %dma_start3A_292 = arith.constant 0 : i32
    %dma_start3A_293 = arith.constant 0 : i32
    %dma_start3A_294 = tpu.memref_slice %arg11[%dma_start3A_292, %dma_start3A_293] : memref<384x128xf32, #tpu.memory_space<vmem>> -> memref<112x128xf32, #tpu.memory_space<vmem>>
    tpu.enqueue_dma source(%dma_start3A_294 : memref<112x128xf32, #tpu.memory_space<vmem>>) target(%dma_start3A_291 : memref<112x128xf32, #tpu.memory_space<hbm>>) target_semaphore(%arg15 : memref<!tpu.dma_semaphore, #tpu.memory_space<semaphore_mem>>)
    %dma_wait3A_295 = arith.constant 0 : i32
    %dma_wait3A_296 = arith.constant 0 : i32
    %dma_wait3A_297 = tpu.memref_slice %arg11[%dma_wait3A_295, %dma_wait3A_296] : memref<384x128xf32, #tpu.memory_space<vmem>> -> memref<112x128xf32, #tpu.memory_space<vmem>>
    %dma_wait3A_298 = arith.constant 0 : i32
    %dma_wait3A_299 = tpu.memref_slice %arg6[%add3A_284, %dma_wait3A_298] : memref<100384x128xf32, #tpu.memory_space<hbm>> -> memref<112x128xf32, #tpu.memory_space<hbm>>
    %dma_wait3A_300 = arith.constant 0 : i32
    %dma_wait3A_301 = tpu.memref_slice %arg6[%add3A_284, %dma_wait3A_300] : memref<100384x128xf32, #tpu.memory_space<hbm>> -> memref<112x128xf32, #tpu.memory_space<hbm>>
    %dma_wait3A_302 = arith.constant 0 : i32
    %dma_wait3A_303 = arith.constant 0 : i32
    %dma_wait3A_304 = tpu.memref_slice %arg11[%dma_wait3A_302, %dma_wait3A_303] : memref<384x128xf32, #tpu.memory_space<vmem>> -> memref<112x128xf32, #tpu.memory_space<vmem>>
    tpu.wait_dma2 semaphore(%arg15 : memref<!tpu.dma_semaphore, #tpu.memory_space<semaphore_mem>>) src(%dma_wait3A_304 : memref<112x128xf32, #tpu.memory_space<vmem>>) dst(%dma_wait3A_301 : memref<112x128xf32, #tpu.memory_space<hbm>>)
    %add3A_305 = arith.constant 1120 : i32
    %add3A_306 = arith.addi %add3A, %add3A_305 : i32
    %dma_start3A_307 = arith.constant 0 : i32
    %dma_start3A_308 = arith.constant 0 : i32
    %dma_start3A_309 = tpu.memref_slice %arg11[%dma_start3A_307, %dma_start3A_308] : memref<384x128xf32, #tpu.memory_space<vmem>> -> memref<112x128xf32, #tpu.memory_space<vmem>>
    %dma_start3A_310 = arith.constant 0 : i32
    %dma_start3A_311 = tpu.memref_slice %arg2[%add3A_306, %dma_start3A_310] : memref<100384x128xf32, #tpu.memory_space<hbm>> -> memref<112x128xf32, #tpu.memory_space<hbm>>
    %dma_start3A_312 = arith.constant 0 : i32
    %dma_start3A_313 = arith.constant 0 : i32
    %dma_start3A_314 = tpu.memref_slice %arg11[%dma_start3A_312, %dma_start3A_313] : memref<384x128xf32, #tpu.memory_space<vmem>> -> memref<112x128xf32, #tpu.memory_space<vmem>>
    %dma_start3A_315 = arith.constant 0 : i32
    %dma_start3A_316 = tpu.memref_slice %arg2[%add3A_306, %dma_start3A_315] : memref<100384x128xf32, #tpu.memory_space<hbm>> -> memref<112x128xf32, #tpu.memory_space<hbm>>
    tpu.enqueue_dma source(%dma_start3A_316 : memref<112x128xf32, #tpu.memory_space<hbm>>) target(%dma_start3A_314 : memref<112x128xf32, #tpu.memory_space<vmem>>) target_semaphore(%arg13 : memref<!tpu.dma_semaphore, #tpu.memory_space<semaphore_mem>>)
    %dma_wait3A_317 = arith.constant 0 : i32
    %dma_wait3A_318 = tpu.memref_slice %arg2[%add3A_268, %dma_wait3A_317] : memref<100384x128xf32, #tpu.memory_space<hbm>> -> memref<112x128xf32, #tpu.memory_space<hbm>>
    %dma_wait3A_319 = arith.constant 0 : i32
    %dma_wait3A_320 = tpu.memref_slice %arg2[%add3A_268, %dma_wait3A_319] : memref<100384x128xf32, #tpu.memory_space<hbm>> -> memref<112x128xf32, #tpu.memory_space<hbm>>
    tpu.wait_dma2 semaphore(%arg14 : memref<!tpu.dma_semaphore, #tpu.memory_space<semaphore_mem>>) src(%dma_wait3A_320 : memref<112x128xf32, #tpu.memory_space<hbm>>) dst(%arg12 : memref<112x128xf32, #tpu.memory_space<vmem>>)
    %add3A_321 = arith.constant 1008 : i32
    %add3A_322 = arith.addi %add3A, %add3A_321 : i32
    %dma_start3A_323 = arith.constant 0 : i32
    %dma_start3A_324 = tpu.memref_slice %arg6[%add3A_322, %dma_start3A_323] : memref<100384x128xf32, #tpu.memory_space<hbm>> -> memref<112x128xf32, #tpu.memory_space<hbm>>
    %dma_start3A_325 = arith.constant 0 : i32
    %dma_start3A_326 = tpu.memref_slice %arg6[%add3A_322, %dma_start3A_325] : memref<100384x128xf32, #tpu.memory_space<hbm>> -> memref<112x128xf32, #tpu.memory_space<hbm>>
    tpu.enqueue_dma source(%arg12 : memref<112x128xf32, #tpu.memory_space<vmem>>) target(%dma_start3A_326 : memref<112x128xf32, #tpu.memory_space<hbm>>) target_semaphore(%arg16 : memref<!tpu.dma_semaphore, #tpu.memory_space<semaphore_mem>>)
    %dma_wait3A_327 = arith.constant 0 : i32
    %dma_wait3A_328 = tpu.memref_slice %arg6[%add3A_322, %dma_wait3A_327] : memref<100384x128xf32, #tpu.memory_space<hbm>> -> memref<112x128xf32, #tpu.memory_space<hbm>>
    %dma_wait3A_329 = arith.constant 0 : i32
    %dma_wait3A_330 = tpu.memref_slice %arg6[%add3A_322, %dma_wait3A_329] : memref<100384x128xf32, #tpu.memory_space<hbm>> -> memref<112x128xf32, #tpu.memory_space<hbm>>
    tpu.wait_dma2 semaphore(%arg16 : memref<!tpu.dma_semaphore, #tpu.memory_space<semaphore_mem>>) src(%arg12 : memref<112x128xf32, #tpu.memory_space<vmem>>) dst(%dma_wait3A_330 : memref<112x128xf32, #tpu.memory_space<hbm>>)
    %add3A_331 = arith.constant 1232 : i32
    %add3A_332 = arith.addi %add3A, %add3A_331 : i32
    %dma_start3A_333 = arith.constant 0 : i32
    %dma_start3A_334 = tpu.memref_slice %arg2[%add3A_332, %dma_start3A_333] : memref<100384x128xf32, #tpu.memory_space<hbm>> -> memref<112x128xf32, #tpu.memory_space<hbm>>
    %dma_start3A_335 = arith.constant 0 : i32
    %dma_start3A_336 = tpu.memref_slice %arg2[%add3A_332, %dma_start3A_335] : memref<100384x128xf32, #tpu.memory_space<hbm>> -> memref<112x128xf32, #tpu.memory_space<hbm>>
    tpu.enqueue_dma source(%dma_start3A_336 : memref<112x128xf32, #tpu.memory_space<hbm>>) target(%arg12 : memref<112x128xf32, #tpu.memory_space<vmem>>) target_semaphore(%arg14 : memref<!tpu.dma_semaphore, #tpu.memory_space<semaphore_mem>>)
    %dma_wait3A_337 = arith.constant 0 : i32
    %dma_wait3A_338 = arith.constant 0 : i32
    %dma_wait3A_339 = tpu.memref_slice %arg11[%dma_wait3A_337, %dma_wait3A_338] : memref<384x128xf32, #tpu.memory_space<vmem>> -> memref<112x128xf32, #tpu.memory_space<vmem>>
    %dma_wait3A_340 = arith.constant 0 : i32
    %dma_wait3A_341 = tpu.memref_slice %arg2[%add3A_306, %dma_wait3A_340] : memref<100384x128xf32, #tpu.memory_space<hbm>> -> memref<112x128xf32, #tpu.memory_space<hbm>>
    %dma_wait3A_342 = arith.constant 0 : i32
    %dma_wait3A_343 = arith.constant 0 : i32
    %dma_wait3A_344 = tpu.memref_slice %arg11[%dma_wait3A_342, %dma_wait3A_343] : memref<384x128xf32, #tpu.memory_space<vmem>> -> memref<112x128xf32, #tpu.memory_space<vmem>>
    %dma_wait3A_345 = arith.constant 0 : i32
    %dma_wait3A_346 = tpu.memref_slice %arg2[%add3A_306, %dma_wait3A_345] : memref<100384x128xf32, #tpu.memory_space<hbm>> -> memref<112x128xf32, #tpu.memory_space<hbm>>
    tpu.wait_dma2 semaphore(%arg13 : memref<!tpu.dma_semaphore, #tpu.memory_space<semaphore_mem>>) src(%dma_wait3A_346 : memref<112x128xf32, #tpu.memory_space<hbm>>) dst(%dma_wait3A_344 : memref<112x128xf32, #tpu.memory_space<vmem>>)
    %add3A_347 = arith.constant 1120 : i32
    %add3A_348 = arith.addi %add3A, %add3A_347 : i32
    %dma_start3A_349 = arith.constant 0 : i32
    %dma_start3A_350 = arith.constant 0 : i32
    %dma_start3A_351 = tpu.memref_slice %arg11[%dma_start3A_349, %dma_start3A_350] : memref<384x128xf32, #tpu.memory_space<vmem>> -> memref<112x128xf32, #tpu.memory_space<vmem>>
    %dma_start3A_352 = arith.constant 0 : i32
    %dma_start3A_353 = tpu.memref_slice %arg6[%add3A_348, %dma_start3A_352] : memref<100384x128xf32, #tpu.memory_space<hbm>> -> memref<112x128xf32, #tpu.memory_space<hbm>>
    %dma_start3A_354 = arith.constant 0 : i32
    %dma_start3A_355 = tpu.memref_slice %arg6[%add3A_348, %dma_start3A_354] : memref<100384x128xf32, #tpu.memory_space<hbm>> -> memref<112x128xf32, #tpu.memory_space<hbm>>
    %dma_start3A_356 = arith.constant 0 : i32
    %dma_start3A_357 = arith.constant 0 : i32
    %dma_start3A_358 = tpu.memref_slice %arg11[%dma_start3A_356, %dma_start3A_357] : memref<384x128xf32, #tpu.memory_space<vmem>> -> memref<112x128xf32, #tpu.memory_space<vmem>>
    tpu.enqueue_dma source(%dma_start3A_358 : memref<112x128xf32, #tpu.memory_space<vmem>>) target(%dma_start3A_355 : memref<112x128xf32, #tpu.memory_space<hbm>>) target_semaphore(%arg15 : memref<!tpu.dma_semaphore, #tpu.memory_space<semaphore_mem>>)
    %dma_wait3A_359 = arith.constant 0 : i32
    %dma_wait3A_360 = arith.constant 0 : i32
    %dma_wait3A_361 = tpu.memref_slice %arg11[%dma_wait3A_359, %dma_wait3A_360] : memref<384x128xf32, #tpu.memory_space<vmem>> -> memref<112x128xf32, #tpu.memory_space<vmem>>
    %dma_wait3A_362 = arith.constant 0 : i32
    %dma_wait3A_363 = tpu.memref_slice %arg6[%add3A_348, %dma_wait3A_362] : memref<100384x128xf32, #tpu.memory_space<hbm>> -> memref<112x128xf32, #tpu.memory_space<hbm>>
    %dma_wait3A_364 = arith.constant 0 : i32
    %dma_wait3A_365 = tpu.memref_slice %arg6[%add3A_348, %dma_wait3A_364] : memref<100384x128xf32, #tpu.memory_space<hbm>> -> memref<112x128xf32, #tpu.memory_space<hbm>>
    %dma_wait3A_366 = arith.constant 0 : i32
    %dma_wait3A_367 = arith.constant 0 : i32
    %dma_wait3A_368 = tpu.memref_slice %arg11[%dma_wait3A_366, %dma_wait3A_367] : memref<384x128xf32, #tpu.memory_space<vmem>> -> memref<112x128xf32, #tpu.memory_space<vmem>>
    tpu.wait_dma2 semaphore(%arg15 : memref<!tpu.dma_semaphore, #tpu.memory_space<semaphore_mem>>) src(%dma_wait3A_368 : memref<112x128xf32, #tpu.memory_space<vmem>>) dst(%dma_wait3A_365 : memref<112x128xf32, #tpu.memory_space<hbm>>)
    %add3A_369 = arith.constant 1344 : i32
    %add3A_370 = arith.addi %add3A, %add3A_369 : i32
    %dma_start3A_371 = arith.constant 0 : i32
    %dma_start3A_372 = arith.constant 0 : i32
    %dma_start3A_373 = tpu.memref_slice %arg11[%dma_start3A_371, %dma_start3A_372] : memref<384x128xf32, #tpu.memory_space<vmem>> -> memref<112x128xf32, #tpu.memory_space<vmem>>
    %dma_start3A_374 = arith.constant 0 : i32
    %dma_start3A_375 = tpu.memref_slice %arg2[%add3A_370, %dma_start3A_374] : memref<100384x128xf32, #tpu.memory_space<hbm>> -> memref<112x128xf32, #tpu.memory_space<hbm>>
    %dma_start3A_376 = arith.constant 0 : i32
    %dma_start3A_377 = arith.constant 0 : i32
    %dma_start3A_378 = tpu.memref_slice %arg11[%dma_start3A_376, %dma_start3A_377] : memref<384x128xf32, #tpu.memory_space<vmem>> -> memref<112x128xf32, #tpu.memory_space<vmem>>
    %dma_start3A_379 = arith.constant 0 : i32
    %dma_start3A_380 = tpu.memref_slice %arg2[%add3A_370, %dma_start3A_379] : memref<100384x128xf32, #tpu.memory_space<hbm>> -> memref<112x128xf32, #tpu.memory_space<hbm>>
    tpu.enqueue_dma source(%dma_start3A_380 : memref<112x128xf32, #tpu.memory_space<hbm>>) target(%dma_start3A_378 : memref<112x128xf32, #tpu.memory_space<vmem>>) target_semaphore(%arg13 : memref<!tpu.dma_semaphore, #tpu.memory_space<semaphore_mem>>)
    %dma_wait3A_381 = arith.constant 0 : i32
    %dma_wait3A_382 = tpu.memref_slice %arg2[%add3A_332, %dma_wait3A_381] : memref<100384x128xf32, #tpu.memory_space<hbm>> -> memref<112x128xf32, #tpu.memory_space<hbm>>
    %dma_wait3A_383 = arith.constant 0 : i32
    %dma_wait3A_384 = tpu.memref_slice %arg2[%add3A_332, %dma_wait3A_383] : memref<100384x128xf32, #tpu.memory_space<hbm>> -> memref<112x128xf32, #tpu.memory_space<hbm>>
    tpu.wait_dma2 semaphore(%arg14 : memref<!tpu.dma_semaphore, #tpu.memory_space<semaphore_mem>>) src(%dma_wait3A_384 : memref<112x128xf32, #tpu.memory_space<hbm>>) dst(%arg12 : memref<112x128xf32, #tpu.memory_space<vmem>>)
    %add3A_385 = arith.constant 1232 : i32
    %add3A_386 = arith.addi %add3A, %add3A_385 : i32
    %dma_start3A_387 = arith.constant 0 : i32
    %dma_start3A_388 = tpu.memref_slice %arg6[%add3A_386, %dma_start3A_387] : memref<100384x128xf32, #tpu.memory_space<hbm>> -> memref<112x128xf32, #tpu.memory_space<hbm>>
    %dma_start3A_389 = arith.constant 0 : i32
    %dma_start3A_390 = tpu.memref_slice %arg6[%add3A_386, %dma_start3A_389] : memref<100384x128xf32, #tpu.memory_space<hbm>> -> memref<112x128xf32, #tpu.memory_space<hbm>>
    tpu.enqueue_dma source(%arg12 : memref<112x128xf32, #tpu.memory_space<vmem>>) target(%dma_start3A_390 : memref<112x128xf32, #tpu.memory_space<hbm>>) target_semaphore(%arg16 : memref<!tpu.dma_semaphore, #tpu.memory_space<semaphore_mem>>)
    %dma_wait3A_391 = arith.constant 0 : i32
    %dma_wait3A_392 = tpu.memref_slice %arg6[%add3A_386, %dma_wait3A_391] : memref<100384x128xf32, #tpu.memory_space<hbm>> -> memref<112x128xf32, #tpu.memory_space<hbm>>
    %dma_wait3A_393 = arith.constant 0 : i32
    %dma_wait3A_394 = tpu.memref_slice %arg6[%add3A_386, %dma_wait3A_393] : memref<100384x128xf32, #tpu.memory_space<hbm>> -> memref<112x128xf32, #tpu.memory_space<hbm>>
    tpu.wait_dma2 semaphore(%arg16 : memref<!tpu.dma_semaphore, #tpu.memory_space<semaphore_mem>>) src(%arg12 : memref<112x128xf32, #tpu.memory_space<vmem>>) dst(%dma_wait3A_394 : memref<112x128xf32, #tpu.memory_space<hbm>>)
    %add3A_395 = arith.constant 1456 : i32
    %add3A_396 = arith.addi %add3A, %add3A_395 : i32
    %dma_start3A_397 = arith.constant 0 : i32
    %dma_start3A_398 = tpu.memref_slice %arg2[%add3A_396, %dma_start3A_397] : memref<100384x128xf32, #tpu.memory_space<hbm>> -> memref<112x128xf32, #tpu.memory_space<hbm>>
    %dma_start3A_399 = arith.constant 0 : i32
    %dma_start3A_400 = tpu.memref_slice %arg2[%add3A_396, %dma_start3A_399] : memref<100384x128xf32, #tpu.memory_space<hbm>> -> memref<112x128xf32, #tpu.memory_space<hbm>>
    tpu.enqueue_dma source(%dma_start3A_400 : memref<112x128xf32, #tpu.memory_space<hbm>>) target(%arg12 : memref<112x128xf32, #tpu.memory_space<vmem>>) target_semaphore(%arg14 : memref<!tpu.dma_semaphore, #tpu.memory_space<semaphore_mem>>)
    %dma_wait3A_401 = arith.constant 0 : i32
    %dma_wait3A_402 = arith.constant 0 : i32
    %dma_wait3A_403 = tpu.memref_slice %arg11[%dma_wait3A_401, %dma_wait3A_402] : memref<384x128xf32, #tpu.memory_space<vmem>> -> memref<112x128xf32, #tpu.memory_space<vmem>>
    %dma_wait3A_404 = arith.constant 0 : i32
    %dma_wait3A_405 = tpu.memref_slice %arg2[%add3A_370, %dma_wait3A_404] : memref<100384x128xf32, #tpu.memory_space<hbm>> -> memref<112x128xf32, #tpu.memory_space<hbm>>
    %dma_wait3A_406 = arith.constant 0 : i32
    %dma_wait3A_407 = arith.constant 0 : i32
    %dma_wait3A_408 = tpu.memref_slice %arg11[%dma_wait3A_406, %dma_wait3A_407] : memref<384x128xf32, #tpu.memory_space<vmem>> -> memref<112x128xf32, #tpu.memory_space<vmem>>
    %dma_wait3A_409 = arith.constant 0 : i32
    %dma_wait3A_410 = tpu.memref_slice %arg2[%add3A_370, %dma_wait3A_409] : memref<100384x128xf32, #tpu.memory_space<hbm>> -> memref<112x128xf32, #tpu.memory_space<hbm>>
    tpu.wait_dma2 semaphore(%arg13 : memref<!tpu.dma_semaphore, #tpu.memory_space<semaphore_mem>>) src(%dma_wait3A_410 : memref<112x128xf32, #tpu.memory_space<hbm>>) dst(%dma_wait3A_408 : memref<112x128xf32, #tpu.memory_space<vmem>>)
    %add3A_411 = arith.constant 1344 : i32
    %add3A_412 = arith.addi %add3A, %add3A_411 : i32
    %dma_start3A_413 = arith.constant 0 : i32
    %dma_start3A_414 = arith.constant 0 : i32
    %dma_start3A_415 = tpu.memref_slice %arg11[%dma_start3A_413, %dma_start3A_414] : memref<384x128xf32, #tpu.memory_space<vmem>> -> memref<112x128xf32, #tpu.memory_space<vmem>>
    %dma_start3A_416 = arith.constant 0 : i32
    %dma_start3A_417 = tpu.memref_slice %arg6[%add3A_412, %dma_start3A_416] : memref<100384x128xf32, #tpu.memory_space<hbm>> -> memref<112x128xf32, #tpu.memory_space<hbm>>
    %dma_start3A_418 = arith.constant 0 : i32
    %dma_start3A_419 = tpu.memref_slice %arg6[%add3A_412, %dma_start3A_418] : memref<100384x128xf32, #tpu.memory_space<hbm>> -> memref<112x128xf32, #tpu.memory_space<hbm>>
    %dma_start3A_420 = arith.constant 0 : i32
    %dma_start3A_421 = arith.constant 0 : i32
    %dma_start3A_422 = tpu.memref_slice %arg11[%dma_start3A_420, %dma_start3A_421] : memref<384x128xf32, #tpu.memory_space<vmem>> -> memref<112x128xf32, #tpu.memory_space<vmem>>
    tpu.enqueue_dma source(%dma_start3A_422 : memref<112x128xf32, #tpu.memory_space<vmem>>) target(%dma_start3A_419 : memref<112x128xf32, #tpu.memory_space<hbm>>) target_semaphore(%arg15 : memref<!tpu.dma_semaphore, #tpu.memory_space<semaphore_mem>>)
    %dma_wait3A_423 = arith.constant 0 : i32
    %dma_wait3A_424 = arith.constant 0 : i32
    %dma_wait3A_425 = tpu.memref_slice %arg11[%dma_wait3A_423, %dma_wait3A_424] : memref<384x128xf32, #tpu.memory_space<vmem>> -> memref<112x128xf32, #tpu.memory_space<vmem>>
    %dma_wait3A_426 = arith.constant 0 : i32
    %dma_wait3A_427 = tpu.memref_slice %arg6[%add3A_412, %dma_wait3A_426] : memref<100384x128xf32, #tpu.memory_space<hbm>> -> memref<112x128xf32, #tpu.memory_space<hbm>>
    %dma_wait3A_428 = arith.constant 0 : i32
    %dma_wait3A_429 = tpu.memref_slice %arg6[%add3A_412, %dma_wait3A_428] : memref<100384x128xf32, #tpu.memory_space<hbm>> -> memref<112x128xf32, #tpu.memory_space<hbm>>
    %dma_wait3A_430 = arith.constant 0 : i32
    %dma_wait3A_431 = arith.constant 0 : i32
    %dma_wait3A_432 = tpu.memref_slice %arg11[%dma_wait3A_430, %dma_wait3A_431] : memref<384x128xf32, #tpu.memory_space<vmem>> -> memref<112x128xf32, #tpu.memory_space<vmem>>
    tpu.wait_dma2 semaphore(%arg15 : memref<!tpu.dma_semaphore, #tpu.memory_space<semaphore_mem>>) src(%dma_wait3A_432 : memref<112x128xf32, #tpu.memory_space<vmem>>) dst(%dma_wait3A_429 : memref<112x128xf32, #tpu.memory_space<hbm>>)
    %add3A_433 = arith.constant 1568 : i32
    %add3A_434 = arith.addi %add3A, %add3A_433 : i32
    %dma_start3A_435 = arith.constant 0 : i32
    %dma_start3A_436 = arith.constant 0 : i32
    %dma_start3A_437 = tpu.memref_slice %arg11[%dma_start3A_435, %dma_start3A_436] : memref<384x128xf32, #tpu.memory_space<vmem>> -> memref<112x128xf32, #tpu.memory_space<vmem>>
    %dma_start3A_438 = arith.constant 0 : i32
    %dma_start3A_439 = tpu.memref_slice %arg2[%add3A_434, %dma_start3A_438] : memref<100384x128xf32, #tpu.memory_space<hbm>> -> memref<112x128xf32, #tpu.memory_space<hbm>>
    %dma_start3A_440 = arith.constant 0 : i32
    %dma_start3A_441 = arith.constant 0 : i32
    %dma_start3A_442 = tpu.memref_slice %arg11[%dma_start3A_440, %dma_start3A_441] : memref<384x128xf32, #tpu.memory_space<vmem>> -> memref<112x128xf32, #tpu.memory_space<vmem>>
    %dma_start3A_443 = arith.constant 0 : i32
    %dma_start3A_444 = tpu.memref_slice %arg2[%add3A_434, %dma_start3A_443] : memref<100384x128xf32, #tpu.memory_space<hbm>> -> memref<112x128xf32, #tpu.memory_space<hbm>>
    tpu.enqueue_dma source(%dma_start3A_444 : memref<112x128xf32, #tpu.memory_space<hbm>>) target(%dma_start3A_442 : memref<112x128xf32, #tpu.memory_space<vmem>>) target_semaphore(%arg13 : memref<!tpu.dma_semaphore, #tpu.memory_space<semaphore_mem>>)
    %dma_wait3A_445 = arith.constant 0 : i32
    %dma_wait3A_446 = tpu.memref_slice %arg2[%add3A_396, %dma_wait3A_445] : memref<100384x128xf32, #tpu.memory_space<hbm>> -> memref<112x128xf32, #tpu.memory_space<hbm>>
    %dma_wait3A_447 = arith.constant 0 : i32
    %dma_wait3A_448 = tpu.memref_slice %arg2[%add3A_396, %dma_wait3A_447] : memref<100384x128xf32, #tpu.memory_space<hbm>> -> memref<112x128xf32, #tpu.memory_space<hbm>>
    tpu.wait_dma2 semaphore(%arg14 : memref<!tpu.dma_semaphore, #tpu.memory_space<semaphore_mem>>) src(%dma_wait3A_448 : memref<112x128xf32, #tpu.memory_space<hbm>>) dst(%arg12 : memref<112x128xf32, #tpu.memory_space<vmem>>)
    %add3A_449 = arith.constant 1456 : i32
    %add3A_450 = arith.addi %add3A, %add3A_449 : i32
    %dma_start3A_451 = arith.constant 0 : i32
    %dma_start3A_452 = tpu.memref_slice %arg6[%add3A_450, %dma_start3A_451] : memref<100384x128xf32, #tpu.memory_space<hbm>> -> memref<112x128xf32, #tpu.memory_space<hbm>>
    %dma_start3A_453 = arith.constant 0 : i32
    %dma_start3A_454 = tpu.memref_slice %arg6[%add3A_450, %dma_start3A_453] : memref<100384x128xf32, #tpu.memory_space<hbm>> -> memref<112x128xf32, #tpu.memory_space<hbm>>
    tpu.enqueue_dma source(%arg12 : memref<112x128xf32, #tpu.memory_space<vmem>>) target(%dma_start3A_454 : memref<112x128xf32, #tpu.memory_space<hbm>>) target_semaphore(%arg16 : memref<!tpu.dma_semaphore, #tpu.memory_space<semaphore_mem>>)
    %dma_wait3A_455 = arith.constant 0 : i32
    %dma_wait3A_456 = tpu.memref_slice %arg6[%add3A_450, %dma_wait3A_455] : memref<100384x128xf32, #tpu.memory_space<hbm>> -> memref<112x128xf32, #tpu.memory_space<hbm>>
    %dma_wait3A_457 = arith.constant 0 : i32
    %dma_wait3A_458 = tpu.memref_slice %arg6[%add3A_450, %dma_wait3A_457] : memref<100384x128xf32, #tpu.memory_space<hbm>> -> memref<112x128xf32, #tpu.memory_space<hbm>>
    tpu.wait_dma2 semaphore(%arg16 : memref<!tpu.dma_semaphore, #tpu.memory_space<semaphore_mem>>) src(%arg12 : memref<112x128xf32, #tpu.memory_space<vmem>>) dst(%dma_wait3A_458 : memref<112x128xf32, #tpu.memory_space<hbm>>)
    %add3A_459 = arith.constant 1680 : i32
    %add3A_460 = arith.addi %add3A, %add3A_459 : i32
    %dma_start3A_461 = arith.constant 0 : i32
    %dma_start3A_462 = tpu.memref_slice %arg2[%add3A_460, %dma_start3A_461] : memref<100384x128xf32, #tpu.memory_space<hbm>> -> memref<112x128xf32, #tpu.memory_space<hbm>>
    %dma_start3A_463 = arith.constant 0 : i32
    %dma_start3A_464 = tpu.memref_slice %arg2[%add3A_460, %dma_start3A_463] : memref<100384x128xf32, #tpu.memory_space<hbm>> -> memref<112x128xf32, #tpu.memory_space<hbm>>
    tpu.enqueue_dma source(%dma_start3A_464 : memref<112x128xf32, #tpu.memory_space<hbm>>) target(%arg12 : memref<112x128xf32, #tpu.memory_space<vmem>>) target_semaphore(%arg14 : memref<!tpu.dma_semaphore, #tpu.memory_space<semaphore_mem>>)
    %dma_wait3A_465 = arith.constant 0 : i32
    %dma_wait3A_466 = arith.constant 0 : i32
    %dma_wait3A_467 = tpu.memref_slice %arg11[%dma_wait3A_465, %dma_wait3A_466] : memref<384x128xf32, #tpu.memory_space<vmem>> -> memref<112x128xf32, #tpu.memory_space<vmem>>
    %dma_wait3A_468 = arith.constant 0 : i32
    %dma_wait3A_469 = tpu.memref_slice %arg2[%add3A_434, %dma_wait3A_468] : memref<100384x128xf32, #tpu.memory_space<hbm>> -> memref<112x128xf32, #tpu.memory_space<hbm>>
    %dma_wait3A_470 = arith.constant 0 : i32
    %dma_wait3A_471 = arith.constant 0 : i32
    %dma_wait3A_472 = tpu.memref_slice %arg11[%dma_wait3A_470, %dma_wait3A_471] : memref<384x128xf32, #tpu.memory_space<vmem>> -> memref<112x128xf32, #tpu.memory_space<vmem>>
    %dma_wait3A_473 = arith.constant 0 : i32
    %dma_wait3A_474 = tpu.memref_slice %arg2[%add3A_434, %dma_wait3A_473] : memref<100384x128xf32, #tpu.memory_space<hbm>> -> memref<112x128xf32, #tpu.memory_space<hbm>>
    tpu.wait_dma2 semaphore(%arg13 : memref<!tpu.dma_semaphore, #tpu.memory_space<semaphore_mem>>) src(%dma_wait3A_474 : memref<112x128xf32, #tpu.memory_space<hbm>>) dst(%dma_wait3A_472 : memref<112x128xf32, #tpu.memory_space<vmem>>)
    %add3A_475 = arith.constant 1568 : i32
    %add3A_476 = arith.addi %add3A, %add3A_475 : i32
    %dma_start3A_477 = arith.constant 0 : i32
    %dma_start3A_478 = arith.constant 0 : i32
    %dma_start3A_479 = tpu.memref_slice %arg11[%dma_start3A_477, %dma_start3A_478] : memref<384x128xf32, #tpu.memory_space<vmem>> -> memref<112x128xf32, #tpu.memory_space<vmem>>
    %dma_start3A_480 = arith.constant 0 : i32
    %dma_start3A_481 = tpu.memref_slice %arg6[%add3A_476, %dma_start3A_480] : memref<100384x128xf32, #tpu.memory_space<hbm>> -> memref<112x128xf32, #tpu.memory_space<hbm>>
    %dma_start3A_482 = arith.constant 0 : i32
    %dma_start3A_483 = tpu.memref_slice %arg6[%add3A_476, %dma_start3A_482] : memref<100384x128xf32, #tpu.memory_space<hbm>> -> memref<112x128xf32, #tpu.memory_space<hbm>>
    %dma_start3A_484 = arith.constant 0 : i32
    %dma_start3A_485 = arith.constant 0 : i32
    %dma_start3A_486 = tpu.memref_slice %arg11[%dma_start3A_484, %dma_start3A_485] : memref<384x128xf32, #tpu.memory_space<vmem>> -> memref<112x128xf32, #tpu.memory_space<vmem>>
    tpu.enqueue_dma source(%dma_start3A_486 : memref<112x128xf32, #tpu.memory_space<vmem>>) target(%dma_start3A_483 : memref<112x128xf32, #tpu.memory_space<hbm>>) target_semaphore(%arg15 : memref<!tpu.dma_semaphore, #tpu.memory_space<semaphore_mem>>)
    %dma_wait3A_487 = arith.constant 0 : i32
    %dma_wait3A_488 = arith.constant 0 : i32
    %dma_wait3A_489 = tpu.memref_slice %arg11[%dma_wait3A_487, %dma_wait3A_488] : memref<384x128xf32, #tpu.memory_space<vmem>> -> memref<112x128xf32, #tpu.memory_space<vmem>>
    %dma_wait3A_490 = arith.constant 0 : i32
    %dma_wait3A_491 = tpu.memref_slice %arg6[%add3A_476, %dma_wait3A_490] : memref<100384x128xf32, #tpu.memory_space<hbm>> -> memref<112x128xf32, #tpu.memory_space<hbm>>
    %dma_wait3A_492 = arith.constant 0 : i32
    %dma_wait3A_493 = tpu.memref_slice %arg6[%add3A_476, %dma_wait3A_492] : memref<100384x128xf32, #tpu.memory_space<hbm>> -> memref<112x128xf32, #tpu.memory_space<hbm>>
    %dma_wait3A_494 = arith.constant 0 : i32
    %dma_wait3A_495 = arith.constant 0 : i32
    %dma_wait3A_496 = tpu.memref_slice %arg11[%dma_wait3A_494, %dma_wait3A_495] : memref<384x128xf32, #tpu.memory_space<vmem>> -> memref<112x128xf32, #tpu.memory_space<vmem>>
    tpu.wait_dma2 semaphore(%arg15 : memref<!tpu.dma_semaphore, #tpu.memory_space<semaphore_mem>>) src(%dma_wait3A_496 : memref<112x128xf32, #tpu.memory_space<vmem>>) dst(%dma_wait3A_493 : memref<112x128xf32, #tpu.memory_space<hbm>>)
    %add3A_497 = arith.constant 1792 : i32
    %add3A_498 = arith.addi %add3A, %add3A_497 : i32
    %dma_start3A_499 = arith.constant 0 : i32
    %dma_start3A_500 = arith.constant 0 : i32
    %dma_start3A_501 = tpu.memref_slice %arg11[%dma_start3A_499, %dma_start3A_500] : memref<384x128xf32, #tpu.memory_space<vmem>> -> memref<112x128xf32, #tpu.memory_space<vmem>>
    %dma_start3A_502 = arith.constant 0 : i32
    %dma_start3A_503 = tpu.memref_slice %arg2[%add3A_498, %dma_start3A_502] : memref<100384x128xf32, #tpu.memory_space<hbm>> -> memref<112x128xf32, #tpu.memory_space<hbm>>
    %dma_start3A_504 = arith.constant 0 : i32
    %dma_start3A_505 = arith.constant 0 : i32
    %dma_start3A_506 = tpu.memref_slice %arg11[%dma_start3A_504, %dma_start3A_505] : memref<384x128xf32, #tpu.memory_space<vmem>> -> memref<112x128xf32, #tpu.memory_space<vmem>>
    %dma_start3A_507 = arith.constant 0 : i32
    %dma_start3A_508 = tpu.memref_slice %arg2[%add3A_498, %dma_start3A_507] : memref<100384x128xf32, #tpu.memory_space<hbm>> -> memref<112x128xf32, #tpu.memory_space<hbm>>
    tpu.enqueue_dma source(%dma_start3A_508 : memref<112x128xf32, #tpu.memory_space<hbm>>) target(%dma_start3A_506 : memref<112x128xf32, #tpu.memory_space<vmem>>) target_semaphore(%arg13 : memref<!tpu.dma_semaphore, #tpu.memory_space<semaphore_mem>>)
    %dma_wait3A_509 = arith.constant 0 : i32
    %dma_wait3A_510 = tpu.memref_slice %arg2[%add3A_460, %dma_wait3A_509] : memref<100384x128xf32, #tpu.memory_space<hbm>> -> memref<112x128xf32, #tpu.memory_space<hbm>>
    %dma_wait3A_511 = arith.constant 0 : i32
    %dma_wait3A_512 = tpu.memref_slice %arg2[%add3A_460, %dma_wait3A_511] : memref<100384x128xf32, #tpu.memory_space<hbm>> -> memref<112x128xf32, #tpu.memory_space<hbm>>
    tpu.wait_dma2 semaphore(%arg14 : memref<!tpu.dma_semaphore, #tpu.memory_space<semaphore_mem>>) src(%dma_wait3A_512 : memref<112x128xf32, #tpu.memory_space<hbm>>) dst(%arg12 : memref<112x128xf32, #tpu.memory_space<vmem>>)
    %add3A_513 = arith.constant 1680 : i32
    %add3A_514 = arith.addi %add3A, %add3A_513 : i32
    %dma_start3A_515 = arith.constant 0 : i32
    %dma_start3A_516 = tpu.memref_slice %arg6[%add3A_514, %dma_start3A_515] : memref<100384x128xf32, #tpu.memory_space<hbm>> -> memref<112x128xf32, #tpu.memory_space<hbm>>
    %dma_start3A_517 = arith.constant 0 : i32
    %dma_start3A_518 = tpu.memref_slice %arg6[%add3A_514, %dma_start3A_517] : memref<100384x128xf32, #tpu.memory_space<hbm>> -> memref<112x128xf32, #tpu.memory_space<hbm>>
    tpu.enqueue_dma source(%arg12 : memref<112x128xf32, #tpu.memory_space<vmem>>) target(%dma_start3A_518 : memref<112x128xf32, #tpu.memory_space<hbm>>) target_semaphore(%arg16 : memref<!tpu.dma_semaphore, #tpu.memory_space<semaphore_mem>>)
    %dma_wait3A_519 = arith.constant 0 : i32
    %dma_wait3A_520 = tpu.memref_slice %arg6[%add3A_514, %dma_wait3A_519] : memref<100384x128xf32, #tpu.memory_space<hbm>> -> memref<112x128xf32, #tpu.memory_space<hbm>>
    %dma_wait3A_521 = arith.constant 0 : i32
    %dma_wait3A_522 = tpu.memref_slice %arg6[%add3A_514, %dma_wait3A_521] : memref<100384x128xf32, #tpu.memory_space<hbm>> -> memref<112x128xf32, #tpu.memory_space<hbm>>
    tpu.wait_dma2 semaphore(%arg16 : memref<!tpu.dma_semaphore, #tpu.memory_space<semaphore_mem>>) src(%arg12 : memref<112x128xf32, #tpu.memory_space<vmem>>) dst(%dma_wait3A_522 : memref<112x128xf32, #tpu.memory_space<hbm>>)
    %add3A_523 = arith.constant 1904 : i32
    %add3A_524 = arith.addi %add3A, %add3A_523 : i32
    %dma_start3A_525 = arith.constant 0 : i32
    %dma_start3A_526 = tpu.memref_slice %arg2[%add3A_524, %dma_start3A_525] : memref<100384x128xf32, #tpu.memory_space<hbm>> -> memref<112x128xf32, #tpu.memory_space<hbm>>
    %dma_start3A_527 = arith.constant 0 : i32
    %dma_start3A_528 = tpu.memref_slice %arg2[%add3A_524, %dma_start3A_527] : memref<100384x128xf32, #tpu.memory_space<hbm>> -> memref<112x128xf32, #tpu.memory_space<hbm>>
    tpu.enqueue_dma source(%dma_start3A_528 : memref<112x128xf32, #tpu.memory_space<hbm>>) target(%arg12 : memref<112x128xf32, #tpu.memory_space<vmem>>) target_semaphore(%arg14 : memref<!tpu.dma_semaphore, #tpu.memory_space<semaphore_mem>>)
    %dma_wait3A_529 = arith.constant 0 : i32
    %dma_wait3A_530 = arith.constant 0 : i32
    %dma_wait3A_531 = tpu.memref_slice %arg11[%dma_wait3A_529, %dma_wait3A_530] : memref<384x128xf32, #tpu.memory_space<vmem>> -> memref<112x128xf32, #tpu.memory_space<vmem>>
    %dma_wait3A_532 = arith.constant 0 : i32
    %dma_wait3A_533 = tpu.memref_slice %arg2[%add3A_498, %dma_wait3A_532] : memref<100384x128xf32, #tpu.memory_space<hbm>> -> memref<112x128xf32, #tpu.memory_space<hbm>>
    %dma_wait3A_534 = arith.constant 0 : i32
    %dma_wait3A_535 = arith.constant 0 : i32
    %dma_wait3A_536 = tpu.memref_slice %arg11[%dma_wait3A_534, %dma_wait3A_535] : memref<384x128xf32, #tpu.memory_space<vmem>> -> memref<112x128xf32, #tpu.memory_space<vmem>>
    %dma_wait3A_537 = arith.constant 0 : i32
    %dma_wait3A_538 = tpu.memref_slice %arg2[%add3A_498, %dma_wait3A_537] : memref<100384x128xf32, #tpu.memory_space<hbm>> -> memref<112x128xf32, #tpu.memory_space<hbm>>
    tpu.wait_dma2 semaphore(%arg13 : memref<!tpu.dma_semaphore, #tpu.memory_space<semaphore_mem>>) src(%dma_wait3A_538 : memref<112x128xf32, #tpu.memory_space<hbm>>) dst(%dma_wait3A_536 : memref<112x128xf32, #tpu.memory_space<vmem>>)
    %add3A_539 = arith.constant 1792 : i32
    %add3A_540 = arith.addi %add3A, %add3A_539 : i32
    %dma_start3A_541 = arith.constant 0 : i32
    %dma_start3A_542 = arith.constant 0 : i32
    %dma_start3A_543 = tpu.memref_slice %arg11[%dma_start3A_541, %dma_start3A_542] : memref<384x128xf32, #tpu.memory_space<vmem>> -> memref<112x128xf32, #tpu.memory_space<vmem>>
    %dma_start3A_544 = arith.constant 0 : i32
    %dma_start3A_545 = tpu.memref_slice %arg6[%add3A_540, %dma_start3A_544] : memref<100384x128xf32, #tpu.memory_space<hbm>> -> memref<112x128xf32, #tpu.memory_space<hbm>>
    %dma_start3A_546 = arith.constant 0 : i32
    %dma_start3A_547 = tpu.memref_slice %arg6[%add3A_540, %dma_start3A_546] : memref<100384x128xf32, #tpu.memory_space<hbm>> -> memref<112x128xf32, #tpu.memory_space<hbm>>
    %dma_start3A_548 = arith.constant 0 : i32
    %dma_start3A_549 = arith.constant 0 : i32
    %dma_start3A_550 = tpu.memref_slice %arg11[%dma_start3A_548, %dma_start3A_549] : memref<384x128xf32, #tpu.memory_space<vmem>> -> memref<112x128xf32, #tpu.memory_space<vmem>>
    tpu.enqueue_dma source(%dma_start3A_550 : memref<112x128xf32, #tpu.memory_space<vmem>>) target(%dma_start3A_547 : memref<112x128xf32, #tpu.memory_space<hbm>>) target_semaphore(%arg15 : memref<!tpu.dma_semaphore, #tpu.memory_space<semaphore_mem>>)
    %dma_wait3A_551 = arith.constant 0 : i32
    %dma_wait3A_552 = arith.constant 0 : i32
    %dma_wait3A_553 = tpu.memref_slice %arg11[%dma_wait3A_551, %dma_wait3A_552] : memref<384x128xf32, #tpu.memory_space<vmem>> -> memref<112x128xf32, #tpu.memory_space<vmem>>
    %dma_wait3A_554 = arith.constant 0 : i32
    %dma_wait3A_555 = tpu.memref_slice %arg6[%add3A_540, %dma_wait3A_554] : memref<100384x128xf32, #tpu.memory_space<hbm>> -> memref<112x128xf32, #tpu.memory_space<hbm>>
    %dma_wait3A_556 = arith.constant 0 : i32
    %dma_wait3A_557 = tpu.memref_slice %arg6[%add3A_540, %dma_wait3A_556] : memref<100384x128xf32, #tpu.memory_space<hbm>> -> memref<112x128xf32, #tpu.memory_space<hbm>>
    %dma_wait3A_558 = arith.constant 0 : i32
    %dma_wait3A_559 = arith.constant 0 : i32
    %dma_wait3A_560 = tpu.memref_slice %arg11[%dma_wait3A_558, %dma_wait3A_559] : memref<384x128xf32, #tpu.memory_space<vmem>> -> memref<112x128xf32, #tpu.memory_space<vmem>>
    tpu.wait_dma2 semaphore(%arg15 : memref<!tpu.dma_semaphore, #tpu.memory_space<semaphore_mem>>) src(%dma_wait3A_560 : memref<112x128xf32, #tpu.memory_space<vmem>>) dst(%dma_wait3A_557 : memref<112x128xf32, #tpu.memory_space<hbm>>)
    %add3A_561 = arith.constant 2016 : i32
    %add3A_562 = arith.addi %add3A, %add3A_561 : i32
    %dma_start3A_563 = arith.constant 0 : i32
    %dma_start3A_564 = arith.constant 0 : i32
    %dma_start3A_565 = tpu.memref_slice %arg11[%dma_start3A_563, %dma_start3A_564] : memref<384x128xf32, #tpu.memory_space<vmem>> -> memref<112x128xf32, #tpu.memory_space<vmem>>
    %dma_start3A_566 = arith.constant 0 : i32
    %dma_start3A_567 = tpu.memref_slice %arg2[%add3A_562, %dma_start3A_566] : memref<100384x128xf32, #tpu.memory_space<hbm>> -> memref<112x128xf32, #tpu.memory_space<hbm>>
    %dma_start3A_568 = arith.constant 0 : i32
    %dma_start3A_569 = arith.constant 0 : i32
    %dma_start3A_570 = tpu.memref_slice %arg11[%dma_start3A_568, %dma_start3A_569] : memref<384x128xf32, #tpu.memory_space<vmem>> -> memref<112x128xf32, #tpu.memory_space<vmem>>
    %dma_start3A_571 = arith.constant 0 : i32
    %dma_start3A_572 = tpu.memref_slice %arg2[%add3A_562, %dma_start3A_571] : memref<100384x128xf32, #tpu.memory_space<hbm>> -> memref<112x128xf32, #tpu.memory_space<hbm>>
    tpu.enqueue_dma source(%dma_start3A_572 : memref<112x128xf32, #tpu.memory_space<hbm>>) target(%dma_start3A_570 : memref<112x128xf32, #tpu.memory_space<vmem>>) target_semaphore(%arg13 : memref<!tpu.dma_semaphore, #tpu.memory_space<semaphore_mem>>)
    %dma_wait3A_573 = arith.constant 0 : i32
    %dma_wait3A_574 = tpu.memref_slice %arg2[%add3A_524, %dma_wait3A_573] : memref<100384x128xf32, #tpu.memory_space<hbm>> -> memref<112x128xf32, #tpu.memory_space<hbm>>
    %dma_wait3A_575 = arith.constant 0 : i32
    %dma_wait3A_576 = tpu.memref_slice %arg2[%add3A_524, %dma_wait3A_575] : memref<100384x128xf32, #tpu.memory_space<hbm>> -> memref<112x128xf32, #tpu.memory_space<hbm>>
    tpu.wait_dma2 semaphore(%arg14 : memref<!tpu.dma_semaphore, #tpu.memory_space<semaphore_mem>>) src(%dma_wait3A_576 : memref<112x128xf32, #tpu.memory_space<hbm>>) dst(%arg12 : memref<112x128xf32, #tpu.memory_space<vmem>>)
    %add3A_577 = arith.constant 1904 : i32
    %add3A_578 = arith.addi %add3A, %add3A_577 : i32
    %dma_start3A_579 = arith.constant 0 : i32
    %dma_start3A_580 = tpu.memref_slice %arg6[%add3A_578, %dma_start3A_579] : memref<100384x128xf32, #tpu.memory_space<hbm>> -> memref<112x128xf32, #tpu.memory_space<hbm>>
    %dma_start3A_581 = arith.constant 0 : i32
    %dma_start3A_582 = tpu.memref_slice %arg6[%add3A_578, %dma_start3A_581] : memref<100384x128xf32, #tpu.memory_space<hbm>> -> memref<112x128xf32, #tpu.memory_space<hbm>>
    tpu.enqueue_dma source(%arg12 : memref<112x128xf32, #tpu.memory_space<vmem>>) target(%dma_start3A_582 : memref<112x128xf32, #tpu.memory_space<hbm>>) target_semaphore(%arg16 : memref<!tpu.dma_semaphore, #tpu.memory_space<semaphore_mem>>)
    %dma_wait3A_583 = arith.constant 0 : i32
    %dma_wait3A_584 = tpu.memref_slice %arg6[%add3A_578, %dma_wait3A_583] : memref<100384x128xf32, #tpu.memory_space<hbm>> -> memref<112x128xf32, #tpu.memory_space<hbm>>
    %dma_wait3A_585 = arith.constant 0 : i32
    %dma_wait3A_586 = tpu.memref_slice %arg6[%add3A_578, %dma_wait3A_585] : memref<100384x128xf32, #tpu.memory_space<hbm>> -> memref<112x128xf32, #tpu.memory_space<hbm>>
    tpu.wait_dma2 semaphore(%arg16 : memref<!tpu.dma_semaphore, #tpu.memory_space<semaphore_mem>>) src(%arg12 : memref<112x128xf32, #tpu.memory_space<vmem>>) dst(%dma_wait3A_586 : memref<112x128xf32, #tpu.memory_space<hbm>>)
    %add3A_587 = arith.constant 2128 : i32
    %add3A_588 = arith.addi %add3A, %add3A_587 : i32
    %dma_start3A_589 = arith.constant 0 : i32
    %dma_start3A_590 = tpu.memref_slice %arg2[%add3A_588, %dma_start3A_589] : memref<100384x128xf32, #tpu.memory_space<hbm>> -> memref<112x128xf32, #tpu.memory_space<hbm>>
    %dma_start3A_591 = arith.constant 0 : i32
    %dma_start3A_592 = tpu.memref_slice %arg2[%add3A_588, %dma_start3A_591] : memref<100384x128xf32, #tpu.memory_space<hbm>> -> memref<112x128xf32, #tpu.memory_space<hbm>>
    tpu.enqueue_dma source(%dma_start3A_592 : memref<112x128xf32, #tpu.memory_space<hbm>>) target(%arg12 : memref<112x128xf32, #tpu.memory_space<vmem>>) target_semaphore(%arg14 : memref<!tpu.dma_semaphore, #tpu.memory_space<semaphore_mem>>)
    %dma_wait3A_593 = arith.constant 0 : i32
    %dma_wait3A_594 = arith.constant 0 : i32
    %dma_wait3A_595 = tpu.memref_slice %arg11[%dma_wait3A_593, %dma_wait3A_594] : memref<384x128xf32, #tpu.memory_space<vmem>> -> memref<112x128xf32, #tpu.memory_space<vmem>>
    %dma_wait3A_596 = arith.constant 0 : i32
    %dma_wait3A_597 = tpu.memref_slice %arg2[%add3A_562, %dma_wait3A_596] : memref<100384x128xf32, #tpu.memory_space<hbm>> -> memref<112x128xf32, #tpu.memory_space<hbm>>
    %dma_wait3A_598 = arith.constant 0 : i32
    %dma_wait3A_599 = arith.constant 0 : i32
    %dma_wait3A_600 = tpu.memref_slice %arg11[%dma_wait3A_598, %dma_wait3A_599] : memref<384x128xf32, #tpu.memory_space<vmem>> -> memref<112x128xf32, #tpu.memory_space<vmem>>
    %dma_wait3A_601 = arith.constant 0 : i32
    %dma_wait3A_602 = tpu.memref_slice %arg2[%add3A_562, %dma_wait3A_601] : memref<100384x128xf32, #tpu.memory_space<hbm>> -> memref<112x128xf32, #tpu.memory_space<hbm>>
    tpu.wait_dma2 semaphore(%arg13 : memref<!tpu.dma_semaphore, #tpu.memory_space<semaphore_mem>>) src(%dma_wait3A_602 : memref<112x128xf32, #tpu.memory_space<hbm>>) dst(%dma_wait3A_600 : memref<112x128xf32, #tpu.memory_space<vmem>>)
    %add3A_603 = arith.constant 2016 : i32
    %add3A_604 = arith.addi %add3A, %add3A_603 : i32
    %dma_start3A_605 = arith.constant 0 : i32
    %dma_start3A_606 = arith.constant 0 : i32
    %dma_start3A_607 = tpu.memref_slice %arg11[%dma_start3A_605, %dma_start3A_606] : memref<384x128xf32, #tpu.memory_space<vmem>> -> memref<112x128xf32, #tpu.memory_space<vmem>>
    %dma_start3A_608 = arith.constant 0 : i32
    %dma_start3A_609 = tpu.memref_slice %arg6[%add3A_604, %dma_start3A_608] : memref<100384x128xf32, #tpu.memory_space<hbm>> -> memref<112x128xf32, #tpu.memory_space<hbm>>
    %dma_start3A_610 = arith.constant 0 : i32
    %dma_start3A_611 = tpu.memref_slice %arg6[%add3A_604, %dma_start3A_610] : memref<100384x128xf32, #tpu.memory_space<hbm>> -> memref<112x128xf32, #tpu.memory_space<hbm>>
    %dma_start3A_612 = arith.constant 0 : i32
    %dma_start3A_613 = arith.constant 0 : i32
    %dma_start3A_614 = tpu.memref_slice %arg11[%dma_start3A_612, %dma_start3A_613] : memref<384x128xf32, #tpu.memory_space<vmem>> -> memref<112x128xf32, #tpu.memory_space<vmem>>
    tpu.enqueue_dma source(%dma_start3A_614 : memref<112x128xf32, #tpu.memory_space<vmem>>) target(%dma_start3A_611 : memref<112x128xf32, #tpu.memory_space<hbm>>) target_semaphore(%arg15 : memref<!tpu.dma_semaphore, #tpu.memory_space<semaphore_mem>>)
    %dma_wait3A_615 = arith.constant 0 : i32
    %dma_wait3A_616 = arith.constant 0 : i32
    %dma_wait3A_617 = tpu.memref_slice %arg11[%dma_wait3A_615, %dma_wait3A_616] : memref<384x128xf32, #tpu.memory_space<vmem>> -> memref<112x128xf32, #tpu.memory_space<vmem>>
    %dma_wait3A_618 = arith.constant 0 : i32
    %dma_wait3A_619 = tpu.memref_slice %arg6[%add3A_604, %dma_wait3A_618] : memref<100384x128xf32, #tpu.memory_space<hbm>> -> memref<112x128xf32, #tpu.memory_space<hbm>>
    %dma_wait3A_620 = arith.constant 0 : i32
    %dma_wait3A_621 = tpu.memref_slice %arg6[%add3A_604, %dma_wait3A_620] : memref<100384x128xf32, #tpu.memory_space<hbm>> -> memref<112x128xf32, #tpu.memory_space<hbm>>
    %dma_wait3A_622 = arith.constant 0 : i32
    %dma_wait3A_623 = arith.constant 0 : i32
    %dma_wait3A_624 = tpu.memref_slice %arg11[%dma_wait3A_622, %dma_wait3A_623] : memref<384x128xf32, #tpu.memory_space<vmem>> -> memref<112x128xf32, #tpu.memory_space<vmem>>
    tpu.wait_dma2 semaphore(%arg15 : memref<!tpu.dma_semaphore, #tpu.memory_space<semaphore_mem>>) src(%dma_wait3A_624 : memref<112x128xf32, #tpu.memory_space<vmem>>) dst(%dma_wait3A_621 : memref<112x128xf32, #tpu.memory_space<hbm>>)
    %add3A_625 = arith.constant 2240 : i32
    %add3A_626 = arith.addi %add3A, %add3A_625 : i32
    %dma_start3A_627 = arith.constant 0 : i32
    %dma_start3A_628 = arith.constant 0 : i32
    %dma_start3A_629 = tpu.memref_slice %arg11[%dma_start3A_627, %dma_start3A_628] : memref<384x128xf32, #tpu.memory_space<vmem>> -> memref<112x128xf32, #tpu.memory_space<vmem>>
    %dma_start3A_630 = arith.constant 0 : i32
    %dma_start3A_631 = tpu.memref_slice %arg2[%add3A_626, %dma_start3A_630] : memref<100384x128xf32, #tpu.memory_space<hbm>> -> memref<112x128xf32, #tpu.memory_space<hbm>>
    %dma_start3A_632 = arith.constant 0 : i32
    %dma_start3A_633 = arith.constant 0 : i32
    %dma_start3A_634 = tpu.memref_slice %arg11[%dma_start3A_632, %dma_start3A_633] : memref<384x128xf32, #tpu.memory_space<vmem>> -> memref<112x128xf32, #tpu.memory_space<vmem>>
    %dma_start3A_635 = arith.constant 0 : i32
    %dma_start3A_636 = tpu.memref_slice %arg2[%add3A_626, %dma_start3A_635] : memref<100384x128xf32, #tpu.memory_space<hbm>> -> memref<112x128xf32, #tpu.memory_space<hbm>>
    tpu.enqueue_dma source(%dma_start3A_636 : memref<112x128xf32, #tpu.memory_space<hbm>>) target(%dma_start3A_634 : memref<112x128xf32, #tpu.memory_space<vmem>>) target_semaphore(%arg13 : memref<!tpu.dma_semaphore, #tpu.memory_space<semaphore_mem>>)
    %dma_wait3A_637 = arith.constant 0 : i32
    %dma_wait3A_638 = tpu.memref_slice %arg2[%add3A_588, %dma_wait3A_637] : memref<100384x128xf32, #tpu.memory_space<hbm>> -> memref<112x128xf32, #tpu.memory_space<hbm>>
    %dma_wait3A_639 = arith.constant 0 : i32
    %dma_wait3A_640 = tpu.memref_slice %arg2[%add3A_588, %dma_wait3A_639] : memref<100384x128xf32, #tpu.memory_space<hbm>> -> memref<112x128xf32, #tpu.memory_space<hbm>>
    tpu.wait_dma2 semaphore(%arg14 : memref<!tpu.dma_semaphore, #tpu.memory_space<semaphore_mem>>) src(%dma_wait3A_640 : memref<112x128xf32, #tpu.memory_space<hbm>>) dst(%arg12 : memref<112x128xf32, #tpu.memory_space<vmem>>)
    %add3A_641 = arith.constant 2128 : i32
    %add3A_642 = arith.addi %add3A, %add3A_641 : i32
    %dma_start3A_643 = arith.constant 0 : i32
    %dma_start3A_644 = tpu.memref_slice %arg6[%add3A_642, %dma_start3A_643] : memref<100384x128xf32, #tpu.memory_space<hbm>> -> memref<112x128xf32, #tpu.memory_space<hbm>>
    %dma_start3A_645 = arith.constant 0 : i32
    %dma_start3A_646 = tpu.memref_slice %arg6[%add3A_642, %dma_start3A_645] : memref<100384x128xf32, #tpu.memory_space<hbm>> -> memref<112x128xf32, #tpu.memory_space<hbm>>
    tpu.enqueue_dma source(%arg12 : memref<112x128xf32, #tpu.memory_space<vmem>>) target(%dma_start3A_646 : memref<112x128xf32, #tpu.memory_space<hbm>>) target_semaphore(%arg16 : memref<!tpu.dma_semaphore, #tpu.memory_space<semaphore_mem>>)
    %dma_wait3A_647 = arith.constant 0 : i32
    %dma_wait3A_648 = tpu.memref_slice %arg6[%add3A_642, %dma_wait3A_647] : memref<100384x128xf32, #tpu.memory_space<hbm>> -> memref<112x128xf32, #tpu.memory_space<hbm>>
    %dma_wait3A_649 = arith.constant 0 : i32
    %dma_wait3A_650 = tpu.memref_slice %arg6[%add3A_642, %dma_wait3A_649] : memref<100384x128xf32, #tpu.memory_space<hbm>> -> memref<112x128xf32, #tpu.memory_space<hbm>>
    tpu.wait_dma2 semaphore(%arg16 : memref<!tpu.dma_semaphore, #tpu.memory_space<semaphore_mem>>) src(%arg12 : memref<112x128xf32, #tpu.memory_space<vmem>>) dst(%dma_wait3A_650 : memref<112x128xf32, #tpu.memory_space<hbm>>)
    %add3A_651 = arith.constant 2352 : i32
    %add3A_652 = arith.addi %add3A, %add3A_651 : i32
    %dma_start3A_653 = arith.constant 0 : i32
    %dma_start3A_654 = tpu.memref_slice %arg2[%add3A_652, %dma_start3A_653] : memref<100384x128xf32, #tpu.memory_space<hbm>> -> memref<112x128xf32, #tpu.memory_space<hbm>>
    %dma_start3A_655 = arith.constant 0 : i32
    %dma_start3A_656 = tpu.memref_slice %arg2[%add3A_652, %dma_start3A_655] : memref<100384x128xf32, #tpu.memory_space<hbm>> -> memref<112x128xf32, #tpu.memory_space<hbm>>
    tpu.enqueue_dma source(%dma_start3A_656 : memref<112x128xf32, #tpu.memory_space<hbm>>) target(%arg12 : memref<112x128xf32, #tpu.memory_space<vmem>>) target_semaphore(%arg14 : memref<!tpu.dma_semaphore, #tpu.memory_space<semaphore_mem>>)
    %dma_wait3A_657 = arith.constant 0 : i32
    %dma_wait3A_658 = arith.constant 0 : i32
    %dma_wait3A_659 = tpu.memref_slice %arg11[%dma_wait3A_657, %dma_wait3A_658] : memref<384x128xf32, #tpu.memory_space<vmem>> -> memref<112x128xf32, #tpu.memory_space<vmem>>
    %dma_wait3A_660 = arith.constant 0 : i32
    %dma_wait3A_661 = tpu.memref_slice %arg2[%add3A_626, %dma_wait3A_660] : memref<100384x128xf32, #tpu.memory_space<hbm>> -> memref<112x128xf32, #tpu.memory_space<hbm>>
    %dma_wait3A_662 = arith.constant 0 : i32
    %dma_wait3A_663 = arith.constant 0 : i32
    %dma_wait3A_664 = tpu.memref_slice %arg11[%dma_wait3A_662, %dma_wait3A_663] : memref<384x128xf32, #tpu.memory_space<vmem>> -> memref<112x128xf32, #tpu.memory_space<vmem>>
    %dma_wait3A_665 = arith.constant 0 : i32
    %dma_wait3A_666 = tpu.memref_slice %arg2[%add3A_626, %dma_wait3A_665] : memref<100384x128xf32, #tpu.memory_space<hbm>> -> memref<112x128xf32, #tpu.memory_space<hbm>>
    tpu.wait_dma2 semaphore(%arg13 : memref<!tpu.dma_semaphore, #tpu.memory_space<semaphore_mem>>) src(%dma_wait3A_666 : memref<112x128xf32, #tpu.memory_space<hbm>>) dst(%dma_wait3A_664 : memref<112x128xf32, #tpu.memory_space<vmem>>)
    %add3A_667 = arith.constant 2240 : i32
    %add3A_668 = arith.addi %add3A, %add3A_667 : i32
    %dma_start3A_669 = arith.constant 0 : i32
    %dma_start3A_670 = arith.constant 0 : i32
    %dma_start3A_671 = tpu.memref_slice %arg11[%dma_start3A_669, %dma_start3A_670] : memref<384x128xf32, #tpu.memory_space<vmem>> -> memref<112x128xf32, #tpu.memory_space<vmem>>
    %dma_start3A_672 = arith.constant 0 : i32
    %dma_start3A_673 = tpu.memref_slice %arg6[%add3A_668, %dma_start3A_672] : memref<100384x128xf32, #tpu.memory_space<hbm>> -> memref<112x128xf32, #tpu.memory_space<hbm>>
    %dma_start3A_674 = arith.constant 0 : i32
    %dma_start3A_675 = tpu.memref_slice %arg6[%add3A_668, %dma_start3A_674] : memref<100384x128xf32, #tpu.memory_space<hbm>> -> memref<112x128xf32, #tpu.memory_space<hbm>>
    %dma_start3A_676 = arith.constant 0 : i32
    %dma_start3A_677 = arith.constant 0 : i32
    %dma_start3A_678 = tpu.memref_slice %arg11[%dma_start3A_676, %dma_start3A_677] : memref<384x128xf32, #tpu.memory_space<vmem>> -> memref<112x128xf32, #tpu.memory_space<vmem>>
    tpu.enqueue_dma source(%dma_start3A_678 : memref<112x128xf32, #tpu.memory_space<vmem>>) target(%dma_start3A_675 : memref<112x128xf32, #tpu.memory_space<hbm>>) target_semaphore(%arg15 : memref<!tpu.dma_semaphore, #tpu.memory_space<semaphore_mem>>)
    %dma_wait3A_679 = arith.constant 0 : i32
    %dma_wait3A_680 = arith.constant 0 : i32
    %dma_wait3A_681 = tpu.memref_slice %arg11[%dma_wait3A_679, %dma_wait3A_680] : memref<384x128xf32, #tpu.memory_space<vmem>> -> memref<112x128xf32, #tpu.memory_space<vmem>>
    %dma_wait3A_682 = arith.constant 0 : i32
    %dma_wait3A_683 = tpu.memref_slice %arg6[%add3A_668, %dma_wait3A_682] : memref<100384x128xf32, #tpu.memory_space<hbm>> -> memref<112x128xf32, #tpu.memory_space<hbm>>
    %dma_wait3A_684 = arith.constant 0 : i32
    %dma_wait3A_685 = tpu.memref_slice %arg6[%add3A_668, %dma_wait3A_684] : memref<100384x128xf32, #tpu.memory_space<hbm>> -> memref<112x128xf32, #tpu.memory_space<hbm>>
    %dma_wait3A_686 = arith.constant 0 : i32
    %dma_wait3A_687 = arith.constant 0 : i32
    %dma_wait3A_688 = tpu.memref_slice %arg11[%dma_wait3A_686, %dma_wait3A_687] : memref<384x128xf32, #tpu.memory_space<vmem>> -> memref<112x128xf32, #tpu.memory_space<vmem>>
    tpu.wait_dma2 semaphore(%arg15 : memref<!tpu.dma_semaphore, #tpu.memory_space<semaphore_mem>>) src(%dma_wait3A_688 : memref<112x128xf32, #tpu.memory_space<vmem>>) dst(%dma_wait3A_685 : memref<112x128xf32, #tpu.memory_space<hbm>>)
    %add3A_689 = arith.constant 2464 : i32
    %add3A_690 = arith.addi %add3A, %add3A_689 : i32
    %dma_start3A_691 = arith.constant 0 : i32
    %dma_start3A_692 = arith.constant 0 : i32
    %dma_start3A_693 = tpu.memref_slice %arg11[%dma_start3A_691, %dma_start3A_692] : memref<384x128xf32, #tpu.memory_space<vmem>> -> memref<112x128xf32, #tpu.memory_space<vmem>>
    %dma_start3A_694 = arith.constant 0 : i32
    %dma_start3A_695 = tpu.memref_slice %arg2[%add3A_690, %dma_start3A_694] : memref<100384x128xf32, #tpu.memory_space<hbm>> -> memref<112x128xf32, #tpu.memory_space<hbm>>
    %dma_start3A_696 = arith.constant 0 : i32
    %dma_start3A_697 = arith.constant 0 : i32
    %dma_start3A_698 = tpu.memref_slice %arg11[%dma_start3A_696, %dma_start3A_697] : memref<384x128xf32, #tpu.memory_space<vmem>> -> memref<112x128xf32, #tpu.memory_space<vmem>>
    %dma_start3A_699 = arith.constant 0 : i32
    %dma_start3A_700 = tpu.memref_slice %arg2[%add3A_690, %dma_start3A_699] : memref<100384x128xf32, #tpu.memory_space<hbm>> -> memref<112x128xf32, #tpu.memory_space<hbm>>
    tpu.enqueue_dma source(%dma_start3A_700 : memref<112x128xf32, #tpu.memory_space<hbm>>) target(%dma_start3A_698 : memref<112x128xf32, #tpu.memory_space<vmem>>) target_semaphore(%arg13 : memref<!tpu.dma_semaphore, #tpu.memory_space<semaphore_mem>>)
    %dma_wait3A_701 = arith.constant 0 : i32
    %dma_wait3A_702 = tpu.memref_slice %arg2[%add3A_652, %dma_wait3A_701] : memref<100384x128xf32, #tpu.memory_space<hbm>> -> memref<112x128xf32, #tpu.memory_space<hbm>>
    %dma_wait3A_703 = arith.constant 0 : i32
    %dma_wait3A_704 = tpu.memref_slice %arg2[%add3A_652, %dma_wait3A_703] : memref<100384x128xf32, #tpu.memory_space<hbm>> -> memref<112x128xf32, #tpu.memory_space<hbm>>
    tpu.wait_dma2 semaphore(%arg14 : memref<!tpu.dma_semaphore, #tpu.memory_space<semaphore_mem>>) src(%dma_wait3A_704 : memref<112x128xf32, #tpu.memory_space<hbm>>) dst(%arg12 : memref<112x128xf32, #tpu.memory_space<vmem>>)
    %add3A_705 = arith.constant 2352 : i32
    %add3A_706 = arith.addi %add3A, %add3A_705 : i32
    %dma_start3A_707 = arith.constant 0 : i32
    %dma_start3A_708 = tpu.memref_slice %arg6[%add3A_706, %dma_start3A_707] : memref<100384x128xf32, #tpu.memory_space<hbm>> -> memref<112x128xf32, #tpu.memory_space<hbm>>
    %dma_start3A_709 = arith.constant 0 : i32
    %dma_start3A_710 = tpu.memref_slice %arg6[%add3A_706, %dma_start3A_709] : memref<100384x128xf32, #tpu.memory_space<hbm>> -> memref<112x128xf32, #tpu.memory_space<hbm>>
    tpu.enqueue_dma source(%arg12 : memref<112x128xf32, #tpu.memory_space<vmem>>) target(%dma_start3A_710 : memref<112x128xf32, #tpu.memory_space<hbm>>) target_semaphore(%arg16 : memref<!tpu.dma_semaphore, #tpu.memory_space<semaphore_mem>>)
    %dma_wait3A_711 = arith.constant 0 : i32
    %dma_wait3A_712 = tpu.memref_slice %arg6[%add3A_706, %dma_wait3A_711] : memref<100384x128xf32, #tpu.memory_space<hbm>> -> memref<112x128xf32, #tpu.memory_space<hbm>>
    %dma_wait3A_713 = arith.constant 0 : i32
    %dma_wait3A_714 = tpu.memref_slice %arg6[%add3A_706, %dma_wait3A_713] : memref<100384x128xf32, #tpu.memory_space<hbm>> -> memref<112x128xf32, #tpu.memory_space<hbm>>
    tpu.wait_dma2 semaphore(%arg16 : memref<!tpu.dma_semaphore, #tpu.memory_space<semaphore_mem>>) src(%arg12 : memref<112x128xf32, #tpu.memory_space<vmem>>) dst(%dma_wait3A_714 : memref<112x128xf32, #tpu.memory_space<hbm>>)
    %add3A_715 = arith.constant 2576 : i32
    %add3A_716 = arith.addi %add3A, %add3A_715 : i32
    %dma_start3A_717 = arith.constant 0 : i32
    %dma_start3A_718 = tpu.memref_slice %arg2[%add3A_716, %dma_start3A_717] : memref<100384x128xf32, #tpu.memory_space<hbm>> -> memref<112x128xf32, #tpu.memory_space<hbm>>
    %dma_start3A_719 = arith.constant 0 : i32
    %dma_start3A_720 = tpu.memref_slice %arg2[%add3A_716, %dma_start3A_719] : memref<100384x128xf32, #tpu.memory_space<hbm>> -> memref<112x128xf32, #tpu.memory_space<hbm>>
    tpu.enqueue_dma source(%dma_start3A_720 : memref<112x128xf32, #tpu.memory_space<hbm>>) target(%arg12 : memref<112x128xf32, #tpu.memory_space<vmem>>) target_semaphore(%arg14 : memref<!tpu.dma_semaphore, #tpu.memory_space<semaphore_mem>>)
    %dma_wait3A_721 = arith.constant 0 : i32
    %dma_wait3A_722 = arith.constant 0 : i32
    %dma_wait3A_723 = tpu.memref_slice %arg11[%dma_wait3A_721, %dma_wait3A_722] : memref<384x128xf32, #tpu.memory_space<vmem>> -> memref<112x128xf32, #tpu.memory_space<vmem>>
    %dma_wait3A_724 = arith.constant 0 : i32
    %dma_wait3A_725 = tpu.memref_slice %arg2[%add3A_690, %dma_wait3A_724] : memref<100384x128xf32, #tpu.memory_space<hbm>> -> memref<112x128xf32, #tpu.memory_space<hbm>>
    %dma_wait3A_726 = arith.constant 0 : i32
    %dma_wait3A_727 = arith.constant 0 : i32
    %dma_wait3A_728 = tpu.memref_slice %arg11[%dma_wait3A_726, %dma_wait3A_727] : memref<384x128xf32, #tpu.memory_space<vmem>> -> memref<112x128xf32, #tpu.memory_space<vmem>>
    %dma_wait3A_729 = arith.constant 0 : i32
    %dma_wait3A_730 = tpu.memref_slice %arg2[%add3A_690, %dma_wait3A_729] : memref<100384x128xf32, #tpu.memory_space<hbm>> -> memref<112x128xf32, #tpu.memory_space<hbm>>
    tpu.wait_dma2 semaphore(%arg13 : memref<!tpu.dma_semaphore, #tpu.memory_space<semaphore_mem>>) src(%dma_wait3A_730 : memref<112x128xf32, #tpu.memory_space<hbm>>) dst(%dma_wait3A_728 : memref<112x128xf32, #tpu.memory_space<vmem>>)
    %add3A_731 = arith.constant 2464 : i32
    %add3A_732 = arith.addi %add3A, %add3A_731 : i32
    %dma_start3A_733 = arith.constant 0 : i32
    %dma_start3A_734 = arith.constant 0 : i32
    %dma_start3A_735 = tpu.memref_slice %arg11[%dma_start3A_733, %dma_start3A_734] : memref<384x128xf32, #tpu.memory_space<vmem>> -> memref<112x128xf32, #tpu.memory_space<vmem>>
    %dma_start3A_736 = arith.constant 0 : i32
    %dma_start3A_737 = tpu.memref_slice %arg6[%add3A_732, %dma_start3A_736] : memref<100384x128xf32, #tpu.memory_space<hbm>> -> memref<112x128xf32, #tpu.memory_space<hbm>>
    %dma_start3A_738 = arith.constant 0 : i32
    %dma_start3A_739 = tpu.memref_slice %arg6[%add3A_732, %dma_start3A_738] : memref<100384x128xf32, #tpu.memory_space<hbm>> -> memref<112x128xf32, #tpu.memory_space<hbm>>
    %dma_start3A_740 = arith.constant 0 : i32
    %dma_start3A_741 = arith.constant 0 : i32
    %dma_start3A_742 = tpu.memref_slice %arg11[%dma_start3A_740, %dma_start3A_741] : memref<384x128xf32, #tpu.memory_space<vmem>> -> memref<112x128xf32, #tpu.memory_space<vmem>>
    tpu.enqueue_dma source(%dma_start3A_742 : memref<112x128xf32, #tpu.memory_space<vmem>>) target(%dma_start3A_739 : memref<112x128xf32, #tpu.memory_space<hbm>>) target_semaphore(%arg15 : memref<!tpu.dma_semaphore, #tpu.memory_space<semaphore_mem>>)
    %dma_wait3A_743 = arith.constant 0 : i32
    %dma_wait3A_744 = arith.constant 0 : i32
    %dma_wait3A_745 = tpu.memref_slice %arg11[%dma_wait3A_743, %dma_wait3A_744] : memref<384x128xf32, #tpu.memory_space<vmem>> -> memref<112x128xf32, #tpu.memory_space<vmem>>
    %dma_wait3A_746 = arith.constant 0 : i32
    %dma_wait3A_747 = tpu.memref_slice %arg6[%add3A_732, %dma_wait3A_746] : memref<100384x128xf32, #tpu.memory_space<hbm>> -> memref<112x128xf32, #tpu.memory_space<hbm>>
    %dma_wait3A_748 = arith.constant 0 : i32
    %dma_wait3A_749 = tpu.memref_slice %arg6[%add3A_732, %dma_wait3A_748] : memref<100384x128xf32, #tpu.memory_space<hbm>> -> memref<112x128xf32, #tpu.memory_space<hbm>>
    %dma_wait3A_750 = arith.constant 0 : i32
    %dma_wait3A_751 = arith.constant 0 : i32
    %dma_wait3A_752 = tpu.memref_slice %arg11[%dma_wait3A_750, %dma_wait3A_751] : memref<384x128xf32, #tpu.memory_space<vmem>> -> memref<112x128xf32, #tpu.memory_space<vmem>>
    tpu.wait_dma2 semaphore(%arg15 : memref<!tpu.dma_semaphore, #tpu.memory_space<semaphore_mem>>) src(%dma_wait3A_752 : memref<112x128xf32, #tpu.memory_space<vmem>>) dst(%dma_wait3A_749 : memref<112x128xf32, #tpu.memory_space<hbm>>)
    %add3A_753 = arith.constant 2688 : i32
    %add3A_754 = arith.addi %add3A, %add3A_753 : i32
    %dma_start3A_755 = arith.constant 0 : i32
    %dma_start3A_756 = arith.constant 0 : i32
    %dma_start3A_757 = tpu.memref_slice %arg11[%dma_start3A_755, %dma_start3A_756] : memref<384x128xf32, #tpu.memory_space<vmem>> -> memref<112x128xf32, #tpu.memory_space<vmem>>
    %dma_start3A_758 = arith.constant 0 : i32
    %dma_start3A_759 = tpu.memref_slice %arg2[%add3A_754, %dma_start3A_758] : memref<100384x128xf32, #tpu.memory_space<hbm>> -> memref<112x128xf32, #tpu.memory_space<hbm>>
    %dma_start3A_760 = arith.constant 0 : i32
    %dma_start3A_761 = arith.constant 0 : i32
    %dma_start3A_762 = tpu.memref_slice %arg11[%dma_start3A_760, %dma_start3A_761] : memref<384x128xf32, #tpu.memory_space<vmem>> -> memref<112x128xf32, #tpu.memory_space<vmem>>
    %dma_start3A_763 = arith.constant 0 : i32
    %dma_start3A_764 = tpu.memref_slice %arg2[%add3A_754, %dma_start3A_763] : memref<100384x128xf32, #tpu.memory_space<hbm>> -> memref<112x128xf32, #tpu.memory_space<hbm>>
    tpu.enqueue_dma source(%dma_start3A_764 : memref<112x128xf32, #tpu.memory_space<hbm>>) target(%dma_start3A_762 : memref<112x128xf32, #tpu.memory_space<vmem>>) target_semaphore(%arg13 : memref<!tpu.dma_semaphore, #tpu.memory_space<semaphore_mem>>)
    %dma_wait3A_765 = arith.constant 0 : i32
    %dma_wait3A_766 = tpu.memref_slice %arg2[%add3A_716, %dma_wait3A_765] : memref<100384x128xf32, #tpu.memory_space<hbm>> -> memref<112x128xf32, #tpu.memory_space<hbm>>
    %dma_wait3A_767 = arith.constant 0 : i32
    %dma_wait3A_768 = tpu.memref_slice %arg2[%add3A_716, %dma_wait3A_767] : memref<100384x128xf32, #tpu.memory_space<hbm>> -> memref<112x128xf32, #tpu.memory_space<hbm>>
    tpu.wait_dma2 semaphore(%arg14 : memref<!tpu.dma_semaphore, #tpu.memory_space<semaphore_mem>>) src(%dma_wait3A_768 : memref<112x128xf32, #tpu.memory_space<hbm>>) dst(%arg12 : memref<112x128xf32, #tpu.memory_space<vmem>>)
    %add3A_769 = arith.constant 2576 : i32
    %add3A_770 = arith.addi %add3A, %add3A_769 : i32
    %dma_start3A_771 = arith.constant 0 : i32
    %dma_start3A_772 = tpu.memref_slice %arg6[%add3A_770, %dma_start3A_771] : memref<100384x128xf32, #tpu.memory_space<hbm>> -> memref<112x128xf32, #tpu.memory_space<hbm>>
    %dma_start3A_773 = arith.constant 0 : i32
    %dma_start3A_774 = tpu.memref_slice %arg6[%add3A_770, %dma_start3A_773] : memref<100384x128xf32, #tpu.memory_space<hbm>> -> memref<112x128xf32, #tpu.memory_space<hbm>>
    tpu.enqueue_dma source(%arg12 : memref<112x128xf32, #tpu.memory_space<vmem>>) target(%dma_start3A_774 : memref<112x128xf32, #tpu.memory_space<hbm>>) target_semaphore(%arg16 : memref<!tpu.dma_semaphore, #tpu.memory_space<semaphore_mem>>)
    %dma_wait3A_775 = arith.constant 0 : i32
    %dma_wait3A_776 = tpu.memref_slice %arg6[%add3A_770, %dma_wait3A_775] : memref<100384x128xf32, #tpu.memory_space<hbm>> -> memref<112x128xf32, #tpu.memory_space<hbm>>
    %dma_wait3A_777 = arith.constant 0 : i32
    %dma_wait3A_778 = tpu.memref_slice %arg6[%add3A_770, %dma_wait3A_777] : memref<100384x128xf32, #tpu.memory_space<hbm>> -> memref<112x128xf32, #tpu.memory_space<hbm>>
    tpu.wait_dma2 semaphore(%arg16 : memref<!tpu.dma_semaphore, #tpu.memory_space<semaphore_mem>>) src(%arg12 : memref<112x128xf32, #tpu.memory_space<vmem>>) dst(%dma_wait3A_778 : memref<112x128xf32, #tpu.memory_space<hbm>>)
    %add3A_779 = arith.constant 2800 : i32
    %add3A_780 = arith.addi %add3A, %add3A_779 : i32
    %dma_start3A_781 = arith.constant 0 : i32
    %dma_start3A_782 = tpu.memref_slice %arg2[%add3A_780, %dma_start3A_781] : memref<100384x128xf32, #tpu.memory_space<hbm>> -> memref<112x128xf32, #tpu.memory_space<hbm>>
    %dma_start3A_783 = arith.constant 0 : i32
    %dma_start3A_784 = tpu.memref_slice %arg2[%add3A_780, %dma_start3A_783] : memref<100384x128xf32, #tpu.memory_space<hbm>> -> memref<112x128xf32, #tpu.memory_space<hbm>>
    tpu.enqueue_dma source(%dma_start3A_784 : memref<112x128xf32, #tpu.memory_space<hbm>>) target(%arg12 : memref<112x128xf32, #tpu.memory_space<vmem>>) target_semaphore(%arg14 : memref<!tpu.dma_semaphore, #tpu.memory_space<semaphore_mem>>)
    %dma_wait3A_785 = arith.constant 0 : i32
    %dma_wait3A_786 = arith.constant 0 : i32
    %dma_wait3A_787 = tpu.memref_slice %arg11[%dma_wait3A_785, %dma_wait3A_786] : memref<384x128xf32, #tpu.memory_space<vmem>> -> memref<112x128xf32, #tpu.memory_space<vmem>>
    %dma_wait3A_788 = arith.constant 0 : i32
    %dma_wait3A_789 = tpu.memref_slice %arg2[%add3A_754, %dma_wait3A_788] : memref<100384x128xf32, #tpu.memory_space<hbm>> -> memref<112x128xf32, #tpu.memory_space<hbm>>
    %dma_wait3A_790 = arith.constant 0 : i32
    %dma_wait3A_791 = arith.constant 0 : i32
    %dma_wait3A_792 = tpu.memref_slice %arg11[%dma_wait3A_790, %dma_wait3A_791] : memref<384x128xf32, #tpu.memory_space<vmem>> -> memref<112x128xf32, #tpu.memory_space<vmem>>
    %dma_wait3A_793 = arith.constant 0 : i32
    %dma_wait3A_794 = tpu.memref_slice %arg2[%add3A_754, %dma_wait3A_793] : memref<100384x128xf32, #tpu.memory_space<hbm>> -> memref<112x128xf32, #tpu.memory_space<hbm>>
    tpu.wait_dma2 semaphore(%arg13 : memref<!tpu.dma_semaphore, #tpu.memory_space<semaphore_mem>>) src(%dma_wait3A_794 : memref<112x128xf32, #tpu.memory_space<hbm>>) dst(%dma_wait3A_792 : memref<112x128xf32, #tpu.memory_space<vmem>>)
    %add3A_795 = arith.constant 2688 : i32
    %add3A_796 = arith.addi %add3A, %add3A_795 : i32
    %dma_start3A_797 = arith.constant 0 : i32
    %dma_start3A_798 = arith.constant 0 : i32
    %dma_start3A_799 = tpu.memref_slice %arg11[%dma_start3A_797, %dma_start3A_798] : memref<384x128xf32, #tpu.memory_space<vmem>> -> memref<112x128xf32, #tpu.memory_space<vmem>>
    %dma_start3A_800 = arith.constant 0 : i32
    %dma_start3A_801 = tpu.memref_slice %arg6[%add3A_796, %dma_start3A_800] : memref<100384x128xf32, #tpu.memory_space<hbm>> -> memref<112x128xf32, #tpu.memory_space<hbm>>
    %dma_start3A_802 = arith.constant 0 : i32
    %dma_start3A_803 = tpu.memref_slice %arg6[%add3A_796, %dma_start3A_802] : memref<100384x128xf32, #tpu.memory_space<hbm>> -> memref<112x128xf32, #tpu.memory_space<hbm>>
    %dma_start3A_804 = arith.constant 0 : i32
    %dma_start3A_805 = arith.constant 0 : i32
    %dma_start3A_806 = tpu.memref_slice %arg11[%dma_start3A_804, %dma_start3A_805] : memref<384x128xf32, #tpu.memory_space<vmem>> -> memref<112x128xf32, #tpu.memory_space<vmem>>
    tpu.enqueue_dma source(%dma_start3A_806 : memref<112x128xf32, #tpu.memory_space<vmem>>) target(%dma_start3A_803 : memref<112x128xf32, #tpu.memory_space<hbm>>) target_semaphore(%arg15 : memref<!tpu.dma_semaphore, #tpu.memory_space<semaphore_mem>>)
    %dma_wait3A_807 = arith.constant 0 : i32
    %dma_wait3A_808 = arith.constant 0 : i32
    %dma_wait3A_809 = tpu.memref_slice %arg11[%dma_wait3A_807, %dma_wait3A_808] : memref<384x128xf32, #tpu.memory_space<vmem>> -> memref<112x128xf32, #tpu.memory_space<vmem>>
    %dma_wait3A_810 = arith.constant 0 : i32
    %dma_wait3A_811 = tpu.memref_slice %arg6[%add3A_796, %dma_wait3A_810] : memref<100384x128xf32, #tpu.memory_space<hbm>> -> memref<112x128xf32, #tpu.memory_space<hbm>>
    %dma_wait3A_812 = arith.constant 0 : i32
    %dma_wait3A_813 = tpu.memref_slice %arg6[%add3A_796, %dma_wait3A_812] : memref<100384x128xf32, #tpu.memory_space<hbm>> -> memref<112x128xf32, #tpu.memory_space<hbm>>
    %dma_wait3A_814 = arith.constant 0 : i32
    %dma_wait3A_815 = arith.constant 0 : i32
    %dma_wait3A_816 = tpu.memref_slice %arg11[%dma_wait3A_814, %dma_wait3A_815] : memref<384x128xf32, #tpu.memory_space<vmem>> -> memref<112x128xf32, #tpu.memory_space<vmem>>
    tpu.wait_dma2 semaphore(%arg15 : memref<!tpu.dma_semaphore, #tpu.memory_space<semaphore_mem>>) src(%dma_wait3A_816 : memref<112x128xf32, #tpu.memory_space<vmem>>) dst(%dma_wait3A_813 : memref<112x128xf32, #tpu.memory_space<hbm>>)
    %add3A_817 = arith.constant 2912 : i32
    %add3A_818 = arith.addi %add3A, %add3A_817 : i32
    %dma_start3A_819 = arith.constant 0 : i32
    %dma_start3A_820 = arith.constant 0 : i32
    %dma_start3A_821 = tpu.memref_slice %arg11[%dma_start3A_819, %dma_start3A_820] : memref<384x128xf32, #tpu.memory_space<vmem>> -> memref<112x128xf32, #tpu.memory_space<vmem>>
    %dma_start3A_822 = arith.constant 0 : i32
    %dma_start3A_823 = tpu.memref_slice %arg2[%add3A_818, %dma_start3A_822] : memref<100384x128xf32, #tpu.memory_space<hbm>> -> memref<112x128xf32, #tpu.memory_space<hbm>>
    %dma_start3A_824 = arith.constant 0 : i32
    %dma_start3A_825 = arith.constant 0 : i32
    %dma_start3A_826 = tpu.memref_slice %arg11[%dma_start3A_824, %dma_start3A_825] : memref<384x128xf32, #tpu.memory_space<vmem>> -> memref<112x128xf32, #tpu.memory_space<vmem>>
    %dma_start3A_827 = arith.constant 0 : i32
    %dma_start3A_828 = tpu.memref_slice %arg2[%add3A_818, %dma_start3A_827] : memref<100384x128xf32, #tpu.memory_space<hbm>> -> memref<112x128xf32, #tpu.memory_space<hbm>>
    tpu.enqueue_dma source(%dma_start3A_828 : memref<112x128xf32, #tpu.memory_space<hbm>>) target(%dma_start3A_826 : memref<112x128xf32, #tpu.memory_space<vmem>>) target_semaphore(%arg13 : memref<!tpu.dma_semaphore, #tpu.memory_space<semaphore_mem>>)
    %dma_wait3A_829 = arith.constant 0 : i32
    %dma_wait3A_830 = tpu.memref_slice %arg2[%add3A_780, %dma_wait3A_829] : memref<100384x128xf32, #tpu.memory_space<hbm>> -> memref<112x128xf32, #tpu.memory_space<hbm>>
    %dma_wait3A_831 = arith.constant 0 : i32
    %dma_wait3A_832 = tpu.memref_slice %arg2[%add3A_780, %dma_wait3A_831] : memref<100384x128xf32, #tpu.memory_space<hbm>> -> memref<112x128xf32, #tpu.memory_space<hbm>>
    tpu.wait_dma2 semaphore(%arg14 : memref<!tpu.dma_semaphore, #tpu.memory_space<semaphore_mem>>) src(%dma_wait3A_832 : memref<112x128xf32, #tpu.memory_space<hbm>>) dst(%arg12 : memref<112x128xf32, #tpu.memory_space<vmem>>)
    %add3A_833 = arith.constant 2800 : i32
    %add3A_834 = arith.addi %add3A, %add3A_833 : i32
    %dma_start3A_835 = arith.constant 0 : i32
    %dma_start3A_836 = tpu.memref_slice %arg6[%add3A_834, %dma_start3A_835] : memref<100384x128xf32, #tpu.memory_space<hbm>> -> memref<112x128xf32, #tpu.memory_space<hbm>>
    %dma_start3A_837 = arith.constant 0 : i32
    %dma_start3A_838 = tpu.memref_slice %arg6[%add3A_834, %dma_start3A_837] : memref<100384x128xf32, #tpu.memory_space<hbm>> -> memref<112x128xf32, #tpu.memory_space<hbm>>
    tpu.enqueue_dma source(%arg12 : memref<112x128xf32, #tpu.memory_space<vmem>>) target(%dma_start3A_838 : memref<112x128xf32, #tpu.memory_space<hbm>>) target_semaphore(%arg16 : memref<!tpu.dma_semaphore, #tpu.memory_space<semaphore_mem>>)
    %dma_wait3A_839 = arith.constant 0 : i32
    %dma_wait3A_840 = tpu.memref_slice %arg6[%add3A_834, %dma_wait3A_839] : memref<100384x128xf32, #tpu.memory_space<hbm>> -> memref<112x128xf32, #tpu.memory_space<hbm>>
    %dma_wait3A_841 = arith.constant 0 : i32
    %dma_wait3A_842 = tpu.memref_slice %arg6[%add3A_834, %dma_wait3A_841] : memref<100384x128xf32, #tpu.memory_space<hbm>> -> memref<112x128xf32, #tpu.memory_space<hbm>>
    tpu.wait_dma2 semaphore(%arg16 : memref<!tpu.dma_semaphore, #tpu.memory_space<semaphore_mem>>) src(%arg12 : memref<112x128xf32, #tpu.memory_space<vmem>>) dst(%dma_wait3A_842 : memref<112x128xf32, #tpu.memory_space<hbm>>)
    %add3A_843 = arith.constant 3024 : i32
    %add3A_844 = arith.addi %add3A, %add3A_843 : i32
    %dma_start3A_845 = arith.constant 0 : i32
    %dma_start3A_846 = tpu.memref_slice %arg2[%add3A_844, %dma_start3A_845] : memref<100384x128xf32, #tpu.memory_space<hbm>> -> memref<112x128xf32, #tpu.memory_space<hbm>>
    %dma_start3A_847 = arith.constant 0 : i32
    %dma_start3A_848 = tpu.memref_slice %arg2[%add3A_844, %dma_start3A_847] : memref<100384x128xf32, #tpu.memory_space<hbm>> -> memref<112x128xf32, #tpu.memory_space<hbm>>
    tpu.enqueue_dma source(%dma_start3A_848 : memref<112x128xf32, #tpu.memory_space<hbm>>) target(%arg12 : memref<112x128xf32, #tpu.memory_space<vmem>>) target_semaphore(%arg14 : memref<!tpu.dma_semaphore, #tpu.memory_space<semaphore_mem>>)
    %dma_wait3A_849 = arith.constant 0 : i32
    %dma_wait3A_850 = arith.constant 0 : i32
    %dma_wait3A_851 = tpu.memref_slice %arg11[%dma_wait3A_849, %dma_wait3A_850] : memref<384x128xf32, #tpu.memory_space<vmem>> -> memref<112x128xf32, #tpu.memory_space<vmem>>
    %dma_wait3A_852 = arith.constant 0 : i32
    %dma_wait3A_853 = tpu.memref_slice %arg2[%add3A_818, %dma_wait3A_852] : memref<100384x128xf32, #tpu.memory_space<hbm>> -> memref<112x128xf32, #tpu.memory_space<hbm>>
    %dma_wait3A_854 = arith.constant 0 : i32
    %dma_wait3A_855 = arith.constant 0 : i32
    %dma_wait3A_856 = tpu.memref_slice %arg11[%dma_wait3A_854, %dma_wait3A_855] : memref<384x128xf32, #tpu.memory_space<vmem>> -> memref<112x128xf32, #tpu.memory_space<vmem>>
    %dma_wait3A_857 = arith.constant 0 : i32
    %dma_wait3A_858 = tpu.memref_slice %arg2[%add3A_818, %dma_wait3A_857] : memref<100384x128xf32, #tpu.memory_space<hbm>> -> memref<112x128xf32, #tpu.memory_space<hbm>>
    tpu.wait_dma2 semaphore(%arg13 : memref<!tpu.dma_semaphore, #tpu.memory_space<semaphore_mem>>) src(%dma_wait3A_858 : memref<112x128xf32, #tpu.memory_space<hbm>>) dst(%dma_wait3A_856 : memref<112x128xf32, #tpu.memory_space<vmem>>)
    %add3A_859 = arith.constant 2912 : i32
    %add3A_860 = arith.addi %add3A, %add3A_859 : i32
    %dma_start3A_861 = arith.constant 0 : i32
    %dma_start3A_862 = arith.constant 0 : i32
    %dma_start3A_863 = tpu.memref_slice %arg11[%dma_start3A_861, %dma_start3A_862] : memref<384x128xf32, #tpu.memory_space<vmem>> -> memref<112x128xf32, #tpu.memory_space<vmem>>
    %dma_start3A_864 = arith.constant 0 : i32
    %dma_start3A_865 = tpu.memref_slice %arg6[%add3A_860, %dma_start3A_864] : memref<100384x128xf32, #tpu.memory_space<hbm>> -> memref<112x128xf32, #tpu.memory_space<hbm>>
    %dma_start3A_866 = arith.constant 0 : i32
    %dma_start3A_867 = tpu.memref_slice %arg6[%add3A_860, %dma_start3A_866] : memref<100384x128xf32, #tpu.memory_space<hbm>> -> memref<112x128xf32, #tpu.memory_space<hbm>>
    %dma_start3A_868 = arith.constant 0 : i32
    %dma_start3A_869 = arith.constant 0 : i32
    %dma_start3A_870 = tpu.memref_slice %arg11[%dma_start3A_868, %dma_start3A_869] : memref<384x128xf32, #tpu.memory_space<vmem>> -> memref<112x128xf32, #tpu.memory_space<vmem>>
    tpu.enqueue_dma source(%dma_start3A_870 : memref<112x128xf32, #tpu.memory_space<vmem>>) target(%dma_start3A_867 : memref<112x128xf32, #tpu.memory_space<hbm>>) target_semaphore(%arg15 : memref<!tpu.dma_semaphore, #tpu.memory_space<semaphore_mem>>)
    %dma_wait3A_871 = arith.constant 0 : i32
    %dma_wait3A_872 = tpu.memref_slice %arg2[%add3A_844, %dma_wait3A_871] : memref<100384x128xf32, #tpu.memory_space<hbm>> -> memref<112x128xf32, #tpu.memory_space<hbm>>
    %dma_wait3A_873 = arith.constant 0 : i32
    %dma_wait3A_874 = tpu.memref_slice %arg2[%add3A_844, %dma_wait3A_873] : memref<100384x128xf32, #tpu.memory_space<hbm>> -> memref<112x128xf32, #tpu.memory_space<hbm>>
    tpu.wait_dma2 semaphore(%arg14 : memref<!tpu.dma_semaphore, #tpu.memory_space<semaphore_mem>>) src(%dma_wait3A_874 : memref<112x128xf32, #tpu.memory_space<hbm>>) dst(%arg12 : memref<112x128xf32, #tpu.memory_space<vmem>>)
    %add3A_875 = arith.constant 3024 : i32
    %add3A_876 = arith.addi %add3A, %add3A_875 : i32
    %dma_start3A_877 = arith.constant 0 : i32
    %dma_start3A_878 = tpu.memref_slice %arg6[%add3A_876, %dma_start3A_877] : memref<100384x128xf32, #tpu.memory_space<hbm>> -> memref<112x128xf32, #tpu.memory_space<hbm>>
    %dma_start3A_879 = arith.constant 0 : i32
    %dma_start3A_880 = tpu.memref_slice %arg6[%add3A_876, %dma_start3A_879] : memref<100384x128xf32, #tpu.memory_space<hbm>> -> memref<112x128xf32, #tpu.memory_space<hbm>>
    tpu.enqueue_dma source(%arg12 : memref<112x128xf32, #tpu.memory_space<vmem>>) target(%dma_start3A_880 : memref<112x128xf32, #tpu.memory_space<hbm>>) target_semaphore(%arg16 : memref<!tpu.dma_semaphore, #tpu.memory_space<semaphore_mem>>)
    %dma_wait3A_881 = arith.constant 0 : i32
    %dma_wait3A_882 = arith.constant 0 : i32
    %dma_wait3A_883 = tpu.memref_slice %arg11[%dma_wait3A_881, %dma_wait3A_882] : memref<384x128xf32, #tpu.memory_space<vmem>> -> memref<112x128xf32, #tpu.memory_space<vmem>>
    %dma_wait3A_884 = arith.constant 0 : i32
    %dma_wait3A_885 = tpu.memref_slice %arg6[%add3A_860, %dma_wait3A_884] : memref<100384x128xf32, #tpu.memory_space<hbm>> -> memref<112x128xf32, #tpu.memory_space<hbm>>
    %dma_wait3A_886 = arith.constant 0 : i32
    %dma_wait3A_887 = tpu.memref_slice %arg6[%add3A_860, %dma_wait3A_886] : memref<100384x128xf32, #tpu.memory_space<hbm>> -> memref<112x128xf32, #tpu.memory_space<hbm>>
    %dma_wait3A_888 = arith.constant 0 : i32
    %dma_wait3A_889 = arith.constant 0 : i32
    %dma_wait3A_890 = tpu.memref_slice %arg11[%dma_wait3A_888, %dma_wait3A_889] : memref<384x128xf32, #tpu.memory_space<vmem>> -> memref<112x128xf32, #tpu.memory_space<vmem>>
    tpu.wait_dma2 semaphore(%arg15 : memref<!tpu.dma_semaphore, #tpu.memory_space<semaphore_mem>>) src(%dma_wait3A_890 : memref<112x128xf32, #tpu.memory_space<vmem>>) dst(%dma_wait3A_887 : memref<112x128xf32, #tpu.memory_space<hbm>>)
    %dma_wait3A_891 = arith.constant 0 : i32
    %dma_wait3A_892 = tpu.memref_slice %arg6[%add3A_876, %dma_wait3A_891] : memref<100384x128xf32, #tpu.memory_space<hbm>> -> memref<112x128xf32, #tpu.memory_space<hbm>>
    %dma_wait3A_893 = arith.constant 0 : i32
    %dma_wait3A_894 = tpu.memref_slice %arg6[%add3A_876, %dma_wait3A_893] : memref<100384x128xf32, #tpu.memory_space<hbm>> -> memref<112x128xf32, #tpu.memory_space<hbm>>
    tpu.wait_dma2 semaphore(%arg16 : memref<!tpu.dma_semaphore, #tpu.memory_space<semaphore_mem>>) src(%arg12 : memref<112x128xf32, #tpu.memory_space<vmem>>) dst(%dma_wait3A_894 : memref<112x128xf32, #tpu.memory_space<hbm>>)
    %mul3A_895 = arith.constant 12544 : i32
    %mul3A_896 = arith.muli %arg0, %mul3A_895 : i32
    "tpu.region"() ({
      %run_scoped3A = tpu.sem_alloc : memref<!tpu.dma_semaphore, #tpu.memory_space<semaphore_mem>>
      %dma_start3A_1007 = tpu.memref_slice %arg4[%mul3A_896] : memref<25088xi32, #tpu.memory_space<hbm>> -> memref<12544xi32, #tpu.memory_space<hbm>>
      %dma_start3A_1008 = tpu.memref_slice %arg4[%mul3A_896] : memref<25088xi32, #tpu.memory_space<hbm>> -> memref<12544xi32, #tpu.memory_space<hbm>>
      tpu.enqueue_dma source(%dma_start3A_1008 : memref<12544xi32, #tpu.memory_space<hbm>>) target(%arg8 : memref<12544xi32, #tpu.memory_space<vmem>>) target_semaphore(%run_scoped3A : memref<!tpu.dma_semaphore, #tpu.memory_space<semaphore_mem>>)
      %dma_wait3A_1009 = tpu.memref_slice %arg4[%mul3A_896] : memref<25088xi32, #tpu.memory_space<hbm>> -> memref<12544xi32, #tpu.memory_space<hbm>>
      %dma_wait3A_1010 = tpu.memref_slice %arg4[%mul3A_896] : memref<25088xi32, #tpu.memory_space<hbm>> -> memref<12544xi32, #tpu.memory_space<hbm>>
      tpu.wait_dma2 semaphore(%run_scoped3A : memref<!tpu.dma_semaphore, #tpu.memory_space<semaphore_mem>>) src(%dma_wait3A_1010 : memref<12544xi32, #tpu.memory_space<hbm>>) dst(%arg8 : memref<12544xi32, #tpu.memory_space<vmem>>)
      tpu.yield
    }) : () -> ()
    %iota3A = tpu.iota {dimensions = array<i32: 0>} : vector<16xi32>
    %scan3A = arith.constant 0 : i32
    %scan3A_897 = arith.constant 0 : i32
    %scan3A_898 = arith.constant 784 : i32
    %scan3A_899 = arith.addi %scan3A_897, %scan3A_898 : i32
    %scan3A_900 = arith.constant 1 : i32
    scf.for %scan3A_1007 = %scan3A_897 to %scan3A_899 step %scan3A_900  : i32 {
      %mul3A_1008 = arith.constant 16 : i32
      %mul3A_1009 = arith.muli %scan3A_1007, %mul3A_1008 : i32
      %get3A_1010 = arith.index_cast %mul3A_1009 : i32 to index
      %get3A_1011 = tpu.vector_load %arg8[%get3A_1010] {strides = array<i32>} : memref<12544xi32, #tpu.memory_space<vmem>>, vector<16xi32>,
      %mul3A_1012 = arith.constant 16 : i32
      %mul3A_1013 = arith.muli %scan3A_1007, %mul3A_1012 : i32
      %add3A_1014 = vector.broadcast %mul3A_1013 : i32 to vector<16xi32>
      %add3A_1015 = arith.addi %iota3A, %add3A_1014 : vector<16xi32>
      tpu.vector_store_idx %arg7[%get3A_1011], %add3A_1015 : memref<50176xi32, #tpu.memory_space<vmem>>[vector<16xi32>], vector<16xi32>,
    }
    %scan3A_901 = arith.constant 784 : i32
    %mul3A_902 = arith.constant 784 : i32
    %mul3A_903 = arith.muli %arg1, %mul3A_902 : i32
    %scan3A_904 = arith.constant 0 : i32
    %scan3A_905 = arith.constant 0 : i32
    %scan3A_906 = arith.constant 49 : i32
    %scan3A_907 = arith.addi %scan3A_905, %scan3A_906 : i32
    %scan3A_908 = arith.constant 1 : i32
    scf.for %scan3A_1007 = %scan3A_905 to %scan3A_907 step %scan3A_908  : i32 {
      %mul3A_1008 = arith.constant 16 : i32
      %mul3A_1009 = arith.muli %scan3A_1007, %mul3A_1008 : i32
      %add3A_1010 = arith.addi %mul3A_903, %mul3A_1009 : i32
      %get3A_1011 = arith.index_cast %add3A_1010 : i32 to index
      %get3A_1012 = tpu.vector_load %arg8[%get3A_1011] {strides = array<i32>} : memref<12544xi32, #tpu.memory_space<vmem>>, vector<16xi32>,
      %gather3A = tpu.vector_load_idx %arg7[%get3A_1012] : memref<50176xi32, #tpu.memory_space<vmem>>[vector<16xi32>], vector<16xi32>,
      %mul3A_1013 = arith.constant 16 : i32
      %mul3A_1014 = arith.muli %scan3A_1007, %mul3A_1013 : i32
      %add3A_1015 = arith.addi %mul3A_903, %mul3A_1014 : i32
      %add3A_1016 = vector.broadcast %add3A_1015 : i32 to vector<16xi32>
      %add3A_1017 = arith.addi %iota3A, %add3A_1016 : vector<16xi32>
      %eq3A_1018 = arith.cmpi eq, %gather3A, %add3A_1017 : vector<16xi32>
      %jit3A = arith.constant 1 : i32
      %jit3A_1019 = arith.constant 0 : i32
      %broadcast_in_dim3A_1020 = vector.broadcast %jit3A : i32 to vector<16xi32>
      %broadcast_in_dim3A_1021 = vector.broadcast %jit3A_1019 : i32 to vector<16xi32>
      %select_n3A_1022 = arith.select %eq3A_1018, %broadcast_in_dim3A_1020, %broadcast_in_dim3A_1021 : vector<16xi1>, vector<16xi32>
      %mul3A_1023 = arith.constant 16 : i32
      %mul3A_1024 = arith.muli %scan3A_1007, %mul3A_1023 : i32
      %swap3A_1025 = arith.index_cast %mul3A_1024 : i32 to index
      %swap3A_1026 = tpu.vector_load %arg9[%swap3A_1025] {strides = array<i32>} : memref<784xi32, #tpu.memory_space<vmem>>, vector<16xi32>,
      tpu.vector_store %arg9[%swap3A_1025], %select_n3A_1022 {strides = array<i32>} : memref<784xi32, #tpu.memory_space<vmem>>, vector<16xi32>,
    }
    %scan3A_909 = arith.constant 49 : i32
    %barrier3A = arith.constant 0 : index
    tpu.barrier barrier_id(%barrier3A)
    %mul3A_910 = arith.constant 50192 : i32
    %mul3A_911 = arith.muli %arg0, %mul3A_910 : i32
    %add3A_912 = arith.constant 50176 : i32
    %add3A_913 = arith.addi %mul3A_911, %add3A_912 : i32
    %add3A_914 = arith.addi %add3A_913, %arg1 : i32
    %mul3A_915 = arith.constant 12544 : i32
    %mul3A_916 = arith.muli %arg0, %mul3A_915 : i32
    %add3A_917 = arith.addi %mul3A_916, %mul3A_903 : i32
    %add3A_918 = arith.constant 0 : i32
    %add3A_919 = arith.addi %add3A_917, %add3A_918 : i32
    "tpu.region"() ({
      %run_scoped3A = tpu.sem_alloc : memref<!tpu.dma_semaphore, #tpu.memory_space<semaphore_mem>>
      %dma_start3A_1007 = arith.constant 0 : i32
      %dma_start3A_1008 = tpu.memref_slice %arg10[%dma_start3A_1007] : memref<384xi32, #tpu.memory_space<vmem>> -> memref<384xi32, #tpu.memory_space<vmem>>
      %dma_start3A_1009 = tpu.memref_slice %arg5[%add3A_919] : memref<25088xi32, #tpu.memory_space<hbm>> -> memref<384xi32, #tpu.memory_space<hbm>>
      %dma_start3A_1010 = arith.constant 0 : i32
      %dma_start3A_1011 = tpu.memref_slice %arg10[%dma_start3A_1010] : memref<384xi32, #tpu.memory_space<vmem>> -> memref<384xi32, #tpu.memory_space<vmem>>
      %dma_start3A_1012 = tpu.memref_slice %arg5[%add3A_919] : memref<25088xi32, #tpu.memory_space<hbm>> -> memref<384xi32, #tpu.memory_space<hbm>>
      tpu.enqueue_dma source(%dma_start3A_1012 : memref<384xi32, #tpu.memory_space<hbm>>) target(%dma_start3A_1011 : memref<384xi32, #tpu.memory_space<vmem>>) target_semaphore(%run_scoped3A : memref<!tpu.dma_semaphore, #tpu.memory_space<semaphore_mem>>)
      %dma_wait3A_1013 = arith.constant 0 : i32
      %dma_wait3A_1014 = tpu.memref_slice %arg10[%dma_wait3A_1013] : memref<384xi32, #tpu.memory_space<vmem>> -> memref<384xi32, #tpu.memory_space<vmem>>
      %dma_wait3A_1015 = tpu.memref_slice %arg5[%add3A_919] : memref<25088xi32, #tpu.memory_space<hbm>> -> memref<384xi32, #tpu.memory_space<hbm>>
      %dma_wait3A_1016 = arith.constant 0 : i32
      %dma_wait3A_1017 = tpu.memref_slice %arg10[%dma_wait3A_1016] : memref<384xi32, #tpu.memory_space<vmem>> -> memref<384xi32, #tpu.memory_space<vmem>>
      %dma_wait3A_1018 = tpu.memref_slice %arg5[%add3A_919] : memref<25088xi32, #tpu.memory_space<hbm>> -> memref<384xi32, #tpu.memory_space<hbm>>
      tpu.wait_dma2 semaphore(%run_scoped3A : memref<!tpu.dma_semaphore, #tpu.memory_space<semaphore_mem>>) src(%dma_wait3A_1018 : memref<384xi32, #tpu.memory_space<hbm>>) dst(%dma_wait3A_1017 : memref<384xi32, #tpu.memory_space<vmem>>)
      tpu.yield
    }) : () -> ()
    %add3A_920 = arith.constant 0 : i32
    %add3A_921 = arith.addi %add3A_917, %add3A_920 : i32
    "tpu.region"() ({
      %run_scoped3A = tpu.sem_alloc : memref<!tpu.dma_semaphore, #tpu.memory_space<semaphore_mem>>
      %dma_start3A_1007 = arith.constant 0 : i32
      %dma_start3A_1008 = arith.constant 0 : i32
      %dma_start3A_1009 = tpu.memref_slice %arg11[%dma_start3A_1007, %dma_start3A_1008] : memref<384x128xf32, #tpu.memory_space<vmem>> -> memref<384x128xf32, #tpu.memory_space<vmem>>
      %dma_start3A_1010 = arith.constant 0 : i32
      %dma_start3A_1011 = tpu.memref_slice %arg3[%add3A_921, %dma_start3A_1010] : memref<25088x128xf32, #tpu.memory_space<hbm>> -> memref<384x128xf32, #tpu.memory_space<hbm>>
      %dma_start3A_1012 = arith.constant 0 : i32
      %dma_start3A_1013 = arith.constant 0 : i32
      %dma_start3A_1014 = tpu.memref_slice %arg11[%dma_start3A_1012, %dma_start3A_1013] : memref<384x128xf32, #tpu.memory_space<vmem>> -> memref<384x128xf32, #tpu.memory_space<vmem>>
      %dma_start3A_1015 = arith.constant 0 : i32
      %dma_start3A_1016 = tpu.memref_slice %arg3[%add3A_921, %dma_start3A_1015] : memref<25088x128xf32, #tpu.memory_space<hbm>> -> memref<384x128xf32, #tpu.memory_space<hbm>>
      tpu.enqueue_dma source(%dma_start3A_1016 : memref<384x128xf32, #tpu.memory_space<hbm>>) target(%dma_start3A_1014 : memref<384x128xf32, #tpu.memory_space<vmem>>) target_semaphore(%run_scoped3A : memref<!tpu.dma_semaphore, #tpu.memory_space<semaphore_mem>>)
      %dma_wait3A_1017 = arith.constant 0 : i32
      %dma_wait3A_1018 = arith.constant 0 : i32
      %dma_wait3A_1019 = tpu.memref_slice %arg11[%dma_wait3A_1017, %dma_wait3A_1018] : memref<384x128xf32, #tpu.memory_space<vmem>> -> memref<384x128xf32, #tpu.memory_space<vmem>>
      %dma_wait3A_1020 = arith.constant 0 : i32
      %dma_wait3A_1021 = tpu.memref_slice %arg3[%add3A_921, %dma_wait3A_1020] : memref<25088x128xf32, #tpu.memory_space<hbm>> -> memref<384x128xf32, #tpu.memory_space<hbm>>
      %dma_wait3A_1022 = arith.constant 0 : i32
      %dma_wait3A_1023 = arith.constant 0 : i32
      %dma_wait3A_1024 = tpu.memref_slice %arg11[%dma_wait3A_1022, %dma_wait3A_1023] : memref<384x128xf32, #tpu.memory_space<vmem>> -> memref<384x128xf32, #tpu.memory_space<vmem>>
      %dma_wait3A_1025 = arith.constant 0 : i32
      %dma_wait3A_1026 = tpu.memref_slice %arg3[%add3A_921, %dma_wait3A_1025] : memref<25088x128xf32, #tpu.memory_space<hbm>> -> memref<384x128xf32, #tpu.memory_space<hbm>>
      tpu.wait_dma2 semaphore(%run_scoped3A : memref<!tpu.dma_semaphore, #tpu.memory_space<semaphore_mem>>) src(%dma_wait3A_1026 : memref<384x128xf32, #tpu.memory_space<hbm>>) dst(%dma_wait3A_1024 : memref<384x128xf32, #tpu.memory_space<vmem>>)
      tpu.yield
    }) : () -> ()
    %scan3A_922 = arith.constant 0 : i32
    %scan3A_923 = arith.constant 0 : i32
    %scan3A_924 = arith.constant 24 : i32
    %scan3A_925 = arith.addi %scan3A_923, %scan3A_924 : i32
    %scan3A_926 = arith.constant 1 : i32
    scf.for %scan3A_1007 = %scan3A_923 to %scan3A_925 step %scan3A_926  : i32 {
      %mul3A_1008 = arith.constant 16 : i32
      %mul3A_1009 = arith.muli %scan3A_1007, %mul3A_1008 : i32
      %add3A_1010 = arith.constant 0 : i32
      %add3A_1011 = arith.addi %add3A_1010, %mul3A_1009 : i32
      %get3A_1012 = arith.index_cast %add3A_1011 : i32 to index
      %get3A_1013 = tpu.vector_load %arg9[%get3A_1012] {strides = array<i32>} : memref<784xi32, #tpu.memory_space<vmem>>, vector<16xi32>,
      %mul3A_1014 = arith.constant 16 : i32
      %mul3A_1015 = arith.muli %scan3A_1007, %mul3A_1014 : i32
      %get3A_1016 = arith.index_cast %mul3A_1015 : i32 to index
      %get3A_1017 = tpu.vector_load %arg10[%get3A_1016] {strides = array<i32>} : memref<384xi32, #tpu.memory_space<vmem>>, vector<16xi32>,
      %eq3A_1018 = arith.constant 1 : i32
      %eq3A_1019 = vector.broadcast %eq3A_1018 : i32 to vector<16xi32>
      %eq3A_1020 = arith.cmpi eq, %get3A_1013, %eq3A_1019 : vector<16xi32>
      %broadcast_in_dim3A_1021 = vector.broadcast %add3A_914 : i32 to vector<16xi32>
      %select_n3A_1022 = arith.select %eq3A_1020, %get3A_1017, %broadcast_in_dim3A_1021 : vector<16xi1>, vector<16xi32>
      %mul3A_1023 = arith.constant 16 : i32
      %mul3A_1024 = arith.muli %scan3A_1007, %mul3A_1023 : i32
      %swap3A_1025 = arith.index_cast %mul3A_1024 : i32 to index
      %swap3A_1026 = tpu.vector_load %arg10[%swap3A_1025] {strides = array<i32>} : memref<384xi32, #tpu.memory_space<vmem>>, vector<16xi32>,
      tpu.vector_store %arg10[%swap3A_1025], %select_n3A_1022 {strides = array<i32>} : memref<384xi32, #tpu.memory_space<vmem>>, vector<16xi32>,
    }
    %scan3A_927 = arith.constant 24 : i32
    %dma_start3A_928 = arith.constant 0 : i32
    %dma_start3A_929 = arith.constant 0 : i32
    %dma_start3A_930 = tpu.memref_slice %arg11[%dma_start3A_928, %dma_start3A_929] : memref<384x128xf32, #tpu.memory_space<vmem>> -> memref<384x128xf32, #tpu.memory_space<vmem>>
    %dma_start3A_931 = arith.constant 0 : i32
    %dma_start3A_932 = tpu.memref_slice %arg10[%dma_start3A_931] : memref<384xi32, #tpu.memory_space<vmem>> -> memref<384xi32, #tpu.memory_space<vmem>>
    %dma_start3A_933 = arith.constant 0 : i32
    %dma_start3A_934 = arith.constant 0 : i32
    %dma_start3A_935 = tpu.memref_slice %arg6[%dma_start3A_933, %dma_start3A_934] : memref<100384x128xf32, #tpu.memory_space<hbm>> -> memref<100384x128xf32, #tpu.memory_space<hbm>>
    tpu.enqueue_indirect_dma source(%dma_start3A_930 : memref<384x128xf32, #tpu.memory_space<vmem>>) target(%dma_start3A_935 : memref<100384x128xf32, #tpu.memory_space<hbm>>) offsets(%dma_start3A_932 : memref<384xi32, #tpu.memory_space<vmem>>) semaphore(%arg16 : memref<!tpu.dma_semaphore, #tpu.memory_space<semaphore_mem>>)
    %dma_wait3A_936 = arith.constant 0 : i32
    %dma_wait3A_937 = arith.constant 0 : i32
    %dma_wait3A_938 = tpu.memref_slice %arg11[%dma_wait3A_936, %dma_wait3A_937] : memref<384x128xf32, #tpu.memory_space<vmem>> -> memref<384x128xf32, #tpu.memory_space<vmem>>
    %dma_wait3A_939 = arith.constant 0 : i32
    %dma_wait3A_940 = tpu.memref_slice %arg10[%dma_wait3A_939] : memref<384xi32, #tpu.memory_space<vmem>> -> memref<384xi32, #tpu.memory_space<vmem>>
    %dma_wait3A_941 = arith.constant 0 : i32
    %dma_wait3A_942 = arith.constant 0 : i32
    %dma_wait3A_943 = tpu.memref_slice %arg6[%dma_wait3A_941, %dma_wait3A_942] : memref<100384x128xf32, #tpu.memory_space<hbm>> -> memref<100384x128xf32, #tpu.memory_space<hbm>>
    tpu.wait_indirect_dma semaphore(%arg16 : memref<!tpu.dma_semaphore, #tpu.memory_space<semaphore_mem>>) src(%dma_wait3A_938 : memref<384x128xf32, #tpu.memory_space<vmem>>) dst(%dma_wait3A_943 : memref<100384x128xf32, #tpu.memory_space<hbm>>)
    %add3A_944 = arith.constant 384 : i32
    %add3A_945 = arith.addi %add3A_917, %add3A_944 : i32
    "tpu.region"() ({
      %run_scoped3A = tpu.sem_alloc : memref<!tpu.dma_semaphore, #tpu.memory_space<semaphore_mem>>
      %dma_start3A_1007 = arith.constant 0 : i32
      %dma_start3A_1008 = tpu.memref_slice %arg10[%dma_start3A_1007] : memref<384xi32, #tpu.memory_space<vmem>> -> memref<384xi32, #tpu.memory_space<vmem>>
      %dma_start3A_1009 = tpu.memref_slice %arg5[%add3A_945] : memref<25088xi32, #tpu.memory_space<hbm>> -> memref<384xi32, #tpu.memory_space<hbm>>
      %dma_start3A_1010 = arith.constant 0 : i32
      %dma_start3A_1011 = tpu.memref_slice %arg10[%dma_start3A_1010] : memref<384xi32, #tpu.memory_space<vmem>> -> memref<384xi32, #tpu.memory_space<vmem>>
      %dma_start3A_1012 = tpu.memref_slice %arg5[%add3A_945] : memref<25088xi32, #tpu.memory_space<hbm>> -> memref<384xi32, #tpu.memory_space<hbm>>
      tpu.enqueue_dma source(%dma_start3A_1012 : memref<384xi32, #tpu.memory_space<hbm>>) target(%dma_start3A_1011 : memref<384xi32, #tpu.memory_space<vmem>>) target_semaphore(%run_scoped3A : memref<!tpu.dma_semaphore, #tpu.memory_space<semaphore_mem>>)
      %dma_wait3A_1013 = arith.constant 0 : i32
      %dma_wait3A_1014 = tpu.memref_slice %arg10[%dma_wait3A_1013] : memref<384xi32, #tpu.memory_space<vmem>> -> memref<384xi32, #tpu.memory_space<vmem>>
      %dma_wait3A_1015 = tpu.memref_slice %arg5[%add3A_945] : memref<25088xi32, #tpu.memory_space<hbm>> -> memref<384xi32, #tpu.memory_space<hbm>>
      %dma_wait3A_1016 = arith.constant 0 : i32
      %dma_wait3A_1017 = tpu.memref_slice %arg10[%dma_wait3A_1016] : memref<384xi32, #tpu.memory_space<vmem>> -> memref<384xi32, #tpu.memory_space<vmem>>
      %dma_wait3A_1018 = tpu.memref_slice %arg5[%add3A_945] : memref<25088xi32, #tpu.memory_space<hbm>> -> memref<384xi32, #tpu.memory_space<hbm>>
      tpu.wait_dma2 semaphore(%run_scoped3A : memref<!tpu.dma_semaphore, #tpu.memory_space<semaphore_mem>>) src(%dma_wait3A_1018 : memref<384xi32, #tpu.memory_space<hbm>>) dst(%dma_wait3A_1017 : memref<384xi32, #tpu.memory_space<vmem>>)
      tpu.yield
    }) : () -> ()
    %add3A_946 = arith.constant 384 : i32
    %add3A_947 = arith.addi %add3A_917, %add3A_946 : i32
    "tpu.region"() ({
      %run_scoped3A = tpu.sem_alloc : memref<!tpu.dma_semaphore, #tpu.memory_space<semaphore_mem>>
      %dma_start3A_1007 = arith.constant 0 : i32
      %dma_start3A_1008 = arith.constant 0 : i32
      %dma_start3A_1009 = tpu.memref_slice %arg11[%dma_start3A_1007, %dma_start3A_1008] : memref<384x128xf32, #tpu.memory_space<vmem>> -> memref<384x128xf32, #tpu.memory_space<vmem>>
      %dma_start3A_1010 = arith.constant 0 : i32
      %dma_start3A_1011 = tpu.memref_slice %arg3[%add3A_947, %dma_start3A_1010] : memref<25088x128xf32, #tpu.memory_space<hbm>> -> memref<384x128xf32, #tpu.memory_space<hbm>>
      %dma_start3A_1012 = arith.constant 0 : i32
      %dma_start3A_1013 = arith.constant 0 : i32
      %dma_start3A_1014 = tpu.memref_slice %arg11[%dma_start3A_1012, %dma_start3A_1013] : memref<384x128xf32, #tpu.memory_space<vmem>> -> memref<384x128xf32, #tpu.memory_space<vmem>>
      %dma_start3A_1015 = arith.constant 0 : i32
      %dma_start3A_1016 = tpu.memref_slice %arg3[%add3A_947, %dma_start3A_1015] : memref<25088x128xf32, #tpu.memory_space<hbm>> -> memref<384x128xf32, #tpu.memory_space<hbm>>
      tpu.enqueue_dma source(%dma_start3A_1016 : memref<384x128xf32, #tpu.memory_space<hbm>>) target(%dma_start3A_1014 : memref<384x128xf32, #tpu.memory_space<vmem>>) target_semaphore(%run_scoped3A : memref<!tpu.dma_semaphore, #tpu.memory_space<semaphore_mem>>)
      %dma_wait3A_1017 = arith.constant 0 : i32
      %dma_wait3A_1018 = arith.constant 0 : i32
      %dma_wait3A_1019 = tpu.memref_slice %arg11[%dma_wait3A_1017, %dma_wait3A_1018] : memref<384x128xf32, #tpu.memory_space<vmem>> -> memref<384x128xf32, #tpu.memory_space<vmem>>
      %dma_wait3A_1020 = arith.constant 0 : i32
      %dma_wait3A_1021 = tpu.memref_slice %arg3[%add3A_947, %dma_wait3A_1020] : memref<25088x128xf32, #tpu.memory_space<hbm>> -> memref<384x128xf32, #tpu.memory_space<hbm>>
      %dma_wait3A_1022 = arith.constant 0 : i32
      %dma_wait3A_1023 = arith.constant 0 : i32
      %dma_wait3A_1024 = tpu.memref_slice %arg11[%dma_wait3A_1022, %dma_wait3A_1023] : memref<384x128xf32, #tpu.memory_space<vmem>> -> memref<384x128xf32, #tpu.memory_space<vmem>>
      %dma_wait3A_1025 = arith.constant 0 : i32
      %dma_wait3A_1026 = tpu.memref_slice %arg3[%add3A_947, %dma_wait3A_1025] : memref<25088x128xf32, #tpu.memory_space<hbm>> -> memref<384x128xf32, #tpu.memory_space<hbm>>
      tpu.wait_dma2 semaphore(%run_scoped3A : memref<!tpu.dma_semaphore, #tpu.memory_space<semaphore_mem>>) src(%dma_wait3A_1026 : memref<384x128xf32, #tpu.memory_space<hbm>>) dst(%dma_wait3A_1024 : memref<384x128xf32, #tpu.memory_space<vmem>>)
      tpu.yield
    }) : () -> ()
    %scan3A_948 = arith.constant 0 : i32
    %scan3A_949 = arith.constant 0 : i32
    %scan3A_950 = arith.constant 24 : i32
    %scan3A_951 = arith.addi %scan3A_949, %scan3A_950 : i32
    %scan3A_952 = arith.constant 1 : i32
    scf.for %scan3A_1007 = %scan3A_949 to %scan3A_951 step %scan3A_952  : i32 {
      %mul3A_1008 = arith.constant 16 : i32
      %mul3A_1009 = arith.muli %scan3A_1007, %mul3A_1008 : i32
      %add3A_1010 = arith.constant 384 : i32
      %add3A_1011 = arith.addi %add3A_1010, %mul3A_1009 : i32
      %get3A_1012 = arith.index_cast %add3A_1011 : i32 to index
      %get3A_1013 = tpu.vector_load %arg9[%get3A_1012] {strides = array<i32>} : memref<784xi32, #tpu.memory_space<vmem>>, vector<16xi32>,
      %mul3A_1014 = arith.constant 16 : i32
      %mul3A_1015 = arith.muli %scan3A_1007, %mul3A_1014 : i32
      %get3A_1016 = arith.index_cast %mul3A_1015 : i32 to index
      %get3A_1017 = tpu.vector_load %arg10[%get3A_1016] {strides = array<i32>} : memref<384xi32, #tpu.memory_space<vmem>>, vector<16xi32>,
      %eq3A_1018 = arith.constant 1 : i32
      %eq3A_1019 = vector.broadcast %eq3A_1018 : i32 to vector<16xi32>
      %eq3A_1020 = arith.cmpi eq, %get3A_1013, %eq3A_1019 : vector<16xi32>
      %broadcast_in_dim3A_1021 = vector.broadcast %add3A_914 : i32 to vector<16xi32>
      %select_n3A_1022 = arith.select %eq3A_1020, %get3A_1017, %broadcast_in_dim3A_1021 : vector<16xi1>, vector<16xi32>
      %mul3A_1023 = arith.constant 16 : i32
      %mul3A_1024 = arith.muli %scan3A_1007, %mul3A_1023 : i32
      %swap3A_1025 = arith.index_cast %mul3A_1024 : i32 to index
      %swap3A_1026 = tpu.vector_load %arg10[%swap3A_1025] {strides = array<i32>} : memref<384xi32, #tpu.memory_space<vmem>>, vector<16xi32>,
      tpu.vector_store %arg10[%swap3A_1025], %select_n3A_1022 {strides = array<i32>} : memref<384xi32, #tpu.memory_space<vmem>>, vector<16xi32>,
    }
    %scan3A_953 = arith.constant 24 : i32
    %dma_start3A_954 = arith.constant 0 : i32
    %dma_start3A_955 = arith.constant 0 : i32
    %dma_start3A_956 = tpu.memref_slice %arg11[%dma_start3A_954, %dma_start3A_955] : memref<384x128xf32, #tpu.memory_space<vmem>> -> memref<384x128xf32, #tpu.memory_space<vmem>>
    %dma_start3A_957 = arith.constant 0 : i32
    %dma_start3A_958 = tpu.memref_slice %arg10[%dma_start3A_957] : memref<384xi32, #tpu.memory_space<vmem>> -> memref<384xi32, #tpu.memory_space<vmem>>
    %dma_start3A_959 = arith.constant 0 : i32
    %dma_start3A_960 = arith.constant 0 : i32
    %dma_start3A_961 = tpu.memref_slice %arg6[%dma_start3A_959, %dma_start3A_960] : memref<100384x128xf32, #tpu.memory_space<hbm>> -> memref<100384x128xf32, #tpu.memory_space<hbm>>
    tpu.enqueue_indirect_dma source(%dma_start3A_956 : memref<384x128xf32, #tpu.memory_space<vmem>>) target(%dma_start3A_961 : memref<100384x128xf32, #tpu.memory_space<hbm>>) offsets(%dma_start3A_958 : memref<384xi32, #tpu.memory_space<vmem>>) semaphore(%arg16 : memref<!tpu.dma_semaphore, #tpu.memory_space<semaphore_mem>>)
    %dma_wait3A_962 = arith.constant 0 : i32
    %dma_wait3A_963 = arith.constant 0 : i32
    %dma_wait3A_964 = tpu.memref_slice %arg11[%dma_wait3A_962, %dma_wait3A_963] : memref<384x128xf32, #tpu.memory_space<vmem>> -> memref<384x128xf32, #tpu.memory_space<vmem>>
    %dma_wait3A_965 = arith.constant 0 : i32
    %dma_wait3A_966 = tpu.memref_slice %arg10[%dma_wait3A_965] : memref<384xi32, #tpu.memory_space<vmem>> -> memref<384xi32, #tpu.memory_space<vmem>>
    %dma_wait3A_967 = arith.constant 0 : i32
    %dma_wait3A_968 = arith.constant 0 : i32
    %dma_wait3A_969 = tpu.memref_slice %arg6[%dma_wait3A_967, %dma_wait3A_968] : memref<100384x128xf32, #tpu.memory_space<hbm>> -> memref<100384x128xf32, #tpu.memory_space<hbm>>
    tpu.wait_indirect_dma semaphore(%arg16 : memref<!tpu.dma_semaphore, #tpu.memory_space<semaphore_mem>>) src(%dma_wait3A_964 : memref<384x128xf32, #tpu.memory_space<vmem>>) dst(%dma_wait3A_969 : memref<100384x128xf32, #tpu.memory_space<hbm>>)
    %add3A_970 = arith.constant 768 : i32
    %add3A_971 = arith.addi %add3A_917, %add3A_970 : i32
    "tpu.region"() ({
      %run_scoped3A = tpu.sem_alloc : memref<!tpu.dma_semaphore, #tpu.memory_space<semaphore_mem>>
      %dma_start3A_1007 = arith.constant 0 : i32
      %dma_start3A_1008 = tpu.memref_slice %arg10[%dma_start3A_1007] : memref<384xi32, #tpu.memory_space<vmem>> -> memref<16xi32, #tpu.memory_space<vmem>>
      %dma_start3A_1009 = tpu.memref_slice %arg5[%add3A_971] : memref<25088xi32, #tpu.memory_space<hbm>> -> memref<16xi32, #tpu.memory_space<hbm>>
      %dma_start3A_1010 = arith.constant 0 : i32
      %dma_start3A_1011 = tpu.memref_slice %arg10[%dma_start3A_1010] : memref<384xi32, #tpu.memory_space<vmem>> -> memref<16xi32, #tpu.memory_space<vmem>>
      %dma_start3A_1012 = tpu.memref_slice %arg5[%add3A_971] : memref<25088xi32, #tpu.memory_space<hbm>> -> memref<16xi32, #tpu.memory_space<hbm>>
      tpu.enqueue_dma source(%dma_start3A_1012 : memref<16xi32, #tpu.memory_space<hbm>>) target(%dma_start3A_1011 : memref<16xi32, #tpu.memory_space<vmem>>) target_semaphore(%run_scoped3A : memref<!tpu.dma_semaphore, #tpu.memory_space<semaphore_mem>>)
      %dma_wait3A_1013 = arith.constant 0 : i32
      %dma_wait3A_1014 = tpu.memref_slice %arg10[%dma_wait3A_1013] : memref<384xi32, #tpu.memory_space<vmem>> -> memref<16xi32, #tpu.memory_space<vmem>>
      %dma_wait3A_1015 = tpu.memref_slice %arg5[%add3A_971] : memref<25088xi32, #tpu.memory_space<hbm>> -> memref<16xi32, #tpu.memory_space<hbm>>
      %dma_wait3A_1016 = arith.constant 0 : i32
      %dma_wait3A_1017 = tpu.memref_slice %arg10[%dma_wait3A_1016] : memref<384xi32, #tpu.memory_space<vmem>> -> memref<16xi32, #tpu.memory_space<vmem>>
      %dma_wait3A_1018 = tpu.memref_slice %arg5[%add3A_971] : memref<25088xi32, #tpu.memory_space<hbm>> -> memref<16xi32, #tpu.memory_space<hbm>>
      tpu.wait_dma2 semaphore(%run_scoped3A : memref<!tpu.dma_semaphore, #tpu.memory_space<semaphore_mem>>) src(%dma_wait3A_1018 : memref<16xi32, #tpu.memory_space<hbm>>) dst(%dma_wait3A_1017 : memref<16xi32, #tpu.memory_space<vmem>>)
      tpu.yield
    }) : () -> ()
    %add3A_972 = arith.constant 768 : i32
    %add3A_973 = arith.addi %add3A_917, %add3A_972 : i32
    "tpu.region"() ({
      %run_scoped3A = tpu.sem_alloc : memref<!tpu.dma_semaphore, #tpu.memory_space<semaphore_mem>>
      %dma_start3A_1007 = arith.constant 0 : i32
      %dma_start3A_1008 = arith.constant 0 : i32
      %dma_start3A_1009 = tpu.memref_slice %arg11[%dma_start3A_1007, %dma_start3A_1008] : memref<384x128xf32, #tpu.memory_space<vmem>> -> memref<16x128xf32, #tpu.memory_space<vmem>>
      %dma_start3A_1010 = arith.constant 0 : i32
      %dma_start3A_1011 = tpu.memref_slice %arg3[%add3A_973, %dma_start3A_1010] : memref<25088x128xf32, #tpu.memory_space<hbm>> -> memref<16x128xf32, #tpu.memory_space<hbm>>
      %dma_start3A_1012 = arith.constant 0 : i32
      %dma_start3A_1013 = arith.constant 0 : i32
      %dma_start3A_1014 = tpu.memref_slice %arg11[%dma_start3A_1012, %dma_start3A_1013] : memref<384x128xf32, #tpu.memory_space<vmem>> -> memref<16x128xf32, #tpu.memory_space<vmem>>
      %dma_start3A_1015 = arith.constant 0 : i32
      %dma_start3A_1016 = tpu.memref_slice %arg3[%add3A_973, %dma_start3A_1015] : memref<25088x128xf32, #tpu.memory_space<hbm>> -> memref<16x128xf32, #tpu.memory_space<hbm>>
      tpu.enqueue_dma source(%dma_start3A_1016 : memref<16x128xf32, #tpu.memory_space<hbm>>) target(%dma_start3A_1014 : memref<16x128xf32, #tpu.memory_space<vmem>>) target_semaphore(%run_scoped3A : memref<!tpu.dma_semaphore, #tpu.memory_space<semaphore_mem>>)
      %dma_wait3A_1017 = arith.constant 0 : i32
      %dma_wait3A_1018 = arith.constant 0 : i32
      %dma_wait3A_1019 = tpu.memref_slice %arg11[%dma_wait3A_1017, %dma_wait3A_1018] : memref<384x128xf32, #tpu.memory_space<vmem>> -> memref<16x128xf32, #tpu.memory_space<vmem>>
      %dma_wait3A_1020 = arith.constant 0 : i32
      %dma_wait3A_1021 = tpu.memref_slice %arg3[%add3A_973, %dma_wait3A_1020] : memref<25088x128xf32, #tpu.memory_space<hbm>> -> memref<16x128xf32, #tpu.memory_space<hbm>>
      %dma_wait3A_1022 = arith.constant 0 : i32
      %dma_wait3A_1023 = arith.constant 0 : i32
      %dma_wait3A_1024 = tpu.memref_slice %arg11[%dma_wait3A_1022, %dma_wait3A_1023] : memref<384x128xf32, #tpu.memory_space<vmem>> -> memref<16x128xf32, #tpu.memory_space<vmem>>
      %dma_wait3A_1025 = arith.constant 0 : i32
      %dma_wait3A_1026 = tpu.memref_slice %arg3[%add3A_973, %dma_wait3A_1025] : memref<25088x128xf32, #tpu.memory_space<hbm>> -> memref<16x128xf32, #tpu.memory_space<hbm>>
      tpu.wait_dma2 semaphore(%run_scoped3A : memref<!tpu.dma_semaphore, #tpu.memory_space<semaphore_mem>>) src(%dma_wait3A_1026 : memref<16x128xf32, #tpu.memory_space<hbm>>) dst(%dma_wait3A_1024 : memref<16x128xf32, #tpu.memory_space<vmem>>)
      tpu.yield
    }) : () -> ()
    %scan3A_974 = arith.constant 0 : i32
    %scan3A_975 = arith.constant 0 : i32
    %mul3A_976 = arith.constant 16 : i32
    %mul3A_977 = arith.muli %scan3A_975, %mul3A_976 : i32
    %add3A_978 = arith.constant 768 : i32
    %add3A_979 = arith.addi %add3A_978, %mul3A_977 : i32
    %get3A = arith.index_cast %add3A_979 : i32 to index
    %get3A_980 = tpu.vector_load %arg9[%get3A] {strides = array<i32>} : memref<784xi32, #tpu.memory_space<vmem>>, vector<16xi32>,
    %mul3A_981 = arith.constant 16 : i32
    %mul3A_982 = arith.muli %scan3A_975, %mul3A_981 : i32
    %get3A_983 = arith.index_cast %mul3A_982 : i32 to index
    %get3A_984 = tpu.vector_load %arg10[%get3A_983] {strides = array<i32>} : memref<384xi32, #tpu.memory_space<vmem>>, vector<16xi32>,
    %eq3A = arith.constant 1 : i32
    %eq3A_985 = vector.broadcast %eq3A : i32 to vector<16xi32>
    %eq3A_986 = arith.cmpi eq, %get3A_980, %eq3A_985 : vector<16xi32>
    %broadcast_in_dim3A = vector.broadcast %add3A_914 : i32 to vector<16xi32>
    %select_n3A = arith.select %eq3A_986, %get3A_984, %broadcast_in_dim3A : vector<16xi1>, vector<16xi32>
    %mul3A_987 = arith.constant 16 : i32
    %mul3A_988 = arith.muli %scan3A_975, %mul3A_987 : i32
    %swap3A = arith.index_cast %mul3A_988 : i32 to index
    %swap3A_989 = tpu.vector_load %arg10[%swap3A] {strides = array<i32>} : memref<384xi32, #tpu.memory_space<vmem>>, vector<16xi32>,
    tpu.vector_store %arg10[%swap3A], %select_n3A {strides = array<i32>} : memref<384xi32, #tpu.memory_space<vmem>>, vector<16xi32>,
    %scan3A_990 = arith.constant 1 : i32
    %dma_start3A_991 = arith.constant 0 : i32
    %dma_start3A_992 = arith.constant 0 : i32
    %dma_start3A_993 = tpu.memref_slice %arg11[%dma_start3A_991, %dma_start3A_992] : memref<384x128xf32, #tpu.memory_space<vmem>> -> memref<16x128xf32, #tpu.memory_space<vmem>>
    %dma_start3A_994 = arith.constant 0 : i32
    %dma_start3A_995 = tpu.memref_slice %arg10[%dma_start3A_994] : memref<384xi32, #tpu.memory_space<vmem>> -> memref<16xi32, #tpu.memory_space<vmem>>
    %dma_start3A_996 = arith.constant 0 : i32
    %dma_start3A_997 = arith.constant 0 : i32
    %dma_start3A_998 = tpu.memref_slice %arg6[%dma_start3A_996, %dma_start3A_997] : memref<100384x128xf32, #tpu.memory_space<hbm>> -> memref<100384x128xf32, #tpu.memory_space<hbm>>
    tpu.enqueue_indirect_dma source(%dma_start3A_993 : memref<16x128xf32, #tpu.memory_space<vmem>>) target(%dma_start3A_998 : memref<100384x128xf32, #tpu.memory_space<hbm>>) offsets(%dma_start3A_995 : memref<16xi32, #tpu.memory_space<vmem>>) semaphore(%arg16 : memref<!tpu.dma_semaphore, #tpu.memory_space<semaphore_mem>>)
    %dma_wait3A_999 = arith.constant 0 : i32
    %dma_wait3A_1000 = arith.constant 0 : i32
    %dma_wait3A_1001 = tpu.memref_slice %arg11[%dma_wait3A_999, %dma_wait3A_1000] : memref<384x128xf32, #tpu.memory_space<vmem>> -> memref<16x128xf32, #tpu.memory_space<vmem>>
    %dma_wait3A_1002 = arith.constant 0 : i32
    %dma_wait3A_1003 = tpu.memref_slice %arg10[%dma_wait3A_1002] : memref<384xi32, #tpu.memory_space<vmem>> -> memref<16xi32, #tpu.memory_space<vmem>>
    %dma_wait3A_1004 = arith.constant 0 : i32
    %dma_wait3A_1005 = arith.constant 0 : i32
    %dma_wait3A_1006 = tpu.memref_slice %arg6[%dma_wait3A_1004, %dma_wait3A_1005] : memref<100384x128xf32, #tpu.memory_space<hbm>> -> memref<100384x128xf32, #tpu.memory_space<hbm>>
    tpu.wait_indirect_dma semaphore(%arg16 : memref<!tpu.dma_semaphore, #tpu.memory_space<semaphore_mem>>) src(%dma_wait3A_1001 : memref<16x128xf32, #tpu.memory_space<vmem>>) dst(%dma_wait3A_1006 : memref<100384x128xf32, #tpu.memory_space<hbm>>)
    return
  }
}

#map = affine_map<(d0, d1) -> (0, 0)>
#map1 = affine_map<(d0, d1) -> (0)>
module attributes {stable_mosaic.version = 14 : i64} {
  func.func @_sc_gather(%arg0: i32, %arg1: i32, %arg2: memref<100384x128xf32, #tpu.memory_space<hbm>>, %arg3: memref<225792xi32, #tpu.memory_space<hbm>>, %arg4: memref<25088xi32, #tpu.memory_space<hbm>>, %arg5: memref<225792x128xf32, #tpu.memory_space<hbm>>, %arg6: memref<25088x128xf32, #tpu.memory_space<hbm>>, %arg7: memref<392xi32, #tpu.memory_space<vmem>>, %arg8: memref<392xi32, #tpu.memory_space<vmem>>, %arg9: memref<392x128xf32, #tpu.memory_space<vmem>>, %arg10: memref<392x128xf32, #tpu.memory_space<vmem>>, %arg11: memref<!tpu.dma_semaphore, #tpu.memory_space<semaphore_mem>>, %arg12: memref<!tpu.dma_semaphore, #tpu.memory_space<semaphore_mem>>, %arg13: memref<!tpu.dma_semaphore, #tpu.memory_space<semaphore_mem>>, %arg14: memref<!tpu.dma_semaphore, #tpu.memory_space<semaphore_mem>>) attributes {dimension_semantics = [#tpu.dimension_semantics<core_parallel>, #tpu.dimension_semantics<subcore_parallel>], iteration_bounds = array<i64: 2, 16>, scalar_prefetch = 0 : i64, scratch_operands = 8 : i64, tpu.core_type = #tpu.core_type<sc_vector_subcore>, window_params = [{transform_indices = #map}, {transform_indices = #map1}, {transform_indices = #map1}, {transform_indices = #map}, {transform_indices = #map}]} {
    %mul3A = arith.constant 16 : i32
    %mul3A_0 = arith.muli %arg0, %mul3A : i32
    %add3A = arith.addi %mul3A_0, %arg1 : i32
    %mul3A_1 = arith.constant 7056 : i32
    %mul3A_2 = arith.muli %add3A, %mul3A_1 : i32
    %mul3A_3 = arith.constant 784 : i32
    %mul3A_4 = arith.muli %add3A, %mul3A_3 : i32
    %add3A_5 = arith.constant 0 : i32
    %add3A_6 = arith.addi %mul3A_2, %add3A_5 : i32
    "tpu.region"() ({
      %run_scoped3A = tpu.sem_alloc : memref<!tpu.dma_semaphore, #tpu.memory_space<semaphore_mem>>
      %dma_start3A_363 = tpu.memref_slice %arg3[%add3A_6] : memref<225792xi32, #tpu.memory_space<hbm>> -> memref<392xi32, #tpu.memory_space<hbm>>
      %dma_start3A_364 = tpu.memref_slice %arg3[%add3A_6] : memref<225792xi32, #tpu.memory_space<hbm>> -> memref<392xi32, #tpu.memory_space<hbm>>
      tpu.enqueue_dma source(%dma_start3A_364 : memref<392xi32, #tpu.memory_space<hbm>>) target(%arg7 : memref<392xi32, #tpu.memory_space<vmem>>) target_semaphore(%run_scoped3A : memref<!tpu.dma_semaphore, #tpu.memory_space<semaphore_mem>>)
      %dma_wait3A_365 = tpu.memref_slice %arg3[%add3A_6] : memref<225792xi32, #tpu.memory_space<hbm>> -> memref<392xi32, #tpu.memory_space<hbm>>
      %dma_wait3A_366 = tpu.memref_slice %arg3[%add3A_6] : memref<225792xi32, #tpu.memory_space<hbm>> -> memref<392xi32, #tpu.memory_space<hbm>>
      tpu.wait_dma2 semaphore(%run_scoped3A : memref<!tpu.dma_semaphore, #tpu.memory_space<semaphore_mem>>) src(%dma_wait3A_366 : memref<392xi32, #tpu.memory_space<hbm>>) dst(%arg7 : memref<392xi32, #tpu.memory_space<vmem>>)
      tpu.yield
    }) : () -> ()
    %dma_start3A = arith.constant 0 : i32
    %dma_start3A_7 = arith.constant 0 : i32
    %dma_start3A_8 = tpu.memref_slice %arg2[%dma_start3A, %dma_start3A_7] : memref<100384x128xf32, #tpu.memory_space<hbm>> -> memref<100384x128xf32, #tpu.memory_space<hbm>>
    tpu.enqueue_indirect_dma source(%dma_start3A_8 : memref<100384x128xf32, #tpu.memory_space<hbm>>) target(%arg9 : memref<392x128xf32, #tpu.memory_space<vmem>>) offsets(%arg7 : memref<392xi32, #tpu.memory_space<vmem>>) semaphore(%arg11 : memref<!tpu.dma_semaphore, #tpu.memory_space<semaphore_mem>>)
    %add3A_9 = arith.constant 392 : i32
    %add3A_10 = arith.addi %mul3A_2, %add3A_9 : i32
    "tpu.region"() ({
      %run_scoped3A = tpu.sem_alloc : memref<!tpu.dma_semaphore, #tpu.memory_space<semaphore_mem>>
      %dma_start3A_363 = tpu.memref_slice %arg3[%add3A_10] : memref<225792xi32, #tpu.memory_space<hbm>> -> memref<392xi32, #tpu.memory_space<hbm>>
      %dma_start3A_364 = tpu.memref_slice %arg3[%add3A_10] : memref<225792xi32, #tpu.memory_space<hbm>> -> memref<392xi32, #tpu.memory_space<hbm>>
      tpu.enqueue_dma source(%dma_start3A_364 : memref<392xi32, #tpu.memory_space<hbm>>) target(%arg8 : memref<392xi32, #tpu.memory_space<vmem>>) target_semaphore(%run_scoped3A : memref<!tpu.dma_semaphore, #tpu.memory_space<semaphore_mem>>)
      %dma_wait3A_365 = tpu.memref_slice %arg3[%add3A_10] : memref<225792xi32, #tpu.memory_space<hbm>> -> memref<392xi32, #tpu.memory_space<hbm>>
      %dma_wait3A_366 = tpu.memref_slice %arg3[%add3A_10] : memref<225792xi32, #tpu.memory_space<hbm>> -> memref<392xi32, #tpu.memory_space<hbm>>
      tpu.wait_dma2 semaphore(%run_scoped3A : memref<!tpu.dma_semaphore, #tpu.memory_space<semaphore_mem>>) src(%dma_wait3A_366 : memref<392xi32, #tpu.memory_space<hbm>>) dst(%arg8 : memref<392xi32, #tpu.memory_space<vmem>>)
      tpu.yield
    }) : () -> ()
    %dma_start3A_11 = arith.constant 0 : i32
    %dma_start3A_12 = arith.constant 0 : i32
    %dma_start3A_13 = tpu.memref_slice %arg2[%dma_start3A_11, %dma_start3A_12] : memref<100384x128xf32, #tpu.memory_space<hbm>> -> memref<100384x128xf32, #tpu.memory_space<hbm>>
    tpu.enqueue_indirect_dma source(%dma_start3A_13 : memref<100384x128xf32, #tpu.memory_space<hbm>>) target(%arg10 : memref<392x128xf32, #tpu.memory_space<vmem>>) offsets(%arg8 : memref<392xi32, #tpu.memory_space<vmem>>) semaphore(%arg12 : memref<!tpu.dma_semaphore, #tpu.memory_space<semaphore_mem>>)
    %dma_wait3A = arith.constant 0 : i32
    %dma_wait3A_14 = arith.constant 0 : i32
    %dma_wait3A_15 = tpu.memref_slice %arg2[%dma_wait3A, %dma_wait3A_14] : memref<100384x128xf32, #tpu.memory_space<hbm>> -> memref<100384x128xf32, #tpu.memory_space<hbm>>
    tpu.wait_indirect_dma semaphore(%arg11 : memref<!tpu.dma_semaphore, #tpu.memory_space<semaphore_mem>>) src(%dma_wait3A_15 : memref<100384x128xf32, #tpu.memory_space<hbm>>) dst(%arg9 : memref<392x128xf32, #tpu.memory_space<vmem>>)
    %add3A_16 = arith.constant 0 : i32
    %add3A_17 = arith.addi %mul3A_2, %add3A_16 : i32
    %dma_start3A_18 = arith.constant 0 : i32
    %dma_start3A_19 = tpu.memref_slice %arg5[%add3A_17, %dma_start3A_18] : memref<225792x128xf32, #tpu.memory_space<hbm>> -> memref<392x128xf32, #tpu.memory_space<hbm>>
    %dma_start3A_20 = arith.constant 0 : i32
    %dma_start3A_21 = tpu.memref_slice %arg5[%add3A_17, %dma_start3A_20] : memref<225792x128xf32, #tpu.memory_space<hbm>> -> memref<392x128xf32, #tpu.memory_space<hbm>>
    tpu.enqueue_dma source(%arg9 : memref<392x128xf32, #tpu.memory_space<vmem>>) target(%dma_start3A_21 : memref<392x128xf32, #tpu.memory_space<hbm>>) target_semaphore(%arg13 : memref<!tpu.dma_semaphore, #tpu.memory_space<semaphore_mem>>)
    %add3A_22 = arith.constant 784 : i32
    %add3A_23 = arith.addi %mul3A_2, %add3A_22 : i32
    "tpu.region"() ({
      %run_scoped3A = tpu.sem_alloc : memref<!tpu.dma_semaphore, #tpu.memory_space<semaphore_mem>>
      %dma_start3A_363 = tpu.memref_slice %arg3[%add3A_23] : memref<225792xi32, #tpu.memory_space<hbm>> -> memref<392xi32, #tpu.memory_space<hbm>>
      %dma_start3A_364 = tpu.memref_slice %arg3[%add3A_23] : memref<225792xi32, #tpu.memory_space<hbm>> -> memref<392xi32, #tpu.memory_space<hbm>>
      tpu.enqueue_dma source(%dma_start3A_364 : memref<392xi32, #tpu.memory_space<hbm>>) target(%arg7 : memref<392xi32, #tpu.memory_space<vmem>>) target_semaphore(%run_scoped3A : memref<!tpu.dma_semaphore, #tpu.memory_space<semaphore_mem>>)
      %dma_wait3A_365 = tpu.memref_slice %arg3[%add3A_23] : memref<225792xi32, #tpu.memory_space<hbm>> -> memref<392xi32, #tpu.memory_space<hbm>>
      %dma_wait3A_366 = tpu.memref_slice %arg3[%add3A_23] : memref<225792xi32, #tpu.memory_space<hbm>> -> memref<392xi32, #tpu.memory_space<hbm>>
      tpu.wait_dma2 semaphore(%run_scoped3A : memref<!tpu.dma_semaphore, #tpu.memory_space<semaphore_mem>>) src(%dma_wait3A_366 : memref<392xi32, #tpu.memory_space<hbm>>) dst(%arg7 : memref<392xi32, #tpu.memory_space<vmem>>)
      tpu.yield
    }) : () -> ()
    %dma_wait3A_24 = arith.constant 0 : i32
    %dma_wait3A_25 = tpu.memref_slice %arg5[%add3A_17, %dma_wait3A_24] : memref<225792x128xf32, #tpu.memory_space<hbm>> -> memref<392x128xf32, #tpu.memory_space<hbm>>
    %dma_wait3A_26 = arith.constant 0 : i32
    %dma_wait3A_27 = tpu.memref_slice %arg5[%add3A_17, %dma_wait3A_26] : memref<225792x128xf32, #tpu.memory_space<hbm>> -> memref<392x128xf32, #tpu.memory_space<hbm>>
    tpu.wait_dma2 semaphore(%arg13 : memref<!tpu.dma_semaphore, #tpu.memory_space<semaphore_mem>>) src(%arg9 : memref<392x128xf32, #tpu.memory_space<vmem>>) dst(%dma_wait3A_27 : memref<392x128xf32, #tpu.memory_space<hbm>>)
    %dma_start3A_28 = arith.constant 0 : i32
    %dma_start3A_29 = arith.constant 0 : i32
    %dma_start3A_30 = tpu.memref_slice %arg2[%dma_start3A_28, %dma_start3A_29] : memref<100384x128xf32, #tpu.memory_space<hbm>> -> memref<100384x128xf32, #tpu.memory_space<hbm>>
    tpu.enqueue_indirect_dma source(%dma_start3A_30 : memref<100384x128xf32, #tpu.memory_space<hbm>>) target(%arg9 : memref<392x128xf32, #tpu.memory_space<vmem>>) offsets(%arg7 : memref<392xi32, #tpu.memory_space<vmem>>) semaphore(%arg11 : memref<!tpu.dma_semaphore, #tpu.memory_space<semaphore_mem>>)
    %dma_wait3A_31 = arith.constant 0 : i32
    %dma_wait3A_32 = arith.constant 0 : i32
    %dma_wait3A_33 = tpu.memref_slice %arg2[%dma_wait3A_31, %dma_wait3A_32] : memref<100384x128xf32, #tpu.memory_space<hbm>> -> memref<100384x128xf32, #tpu.memory_space<hbm>>
    tpu.wait_indirect_dma semaphore(%arg12 : memref<!tpu.dma_semaphore, #tpu.memory_space<semaphore_mem>>) src(%dma_wait3A_33 : memref<100384x128xf32, #tpu.memory_space<hbm>>) dst(%arg10 : memref<392x128xf32, #tpu.memory_space<vmem>>)
    %add3A_34 = arith.constant 392 : i32
    %add3A_35 = arith.addi %mul3A_2, %add3A_34 : i32
    %dma_start3A_36 = arith.constant 0 : i32
    %dma_start3A_37 = tpu.memref_slice %arg5[%add3A_35, %dma_start3A_36] : memref<225792x128xf32, #tpu.memory_space<hbm>> -> memref<392x128xf32, #tpu.memory_space<hbm>>
    %dma_start3A_38 = arith.constant 0 : i32
    %dma_start3A_39 = tpu.memref_slice %arg5[%add3A_35, %dma_start3A_38] : memref<225792x128xf32, #tpu.memory_space<hbm>> -> memref<392x128xf32, #tpu.memory_space<hbm>>
    tpu.enqueue_dma source(%arg10 : memref<392x128xf32, #tpu.memory_space<vmem>>) target(%dma_start3A_39 : memref<392x128xf32, #tpu.memory_space<hbm>>) target_semaphore(%arg14 : memref<!tpu.dma_semaphore, #tpu.memory_space<semaphore_mem>>)
    %add3A_40 = arith.constant 1176 : i32
    %add3A_41 = arith.addi %mul3A_2, %add3A_40 : i32
    "tpu.region"() ({
      %run_scoped3A = tpu.sem_alloc : memref<!tpu.dma_semaphore, #tpu.memory_space<semaphore_mem>>
      %dma_start3A_363 = tpu.memref_slice %arg3[%add3A_41] : memref<225792xi32, #tpu.memory_space<hbm>> -> memref<392xi32, #tpu.memory_space<hbm>>
      %dma_start3A_364 = tpu.memref_slice %arg3[%add3A_41] : memref<225792xi32, #tpu.memory_space<hbm>> -> memref<392xi32, #tpu.memory_space<hbm>>
      tpu.enqueue_dma source(%dma_start3A_364 : memref<392xi32, #tpu.memory_space<hbm>>) target(%arg8 : memref<392xi32, #tpu.memory_space<vmem>>) target_semaphore(%run_scoped3A : memref<!tpu.dma_semaphore, #tpu.memory_space<semaphore_mem>>)
      %dma_wait3A_365 = tpu.memref_slice %arg3[%add3A_41] : memref<225792xi32, #tpu.memory_space<hbm>> -> memref<392xi32, #tpu.memory_space<hbm>>
      %dma_wait3A_366 = tpu.memref_slice %arg3[%add3A_41] : memref<225792xi32, #tpu.memory_space<hbm>> -> memref<392xi32, #tpu.memory_space<hbm>>
      tpu.wait_dma2 semaphore(%run_scoped3A : memref<!tpu.dma_semaphore, #tpu.memory_space<semaphore_mem>>) src(%dma_wait3A_366 : memref<392xi32, #tpu.memory_space<hbm>>) dst(%arg8 : memref<392xi32, #tpu.memory_space<vmem>>)
      tpu.yield
    }) : () -> ()
    %dma_wait3A_42 = arith.constant 0 : i32
    %dma_wait3A_43 = tpu.memref_slice %arg5[%add3A_35, %dma_wait3A_42] : memref<225792x128xf32, #tpu.memory_space<hbm>> -> memref<392x128xf32, #tpu.memory_space<hbm>>
    %dma_wait3A_44 = arith.constant 0 : i32
    %dma_wait3A_45 = tpu.memref_slice %arg5[%add3A_35, %dma_wait3A_44] : memref<225792x128xf32, #tpu.memory_space<hbm>> -> memref<392x128xf32, #tpu.memory_space<hbm>>
    tpu.wait_dma2 semaphore(%arg14 : memref<!tpu.dma_semaphore, #tpu.memory_space<semaphore_mem>>) src(%arg10 : memref<392x128xf32, #tpu.memory_space<vmem>>) dst(%dma_wait3A_45 : memref<392x128xf32, #tpu.memory_space<hbm>>)
    %dma_start3A_46 = arith.constant 0 : i32
    %dma_start3A_47 = arith.constant 0 : i32
    %dma_start3A_48 = tpu.memref_slice %arg2[%dma_start3A_46, %dma_start3A_47] : memref<100384x128xf32, #tpu.memory_space<hbm>> -> memref<100384x128xf32, #tpu.memory_space<hbm>>
    tpu.enqueue_indirect_dma source(%dma_start3A_48 : memref<100384x128xf32, #tpu.memory_space<hbm>>) target(%arg10 : memref<392x128xf32, #tpu.memory_space<vmem>>) offsets(%arg8 : memref<392xi32, #tpu.memory_space<vmem>>) semaphore(%arg12 : memref<!tpu.dma_semaphore, #tpu.memory_space<semaphore_mem>>)
    %dma_wait3A_49 = arith.constant 0 : i32
    %dma_wait3A_50 = arith.constant 0 : i32
    %dma_wait3A_51 = tpu.memref_slice %arg2[%dma_wait3A_49, %dma_wait3A_50] : memref<100384x128xf32, #tpu.memory_space<hbm>> -> memref<100384x128xf32, #tpu.memory_space<hbm>>
    tpu.wait_indirect_dma semaphore(%arg11 : memref<!tpu.dma_semaphore, #tpu.memory_space<semaphore_mem>>) src(%dma_wait3A_51 : memref<100384x128xf32, #tpu.memory_space<hbm>>) dst(%arg9 : memref<392x128xf32, #tpu.memory_space<vmem>>)
    %add3A_52 = arith.constant 784 : i32
    %add3A_53 = arith.addi %mul3A_2, %add3A_52 : i32
    %dma_start3A_54 = arith.constant 0 : i32
    %dma_start3A_55 = tpu.memref_slice %arg5[%add3A_53, %dma_start3A_54] : memref<225792x128xf32, #tpu.memory_space<hbm>> -> memref<392x128xf32, #tpu.memory_space<hbm>>
    %dma_start3A_56 = arith.constant 0 : i32
    %dma_start3A_57 = tpu.memref_slice %arg5[%add3A_53, %dma_start3A_56] : memref<225792x128xf32, #tpu.memory_space<hbm>> -> memref<392x128xf32, #tpu.memory_space<hbm>>
    tpu.enqueue_dma source(%arg9 : memref<392x128xf32, #tpu.memory_space<vmem>>) target(%dma_start3A_57 : memref<392x128xf32, #tpu.memory_space<hbm>>) target_semaphore(%arg13 : memref<!tpu.dma_semaphore, #tpu.memory_space<semaphore_mem>>)
    %add3A_58 = arith.constant 1568 : i32
    %add3A_59 = arith.addi %mul3A_2, %add3A_58 : i32
    "tpu.region"() ({
      %run_scoped3A = tpu.sem_alloc : memref<!tpu.dma_semaphore, #tpu.memory_space<semaphore_mem>>
      %dma_start3A_363 = tpu.memref_slice %arg3[%add3A_59] : memref<225792xi32, #tpu.memory_space<hbm>> -> memref<392xi32, #tpu.memory_space<hbm>>
      %dma_start3A_364 = tpu.memref_slice %arg3[%add3A_59] : memref<225792xi32, #tpu.memory_space<hbm>> -> memref<392xi32, #tpu.memory_space<hbm>>
      tpu.enqueue_dma source(%dma_start3A_364 : memref<392xi32, #tpu.memory_space<hbm>>) target(%arg7 : memref<392xi32, #tpu.memory_space<vmem>>) target_semaphore(%run_scoped3A : memref<!tpu.dma_semaphore, #tpu.memory_space<semaphore_mem>>)
      %dma_wait3A_365 = tpu.memref_slice %arg3[%add3A_59] : memref<225792xi32, #tpu.memory_space<hbm>> -> memref<392xi32, #tpu.memory_space<hbm>>
      %dma_wait3A_366 = tpu.memref_slice %arg3[%add3A_59] : memref<225792xi32, #tpu.memory_space<hbm>> -> memref<392xi32, #tpu.memory_space<hbm>>
      tpu.wait_dma2 semaphore(%run_scoped3A : memref<!tpu.dma_semaphore, #tpu.memory_space<semaphore_mem>>) src(%dma_wait3A_366 : memref<392xi32, #tpu.memory_space<hbm>>) dst(%arg7 : memref<392xi32, #tpu.memory_space<vmem>>)
      tpu.yield
    }) : () -> ()
    %dma_wait3A_60 = arith.constant 0 : i32
    %dma_wait3A_61 = tpu.memref_slice %arg5[%add3A_53, %dma_wait3A_60] : memref<225792x128xf32, #tpu.memory_space<hbm>> -> memref<392x128xf32, #tpu.memory_space<hbm>>
    %dma_wait3A_62 = arith.constant 0 : i32
    %dma_wait3A_63 = tpu.memref_slice %arg5[%add3A_53, %dma_wait3A_62] : memref<225792x128xf32, #tpu.memory_space<hbm>> -> memref<392x128xf32, #tpu.memory_space<hbm>>
    tpu.wait_dma2 semaphore(%arg13 : memref<!tpu.dma_semaphore, #tpu.memory_space<semaphore_mem>>) src(%arg9 : memref<392x128xf32, #tpu.memory_space<vmem>>) dst(%dma_wait3A_63 : memref<392x128xf32, #tpu.memory_space<hbm>>)
    %dma_start3A_64 = arith.constant 0 : i32
    %dma_start3A_65 = arith.constant 0 : i32
    %dma_start3A_66 = tpu.memref_slice %arg2[%dma_start3A_64, %dma_start3A_65] : memref<100384x128xf32, #tpu.memory_space<hbm>> -> memref<100384x128xf32, #tpu.memory_space<hbm>>
    tpu.enqueue_indirect_dma source(%dma_start3A_66 : memref<100384x128xf32, #tpu.memory_space<hbm>>) target(%arg9 : memref<392x128xf32, #tpu.memory_space<vmem>>) offsets(%arg7 : memref<392xi32, #tpu.memory_space<vmem>>) semaphore(%arg11 : memref<!tpu.dma_semaphore, #tpu.memory_space<semaphore_mem>>)
    %dma_wait3A_67 = arith.constant 0 : i32
    %dma_wait3A_68 = arith.constant 0 : i32
    %dma_wait3A_69 = tpu.memref_slice %arg2[%dma_wait3A_67, %dma_wait3A_68] : memref<100384x128xf32, #tpu.memory_space<hbm>> -> memref<100384x128xf32, #tpu.memory_space<hbm>>
    tpu.wait_indirect_dma semaphore(%arg12 : memref<!tpu.dma_semaphore, #tpu.memory_space<semaphore_mem>>) src(%dma_wait3A_69 : memref<100384x128xf32, #tpu.memory_space<hbm>>) dst(%arg10 : memref<392x128xf32, #tpu.memory_space<vmem>>)
    %add3A_70 = arith.constant 1176 : i32
    %add3A_71 = arith.addi %mul3A_2, %add3A_70 : i32
    %dma_start3A_72 = arith.constant 0 : i32
    %dma_start3A_73 = tpu.memref_slice %arg5[%add3A_71, %dma_start3A_72] : memref<225792x128xf32, #tpu.memory_space<hbm>> -> memref<392x128xf32, #tpu.memory_space<hbm>>
    %dma_start3A_74 = arith.constant 0 : i32
    %dma_start3A_75 = tpu.memref_slice %arg5[%add3A_71, %dma_start3A_74] : memref<225792x128xf32, #tpu.memory_space<hbm>> -> memref<392x128xf32, #tpu.memory_space<hbm>>
    tpu.enqueue_dma source(%arg10 : memref<392x128xf32, #tpu.memory_space<vmem>>) target(%dma_start3A_75 : memref<392x128xf32, #tpu.memory_space<hbm>>) target_semaphore(%arg14 : memref<!tpu.dma_semaphore, #tpu.memory_space<semaphore_mem>>)
    %add3A_76 = arith.constant 1960 : i32
    %add3A_77 = arith.addi %mul3A_2, %add3A_76 : i32
    "tpu.region"() ({
      %run_scoped3A = tpu.sem_alloc : memref<!tpu.dma_semaphore, #tpu.memory_space<semaphore_mem>>
      %dma_start3A_363 = tpu.memref_slice %arg3[%add3A_77] : memref<225792xi32, #tpu.memory_space<hbm>> -> memref<392xi32, #tpu.memory_space<hbm>>
      %dma_start3A_364 = tpu.memref_slice %arg3[%add3A_77] : memref<225792xi32, #tpu.memory_space<hbm>> -> memref<392xi32, #tpu.memory_space<hbm>>
      tpu.enqueue_dma source(%dma_start3A_364 : memref<392xi32, #tpu.memory_space<hbm>>) target(%arg8 : memref<392xi32, #tpu.memory_space<vmem>>) target_semaphore(%run_scoped3A : memref<!tpu.dma_semaphore, #tpu.memory_space<semaphore_mem>>)
      %dma_wait3A_365 = tpu.memref_slice %arg3[%add3A_77] : memref<225792xi32, #tpu.memory_space<hbm>> -> memref<392xi32, #tpu.memory_space<hbm>>
      %dma_wait3A_366 = tpu.memref_slice %arg3[%add3A_77] : memref<225792xi32, #tpu.memory_space<hbm>> -> memref<392xi32, #tpu.memory_space<hbm>>
      tpu.wait_dma2 semaphore(%run_scoped3A : memref<!tpu.dma_semaphore, #tpu.memory_space<semaphore_mem>>) src(%dma_wait3A_366 : memref<392xi32, #tpu.memory_space<hbm>>) dst(%arg8 : memref<392xi32, #tpu.memory_space<vmem>>)
      tpu.yield
    }) : () -> ()
    %dma_wait3A_78 = arith.constant 0 : i32
    %dma_wait3A_79 = tpu.memref_slice %arg5[%add3A_71, %dma_wait3A_78] : memref<225792x128xf32, #tpu.memory_space<hbm>> -> memref<392x128xf32, #tpu.memory_space<hbm>>
    %dma_wait3A_80 = arith.constant 0 : i32
    %dma_wait3A_81 = tpu.memref_slice %arg5[%add3A_71, %dma_wait3A_80] : memref<225792x128xf32, #tpu.memory_space<hbm>> -> memref<392x128xf32, #tpu.memory_space<hbm>>
    tpu.wait_dma2 semaphore(%arg14 : memref<!tpu.dma_semaphore, #tpu.memory_space<semaphore_mem>>) src(%arg10 : memref<392x128xf32, #tpu.memory_space<vmem>>) dst(%dma_wait3A_81 : memref<392x128xf32, #tpu.memory_space<hbm>>)
    %dma_start3A_82 = arith.constant 0 : i32
    %dma_start3A_83 = arith.constant 0 : i32
    %dma_start3A_84 = tpu.memref_slice %arg2[%dma_start3A_82, %dma_start3A_83] : memref<100384x128xf32, #tpu.memory_space<hbm>> -> memref<100384x128xf32, #tpu.memory_space<hbm>>
    tpu.enqueue_indirect_dma source(%dma_start3A_84 : memref<100384x128xf32, #tpu.memory_space<hbm>>) target(%arg10 : memref<392x128xf32, #tpu.memory_space<vmem>>) offsets(%arg8 : memref<392xi32, #tpu.memory_space<vmem>>) semaphore(%arg12 : memref<!tpu.dma_semaphore, #tpu.memory_space<semaphore_mem>>)
    %dma_wait3A_85 = arith.constant 0 : i32
    %dma_wait3A_86 = arith.constant 0 : i32
    %dma_wait3A_87 = tpu.memref_slice %arg2[%dma_wait3A_85, %dma_wait3A_86] : memref<100384x128xf32, #tpu.memory_space<hbm>> -> memref<100384x128xf32, #tpu.memory_space<hbm>>
    tpu.wait_indirect_dma semaphore(%arg11 : memref<!tpu.dma_semaphore, #tpu.memory_space<semaphore_mem>>) src(%dma_wait3A_87 : memref<100384x128xf32, #tpu.memory_space<hbm>>) dst(%arg9 : memref<392x128xf32, #tpu.memory_space<vmem>>)
    %add3A_88 = arith.constant 1568 : i32
    %add3A_89 = arith.addi %mul3A_2, %add3A_88 : i32
    %dma_start3A_90 = arith.constant 0 : i32
    %dma_start3A_91 = tpu.memref_slice %arg5[%add3A_89, %dma_start3A_90] : memref<225792x128xf32, #tpu.memory_space<hbm>> -> memref<392x128xf32, #tpu.memory_space<hbm>>
    %dma_start3A_92 = arith.constant 0 : i32
    %dma_start3A_93 = tpu.memref_slice %arg5[%add3A_89, %dma_start3A_92] : memref<225792x128xf32, #tpu.memory_space<hbm>> -> memref<392x128xf32, #tpu.memory_space<hbm>>
    tpu.enqueue_dma source(%arg9 : memref<392x128xf32, #tpu.memory_space<vmem>>) target(%dma_start3A_93 : memref<392x128xf32, #tpu.memory_space<hbm>>) target_semaphore(%arg13 : memref<!tpu.dma_semaphore, #tpu.memory_space<semaphore_mem>>)
    %add3A_94 = arith.constant 2352 : i32
    %add3A_95 = arith.addi %mul3A_2, %add3A_94 : i32
    "tpu.region"() ({
      %run_scoped3A = tpu.sem_alloc : memref<!tpu.dma_semaphore, #tpu.memory_space<semaphore_mem>>
      %dma_start3A_363 = tpu.memref_slice %arg3[%add3A_95] : memref<225792xi32, #tpu.memory_space<hbm>> -> memref<392xi32, #tpu.memory_space<hbm>>
      %dma_start3A_364 = tpu.memref_slice %arg3[%add3A_95] : memref<225792xi32, #tpu.memory_space<hbm>> -> memref<392xi32, #tpu.memory_space<hbm>>
      tpu.enqueue_dma source(%dma_start3A_364 : memref<392xi32, #tpu.memory_space<hbm>>) target(%arg7 : memref<392xi32, #tpu.memory_space<vmem>>) target_semaphore(%run_scoped3A : memref<!tpu.dma_semaphore, #tpu.memory_space<semaphore_mem>>)
      %dma_wait3A_365 = tpu.memref_slice %arg3[%add3A_95] : memref<225792xi32, #tpu.memory_space<hbm>> -> memref<392xi32, #tpu.memory_space<hbm>>
      %dma_wait3A_366 = tpu.memref_slice %arg3[%add3A_95] : memref<225792xi32, #tpu.memory_space<hbm>> -> memref<392xi32, #tpu.memory_space<hbm>>
      tpu.wait_dma2 semaphore(%run_scoped3A : memref<!tpu.dma_semaphore, #tpu.memory_space<semaphore_mem>>) src(%dma_wait3A_366 : memref<392xi32, #tpu.memory_space<hbm>>) dst(%arg7 : memref<392xi32, #tpu.memory_space<vmem>>)
      tpu.yield
    }) : () -> ()
    %dma_wait3A_96 = arith.constant 0 : i32
    %dma_wait3A_97 = tpu.memref_slice %arg5[%add3A_89, %dma_wait3A_96] : memref<225792x128xf32, #tpu.memory_space<hbm>> -> memref<392x128xf32, #tpu.memory_space<hbm>>
    %dma_wait3A_98 = arith.constant 0 : i32
    %dma_wait3A_99 = tpu.memref_slice %arg5[%add3A_89, %dma_wait3A_98] : memref<225792x128xf32, #tpu.memory_space<hbm>> -> memref<392x128xf32, #tpu.memory_space<hbm>>
    tpu.wait_dma2 semaphore(%arg13 : memref<!tpu.dma_semaphore, #tpu.memory_space<semaphore_mem>>) src(%arg9 : memref<392x128xf32, #tpu.memory_space<vmem>>) dst(%dma_wait3A_99 : memref<392x128xf32, #tpu.memory_space<hbm>>)
    %dma_start3A_100 = arith.constant 0 : i32
    %dma_start3A_101 = arith.constant 0 : i32
    %dma_start3A_102 = tpu.memref_slice %arg2[%dma_start3A_100, %dma_start3A_101] : memref<100384x128xf32, #tpu.memory_space<hbm>> -> memref<100384x128xf32, #tpu.memory_space<hbm>>
    tpu.enqueue_indirect_dma source(%dma_start3A_102 : memref<100384x128xf32, #tpu.memory_space<hbm>>) target(%arg9 : memref<392x128xf32, #tpu.memory_space<vmem>>) offsets(%arg7 : memref<392xi32, #tpu.memory_space<vmem>>) semaphore(%arg11 : memref<!tpu.dma_semaphore, #tpu.memory_space<semaphore_mem>>)
    %dma_wait3A_103 = arith.constant 0 : i32
    %dma_wait3A_104 = arith.constant 0 : i32
    %dma_wait3A_105 = tpu.memref_slice %arg2[%dma_wait3A_103, %dma_wait3A_104] : memref<100384x128xf32, #tpu.memory_space<hbm>> -> memref<100384x128xf32, #tpu.memory_space<hbm>>
    tpu.wait_indirect_dma semaphore(%arg12 : memref<!tpu.dma_semaphore, #tpu.memory_space<semaphore_mem>>) src(%dma_wait3A_105 : memref<100384x128xf32, #tpu.memory_space<hbm>>) dst(%arg10 : memref<392x128xf32, #tpu.memory_space<vmem>>)
    %add3A_106 = arith.constant 1960 : i32
    %add3A_107 = arith.addi %mul3A_2, %add3A_106 : i32
    %dma_start3A_108 = arith.constant 0 : i32
    %dma_start3A_109 = tpu.memref_slice %arg5[%add3A_107, %dma_start3A_108] : memref<225792x128xf32, #tpu.memory_space<hbm>> -> memref<392x128xf32, #tpu.memory_space<hbm>>
    %dma_start3A_110 = arith.constant 0 : i32
    %dma_start3A_111 = tpu.memref_slice %arg5[%add3A_107, %dma_start3A_110] : memref<225792x128xf32, #tpu.memory_space<hbm>> -> memref<392x128xf32, #tpu.memory_space<hbm>>
    tpu.enqueue_dma source(%arg10 : memref<392x128xf32, #tpu.memory_space<vmem>>) target(%dma_start3A_111 : memref<392x128xf32, #tpu.memory_space<hbm>>) target_semaphore(%arg14 : memref<!tpu.dma_semaphore, #tpu.memory_space<semaphore_mem>>)
    %add3A_112 = arith.constant 2744 : i32
    %add3A_113 = arith.addi %mul3A_2, %add3A_112 : i32
    "tpu.region"() ({
      %run_scoped3A = tpu.sem_alloc : memref<!tpu.dma_semaphore, #tpu.memory_space<semaphore_mem>>
      %dma_start3A_363 = tpu.memref_slice %arg3[%add3A_113] : memref<225792xi32, #tpu.memory_space<hbm>> -> memref<392xi32, #tpu.memory_space<hbm>>
      %dma_start3A_364 = tpu.memref_slice %arg3[%add3A_113] : memref<225792xi32, #tpu.memory_space<hbm>> -> memref<392xi32, #tpu.memory_space<hbm>>
      tpu.enqueue_dma source(%dma_start3A_364 : memref<392xi32, #tpu.memory_space<hbm>>) target(%arg8 : memref<392xi32, #tpu.memory_space<vmem>>) target_semaphore(%run_scoped3A : memref<!tpu.dma_semaphore, #tpu.memory_space<semaphore_mem>>)
      %dma_wait3A_365 = tpu.memref_slice %arg3[%add3A_113] : memref<225792xi32, #tpu.memory_space<hbm>> -> memref<392xi32, #tpu.memory_space<hbm>>
      %dma_wait3A_366 = tpu.memref_slice %arg3[%add3A_113] : memref<225792xi32, #tpu.memory_space<hbm>> -> memref<392xi32, #tpu.memory_space<hbm>>
      tpu.wait_dma2 semaphore(%run_scoped3A : memref<!tpu.dma_semaphore, #tpu.memory_space<semaphore_mem>>) src(%dma_wait3A_366 : memref<392xi32, #tpu.memory_space<hbm>>) dst(%arg8 : memref<392xi32, #tpu.memory_space<vmem>>)
      tpu.yield
    }) : () -> ()
    %dma_wait3A_114 = arith.constant 0 : i32
    %dma_wait3A_115 = tpu.memref_slice %arg5[%add3A_107, %dma_wait3A_114] : memref<225792x128xf32, #tpu.memory_space<hbm>> -> memref<392x128xf32, #tpu.memory_space<hbm>>
    %dma_wait3A_116 = arith.constant 0 : i32
    %dma_wait3A_117 = tpu.memref_slice %arg5[%add3A_107, %dma_wait3A_116] : memref<225792x128xf32, #tpu.memory_space<hbm>> -> memref<392x128xf32, #tpu.memory_space<hbm>>
    tpu.wait_dma2 semaphore(%arg14 : memref<!tpu.dma_semaphore, #tpu.memory_space<semaphore_mem>>) src(%arg10 : memref<392x128xf32, #tpu.memory_space<vmem>>) dst(%dma_wait3A_117 : memref<392x128xf32, #tpu.memory_space<hbm>>)
    %dma_start3A_118 = arith.constant 0 : i32
    %dma_start3A_119 = arith.constant 0 : i32
    %dma_start3A_120 = tpu.memref_slice %arg2[%dma_start3A_118, %dma_start3A_119] : memref<100384x128xf32, #tpu.memory_space<hbm>> -> memref<100384x128xf32, #tpu.memory_space<hbm>>
    tpu.enqueue_indirect_dma source(%dma_start3A_120 : memref<100384x128xf32, #tpu.memory_space<hbm>>) target(%arg10 : memref<392x128xf32, #tpu.memory_space<vmem>>) offsets(%arg8 : memref<392xi32, #tpu.memory_space<vmem>>) semaphore(%arg12 : memref<!tpu.dma_semaphore, #tpu.memory_space<semaphore_mem>>)
    %dma_wait3A_121 = arith.constant 0 : i32
    %dma_wait3A_122 = arith.constant 0 : i32
    %dma_wait3A_123 = tpu.memref_slice %arg2[%dma_wait3A_121, %dma_wait3A_122] : memref<100384x128xf32, #tpu.memory_space<hbm>> -> memref<100384x128xf32, #tpu.memory_space<hbm>>
    tpu.wait_indirect_dma semaphore(%arg11 : memref<!tpu.dma_semaphore, #tpu.memory_space<semaphore_mem>>) src(%dma_wait3A_123 : memref<100384x128xf32, #tpu.memory_space<hbm>>) dst(%arg9 : memref<392x128xf32, #tpu.memory_space<vmem>>)
    %add3A_124 = arith.constant 2352 : i32
    %add3A_125 = arith.addi %mul3A_2, %add3A_124 : i32
    %dma_start3A_126 = arith.constant 0 : i32
    %dma_start3A_127 = tpu.memref_slice %arg5[%add3A_125, %dma_start3A_126] : memref<225792x128xf32, #tpu.memory_space<hbm>> -> memref<392x128xf32, #tpu.memory_space<hbm>>
    %dma_start3A_128 = arith.constant 0 : i32
    %dma_start3A_129 = tpu.memref_slice %arg5[%add3A_125, %dma_start3A_128] : memref<225792x128xf32, #tpu.memory_space<hbm>> -> memref<392x128xf32, #tpu.memory_space<hbm>>
    tpu.enqueue_dma source(%arg9 : memref<392x128xf32, #tpu.memory_space<vmem>>) target(%dma_start3A_129 : memref<392x128xf32, #tpu.memory_space<hbm>>) target_semaphore(%arg13 : memref<!tpu.dma_semaphore, #tpu.memory_space<semaphore_mem>>)
    %add3A_130 = arith.constant 3136 : i32
    %add3A_131 = arith.addi %mul3A_2, %add3A_130 : i32
    "tpu.region"() ({
      %run_scoped3A = tpu.sem_alloc : memref<!tpu.dma_semaphore, #tpu.memory_space<semaphore_mem>>
      %dma_start3A_363 = tpu.memref_slice %arg3[%add3A_131] : memref<225792xi32, #tpu.memory_space<hbm>> -> memref<392xi32, #tpu.memory_space<hbm>>
      %dma_start3A_364 = tpu.memref_slice %arg3[%add3A_131] : memref<225792xi32, #tpu.memory_space<hbm>> -> memref<392xi32, #tpu.memory_space<hbm>>
      tpu.enqueue_dma source(%dma_start3A_364 : memref<392xi32, #tpu.memory_space<hbm>>) target(%arg7 : memref<392xi32, #tpu.memory_space<vmem>>) target_semaphore(%run_scoped3A : memref<!tpu.dma_semaphore, #tpu.memory_space<semaphore_mem>>)
      %dma_wait3A_365 = tpu.memref_slice %arg3[%add3A_131] : memref<225792xi32, #tpu.memory_space<hbm>> -> memref<392xi32, #tpu.memory_space<hbm>>
      %dma_wait3A_366 = tpu.memref_slice %arg3[%add3A_131] : memref<225792xi32, #tpu.memory_space<hbm>> -> memref<392xi32, #tpu.memory_space<hbm>>
      tpu.wait_dma2 semaphore(%run_scoped3A : memref<!tpu.dma_semaphore, #tpu.memory_space<semaphore_mem>>) src(%dma_wait3A_366 : memref<392xi32, #tpu.memory_space<hbm>>) dst(%arg7 : memref<392xi32, #tpu.memory_space<vmem>>)
      tpu.yield
    }) : () -> ()
    %dma_wait3A_132 = arith.constant 0 : i32
    %dma_wait3A_133 = tpu.memref_slice %arg5[%add3A_125, %dma_wait3A_132] : memref<225792x128xf32, #tpu.memory_space<hbm>> -> memref<392x128xf32, #tpu.memory_space<hbm>>
    %dma_wait3A_134 = arith.constant 0 : i32
    %dma_wait3A_135 = tpu.memref_slice %arg5[%add3A_125, %dma_wait3A_134] : memref<225792x128xf32, #tpu.memory_space<hbm>> -> memref<392x128xf32, #tpu.memory_space<hbm>>
    tpu.wait_dma2 semaphore(%arg13 : memref<!tpu.dma_semaphore, #tpu.memory_space<semaphore_mem>>) src(%arg9 : memref<392x128xf32, #tpu.memory_space<vmem>>) dst(%dma_wait3A_135 : memref<392x128xf32, #tpu.memory_space<hbm>>)
    %dma_start3A_136 = arith.constant 0 : i32
    %dma_start3A_137 = arith.constant 0 : i32
    %dma_start3A_138 = tpu.memref_slice %arg2[%dma_start3A_136, %dma_start3A_137] : memref<100384x128xf32, #tpu.memory_space<hbm>> -> memref<100384x128xf32, #tpu.memory_space<hbm>>
    tpu.enqueue_indirect_dma source(%dma_start3A_138 : memref<100384x128xf32, #tpu.memory_space<hbm>>) target(%arg9 : memref<392x128xf32, #tpu.memory_space<vmem>>) offsets(%arg7 : memref<392xi32, #tpu.memory_space<vmem>>) semaphore(%arg11 : memref<!tpu.dma_semaphore, #tpu.memory_space<semaphore_mem>>)
    %dma_wait3A_139 = arith.constant 0 : i32
    %dma_wait3A_140 = arith.constant 0 : i32
    %dma_wait3A_141 = tpu.memref_slice %arg2[%dma_wait3A_139, %dma_wait3A_140] : memref<100384x128xf32, #tpu.memory_space<hbm>> -> memref<100384x128xf32, #tpu.memory_space<hbm>>
    tpu.wait_indirect_dma semaphore(%arg12 : memref<!tpu.dma_semaphore, #tpu.memory_space<semaphore_mem>>) src(%dma_wait3A_141 : memref<100384x128xf32, #tpu.memory_space<hbm>>) dst(%arg10 : memref<392x128xf32, #tpu.memory_space<vmem>>)
    %add3A_142 = arith.constant 2744 : i32
    %add3A_143 = arith.addi %mul3A_2, %add3A_142 : i32
    %dma_start3A_144 = arith.constant 0 : i32
    %dma_start3A_145 = tpu.memref_slice %arg5[%add3A_143, %dma_start3A_144] : memref<225792x128xf32, #tpu.memory_space<hbm>> -> memref<392x128xf32, #tpu.memory_space<hbm>>
    %dma_start3A_146 = arith.constant 0 : i32
    %dma_start3A_147 = tpu.memref_slice %arg5[%add3A_143, %dma_start3A_146] : memref<225792x128xf32, #tpu.memory_space<hbm>> -> memref<392x128xf32, #tpu.memory_space<hbm>>
    tpu.enqueue_dma source(%arg10 : memref<392x128xf32, #tpu.memory_space<vmem>>) target(%dma_start3A_147 : memref<392x128xf32, #tpu.memory_space<hbm>>) target_semaphore(%arg14 : memref<!tpu.dma_semaphore, #tpu.memory_space<semaphore_mem>>)
    %add3A_148 = arith.constant 3528 : i32
    %add3A_149 = arith.addi %mul3A_2, %add3A_148 : i32
    "tpu.region"() ({
      %run_scoped3A = tpu.sem_alloc : memref<!tpu.dma_semaphore, #tpu.memory_space<semaphore_mem>>
      %dma_start3A_363 = tpu.memref_slice %arg3[%add3A_149] : memref<225792xi32, #tpu.memory_space<hbm>> -> memref<392xi32, #tpu.memory_space<hbm>>
      %dma_start3A_364 = tpu.memref_slice %arg3[%add3A_149] : memref<225792xi32, #tpu.memory_space<hbm>> -> memref<392xi32, #tpu.memory_space<hbm>>
      tpu.enqueue_dma source(%dma_start3A_364 : memref<392xi32, #tpu.memory_space<hbm>>) target(%arg8 : memref<392xi32, #tpu.memory_space<vmem>>) target_semaphore(%run_scoped3A : memref<!tpu.dma_semaphore, #tpu.memory_space<semaphore_mem>>)
      %dma_wait3A_365 = tpu.memref_slice %arg3[%add3A_149] : memref<225792xi32, #tpu.memory_space<hbm>> -> memref<392xi32, #tpu.memory_space<hbm>>
      %dma_wait3A_366 = tpu.memref_slice %arg3[%add3A_149] : memref<225792xi32, #tpu.memory_space<hbm>> -> memref<392xi32, #tpu.memory_space<hbm>>
      tpu.wait_dma2 semaphore(%run_scoped3A : memref<!tpu.dma_semaphore, #tpu.memory_space<semaphore_mem>>) src(%dma_wait3A_366 : memref<392xi32, #tpu.memory_space<hbm>>) dst(%arg8 : memref<392xi32, #tpu.memory_space<vmem>>)
      tpu.yield
    }) : () -> ()
    %dma_wait3A_150 = arith.constant 0 : i32
    %dma_wait3A_151 = tpu.memref_slice %arg5[%add3A_143, %dma_wait3A_150] : memref<225792x128xf32, #tpu.memory_space<hbm>> -> memref<392x128xf32, #tpu.memory_space<hbm>>
    %dma_wait3A_152 = arith.constant 0 : i32
    %dma_wait3A_153 = tpu.memref_slice %arg5[%add3A_143, %dma_wait3A_152] : memref<225792x128xf32, #tpu.memory_space<hbm>> -> memref<392x128xf32, #tpu.memory_space<hbm>>
    tpu.wait_dma2 semaphore(%arg14 : memref<!tpu.dma_semaphore, #tpu.memory_space<semaphore_mem>>) src(%arg10 : memref<392x128xf32, #tpu.memory_space<vmem>>) dst(%dma_wait3A_153 : memref<392x128xf32, #tpu.memory_space<hbm>>)
    %dma_start3A_154 = arith.constant 0 : i32
    %dma_start3A_155 = arith.constant 0 : i32
    %dma_start3A_156 = tpu.memref_slice %arg2[%dma_start3A_154, %dma_start3A_155] : memref<100384x128xf32, #tpu.memory_space<hbm>> -> memref<100384x128xf32, #tpu.memory_space<hbm>>
    tpu.enqueue_indirect_dma source(%dma_start3A_156 : memref<100384x128xf32, #tpu.memory_space<hbm>>) target(%arg10 : memref<392x128xf32, #tpu.memory_space<vmem>>) offsets(%arg8 : memref<392xi32, #tpu.memory_space<vmem>>) semaphore(%arg12 : memref<!tpu.dma_semaphore, #tpu.memory_space<semaphore_mem>>)
    %dma_wait3A_157 = arith.constant 0 : i32
    %dma_wait3A_158 = arith.constant 0 : i32
    %dma_wait3A_159 = tpu.memref_slice %arg2[%dma_wait3A_157, %dma_wait3A_158] : memref<100384x128xf32, #tpu.memory_space<hbm>> -> memref<100384x128xf32, #tpu.memory_space<hbm>>
    tpu.wait_indirect_dma semaphore(%arg11 : memref<!tpu.dma_semaphore, #tpu.memory_space<semaphore_mem>>) src(%dma_wait3A_159 : memref<100384x128xf32, #tpu.memory_space<hbm>>) dst(%arg9 : memref<392x128xf32, #tpu.memory_space<vmem>>)
    %add3A_160 = arith.constant 3136 : i32
    %add3A_161 = arith.addi %mul3A_2, %add3A_160 : i32
    %dma_start3A_162 = arith.constant 0 : i32
    %dma_start3A_163 = tpu.memref_slice %arg5[%add3A_161, %dma_start3A_162] : memref<225792x128xf32, #tpu.memory_space<hbm>> -> memref<392x128xf32, #tpu.memory_space<hbm>>
    %dma_start3A_164 = arith.constant 0 : i32
    %dma_start3A_165 = tpu.memref_slice %arg5[%add3A_161, %dma_start3A_164] : memref<225792x128xf32, #tpu.memory_space<hbm>> -> memref<392x128xf32, #tpu.memory_space<hbm>>
    tpu.enqueue_dma source(%arg9 : memref<392x128xf32, #tpu.memory_space<vmem>>) target(%dma_start3A_165 : memref<392x128xf32, #tpu.memory_space<hbm>>) target_semaphore(%arg13 : memref<!tpu.dma_semaphore, #tpu.memory_space<semaphore_mem>>)
    %add3A_166 = arith.constant 3920 : i32
    %add3A_167 = arith.addi %mul3A_2, %add3A_166 : i32
    "tpu.region"() ({
      %run_scoped3A = tpu.sem_alloc : memref<!tpu.dma_semaphore, #tpu.memory_space<semaphore_mem>>
      %dma_start3A_363 = tpu.memref_slice %arg3[%add3A_167] : memref<225792xi32, #tpu.memory_space<hbm>> -> memref<392xi32, #tpu.memory_space<hbm>>
      %dma_start3A_364 = tpu.memref_slice %arg3[%add3A_167] : memref<225792xi32, #tpu.memory_space<hbm>> -> memref<392xi32, #tpu.memory_space<hbm>>
      tpu.enqueue_dma source(%dma_start3A_364 : memref<392xi32, #tpu.memory_space<hbm>>) target(%arg7 : memref<392xi32, #tpu.memory_space<vmem>>) target_semaphore(%run_scoped3A : memref<!tpu.dma_semaphore, #tpu.memory_space<semaphore_mem>>)
      %dma_wait3A_365 = tpu.memref_slice %arg3[%add3A_167] : memref<225792xi32, #tpu.memory_space<hbm>> -> memref<392xi32, #tpu.memory_space<hbm>>
      %dma_wait3A_366 = tpu.memref_slice %arg3[%add3A_167] : memref<225792xi32, #tpu.memory_space<hbm>> -> memref<392xi32, #tpu.memory_space<hbm>>
      tpu.wait_dma2 semaphore(%run_scoped3A : memref<!tpu.dma_semaphore, #tpu.memory_space<semaphore_mem>>) src(%dma_wait3A_366 : memref<392xi32, #tpu.memory_space<hbm>>) dst(%arg7 : memref<392xi32, #tpu.memory_space<vmem>>)
      tpu.yield
    }) : () -> ()
    %dma_wait3A_168 = arith.constant 0 : i32
    %dma_wait3A_169 = tpu.memref_slice %arg5[%add3A_161, %dma_wait3A_168] : memref<225792x128xf32, #tpu.memory_space<hbm>> -> memref<392x128xf32, #tpu.memory_space<hbm>>
    %dma_wait3A_170 = arith.constant 0 : i32
    %dma_wait3A_171 = tpu.memref_slice %arg5[%add3A_161, %dma_wait3A_170] : memref<225792x128xf32, #tpu.memory_space<hbm>> -> memref<392x128xf32, #tpu.memory_space<hbm>>
    tpu.wait_dma2 semaphore(%arg13 : memref<!tpu.dma_semaphore, #tpu.memory_space<semaphore_mem>>) src(%arg9 : memref<392x128xf32, #tpu.memory_space<vmem>>) dst(%dma_wait3A_171 : memref<392x128xf32, #tpu.memory_space<hbm>>)
    %dma_start3A_172 = arith.constant 0 : i32
    %dma_start3A_173 = arith.constant 0 : i32
    %dma_start3A_174 = tpu.memref_slice %arg2[%dma_start3A_172, %dma_start3A_173] : memref<100384x128xf32, #tpu.memory_space<hbm>> -> memref<100384x128xf32, #tpu.memory_space<hbm>>
    tpu.enqueue_indirect_dma source(%dma_start3A_174 : memref<100384x128xf32, #tpu.memory_space<hbm>>) target(%arg9 : memref<392x128xf32, #tpu.memory_space<vmem>>) offsets(%arg7 : memref<392xi32, #tpu.memory_space<vmem>>) semaphore(%arg11 : memref<!tpu.dma_semaphore, #tpu.memory_space<semaphore_mem>>)
    %dma_wait3A_175 = arith.constant 0 : i32
    %dma_wait3A_176 = arith.constant 0 : i32
    %dma_wait3A_177 = tpu.memref_slice %arg2[%dma_wait3A_175, %dma_wait3A_176] : memref<100384x128xf32, #tpu.memory_space<hbm>> -> memref<100384x128xf32, #tpu.memory_space<hbm>>
    tpu.wait_indirect_dma semaphore(%arg12 : memref<!tpu.dma_semaphore, #tpu.memory_space<semaphore_mem>>) src(%dma_wait3A_177 : memref<100384x128xf32, #tpu.memory_space<hbm>>) dst(%arg10 : memref<392x128xf32, #tpu.memory_space<vmem>>)
    %add3A_178 = arith.constant 3528 : i32
    %add3A_179 = arith.addi %mul3A_2, %add3A_178 : i32
    %dma_start3A_180 = arith.constant 0 : i32
    %dma_start3A_181 = tpu.memref_slice %arg5[%add3A_179, %dma_start3A_180] : memref<225792x128xf32, #tpu.memory_space<hbm>> -> memref<392x128xf32, #tpu.memory_space<hbm>>
    %dma_start3A_182 = arith.constant 0 : i32
    %dma_start3A_183 = tpu.memref_slice %arg5[%add3A_179, %dma_start3A_182] : memref<225792x128xf32, #tpu.memory_space<hbm>> -> memref<392x128xf32, #tpu.memory_space<hbm>>
    tpu.enqueue_dma source(%arg10 : memref<392x128xf32, #tpu.memory_space<vmem>>) target(%dma_start3A_183 : memref<392x128xf32, #tpu.memory_space<hbm>>) target_semaphore(%arg14 : memref<!tpu.dma_semaphore, #tpu.memory_space<semaphore_mem>>)
    %add3A_184 = arith.constant 4312 : i32
    %add3A_185 = arith.addi %mul3A_2, %add3A_184 : i32
    "tpu.region"() ({
      %run_scoped3A = tpu.sem_alloc : memref<!tpu.dma_semaphore, #tpu.memory_space<semaphore_mem>>
      %dma_start3A_363 = tpu.memref_slice %arg3[%add3A_185] : memref<225792xi32, #tpu.memory_space<hbm>> -> memref<392xi32, #tpu.memory_space<hbm>>
      %dma_start3A_364 = tpu.memref_slice %arg3[%add3A_185] : memref<225792xi32, #tpu.memory_space<hbm>> -> memref<392xi32, #tpu.memory_space<hbm>>
      tpu.enqueue_dma source(%dma_start3A_364 : memref<392xi32, #tpu.memory_space<hbm>>) target(%arg8 : memref<392xi32, #tpu.memory_space<vmem>>) target_semaphore(%run_scoped3A : memref<!tpu.dma_semaphore, #tpu.memory_space<semaphore_mem>>)
      %dma_wait3A_365 = tpu.memref_slice %arg3[%add3A_185] : memref<225792xi32, #tpu.memory_space<hbm>> -> memref<392xi32, #tpu.memory_space<hbm>>
      %dma_wait3A_366 = tpu.memref_slice %arg3[%add3A_185] : memref<225792xi32, #tpu.memory_space<hbm>> -> memref<392xi32, #tpu.memory_space<hbm>>
      tpu.wait_dma2 semaphore(%run_scoped3A : memref<!tpu.dma_semaphore, #tpu.memory_space<semaphore_mem>>) src(%dma_wait3A_366 : memref<392xi32, #tpu.memory_space<hbm>>) dst(%arg8 : memref<392xi32, #tpu.memory_space<vmem>>)
      tpu.yield
    }) : () -> ()
    %dma_wait3A_186 = arith.constant 0 : i32
    %dma_wait3A_187 = tpu.memref_slice %arg5[%add3A_179, %dma_wait3A_186] : memref<225792x128xf32, #tpu.memory_space<hbm>> -> memref<392x128xf32, #tpu.memory_space<hbm>>
    %dma_wait3A_188 = arith.constant 0 : i32
    %dma_wait3A_189 = tpu.memref_slice %arg5[%add3A_179, %dma_wait3A_188] : memref<225792x128xf32, #tpu.memory_space<hbm>> -> memref<392x128xf32, #tpu.memory_space<hbm>>
    tpu.wait_dma2 semaphore(%arg14 : memref<!tpu.dma_semaphore, #tpu.memory_space<semaphore_mem>>) src(%arg10 : memref<392x128xf32, #tpu.memory_space<vmem>>) dst(%dma_wait3A_189 : memref<392x128xf32, #tpu.memory_space<hbm>>)
    %dma_start3A_190 = arith.constant 0 : i32
    %dma_start3A_191 = arith.constant 0 : i32
    %dma_start3A_192 = tpu.memref_slice %arg2[%dma_start3A_190, %dma_start3A_191] : memref<100384x128xf32, #tpu.memory_space<hbm>> -> memref<100384x128xf32, #tpu.memory_space<hbm>>
    tpu.enqueue_indirect_dma source(%dma_start3A_192 : memref<100384x128xf32, #tpu.memory_space<hbm>>) target(%arg10 : memref<392x128xf32, #tpu.memory_space<vmem>>) offsets(%arg8 : memref<392xi32, #tpu.memory_space<vmem>>) semaphore(%arg12 : memref<!tpu.dma_semaphore, #tpu.memory_space<semaphore_mem>>)
    %dma_wait3A_193 = arith.constant 0 : i32
    %dma_wait3A_194 = arith.constant 0 : i32
    %dma_wait3A_195 = tpu.memref_slice %arg2[%dma_wait3A_193, %dma_wait3A_194] : memref<100384x128xf32, #tpu.memory_space<hbm>> -> memref<100384x128xf32, #tpu.memory_space<hbm>>
    tpu.wait_indirect_dma semaphore(%arg11 : memref<!tpu.dma_semaphore, #tpu.memory_space<semaphore_mem>>) src(%dma_wait3A_195 : memref<100384x128xf32, #tpu.memory_space<hbm>>) dst(%arg9 : memref<392x128xf32, #tpu.memory_space<vmem>>)
    %add3A_196 = arith.constant 3920 : i32
    %add3A_197 = arith.addi %mul3A_2, %add3A_196 : i32
    %dma_start3A_198 = arith.constant 0 : i32
    %dma_start3A_199 = tpu.memref_slice %arg5[%add3A_197, %dma_start3A_198] : memref<225792x128xf32, #tpu.memory_space<hbm>> -> memref<392x128xf32, #tpu.memory_space<hbm>>
    %dma_start3A_200 = arith.constant 0 : i32
    %dma_start3A_201 = tpu.memref_slice %arg5[%add3A_197, %dma_start3A_200] : memref<225792x128xf32, #tpu.memory_space<hbm>> -> memref<392x128xf32, #tpu.memory_space<hbm>>
    tpu.enqueue_dma source(%arg9 : memref<392x128xf32, #tpu.memory_space<vmem>>) target(%dma_start3A_201 : memref<392x128xf32, #tpu.memory_space<hbm>>) target_semaphore(%arg13 : memref<!tpu.dma_semaphore, #tpu.memory_space<semaphore_mem>>)
    %add3A_202 = arith.constant 4704 : i32
    %add3A_203 = arith.addi %mul3A_2, %add3A_202 : i32
    "tpu.region"() ({
      %run_scoped3A = tpu.sem_alloc : memref<!tpu.dma_semaphore, #tpu.memory_space<semaphore_mem>>
      %dma_start3A_363 = tpu.memref_slice %arg3[%add3A_203] : memref<225792xi32, #tpu.memory_space<hbm>> -> memref<392xi32, #tpu.memory_space<hbm>>
      %dma_start3A_364 = tpu.memref_slice %arg3[%add3A_203] : memref<225792xi32, #tpu.memory_space<hbm>> -> memref<392xi32, #tpu.memory_space<hbm>>
      tpu.enqueue_dma source(%dma_start3A_364 : memref<392xi32, #tpu.memory_space<hbm>>) target(%arg7 : memref<392xi32, #tpu.memory_space<vmem>>) target_semaphore(%run_scoped3A : memref<!tpu.dma_semaphore, #tpu.memory_space<semaphore_mem>>)
      %dma_wait3A_365 = tpu.memref_slice %arg3[%add3A_203] : memref<225792xi32, #tpu.memory_space<hbm>> -> memref<392xi32, #tpu.memory_space<hbm>>
      %dma_wait3A_366 = tpu.memref_slice %arg3[%add3A_203] : memref<225792xi32, #tpu.memory_space<hbm>> -> memref<392xi32, #tpu.memory_space<hbm>>
      tpu.wait_dma2 semaphore(%run_scoped3A : memref<!tpu.dma_semaphore, #tpu.memory_space<semaphore_mem>>) src(%dma_wait3A_366 : memref<392xi32, #tpu.memory_space<hbm>>) dst(%arg7 : memref<392xi32, #tpu.memory_space<vmem>>)
      tpu.yield
    }) : () -> ()
    %dma_wait3A_204 = arith.constant 0 : i32
    %dma_wait3A_205 = tpu.memref_slice %arg5[%add3A_197, %dma_wait3A_204] : memref<225792x128xf32, #tpu.memory_space<hbm>> -> memref<392x128xf32, #tpu.memory_space<hbm>>
    %dma_wait3A_206 = arith.constant 0 : i32
    %dma_wait3A_207 = tpu.memref_slice %arg5[%add3A_197, %dma_wait3A_206] : memref<225792x128xf32, #tpu.memory_space<hbm>> -> memref<392x128xf32, #tpu.memory_space<hbm>>
    tpu.wait_dma2 semaphore(%arg13 : memref<!tpu.dma_semaphore, #tpu.memory_space<semaphore_mem>>) src(%arg9 : memref<392x128xf32, #tpu.memory_space<vmem>>) dst(%dma_wait3A_207 : memref<392x128xf32, #tpu.memory_space<hbm>>)
    %dma_start3A_208 = arith.constant 0 : i32
    %dma_start3A_209 = arith.constant 0 : i32
    %dma_start3A_210 = tpu.memref_slice %arg2[%dma_start3A_208, %dma_start3A_209] : memref<100384x128xf32, #tpu.memory_space<hbm>> -> memref<100384x128xf32, #tpu.memory_space<hbm>>
    tpu.enqueue_indirect_dma source(%dma_start3A_210 : memref<100384x128xf32, #tpu.memory_space<hbm>>) target(%arg9 : memref<392x128xf32, #tpu.memory_space<vmem>>) offsets(%arg7 : memref<392xi32, #tpu.memory_space<vmem>>) semaphore(%arg11 : memref<!tpu.dma_semaphore, #tpu.memory_space<semaphore_mem>>)
    %dma_wait3A_211 = arith.constant 0 : i32
    %dma_wait3A_212 = arith.constant 0 : i32
    %dma_wait3A_213 = tpu.memref_slice %arg2[%dma_wait3A_211, %dma_wait3A_212] : memref<100384x128xf32, #tpu.memory_space<hbm>> -> memref<100384x128xf32, #tpu.memory_space<hbm>>
    tpu.wait_indirect_dma semaphore(%arg12 : memref<!tpu.dma_semaphore, #tpu.memory_space<semaphore_mem>>) src(%dma_wait3A_213 : memref<100384x128xf32, #tpu.memory_space<hbm>>) dst(%arg10 : memref<392x128xf32, #tpu.memory_space<vmem>>)
    %add3A_214 = arith.constant 4312 : i32
    %add3A_215 = arith.addi %mul3A_2, %add3A_214 : i32
    %dma_start3A_216 = arith.constant 0 : i32
    %dma_start3A_217 = tpu.memref_slice %arg5[%add3A_215, %dma_start3A_216] : memref<225792x128xf32, #tpu.memory_space<hbm>> -> memref<392x128xf32, #tpu.memory_space<hbm>>
    %dma_start3A_218 = arith.constant 0 : i32
    %dma_start3A_219 = tpu.memref_slice %arg5[%add3A_215, %dma_start3A_218] : memref<225792x128xf32, #tpu.memory_space<hbm>> -> memref<392x128xf32, #tpu.memory_space<hbm>>
    tpu.enqueue_dma source(%arg10 : memref<392x128xf32, #tpu.memory_space<vmem>>) target(%dma_start3A_219 : memref<392x128xf32, #tpu.memory_space<hbm>>) target_semaphore(%arg14 : memref<!tpu.dma_semaphore, #tpu.memory_space<semaphore_mem>>)
    %add3A_220 = arith.constant 5096 : i32
    %add3A_221 = arith.addi %mul3A_2, %add3A_220 : i32
    "tpu.region"() ({
      %run_scoped3A = tpu.sem_alloc : memref<!tpu.dma_semaphore, #tpu.memory_space<semaphore_mem>>
      %dma_start3A_363 = tpu.memref_slice %arg3[%add3A_221] : memref<225792xi32, #tpu.memory_space<hbm>> -> memref<392xi32, #tpu.memory_space<hbm>>
      %dma_start3A_364 = tpu.memref_slice %arg3[%add3A_221] : memref<225792xi32, #tpu.memory_space<hbm>> -> memref<392xi32, #tpu.memory_space<hbm>>
      tpu.enqueue_dma source(%dma_start3A_364 : memref<392xi32, #tpu.memory_space<hbm>>) target(%arg8 : memref<392xi32, #tpu.memory_space<vmem>>) target_semaphore(%run_scoped3A : memref<!tpu.dma_semaphore, #tpu.memory_space<semaphore_mem>>)
      %dma_wait3A_365 = tpu.memref_slice %arg3[%add3A_221] : memref<225792xi32, #tpu.memory_space<hbm>> -> memref<392xi32, #tpu.memory_space<hbm>>
      %dma_wait3A_366 = tpu.memref_slice %arg3[%add3A_221] : memref<225792xi32, #tpu.memory_space<hbm>> -> memref<392xi32, #tpu.memory_space<hbm>>
      tpu.wait_dma2 semaphore(%run_scoped3A : memref<!tpu.dma_semaphore, #tpu.memory_space<semaphore_mem>>) src(%dma_wait3A_366 : memref<392xi32, #tpu.memory_space<hbm>>) dst(%arg8 : memref<392xi32, #tpu.memory_space<vmem>>)
      tpu.yield
    }) : () -> ()
    %dma_wait3A_222 = arith.constant 0 : i32
    %dma_wait3A_223 = tpu.memref_slice %arg5[%add3A_215, %dma_wait3A_222] : memref<225792x128xf32, #tpu.memory_space<hbm>> -> memref<392x128xf32, #tpu.memory_space<hbm>>
    %dma_wait3A_224 = arith.constant 0 : i32
    %dma_wait3A_225 = tpu.memref_slice %arg5[%add3A_215, %dma_wait3A_224] : memref<225792x128xf32, #tpu.memory_space<hbm>> -> memref<392x128xf32, #tpu.memory_space<hbm>>
    tpu.wait_dma2 semaphore(%arg14 : memref<!tpu.dma_semaphore, #tpu.memory_space<semaphore_mem>>) src(%arg10 : memref<392x128xf32, #tpu.memory_space<vmem>>) dst(%dma_wait3A_225 : memref<392x128xf32, #tpu.memory_space<hbm>>)
    %dma_start3A_226 = arith.constant 0 : i32
    %dma_start3A_227 = arith.constant 0 : i32
    %dma_start3A_228 = tpu.memref_slice %arg2[%dma_start3A_226, %dma_start3A_227] : memref<100384x128xf32, #tpu.memory_space<hbm>> -> memref<100384x128xf32, #tpu.memory_space<hbm>>
    tpu.enqueue_indirect_dma source(%dma_start3A_228 : memref<100384x128xf32, #tpu.memory_space<hbm>>) target(%arg10 : memref<392x128xf32, #tpu.memory_space<vmem>>) offsets(%arg8 : memref<392xi32, #tpu.memory_space<vmem>>) semaphore(%arg12 : memref<!tpu.dma_semaphore, #tpu.memory_space<semaphore_mem>>)
    %dma_wait3A_229 = arith.constant 0 : i32
    %dma_wait3A_230 = arith.constant 0 : i32
    %dma_wait3A_231 = tpu.memref_slice %arg2[%dma_wait3A_229, %dma_wait3A_230] : memref<100384x128xf32, #tpu.memory_space<hbm>> -> memref<100384x128xf32, #tpu.memory_space<hbm>>
    tpu.wait_indirect_dma semaphore(%arg11 : memref<!tpu.dma_semaphore, #tpu.memory_space<semaphore_mem>>) src(%dma_wait3A_231 : memref<100384x128xf32, #tpu.memory_space<hbm>>) dst(%arg9 : memref<392x128xf32, #tpu.memory_space<vmem>>)
    %add3A_232 = arith.constant 4704 : i32
    %add3A_233 = arith.addi %mul3A_2, %add3A_232 : i32
    %dma_start3A_234 = arith.constant 0 : i32
    %dma_start3A_235 = tpu.memref_slice %arg5[%add3A_233, %dma_start3A_234] : memref<225792x128xf32, #tpu.memory_space<hbm>> -> memref<392x128xf32, #tpu.memory_space<hbm>>
    %dma_start3A_236 = arith.constant 0 : i32
    %dma_start3A_237 = tpu.memref_slice %arg5[%add3A_233, %dma_start3A_236] : memref<225792x128xf32, #tpu.memory_space<hbm>> -> memref<392x128xf32, #tpu.memory_space<hbm>>
    tpu.enqueue_dma source(%arg9 : memref<392x128xf32, #tpu.memory_space<vmem>>) target(%dma_start3A_237 : memref<392x128xf32, #tpu.memory_space<hbm>>) target_semaphore(%arg13 : memref<!tpu.dma_semaphore, #tpu.memory_space<semaphore_mem>>)
    %add3A_238 = arith.constant 5488 : i32
    %add3A_239 = arith.addi %mul3A_2, %add3A_238 : i32
    "tpu.region"() ({
      %run_scoped3A = tpu.sem_alloc : memref<!tpu.dma_semaphore, #tpu.memory_space<semaphore_mem>>
      %dma_start3A_363 = tpu.memref_slice %arg3[%add3A_239] : memref<225792xi32, #tpu.memory_space<hbm>> -> memref<392xi32, #tpu.memory_space<hbm>>
      %dma_start3A_364 = tpu.memref_slice %arg3[%add3A_239] : memref<225792xi32, #tpu.memory_space<hbm>> -> memref<392xi32, #tpu.memory_space<hbm>>
      tpu.enqueue_dma source(%dma_start3A_364 : memref<392xi32, #tpu.memory_space<hbm>>) target(%arg7 : memref<392xi32, #tpu.memory_space<vmem>>) target_semaphore(%run_scoped3A : memref<!tpu.dma_semaphore, #tpu.memory_space<semaphore_mem>>)
      %dma_wait3A_365 = tpu.memref_slice %arg3[%add3A_239] : memref<225792xi32, #tpu.memory_space<hbm>> -> memref<392xi32, #tpu.memory_space<hbm>>
      %dma_wait3A_366 = tpu.memref_slice %arg3[%add3A_239] : memref<225792xi32, #tpu.memory_space<hbm>> -> memref<392xi32, #tpu.memory_space<hbm>>
      tpu.wait_dma2 semaphore(%run_scoped3A : memref<!tpu.dma_semaphore, #tpu.memory_space<semaphore_mem>>) src(%dma_wait3A_366 : memref<392xi32, #tpu.memory_space<hbm>>) dst(%arg7 : memref<392xi32, #tpu.memory_space<vmem>>)
      tpu.yield
    }) : () -> ()
    %dma_wait3A_240 = arith.constant 0 : i32
    %dma_wait3A_241 = tpu.memref_slice %arg5[%add3A_233, %dma_wait3A_240] : memref<225792x128xf32, #tpu.memory_space<hbm>> -> memref<392x128xf32, #tpu.memory_space<hbm>>
    %dma_wait3A_242 = arith.constant 0 : i32
    %dma_wait3A_243 = tpu.memref_slice %arg5[%add3A_233, %dma_wait3A_242] : memref<225792x128xf32, #tpu.memory_space<hbm>> -> memref<392x128xf32, #tpu.memory_space<hbm>>
    tpu.wait_dma2 semaphore(%arg13 : memref<!tpu.dma_semaphore, #tpu.memory_space<semaphore_mem>>) src(%arg9 : memref<392x128xf32, #tpu.memory_space<vmem>>) dst(%dma_wait3A_243 : memref<392x128xf32, #tpu.memory_space<hbm>>)
    %dma_start3A_244 = arith.constant 0 : i32
    %dma_start3A_245 = arith.constant 0 : i32
    %dma_start3A_246 = tpu.memref_slice %arg2[%dma_start3A_244, %dma_start3A_245] : memref<100384x128xf32, #tpu.memory_space<hbm>> -> memref<100384x128xf32, #tpu.memory_space<hbm>>
    tpu.enqueue_indirect_dma source(%dma_start3A_246 : memref<100384x128xf32, #tpu.memory_space<hbm>>) target(%arg9 : memref<392x128xf32, #tpu.memory_space<vmem>>) offsets(%arg7 : memref<392xi32, #tpu.memory_space<vmem>>) semaphore(%arg11 : memref<!tpu.dma_semaphore, #tpu.memory_space<semaphore_mem>>)
    %dma_wait3A_247 = arith.constant 0 : i32
    %dma_wait3A_248 = arith.constant 0 : i32
    %dma_wait3A_249 = tpu.memref_slice %arg2[%dma_wait3A_247, %dma_wait3A_248] : memref<100384x128xf32, #tpu.memory_space<hbm>> -> memref<100384x128xf32, #tpu.memory_space<hbm>>
    tpu.wait_indirect_dma semaphore(%arg12 : memref<!tpu.dma_semaphore, #tpu.memory_space<semaphore_mem>>) src(%dma_wait3A_249 : memref<100384x128xf32, #tpu.memory_space<hbm>>) dst(%arg10 : memref<392x128xf32, #tpu.memory_space<vmem>>)
    %add3A_250 = arith.constant 5096 : i32
    %add3A_251 = arith.addi %mul3A_2, %add3A_250 : i32
    %dma_start3A_252 = arith.constant 0 : i32
    %dma_start3A_253 = tpu.memref_slice %arg5[%add3A_251, %dma_start3A_252] : memref<225792x128xf32, #tpu.memory_space<hbm>> -> memref<392x128xf32, #tpu.memory_space<hbm>>
    %dma_start3A_254 = arith.constant 0 : i32
    %dma_start3A_255 = tpu.memref_slice %arg5[%add3A_251, %dma_start3A_254] : memref<225792x128xf32, #tpu.memory_space<hbm>> -> memref<392x128xf32, #tpu.memory_space<hbm>>
    tpu.enqueue_dma source(%arg10 : memref<392x128xf32, #tpu.memory_space<vmem>>) target(%dma_start3A_255 : memref<392x128xf32, #tpu.memory_space<hbm>>) target_semaphore(%arg14 : memref<!tpu.dma_semaphore, #tpu.memory_space<semaphore_mem>>)
    %add3A_256 = arith.constant 5880 : i32
    %add3A_257 = arith.addi %mul3A_2, %add3A_256 : i32
    "tpu.region"() ({
      %run_scoped3A = tpu.sem_alloc : memref<!tpu.dma_semaphore, #tpu.memory_space<semaphore_mem>>
      %dma_start3A_363 = tpu.memref_slice %arg3[%add3A_257] : memref<225792xi32, #tpu.memory_space<hbm>> -> memref<392xi32, #tpu.memory_space<hbm>>
      %dma_start3A_364 = tpu.memref_slice %arg3[%add3A_257] : memref<225792xi32, #tpu.memory_space<hbm>> -> memref<392xi32, #tpu.memory_space<hbm>>
      tpu.enqueue_dma source(%dma_start3A_364 : memref<392xi32, #tpu.memory_space<hbm>>) target(%arg8 : memref<392xi32, #tpu.memory_space<vmem>>) target_semaphore(%run_scoped3A : memref<!tpu.dma_semaphore, #tpu.memory_space<semaphore_mem>>)
      %dma_wait3A_365 = tpu.memref_slice %arg3[%add3A_257] : memref<225792xi32, #tpu.memory_space<hbm>> -> memref<392xi32, #tpu.memory_space<hbm>>
      %dma_wait3A_366 = tpu.memref_slice %arg3[%add3A_257] : memref<225792xi32, #tpu.memory_space<hbm>> -> memref<392xi32, #tpu.memory_space<hbm>>
      tpu.wait_dma2 semaphore(%run_scoped3A : memref<!tpu.dma_semaphore, #tpu.memory_space<semaphore_mem>>) src(%dma_wait3A_366 : memref<392xi32, #tpu.memory_space<hbm>>) dst(%arg8 : memref<392xi32, #tpu.memory_space<vmem>>)
      tpu.yield
    }) : () -> ()
    %dma_wait3A_258 = arith.constant 0 : i32
    %dma_wait3A_259 = tpu.memref_slice %arg5[%add3A_251, %dma_wait3A_258] : memref<225792x128xf32, #tpu.memory_space<hbm>> -> memref<392x128xf32, #tpu.memory_space<hbm>>
    %dma_wait3A_260 = arith.constant 0 : i32
    %dma_wait3A_261 = tpu.memref_slice %arg5[%add3A_251, %dma_wait3A_260] : memref<225792x128xf32, #tpu.memory_space<hbm>> -> memref<392x128xf32, #tpu.memory_space<hbm>>
    tpu.wait_dma2 semaphore(%arg14 : memref<!tpu.dma_semaphore, #tpu.memory_space<semaphore_mem>>) src(%arg10 : memref<392x128xf32, #tpu.memory_space<vmem>>) dst(%dma_wait3A_261 : memref<392x128xf32, #tpu.memory_space<hbm>>)
    %dma_start3A_262 = arith.constant 0 : i32
    %dma_start3A_263 = arith.constant 0 : i32
    %dma_start3A_264 = tpu.memref_slice %arg2[%dma_start3A_262, %dma_start3A_263] : memref<100384x128xf32, #tpu.memory_space<hbm>> -> memref<100384x128xf32, #tpu.memory_space<hbm>>
    tpu.enqueue_indirect_dma source(%dma_start3A_264 : memref<100384x128xf32, #tpu.memory_space<hbm>>) target(%arg10 : memref<392x128xf32, #tpu.memory_space<vmem>>) offsets(%arg8 : memref<392xi32, #tpu.memory_space<vmem>>) semaphore(%arg12 : memref<!tpu.dma_semaphore, #tpu.memory_space<semaphore_mem>>)
    %dma_wait3A_265 = arith.constant 0 : i32
    %dma_wait3A_266 = arith.constant 0 : i32
    %dma_wait3A_267 = tpu.memref_slice %arg2[%dma_wait3A_265, %dma_wait3A_266] : memref<100384x128xf32, #tpu.memory_space<hbm>> -> memref<100384x128xf32, #tpu.memory_space<hbm>>
    tpu.wait_indirect_dma semaphore(%arg11 : memref<!tpu.dma_semaphore, #tpu.memory_space<semaphore_mem>>) src(%dma_wait3A_267 : memref<100384x128xf32, #tpu.memory_space<hbm>>) dst(%arg9 : memref<392x128xf32, #tpu.memory_space<vmem>>)
    %add3A_268 = arith.constant 5488 : i32
    %add3A_269 = arith.addi %mul3A_2, %add3A_268 : i32
    %dma_start3A_270 = arith.constant 0 : i32
    %dma_start3A_271 = tpu.memref_slice %arg5[%add3A_269, %dma_start3A_270] : memref<225792x128xf32, #tpu.memory_space<hbm>> -> memref<392x128xf32, #tpu.memory_space<hbm>>
    %dma_start3A_272 = arith.constant 0 : i32
    %dma_start3A_273 = tpu.memref_slice %arg5[%add3A_269, %dma_start3A_272] : memref<225792x128xf32, #tpu.memory_space<hbm>> -> memref<392x128xf32, #tpu.memory_space<hbm>>
    tpu.enqueue_dma source(%arg9 : memref<392x128xf32, #tpu.memory_space<vmem>>) target(%dma_start3A_273 : memref<392x128xf32, #tpu.memory_space<hbm>>) target_semaphore(%arg13 : memref<!tpu.dma_semaphore, #tpu.memory_space<semaphore_mem>>)
    %add3A_274 = arith.constant 6272 : i32
    %add3A_275 = arith.addi %mul3A_2, %add3A_274 : i32
    "tpu.region"() ({
      %run_scoped3A = tpu.sem_alloc : memref<!tpu.dma_semaphore, #tpu.memory_space<semaphore_mem>>
      %dma_start3A_363 = tpu.memref_slice %arg3[%add3A_275] : memref<225792xi32, #tpu.memory_space<hbm>> -> memref<392xi32, #tpu.memory_space<hbm>>
      %dma_start3A_364 = tpu.memref_slice %arg3[%add3A_275] : memref<225792xi32, #tpu.memory_space<hbm>> -> memref<392xi32, #tpu.memory_space<hbm>>
      tpu.enqueue_dma source(%dma_start3A_364 : memref<392xi32, #tpu.memory_space<hbm>>) target(%arg7 : memref<392xi32, #tpu.memory_space<vmem>>) target_semaphore(%run_scoped3A : memref<!tpu.dma_semaphore, #tpu.memory_space<semaphore_mem>>)
      %dma_wait3A_365 = tpu.memref_slice %arg3[%add3A_275] : memref<225792xi32, #tpu.memory_space<hbm>> -> memref<392xi32, #tpu.memory_space<hbm>>
      %dma_wait3A_366 = tpu.memref_slice %arg3[%add3A_275] : memref<225792xi32, #tpu.memory_space<hbm>> -> memref<392xi32, #tpu.memory_space<hbm>>
      tpu.wait_dma2 semaphore(%run_scoped3A : memref<!tpu.dma_semaphore, #tpu.memory_space<semaphore_mem>>) src(%dma_wait3A_366 : memref<392xi32, #tpu.memory_space<hbm>>) dst(%arg7 : memref<392xi32, #tpu.memory_space<vmem>>)
      tpu.yield
    }) : () -> ()
    %dma_wait3A_276 = arith.constant 0 : i32
    %dma_wait3A_277 = tpu.memref_slice %arg5[%add3A_269, %dma_wait3A_276] : memref<225792x128xf32, #tpu.memory_space<hbm>> -> memref<392x128xf32, #tpu.memory_space<hbm>>
    %dma_wait3A_278 = arith.constant 0 : i32
    %dma_wait3A_279 = tpu.memref_slice %arg5[%add3A_269, %dma_wait3A_278] : memref<225792x128xf32, #tpu.memory_space<hbm>> -> memref<392x128xf32, #tpu.memory_space<hbm>>
    tpu.wait_dma2 semaphore(%arg13 : memref<!tpu.dma_semaphore, #tpu.memory_space<semaphore_mem>>) src(%arg9 : memref<392x128xf32, #tpu.memory_space<vmem>>) dst(%dma_wait3A_279 : memref<392x128xf32, #tpu.memory_space<hbm>>)
    %dma_start3A_280 = arith.constant 0 : i32
    %dma_start3A_281 = arith.constant 0 : i32
    %dma_start3A_282 = tpu.memref_slice %arg2[%dma_start3A_280, %dma_start3A_281] : memref<100384x128xf32, #tpu.memory_space<hbm>> -> memref<100384x128xf32, #tpu.memory_space<hbm>>
    tpu.enqueue_indirect_dma source(%dma_start3A_282 : memref<100384x128xf32, #tpu.memory_space<hbm>>) target(%arg9 : memref<392x128xf32, #tpu.memory_space<vmem>>) offsets(%arg7 : memref<392xi32, #tpu.memory_space<vmem>>) semaphore(%arg11 : memref<!tpu.dma_semaphore, #tpu.memory_space<semaphore_mem>>)
    %dma_wait3A_283 = arith.constant 0 : i32
    %dma_wait3A_284 = arith.constant 0 : i32
    %dma_wait3A_285 = tpu.memref_slice %arg2[%dma_wait3A_283, %dma_wait3A_284] : memref<100384x128xf32, #tpu.memory_space<hbm>> -> memref<100384x128xf32, #tpu.memory_space<hbm>>
    tpu.wait_indirect_dma semaphore(%arg12 : memref<!tpu.dma_semaphore, #tpu.memory_space<semaphore_mem>>) src(%dma_wait3A_285 : memref<100384x128xf32, #tpu.memory_space<hbm>>) dst(%arg10 : memref<392x128xf32, #tpu.memory_space<vmem>>)
    %add3A_286 = arith.constant 5880 : i32
    %add3A_287 = arith.addi %mul3A_2, %add3A_286 : i32
    %dma_start3A_288 = arith.constant 0 : i32
    %dma_start3A_289 = tpu.memref_slice %arg5[%add3A_287, %dma_start3A_288] : memref<225792x128xf32, #tpu.memory_space<hbm>> -> memref<392x128xf32, #tpu.memory_space<hbm>>
    %dma_start3A_290 = arith.constant 0 : i32
    %dma_start3A_291 = tpu.memref_slice %arg5[%add3A_287, %dma_start3A_290] : memref<225792x128xf32, #tpu.memory_space<hbm>> -> memref<392x128xf32, #tpu.memory_space<hbm>>
    tpu.enqueue_dma source(%arg10 : memref<392x128xf32, #tpu.memory_space<vmem>>) target(%dma_start3A_291 : memref<392x128xf32, #tpu.memory_space<hbm>>) target_semaphore(%arg14 : memref<!tpu.dma_semaphore, #tpu.memory_space<semaphore_mem>>)
    %add3A_292 = arith.constant 6664 : i32
    %add3A_293 = arith.addi %mul3A_2, %add3A_292 : i32
    "tpu.region"() ({
      %run_scoped3A = tpu.sem_alloc : memref<!tpu.dma_semaphore, #tpu.memory_space<semaphore_mem>>
      %dma_start3A_363 = tpu.memref_slice %arg3[%add3A_293] : memref<225792xi32, #tpu.memory_space<hbm>> -> memref<392xi32, #tpu.memory_space<hbm>>
      %dma_start3A_364 = tpu.memref_slice %arg3[%add3A_293] : memref<225792xi32, #tpu.memory_space<hbm>> -> memref<392xi32, #tpu.memory_space<hbm>>
      tpu.enqueue_dma source(%dma_start3A_364 : memref<392xi32, #tpu.memory_space<hbm>>) target(%arg8 : memref<392xi32, #tpu.memory_space<vmem>>) target_semaphore(%run_scoped3A : memref<!tpu.dma_semaphore, #tpu.memory_space<semaphore_mem>>)
      %dma_wait3A_365 = tpu.memref_slice %arg3[%add3A_293] : memref<225792xi32, #tpu.memory_space<hbm>> -> memref<392xi32, #tpu.memory_space<hbm>>
      %dma_wait3A_366 = tpu.memref_slice %arg3[%add3A_293] : memref<225792xi32, #tpu.memory_space<hbm>> -> memref<392xi32, #tpu.memory_space<hbm>>
      tpu.wait_dma2 semaphore(%run_scoped3A : memref<!tpu.dma_semaphore, #tpu.memory_space<semaphore_mem>>) src(%dma_wait3A_366 : memref<392xi32, #tpu.memory_space<hbm>>) dst(%arg8 : memref<392xi32, #tpu.memory_space<vmem>>)
      tpu.yield
    }) : () -> ()
    %dma_wait3A_294 = arith.constant 0 : i32
    %dma_wait3A_295 = tpu.memref_slice %arg5[%add3A_287, %dma_wait3A_294] : memref<225792x128xf32, #tpu.memory_space<hbm>> -> memref<392x128xf32, #tpu.memory_space<hbm>>
    %dma_wait3A_296 = arith.constant 0 : i32
    %dma_wait3A_297 = tpu.memref_slice %arg5[%add3A_287, %dma_wait3A_296] : memref<225792x128xf32, #tpu.memory_space<hbm>> -> memref<392x128xf32, #tpu.memory_space<hbm>>
    tpu.wait_dma2 semaphore(%arg14 : memref<!tpu.dma_semaphore, #tpu.memory_space<semaphore_mem>>) src(%arg10 : memref<392x128xf32, #tpu.memory_space<vmem>>) dst(%dma_wait3A_297 : memref<392x128xf32, #tpu.memory_space<hbm>>)
    %dma_start3A_298 = arith.constant 0 : i32
    %dma_start3A_299 = arith.constant 0 : i32
    %dma_start3A_300 = tpu.memref_slice %arg2[%dma_start3A_298, %dma_start3A_299] : memref<100384x128xf32, #tpu.memory_space<hbm>> -> memref<100384x128xf32, #tpu.memory_space<hbm>>
    tpu.enqueue_indirect_dma source(%dma_start3A_300 : memref<100384x128xf32, #tpu.memory_space<hbm>>) target(%arg10 : memref<392x128xf32, #tpu.memory_space<vmem>>) offsets(%arg8 : memref<392xi32, #tpu.memory_space<vmem>>) semaphore(%arg12 : memref<!tpu.dma_semaphore, #tpu.memory_space<semaphore_mem>>)
    %dma_wait3A_301 = arith.constant 0 : i32
    %dma_wait3A_302 = arith.constant 0 : i32
    %dma_wait3A_303 = tpu.memref_slice %arg2[%dma_wait3A_301, %dma_wait3A_302] : memref<100384x128xf32, #tpu.memory_space<hbm>> -> memref<100384x128xf32, #tpu.memory_space<hbm>>
    tpu.wait_indirect_dma semaphore(%arg11 : memref<!tpu.dma_semaphore, #tpu.memory_space<semaphore_mem>>) src(%dma_wait3A_303 : memref<100384x128xf32, #tpu.memory_space<hbm>>) dst(%arg9 : memref<392x128xf32, #tpu.memory_space<vmem>>)
    %add3A_304 = arith.constant 6272 : i32
    %add3A_305 = arith.addi %mul3A_2, %add3A_304 : i32
    %dma_start3A_306 = arith.constant 0 : i32
    %dma_start3A_307 = tpu.memref_slice %arg5[%add3A_305, %dma_start3A_306] : memref<225792x128xf32, #tpu.memory_space<hbm>> -> memref<392x128xf32, #tpu.memory_space<hbm>>
    %dma_start3A_308 = arith.constant 0 : i32
    %dma_start3A_309 = tpu.memref_slice %arg5[%add3A_305, %dma_start3A_308] : memref<225792x128xf32, #tpu.memory_space<hbm>> -> memref<392x128xf32, #tpu.memory_space<hbm>>
    tpu.enqueue_dma source(%arg9 : memref<392x128xf32, #tpu.memory_space<vmem>>) target(%dma_start3A_309 : memref<392x128xf32, #tpu.memory_space<hbm>>) target_semaphore(%arg13 : memref<!tpu.dma_semaphore, #tpu.memory_space<semaphore_mem>>)
    %add3A_310 = arith.constant 0 : i32
    %add3A_311 = arith.addi %mul3A_4, %add3A_310 : i32
    "tpu.region"() ({
      %run_scoped3A = tpu.sem_alloc : memref<!tpu.dma_semaphore, #tpu.memory_space<semaphore_mem>>
      %dma_start3A_363 = tpu.memref_slice %arg4[%add3A_311] : memref<25088xi32, #tpu.memory_space<hbm>> -> memref<392xi32, #tpu.memory_space<hbm>>
      %dma_start3A_364 = tpu.memref_slice %arg4[%add3A_311] : memref<25088xi32, #tpu.memory_space<hbm>> -> memref<392xi32, #tpu.memory_space<hbm>>
      tpu.enqueue_dma source(%dma_start3A_364 : memref<392xi32, #tpu.memory_space<hbm>>) target(%arg7 : memref<392xi32, #tpu.memory_space<vmem>>) target_semaphore(%run_scoped3A : memref<!tpu.dma_semaphore, #tpu.memory_space<semaphore_mem>>)
      %dma_wait3A_365 = tpu.memref_slice %arg4[%add3A_311] : memref<25088xi32, #tpu.memory_space<hbm>> -> memref<392xi32, #tpu.memory_space<hbm>>
      %dma_wait3A_366 = tpu.memref_slice %arg4[%add3A_311] : memref<25088xi32, #tpu.memory_space<hbm>> -> memref<392xi32, #tpu.memory_space<hbm>>
      tpu.wait_dma2 semaphore(%run_scoped3A : memref<!tpu.dma_semaphore, #tpu.memory_space<semaphore_mem>>) src(%dma_wait3A_366 : memref<392xi32, #tpu.memory_space<hbm>>) dst(%arg7 : memref<392xi32, #tpu.memory_space<vmem>>)
      tpu.yield
    }) : () -> ()
    %dma_wait3A_312 = arith.constant 0 : i32
    %dma_wait3A_313 = tpu.memref_slice %arg5[%add3A_305, %dma_wait3A_312] : memref<225792x128xf32, #tpu.memory_space<hbm>> -> memref<392x128xf32, #tpu.memory_space<hbm>>
    %dma_wait3A_314 = arith.constant 0 : i32
    %dma_wait3A_315 = tpu.memref_slice %arg5[%add3A_305, %dma_wait3A_314] : memref<225792x128xf32, #tpu.memory_space<hbm>> -> memref<392x128xf32, #tpu.memory_space<hbm>>
    tpu.wait_dma2 semaphore(%arg13 : memref<!tpu.dma_semaphore, #tpu.memory_space<semaphore_mem>>) src(%arg9 : memref<392x128xf32, #tpu.memory_space<vmem>>) dst(%dma_wait3A_315 : memref<392x128xf32, #tpu.memory_space<hbm>>)
    %dma_start3A_316 = arith.constant 0 : i32
    %dma_start3A_317 = arith.constant 0 : i32
    %dma_start3A_318 = tpu.memref_slice %arg2[%dma_start3A_316, %dma_start3A_317] : memref<100384x128xf32, #tpu.memory_space<hbm>> -> memref<100384x128xf32, #tpu.memory_space<hbm>>
    tpu.enqueue_indirect_dma source(%dma_start3A_318 : memref<100384x128xf32, #tpu.memory_space<hbm>>) target(%arg9 : memref<392x128xf32, #tpu.memory_space<vmem>>) offsets(%arg7 : memref<392xi32, #tpu.memory_space<vmem>>) semaphore(%arg11 : memref<!tpu.dma_semaphore, #tpu.memory_space<semaphore_mem>>)
    %dma_wait3A_319 = arith.constant 0 : i32
    %dma_wait3A_320 = arith.constant 0 : i32
    %dma_wait3A_321 = tpu.memref_slice %arg2[%dma_wait3A_319, %dma_wait3A_320] : memref<100384x128xf32, #tpu.memory_space<hbm>> -> memref<100384x128xf32, #tpu.memory_space<hbm>>
    tpu.wait_indirect_dma semaphore(%arg12 : memref<!tpu.dma_semaphore, #tpu.memory_space<semaphore_mem>>) src(%dma_wait3A_321 : memref<100384x128xf32, #tpu.memory_space<hbm>>) dst(%arg10 : memref<392x128xf32, #tpu.memory_space<vmem>>)
    %add3A_322 = arith.constant 6664 : i32
    %add3A_323 = arith.addi %mul3A_2, %add3A_322 : i32
    %dma_start3A_324 = arith.constant 0 : i32
    %dma_start3A_325 = tpu.memref_slice %arg5[%add3A_323, %dma_start3A_324] : memref<225792x128xf32, #tpu.memory_space<hbm>> -> memref<392x128xf32, #tpu.memory_space<hbm>>
    %dma_start3A_326 = arith.constant 0 : i32
    %dma_start3A_327 = tpu.memref_slice %arg5[%add3A_323, %dma_start3A_326] : memref<225792x128xf32, #tpu.memory_space<hbm>> -> memref<392x128xf32, #tpu.memory_space<hbm>>
    tpu.enqueue_dma source(%arg10 : memref<392x128xf32, #tpu.memory_space<vmem>>) target(%dma_start3A_327 : memref<392x128xf32, #tpu.memory_space<hbm>>) target_semaphore(%arg14 : memref<!tpu.dma_semaphore, #tpu.memory_space<semaphore_mem>>)
    %add3A_328 = arith.constant 392 : i32
    %add3A_329 = arith.addi %mul3A_4, %add3A_328 : i32
    "tpu.region"() ({
      %run_scoped3A = tpu.sem_alloc : memref<!tpu.dma_semaphore, #tpu.memory_space<semaphore_mem>>
      %dma_start3A_363 = tpu.memref_slice %arg4[%add3A_329] : memref<25088xi32, #tpu.memory_space<hbm>> -> memref<392xi32, #tpu.memory_space<hbm>>
      %dma_start3A_364 = tpu.memref_slice %arg4[%add3A_329] : memref<25088xi32, #tpu.memory_space<hbm>> -> memref<392xi32, #tpu.memory_space<hbm>>
      tpu.enqueue_dma source(%dma_start3A_364 : memref<392xi32, #tpu.memory_space<hbm>>) target(%arg8 : memref<392xi32, #tpu.memory_space<vmem>>) target_semaphore(%run_scoped3A : memref<!tpu.dma_semaphore, #tpu.memory_space<semaphore_mem>>)
      %dma_wait3A_365 = tpu.memref_slice %arg4[%add3A_329] : memref<25088xi32, #tpu.memory_space<hbm>> -> memref<392xi32, #tpu.memory_space<hbm>>
      %dma_wait3A_366 = tpu.memref_slice %arg4[%add3A_329] : memref<25088xi32, #tpu.memory_space<hbm>> -> memref<392xi32, #tpu.memory_space<hbm>>
      tpu.wait_dma2 semaphore(%run_scoped3A : memref<!tpu.dma_semaphore, #tpu.memory_space<semaphore_mem>>) src(%dma_wait3A_366 : memref<392xi32, #tpu.memory_space<hbm>>) dst(%arg8 : memref<392xi32, #tpu.memory_space<vmem>>)
      tpu.yield
    }) : () -> ()
    %dma_wait3A_330 = arith.constant 0 : i32
    %dma_wait3A_331 = tpu.memref_slice %arg5[%add3A_323, %dma_wait3A_330] : memref<225792x128xf32, #tpu.memory_space<hbm>> -> memref<392x128xf32, #tpu.memory_space<hbm>>
    %dma_wait3A_332 = arith.constant 0 : i32
    %dma_wait3A_333 = tpu.memref_slice %arg5[%add3A_323, %dma_wait3A_332] : memref<225792x128xf32, #tpu.memory_space<hbm>> -> memref<392x128xf32, #tpu.memory_space<hbm>>
    tpu.wait_dma2 semaphore(%arg14 : memref<!tpu.dma_semaphore, #tpu.memory_space<semaphore_mem>>) src(%arg10 : memref<392x128xf32, #tpu.memory_space<vmem>>) dst(%dma_wait3A_333 : memref<392x128xf32, #tpu.memory_space<hbm>>)
    %dma_start3A_334 = arith.constant 0 : i32
    %dma_start3A_335 = arith.constant 0 : i32
    %dma_start3A_336 = tpu.memref_slice %arg2[%dma_start3A_334, %dma_start3A_335] : memref<100384x128xf32, #tpu.memory_space<hbm>> -> memref<100384x128xf32, #tpu.memory_space<hbm>>
    tpu.enqueue_indirect_dma source(%dma_start3A_336 : memref<100384x128xf32, #tpu.memory_space<hbm>>) target(%arg10 : memref<392x128xf32, #tpu.memory_space<vmem>>) offsets(%arg8 : memref<392xi32, #tpu.memory_space<vmem>>) semaphore(%arg12 : memref<!tpu.dma_semaphore, #tpu.memory_space<semaphore_mem>>)
    %dma_wait3A_337 = arith.constant 0 : i32
    %dma_wait3A_338 = arith.constant 0 : i32
    %dma_wait3A_339 = tpu.memref_slice %arg2[%dma_wait3A_337, %dma_wait3A_338] : memref<100384x128xf32, #tpu.memory_space<hbm>> -> memref<100384x128xf32, #tpu.memory_space<hbm>>
    tpu.wait_indirect_dma semaphore(%arg11 : memref<!tpu.dma_semaphore, #tpu.memory_space<semaphore_mem>>) src(%dma_wait3A_339 : memref<100384x128xf32, #tpu.memory_space<hbm>>) dst(%arg9 : memref<392x128xf32, #tpu.memory_space<vmem>>)
    %add3A_340 = arith.constant 0 : i32
    %add3A_341 = arith.addi %mul3A_4, %add3A_340 : i32
    %dma_start3A_342 = arith.constant 0 : i32
    %dma_start3A_343 = tpu.memref_slice %arg6[%add3A_341, %dma_start3A_342] : memref<25088x128xf32, #tpu.memory_space<hbm>> -> memref<392x128xf32, #tpu.memory_space<hbm>>
    %dma_start3A_344 = arith.constant 0 : i32
    %dma_start3A_345 = tpu.memref_slice %arg6[%add3A_341, %dma_start3A_344] : memref<25088x128xf32, #tpu.memory_space<hbm>> -> memref<392x128xf32, #tpu.memory_space<hbm>>
    tpu.enqueue_dma source(%arg9 : memref<392x128xf32, #tpu.memory_space<vmem>>) target(%dma_start3A_345 : memref<392x128xf32, #tpu.memory_space<hbm>>) target_semaphore(%arg13 : memref<!tpu.dma_semaphore, #tpu.memory_space<semaphore_mem>>)
    %dma_wait3A_346 = arith.constant 0 : i32
    %dma_wait3A_347 = arith.constant 0 : i32
    %dma_wait3A_348 = tpu.memref_slice %arg2[%dma_wait3A_346, %dma_wait3A_347] : memref<100384x128xf32, #tpu.memory_space<hbm>> -> memref<100384x128xf32, #tpu.memory_space<hbm>>
    tpu.wait_indirect_dma semaphore(%arg12 : memref<!tpu.dma_semaphore, #tpu.memory_space<semaphore_mem>>) src(%dma_wait3A_348 : memref<100384x128xf32, #tpu.memory_space<hbm>>) dst(%arg10 : memref<392x128xf32, #tpu.memory_space<vmem>>)
    %add3A_349 = arith.constant 392 : i32
    %add3A_350 = arith.addi %mul3A_4, %add3A_349 : i32
    %dma_start3A_351 = arith.constant 0 : i32
    %dma_start3A_352 = tpu.memref_slice %arg6[%add3A_350, %dma_start3A_351] : memref<25088x128xf32, #tpu.memory_space<hbm>> -> memref<392x128xf32, #tpu.memory_space<hbm>>
    %dma_start3A_353 = arith.constant 0 : i32
    %dma_start3A_354 = tpu.memref_slice %arg6[%add3A_350, %dma_start3A_353] : memref<25088x128xf32, #tpu.memory_space<hbm>> -> memref<392x128xf32, #tpu.memory_space<hbm>>
    tpu.enqueue_dma source(%arg10 : memref<392x128xf32, #tpu.memory_space<vmem>>) target(%dma_start3A_354 : memref<392x128xf32, #tpu.memory_space<hbm>>) target_semaphore(%arg14 : memref<!tpu.dma_semaphore, #tpu.memory_space<semaphore_mem>>)
    %dma_wait3A_355 = arith.constant 0 : i32
    %dma_wait3A_356 = tpu.memref_slice %arg6[%add3A_341, %dma_wait3A_355] : memref<25088x128xf32, #tpu.memory_space<hbm>> -> memref<392x128xf32, #tpu.memory_space<hbm>>
    %dma_wait3A_357 = arith.constant 0 : i32
    %dma_wait3A_358 = tpu.memref_slice %arg6[%add3A_341, %dma_wait3A_357] : memref<25088x128xf32, #tpu.memory_space<hbm>> -> memref<392x128xf32, #tpu.memory_space<hbm>>
    tpu.wait_dma2 semaphore(%arg13 : memref<!tpu.dma_semaphore, #tpu.memory_space<semaphore_mem>>) src(%arg9 : memref<392x128xf32, #tpu.memory_space<vmem>>) dst(%dma_wait3A_358 : memref<392x128xf32, #tpu.memory_space<hbm>>)
    %dma_wait3A_359 = arith.constant 0 : i32
    %dma_wait3A_360 = tpu.memref_slice %arg6[%add3A_350, %dma_wait3A_359] : memref<25088x128xf32, #tpu.memory_space<hbm>> -> memref<392x128xf32, #tpu.memory_space<hbm>>
    %dma_wait3A_361 = arith.constant 0 : i32
    %dma_wait3A_362 = tpu.memref_slice %arg6[%add3A_350, %dma_wait3A_361] : memref<25088x128xf32, #tpu.memory_space<hbm>> -> memref<392x128xf32, #tpu.memory_space<hbm>>
    tpu.wait_dma2 semaphore(%arg14 : memref<!tpu.dma_semaphore, #tpu.memory_space<semaphore_mem>>) src(%arg10 : memref<392x128xf32, #tpu.memory_space<vmem>>) dst(%dma_wait3A_362 : memref<392x128xf32, #tpu.memory_space<hbm>>)
    return
  }
}

module attributes {stable_mosaic.version = 14 : i64} {
  func.func @_conv1_body(%arg0: i32, %arg1: i32, %arg2: memref<1x3584x128xf32, #tpu.memory_space<vmem>>, %arg3: memref<1x3584x128xf32, #tpu.memory_space<vmem>>, %arg4: memref<1x3584x128xf32, #tpu.memory_space<vmem>>, %arg5: memref<9x128x128xf32, #tpu.memory_space<vmem>>, %arg6: memref<9x128x128xf32, #tpu.memory_space<vmem>>, %arg7: memref<1x128xf32, #tpu.memory_space<vmem>>, %arg8: memref<1x128xf32, #tpu.memory_space<vmem>>, %arg9: memref<1x3584x128xf32, #tpu.memory_space<vmem>>, %arg10: memref<1x3584x128xf32, #tpu.memory_space<vmem>>, %arg11: memref<10752x128xf32, #tpu.memory_space<vmem>>) attributes {dimension_semantics = [#tpu.dimension_semantics<arbitrary>, #tpu.dimension_semantics<arbitrary>], iteration_bounds = array<i64: 2, 14>, scalar_prefetch = 0 : i64, scratch_operands = 1 : i64, tpu.core_type = #tpu.core_type<tc>, window_params = [{transform_indices = @transform_0, window_bounds = array<i64: 1, 3584, 128>}, {transform_indices = @transform_1, window_bounds = array<i64: 1, 3584, 128>}, {transform_indices = @transform_2, window_bounds = array<i64: 1, 3584, 128>}, {pipeline_mode = #tpu.pipeline_mode<synchronous>, transform_indices = @transform_3, window_bounds = array<i64: 9, 128, 128>}, {pipeline_mode = #tpu.pipeline_mode<synchronous>, transform_indices = @transform_4, window_bounds = array<i64: 9, 128, 128>}, {pipeline_mode = #tpu.pipeline_mode<synchronous>, transform_indices = @transform_5, window_bounds = array<i64: 1, 128>}, {pipeline_mode = #tpu.pipeline_mode<synchronous>, transform_indices = @transform_6, window_bounds = array<i64: 1, 128>}, {transform_indices = @transform_7, window_bounds = array<i64: 1, 3584, 128>}, {transform_indices = @transform_8, window_bounds = array<i64: 1, 3584, 128>}]} {
    %broadcast_in_dim3A = arith.constant 0.000000e+00 : f32
    %broadcast_in_dim3A_0 = vector.broadcast %broadcast_in_dim3A : f32 to vector<3584x128xf32>
    %eq3A = arith.constant 0 : i32
    %eq3A_1 = arith.cmpi eq, %arg1, %eq3A : i32
    %get3A = arith.constant 0 : index
    %get3A_2 = arith.constant 0 : index
    %get3A_3 = arith.constant 0 : index
    %get3A_4 = vector.load %arg2[%get3A, %get3A_2, %get3A_3] : memref<1x3584x128xf32, #tpu.memory_space<vmem>>, vector<1x3584x128xf32>
    %get3A_5 = vector.shape_cast %get3A_4 : vector<1x3584x128xf32> to vector<3584x128xf32>
    %select_n3A = arith.select %eq3A_1, %broadcast_in_dim3A_0, %get3A_5 : vector<3584x128xf32>
    %swap3A = arith.constant 0 : index
    %swap3A_6 = arith.constant 0 : index
    %swap3A_7 = vector.load %arg11[%swap3A, %swap3A_6] : memref<10752x128xf32, #tpu.memory_space<vmem>>, vector<3584x128xf32>
    tpu.vector_store %arg11[%swap3A, %swap3A_6], %select_n3A {strides = array<i32>} : memref<10752x128xf32, #tpu.memory_space<vmem>>, vector<3584x128xf32>,
    %get3A_8 = arith.constant 0 : index
    %get3A_9 = arith.constant 0 : index
    %get3A_10 = arith.constant 0 : index
    %get3A_11 = vector.load %arg3[%get3A_8, %get3A_9, %get3A_10] : memref<1x3584x128xf32, #tpu.memory_space<vmem>>, vector<1x3584x128xf32>
    %get3A_12 = vector.shape_cast %get3A_11 : vector<1x3584x128xf32> to vector<3584x128xf32>
    %swap3A_13 = arith.constant 3584 : index
    %swap3A_14 = arith.constant 0 : index
    %swap3A_15 = vector.load %arg11[%swap3A_13, %swap3A_14] : memref<10752x128xf32, #tpu.memory_space<vmem>>, vector<3584x128xf32>
    tpu.vector_store %arg11[%swap3A_13, %swap3A_14], %get3A_12 {strides = array<i32>} : memref<10752x128xf32, #tpu.memory_space<vmem>>, vector<3584x128xf32>,
    %eq3A_16 = arith.constant 13 : i32
    %eq3A_17 = arith.cmpi eq, %arg1, %eq3A_16 : i32
    %get3A_18 = arith.constant 0 : index
    %get3A_19 = arith.constant 0 : index
    %get3A_20 = arith.constant 0 : index
    %get3A_21 = vector.load %arg4[%get3A_18, %get3A_19, %get3A_20] : memref<1x3584x128xf32, #tpu.memory_space<vmem>>, vector<1x3584x128xf32>
    %get3A_22 = vector.shape_cast %get3A_21 : vector<1x3584x128xf32> to vector<3584x128xf32>
    %select_n3A_23 = arith.select %eq3A_17, %broadcast_in_dim3A_0, %get3A_22 : vector<3584x128xf32>
    %swap3A_24 = arith.constant 7168 : index
    %swap3A_25 = arith.constant 0 : index
    %swap3A_26 = vector.load %arg11[%swap3A_24, %swap3A_25] : memref<10752x128xf32, #tpu.memory_space<vmem>>, vector<3584x128xf32>
    tpu.vector_store %arg11[%swap3A_24, %swap3A_25], %select_n3A_23 {strides = array<i32>} : memref<10752x128xf32, #tpu.memory_space<vmem>>, vector<3584x128xf32>,
    %iota3A = tpu.iota {dimensions = array<i32: 0>} : vector<3584x128xi32>
    %jit3A = arith.constant 224 : i32
    %eq3A_27 = arith.constant 0 : i32
    %eq3A_28 = arith.cmpi eq, %jit3A, %eq3A_27 : i32
    %jit3A_29 = arith.constant 1 : i32
    %select_n3A_30 = arith.select %eq3A_28, %jit3A_29, %jit3A : i32
    %rem3A = vector.broadcast %select_n3A_30 : i32 to vector<3584x128xi32>
    %rem3A_31 = arith.remsi %iota3A, %rem3A : vector<3584x128xi32>
    %ne3A = arith.constant 0 : i32
    %ne3A_32 = vector.broadcast %ne3A : i32 to vector<3584x128xi32>
    %ne3A_33 = arith.cmpi ne, %rem3A_31, %ne3A_32 : vector<3584x128xi32>
    %lt3A = arith.constant 0 : i32
    %lt3A_34 = vector.broadcast %lt3A : i32 to vector<3584x128xi32>
    %lt3A_35 = arith.cmpi slt, %rem3A_31, %lt3A_34 : vector<3584x128xi32>
    %lt3A_36 = arith.constant 0 : i32
    %lt3A_37 = arith.cmpi slt, %select_n3A_30, %lt3A_36 : i32
    %ne3A_38 = vector.broadcast %lt3A_37 : i1 to vector<3584x128xi1>
    %ne3A_39 = vector.broadcast %ne3A_38 : vector<3584x128xi1> to vector<3584x128xi1>
    %ne3A_40 = arith.xori %lt3A_35, %ne3A_39 : vector<3584x128xi1>
    %and3A = arith.andi %ne3A_40, %ne3A_33 : vector<3584x128xi1>
    %add3A = vector.broadcast %select_n3A_30 : i32 to vector<3584x128xi32>
    %add3A_41 = arith.addi %rem3A_31, %add3A : vector<3584x128xi32>
    %select_n3A_42 = arith.select %and3A, %add3A_41, %rem3A_31 : vector<3584x128xi1>, vector<3584x128xi32>
    %ne3A_43 = arith.constant 0 : i32
    %ne3A_44 = vector.broadcast %ne3A_43 : i32 to vector<3584x128xi32>
    %ne3A_45 = arith.cmpi ne, %select_n3A_42, %ne3A_44 : vector<3584x128xi32>
    %ne3A_46 = arith.constant 223 : i32
    %ne3A_47 = vector.broadcast %ne3A_46 : i32 to vector<3584x128xi32>
    %ne3A_48 = arith.cmpi ne, %select_n3A_42, %ne3A_47 : vector<3584x128xi32>
    %broadcast_in_dim3A_49 = arith.constant 0.000000e+00 : f32
    %broadcast_in_dim3A_50 = vector.broadcast %broadcast_in_dim3A_49 : f32 to vector<3584x128xf32>
    %broadcast_in_dim3A_51 = arith.constant 0.000000e+00 : f32
    %broadcast_in_dim3A_52 = vector.broadcast %broadcast_in_dim3A_51 : f32 to vector<3584x128xf32>
    %get3A_53 = arith.constant 3359 : index
    %get3A_54 = arith.constant 0 : index
    %get3A_55 = vector.load %arg11[%get3A_53, %get3A_54] : memref<10752x128xf32, #tpu.memory_space<vmem>>, vector<3584x128xf32>
    %jit3A_56 = arith.constant 0.000000e+00 : f32
    %broadcast_in_dim3A_57 = vector.broadcast %jit3A_56 : f32 to vector<3584x128xf32>
    %select_n3A_58 = arith.select %ne3A_45, %get3A_55, %broadcast_in_dim3A_57 : vector<3584x128xi1>, vector<3584x128xf32>
    %get3A_59 = arith.constant 0 : index
    %get3A_60 = arith.constant 0 : index
    %get3A_61 = arith.constant 0 : index
    %get3A_62 = vector.load %arg5[%get3A_59, %get3A_60, %get3A_61] : memref<9x128x128xf32, #tpu.memory_space<vmem>>, vector<1x128x128xf32>
    %get3A_63 = vector.shape_cast %get3A_62 : vector<1x128x128xf32> to vector<128x128xf32>
    %dot_general3A = arith.constant dense<0.000000e+00> : vector<3584x128xf32>
    %dot_general3A_64 = tpu.matmul %select_n3A_58, %get3A_63, %dot_general3A {dimension_numbers = #tpu.dot_dimension_numbers<[1], [0], [0], [1], [0, 0, 1, 1], [], []>, transpose_lhs_hint = false} : vector<3584x128xf32>, vector<128x128xf32>, vector<3584x128xf32> -> vector<3584x128xf32>
    %add3A_65 = arith.addf %broadcast_in_dim3A_50, %dot_general3A_64 : vector<3584x128xf32>
    %get3A_66 = arith.constant 0 : index
    %get3A_67 = arith.constant 0 : index
    %get3A_68 = arith.constant 0 : index
    %get3A_69 = vector.load %arg6[%get3A_66, %get3A_67, %get3A_68] : memref<9x128x128xf32, #tpu.memory_space<vmem>>, vector<1x128x128xf32>
    %get3A_70 = vector.shape_cast %get3A_69 : vector<1x128x128xf32> to vector<128x128xf32>
    %dot_general3A_71 = arith.constant dense<0.000000e+00> : vector<3584x128xf32>
    %dot_general3A_72 = tpu.matmul %select_n3A_58, %get3A_70, %dot_general3A_71 {dimension_numbers = #tpu.dot_dimension_numbers<[1], [0], [0], [1], [0, 0, 1, 1], [], []>, transpose_lhs_hint = false} : vector<3584x128xf32>, vector<128x128xf32>, vector<3584x128xf32> -> vector<3584x128xf32>
    %add3A_73 = arith.addf %broadcast_in_dim3A_52, %dot_general3A_72 : vector<3584x128xf32>
    %get3A_74 = arith.constant 3360 : index
    %get3A_75 = arith.constant 0 : index
    %get3A_76 = vector.load %arg11[%get3A_74, %get3A_75] : memref<10752x128xf32, #tpu.memory_space<vmem>>, vector<3584x128xf32>
    %get3A_77 = arith.constant 1 : index
    %get3A_78 = arith.constant 0 : index
    %get3A_79 = arith.constant 0 : index
    %get3A_80 = vector.load %arg5[%get3A_77, %get3A_78, %get3A_79] : memref<9x128x128xf32, #tpu.memory_space<vmem>>, vector<1x128x128xf32>
    %get3A_81 = vector.shape_cast %get3A_80 : vector<1x128x128xf32> to vector<128x128xf32>
    %dot_general3A_82 = arith.constant dense<0.000000e+00> : vector<3584x128xf32>
    %dot_general3A_83 = tpu.matmul %get3A_76, %get3A_81, %dot_general3A_82 {dimension_numbers = #tpu.dot_dimension_numbers<[1], [0], [0], [1], [0, 0, 1, 1], [], []>, transpose_lhs_hint = false} : vector<3584x128xf32>, vector<128x128xf32>, vector<3584x128xf32> -> vector<3584x128xf32>
    %add3A_84 = arith.addf %add3A_65, %dot_general3A_83 : vector<3584x128xf32>
    %get3A_85 = arith.constant 1 : index
    %get3A_86 = arith.constant 0 : index
    %get3A_87 = arith.constant 0 : index
    %get3A_88 = vector.load %arg6[%get3A_85, %get3A_86, %get3A_87] : memref<9x128x128xf32, #tpu.memory_space<vmem>>, vector<1x128x128xf32>
    %get3A_89 = vector.shape_cast %get3A_88 : vector<1x128x128xf32> to vector<128x128xf32>
    %dot_general3A_90 = arith.constant dense<0.000000e+00> : vector<3584x128xf32>
    %dot_general3A_91 = tpu.matmul %get3A_76, %get3A_89, %dot_general3A_90 {dimension_numbers = #tpu.dot_dimension_numbers<[1], [0], [0], [1], [0, 0, 1, 1], [], []>, transpose_lhs_hint = false} : vector<3584x128xf32>, vector<128x128xf32>, vector<3584x128xf32> -> vector<3584x128xf32>
    %add3A_92 = arith.addf %add3A_73, %dot_general3A_91 : vector<3584x128xf32>
    %get3A_93 = arith.constant 3361 : index
    %get3A_94 = arith.constant 0 : index
    %get3A_95 = vector.load %arg11[%get3A_93, %get3A_94] : memref<10752x128xf32, #tpu.memory_space<vmem>>, vector<3584x128xf32>
    %jit3A_96 = arith.constant 0.000000e+00 : f32
    %broadcast_in_dim3A_97 = vector.broadcast %jit3A_96 : f32 to vector<3584x128xf32>
    %select_n3A_98 = arith.select %ne3A_48, %get3A_95, %broadcast_in_dim3A_97 : vector<3584x128xi1>, vector<3584x128xf32>
    %get3A_99 = arith.constant 2 : index
    %get3A_100 = arith.constant 0 : index
    %get3A_101 = arith.constant 0 : index
    %get3A_102 = vector.load %arg5[%get3A_99, %get3A_100, %get3A_101] : memref<9x128x128xf32, #tpu.memory_space<vmem>>, vector<1x128x128xf32>
    %get3A_103 = vector.shape_cast %get3A_102 : vector<1x128x128xf32> to vector<128x128xf32>
    %dot_general3A_104 = arith.constant dense<0.000000e+00> : vector<3584x128xf32>
    %dot_general3A_105 = tpu.matmul %select_n3A_98, %get3A_103, %dot_general3A_104 {dimension_numbers = #tpu.dot_dimension_numbers<[1], [0], [0], [1], [0, 0, 1, 1], [], []>, transpose_lhs_hint = false} : vector<3584x128xf32>, vector<128x128xf32>, vector<3584x128xf32> -> vector<3584x128xf32>
    %add3A_106 = arith.addf %add3A_84, %dot_general3A_105 : vector<3584x128xf32>
    %get3A_107 = arith.constant 2 : index
    %get3A_108 = arith.constant 0 : index
    %get3A_109 = arith.constant 0 : index
    %get3A_110 = vector.load %arg6[%get3A_107, %get3A_108, %get3A_109] : memref<9x128x128xf32, #tpu.memory_space<vmem>>, vector<1x128x128xf32>
    %get3A_111 = vector.shape_cast %get3A_110 : vector<1x128x128xf32> to vector<128x128xf32>
    %dot_general3A_112 = arith.constant dense<0.000000e+00> : vector<3584x128xf32>
    %dot_general3A_113 = tpu.matmul %select_n3A_98, %get3A_111, %dot_general3A_112 {dimension_numbers = #tpu.dot_dimension_numbers<[1], [0], [0], [1], [0, 0, 1, 1], [], []>, transpose_lhs_hint = false} : vector<3584x128xf32>, vector<128x128xf32>, vector<3584x128xf32> -> vector<3584x128xf32>
    %add3A_114 = arith.addf %add3A_92, %dot_general3A_113 : vector<3584x128xf32>
    %get3A_115 = arith.constant 3583 : index
    %get3A_116 = arith.constant 0 : index
    %get3A_117 = vector.load %arg11[%get3A_115, %get3A_116] : memref<10752x128xf32, #tpu.memory_space<vmem>>, vector<3584x128xf32>
    %jit3A_118 = arith.constant 0.000000e+00 : f32
    %broadcast_in_dim3A_119 = vector.broadcast %jit3A_118 : f32 to vector<3584x128xf32>
    %select_n3A_120 = arith.select %ne3A_45, %get3A_117, %broadcast_in_dim3A_119 : vector<3584x128xi1>, vector<3584x128xf32>
    %get3A_121 = arith.constant 3 : index
    %get3A_122 = arith.constant 0 : index
    %get3A_123 = arith.constant 0 : index
    %get3A_124 = vector.load %arg5[%get3A_121, %get3A_122, %get3A_123] : memref<9x128x128xf32, #tpu.memory_space<vmem>>, vector<1x128x128xf32>
    %get3A_125 = vector.shape_cast %get3A_124 : vector<1x128x128xf32> to vector<128x128xf32>
    %dot_general3A_126 = arith.constant dense<0.000000e+00> : vector<3584x128xf32>
    %dot_general3A_127 = tpu.matmul %select_n3A_120, %get3A_125, %dot_general3A_126 {dimension_numbers = #tpu.dot_dimension_numbers<[1], [0], [0], [1], [0, 0, 1, 1], [], []>, transpose_lhs_hint = false} : vector<3584x128xf32>, vector<128x128xf32>, vector<3584x128xf32> -> vector<3584x128xf32>
    %add3A_128 = arith.addf %add3A_106, %dot_general3A_127 : vector<3584x128xf32>
    %get3A_129 = arith.constant 3 : index
    %get3A_130 = arith.constant 0 : index
    %get3A_131 = arith.constant 0 : index
    %get3A_132 = vector.load %arg6[%get3A_129, %get3A_130, %get3A_131] : memref<9x128x128xf32, #tpu.memory_space<vmem>>, vector<1x128x128xf32>
    %get3A_133 = vector.shape_cast %get3A_132 : vector<1x128x128xf32> to vector<128x128xf32>
    %dot_general3A_134 = arith.constant dense<0.000000e+00> : vector<3584x128xf32>
    %dot_general3A_135 = tpu.matmul %select_n3A_120, %get3A_133, %dot_general3A_134 {dimension_numbers = #tpu.dot_dimension_numbers<[1], [0], [0], [1], [0, 0, 1, 1], [], []>, transpose_lhs_hint = false} : vector<3584x128xf32>, vector<128x128xf32>, vector<3584x128xf32> -> vector<3584x128xf32>
    %add3A_136 = arith.addf %add3A_114, %dot_general3A_135 : vector<3584x128xf32>
    %get3A_137 = arith.constant 3584 : index
    %get3A_138 = arith.constant 0 : index
    %get3A_139 = vector.load %arg11[%get3A_137, %get3A_138] : memref<10752x128xf32, #tpu.memory_space<vmem>>, vector<3584x128xf32>
    %get3A_140 = arith.constant 4 : index
    %get3A_141 = arith.constant 0 : index
    %get3A_142 = arith.constant 0 : index
    %get3A_143 = vector.load %arg5[%get3A_140, %get3A_141, %get3A_142] : memref<9x128x128xf32, #tpu.memory_space<vmem>>, vector<1x128x128xf32>
    %get3A_144 = vector.shape_cast %get3A_143 : vector<1x128x128xf32> to vector<128x128xf32>
    %dot_general3A_145 = arith.constant dense<0.000000e+00> : vector<3584x128xf32>
    %dot_general3A_146 = tpu.matmul %get3A_139, %get3A_144, %dot_general3A_145 {dimension_numbers = #tpu.dot_dimension_numbers<[1], [0], [0], [1], [0, 0, 1, 1], [], []>, transpose_lhs_hint = false} : vector<3584x128xf32>, vector<128x128xf32>, vector<3584x128xf32> -> vector<3584x128xf32>
    %add3A_147 = arith.addf %add3A_128, %dot_general3A_146 : vector<3584x128xf32>
    %get3A_148 = arith.constant 4 : index
    %get3A_149 = arith.constant 0 : index
    %get3A_150 = arith.constant 0 : index
    %get3A_151 = vector.load %arg6[%get3A_148, %get3A_149, %get3A_150] : memref<9x128x128xf32, #tpu.memory_space<vmem>>, vector<1x128x128xf32>
    %get3A_152 = vector.shape_cast %get3A_151 : vector<1x128x128xf32> to vector<128x128xf32>
    %dot_general3A_153 = arith.constant dense<0.000000e+00> : vector<3584x128xf32>
    %dot_general3A_154 = tpu.matmul %get3A_139, %get3A_152, %dot_general3A_153 {dimension_numbers = #tpu.dot_dimension_numbers<[1], [0], [0], [1], [0, 0, 1, 1], [], []>, transpose_lhs_hint = false} : vector<3584x128xf32>, vector<128x128xf32>, vector<3584x128xf32> -> vector<3584x128xf32>
    %add3A_155 = arith.addf %add3A_136, %dot_general3A_154 : vector<3584x128xf32>
    %get3A_156 = arith.constant 3585 : index
    %get3A_157 = arith.constant 0 : index
    %get3A_158 = vector.load %arg11[%get3A_156, %get3A_157] : memref<10752x128xf32, #tpu.memory_space<vmem>>, vector<3584x128xf32>
    %jit3A_159 = arith.constant 0.000000e+00 : f32
    %broadcast_in_dim3A_160 = vector.broadcast %jit3A_159 : f32 to vector<3584x128xf32>
    %select_n3A_161 = arith.select %ne3A_48, %get3A_158, %broadcast_in_dim3A_160 : vector<3584x128xi1>, vector<3584x128xf32>
    %get3A_162 = arith.constant 5 : index
    %get3A_163 = arith.constant 0 : index
    %get3A_164 = arith.constant 0 : index
    %get3A_165 = vector.load %arg5[%get3A_162, %get3A_163, %get3A_164] : memref<9x128x128xf32, #tpu.memory_space<vmem>>, vector<1x128x128xf32>
    %get3A_166 = vector.shape_cast %get3A_165 : vector<1x128x128xf32> to vector<128x128xf32>
    %dot_general3A_167 = arith.constant dense<0.000000e+00> : vector<3584x128xf32>
    %dot_general3A_168 = tpu.matmul %select_n3A_161, %get3A_166, %dot_general3A_167 {dimension_numbers = #tpu.dot_dimension_numbers<[1], [0], [0], [1], [0, 0, 1, 1], [], []>, transpose_lhs_hint = false} : vector<3584x128xf32>, vector<128x128xf32>, vector<3584x128xf32> -> vector<3584x128xf32>
    %add3A_169 = arith.addf %add3A_147, %dot_general3A_168 : vector<3584x128xf32>
    %get3A_170 = arith.constant 5 : index
    %get3A_171 = arith.constant 0 : index
    %get3A_172 = arith.constant 0 : index
    %get3A_173 = vector.load %arg6[%get3A_170, %get3A_171, %get3A_172] : memref<9x128x128xf32, #tpu.memory_space<vmem>>, vector<1x128x128xf32>
    %get3A_174 = vector.shape_cast %get3A_173 : vector<1x128x128xf32> to vector<128x128xf32>
    %dot_general3A_175 = arith.constant dense<0.000000e+00> : vector<3584x128xf32>
    %dot_general3A_176 = tpu.matmul %select_n3A_161, %get3A_174, %dot_general3A_175 {dimension_numbers = #tpu.dot_dimension_numbers<[1], [0], [0], [1], [0, 0, 1, 1], [], []>, transpose_lhs_hint = false} : vector<3584x128xf32>, vector<128x128xf32>, vector<3584x128xf32> -> vector<3584x128xf32>
    %add3A_177 = arith.addf %add3A_155, %dot_general3A_176 : vector<3584x128xf32>
    %get3A_178 = arith.constant 3807 : index
    %get3A_179 = arith.constant 0 : index
    %get3A_180 = vector.load %arg11[%get3A_178, %get3A_179] : memref<10752x128xf32, #tpu.memory_space<vmem>>, vector<3584x128xf32>
    %jit3A_181 = arith.constant 0.000000e+00 : f32
    %broadcast_in_dim3A_182 = vector.broadcast %jit3A_181 : f32 to vector<3584x128xf32>
    %select_n3A_183 = arith.select %ne3A_45, %get3A_180, %broadcast_in_dim3A_182 : vector<3584x128xi1>, vector<3584x128xf32>
    %get3A_184 = arith.constant 6 : index
    %get3A_185 = arith.constant 0 : index
    %get3A_186 = arith.constant 0 : index
    %get3A_187 = vector.load %arg5[%get3A_184, %get3A_185, %get3A_186] : memref<9x128x128xf32, #tpu.memory_space<vmem>>, vector<1x128x128xf32>
    %get3A_188 = vector.shape_cast %get3A_187 : vector<1x128x128xf32> to vector<128x128xf32>
    %dot_general3A_189 = arith.constant dense<0.000000e+00> : vector<3584x128xf32>
    %dot_general3A_190 = tpu.matmul %select_n3A_183, %get3A_188, %dot_general3A_189 {dimension_numbers = #tpu.dot_dimension_numbers<[1], [0], [0], [1], [0, 0, 1, 1], [], []>, transpose_lhs_hint = false} : vector<3584x128xf32>, vector<128x128xf32>, vector<3584x128xf32> -> vector<3584x128xf32>
    %add3A_191 = arith.addf %add3A_169, %dot_general3A_190 : vector<3584x128xf32>
    %get3A_192 = arith.constant 6 : index
    %get3A_193 = arith.constant 0 : index
    %get3A_194 = arith.constant 0 : index
    %get3A_195 = vector.load %arg6[%get3A_192, %get3A_193, %get3A_194] : memref<9x128x128xf32, #tpu.memory_space<vmem>>, vector<1x128x128xf32>
    %get3A_196 = vector.shape_cast %get3A_195 : vector<1x128x128xf32> to vector<128x128xf32>
    %dot_general3A_197 = arith.constant dense<0.000000e+00> : vector<3584x128xf32>
    %dot_general3A_198 = tpu.matmul %select_n3A_183, %get3A_196, %dot_general3A_197 {dimension_numbers = #tpu.dot_dimension_numbers<[1], [0], [0], [1], [0, 0, 1, 1], [], []>, transpose_lhs_hint = false} : vector<3584x128xf32>, vector<128x128xf32>, vector<3584x128xf32> -> vector<3584x128xf32>
    %add3A_199 = arith.addf %add3A_177, %dot_general3A_198 : vector<3584x128xf32>
    %get3A_200 = arith.constant 3808 : index
    %get3A_201 = arith.constant 0 : index
    %get3A_202 = vector.load %arg11[%get3A_200, %get3A_201] : memref<10752x128xf32, #tpu.memory_space<vmem>>, vector<3584x128xf32>
    %get3A_203 = arith.constant 7 : index
    %get3A_204 = arith.constant 0 : index
    %get3A_205 = arith.constant 0 : index
    %get3A_206 = vector.load %arg5[%get3A_203, %get3A_204, %get3A_205] : memref<9x128x128xf32, #tpu.memory_space<vmem>>, vector<1x128x128xf32>
    %get3A_207 = vector.shape_cast %get3A_206 : vector<1x128x128xf32> to vector<128x128xf32>
    %dot_general3A_208 = arith.constant dense<0.000000e+00> : vector<3584x128xf32>
    %dot_general3A_209 = tpu.matmul %get3A_202, %get3A_207, %dot_general3A_208 {dimension_numbers = #tpu.dot_dimension_numbers<[1], [0], [0], [1], [0, 0, 1, 1], [], []>, transpose_lhs_hint = false} : vector<3584x128xf32>, vector<128x128xf32>, vector<3584x128xf32> -> vector<3584x128xf32>
    %add3A_210 = arith.addf %add3A_191, %dot_general3A_209 : vector<3584x128xf32>
    %get3A_211 = arith.constant 7 : index
    %get3A_212 = arith.constant 0 : index
    %get3A_213 = arith.constant 0 : index
    %get3A_214 = vector.load %arg6[%get3A_211, %get3A_212, %get3A_213] : memref<9x128x128xf32, #tpu.memory_space<vmem>>, vector<1x128x128xf32>
    %get3A_215 = vector.shape_cast %get3A_214 : vector<1x128x128xf32> to vector<128x128xf32>
    %dot_general3A_216 = arith.constant dense<0.000000e+00> : vector<3584x128xf32>
    %dot_general3A_217 = tpu.matmul %get3A_202, %get3A_215, %dot_general3A_216 {dimension_numbers = #tpu.dot_dimension_numbers<[1], [0], [0], [1], [0, 0, 1, 1], [], []>, transpose_lhs_hint = false} : vector<3584x128xf32>, vector<128x128xf32>, vector<3584x128xf32> -> vector<3584x128xf32>
    %add3A_218 = arith.addf %add3A_199, %dot_general3A_217 : vector<3584x128xf32>
    %get3A_219 = arith.constant 3809 : index
    %get3A_220 = arith.constant 0 : index
    %get3A_221 = vector.load %arg11[%get3A_219, %get3A_220] : memref<10752x128xf32, #tpu.memory_space<vmem>>, vector<3584x128xf32>
    %jit3A_222 = arith.constant 0.000000e+00 : f32
    %broadcast_in_dim3A_223 = vector.broadcast %jit3A_222 : f32 to vector<3584x128xf32>
    %select_n3A_224 = arith.select %ne3A_48, %get3A_221, %broadcast_in_dim3A_223 : vector<3584x128xi1>, vector<3584x128xf32>
    %get3A_225 = arith.constant 8 : index
    %get3A_226 = arith.constant 0 : index
    %get3A_227 = arith.constant 0 : index
    %get3A_228 = vector.load %arg5[%get3A_225, %get3A_226, %get3A_227] : memref<9x128x128xf32, #tpu.memory_space<vmem>>, vector<1x128x128xf32>
    %get3A_229 = vector.shape_cast %get3A_228 : vector<1x128x128xf32> to vector<128x128xf32>
    %dot_general3A_230 = arith.constant dense<0.000000e+00> : vector<3584x128xf32>
    %dot_general3A_231 = tpu.matmul %select_n3A_224, %get3A_229, %dot_general3A_230 {dimension_numbers = #tpu.dot_dimension_numbers<[1], [0], [0], [1], [0, 0, 1, 1], [], []>, transpose_lhs_hint = false} : vector<3584x128xf32>, vector<128x128xf32>, vector<3584x128xf32> -> vector<3584x128xf32>
    %add3A_232 = arith.addf %add3A_210, %dot_general3A_231 : vector<3584x128xf32>
    %get3A_233 = arith.constant 8 : index
    %get3A_234 = arith.constant 0 : index
    %get3A_235 = arith.constant 0 : index
    %get3A_236 = vector.load %arg6[%get3A_233, %get3A_234, %get3A_235] : memref<9x128x128xf32, #tpu.memory_space<vmem>>, vector<1x128x128xf32>
    %get3A_237 = vector.shape_cast %get3A_236 : vector<1x128x128xf32> to vector<128x128xf32>
    %dot_general3A_238 = arith.constant dense<0.000000e+00> : vector<3584x128xf32>
    %dot_general3A_239 = tpu.matmul %select_n3A_224, %get3A_237, %dot_general3A_238 {dimension_numbers = #tpu.dot_dimension_numbers<[1], [0], [0], [1], [0, 0, 1, 1], [], []>, transpose_lhs_hint = false} : vector<3584x128xf32>, vector<128x128xf32>, vector<3584x128xf32> -> vector<3584x128xf32>
    %add3A_240 = arith.addf %add3A_218, %dot_general3A_239 : vector<3584x128xf32>
    %get3A_241 = arith.constant 0 : index
    %get3A_242 = arith.constant 0 : index
    %get3A_243 = vector.load %arg7[%get3A_241, %get3A_242] : memref<1x128xf32, #tpu.memory_space<vmem>>, vector<1x128xf32>
    %add3A_244 = vector.broadcast %get3A_243 : vector<1x128xf32> to vector<3584x128xf32>
    %add3A_245 = arith.addf %add3A_232, %add3A_244 : vector<3584x128xf32>
    %max3A = arith.constant 0.000000e+00 : f32
    %max3A_246 = vector.broadcast %max3A : f32 to vector<3584x128xf32>
    %max3A_247 = arith.maximumf %add3A_245, %max3A_246 : vector<3584x128xf32>
    %swap3A_248 = arith.constant 0 : index
    %swap3A_249 = arith.constant 0 : index
    %swap3A_250 = arith.constant 0 : index
    %swap3A_251 = vector.load %arg9[%swap3A_248, %swap3A_249, %swap3A_250] : memref<1x3584x128xf32, #tpu.memory_space<vmem>>, vector<1x3584x128xf32>
    %swap3A_252 = vector.shape_cast %swap3A_251 : vector<1x3584x128xf32> to vector<3584x128xf32>
    %swap3A_253 = vector.shape_cast %max3A_247 : vector<3584x128xf32> to vector<1x3584x128xf32>
    tpu.vector_store %arg9[%swap3A_248, %swap3A_249, %swap3A_250], %swap3A_253 {strides = array<i32>} : memref<1x3584x128xf32, #tpu.memory_space<vmem>>, vector<1x3584x128xf32>,
    %get3A_254 = arith.constant 0 : index
    %get3A_255 = arith.constant 0 : index
    %get3A_256 = vector.load %arg8[%get3A_254, %get3A_255] : memref<1x128xf32, #tpu.memory_space<vmem>>, vector<1x128xf32>
    %add3A_257 = vector.broadcast %get3A_256 : vector<1x128xf32> to vector<3584x128xf32>
    %add3A_258 = arith.addf %add3A_240, %add3A_257 : vector<3584x128xf32>
    %swap3A_259 = arith.constant 0 : index
    %swap3A_260 = arith.constant 0 : index
    %swap3A_261 = arith.constant 0 : index
    %swap3A_262 = vector.load %arg10[%swap3A_259, %swap3A_260, %swap3A_261] : memref<1x3584x128xf32, #tpu.memory_space<vmem>>, vector<1x3584x128xf32>
    %swap3A_263 = vector.shape_cast %swap3A_262 : vector<1x3584x128xf32> to vector<3584x128xf32>
    %swap3A_264 = vector.shape_cast %add3A_258 : vector<3584x128xf32> to vector<1x3584x128xf32>
    tpu.vector_store %arg10[%swap3A_259, %swap3A_260, %swap3A_261], %swap3A_264 {strides = array<i32>} : memref<1x3584x128xf32, #tpu.memory_space<vmem>>, vector<1x3584x128xf32>,
    return
  }
  func.func @transform_0(%arg0: i32, %arg1: i32) -> (i32, i32, i32) {
    %sub3A = arith.constant 1 : i32
    %sub3A_0 = arith.subi %arg1, %sub3A : i32
    %max3A = arith.constant 0 : i32
    %max3A_1 = arith.maxsi %sub3A_0, %max3A : i32
    %c0_i32 = arith.constant 0 : i32
    %c0_i32_2 = arith.constant 0 : i32
    return %arg0, %max3A_1, %c0_i32 : i32, i32, i32
  }
  func.func @transform_1(%arg0: i32, %arg1: i32) -> (i32, i32, i32) {
    %c0_i32 = arith.constant 0 : i32
    %c0_i32_0 = arith.constant 0 : i32
    return %arg0, %arg1, %c0_i32 : i32, i32, i32
  }
  func.func @transform_2(%arg0: i32, %arg1: i32) -> (i32, i32, i32) {
    %add3A = arith.constant 1 : i32
    %add3A_0 = arith.addi %arg1, %add3A : i32
    %min3A = arith.constant 13 : i32
    %min3A_1 = arith.minsi %add3A_0, %min3A : i32
    %c0_i32 = arith.constant 0 : i32
    %c0_i32_2 = arith.constant 0 : i32
    return %arg0, %min3A_1, %c0_i32 : i32, i32, i32
  }
  func.func @transform_3(%arg0: i32, %arg1: i32) -> (i32, i32, i32) {
    %c0_i32 = arith.constant 0 : i32
    %c0_i32_0 = arith.constant 0 : i32
    %c0_i32_1 = arith.constant 0 : i32
    %c0_i32_2 = arith.constant 0 : i32
    return %c0_i32, %c0_i32_0, %c0_i32_1 : i32, i32, i32
  }
  func.func @transform_4(%arg0: i32, %arg1: i32) -> (i32, i32, i32) {
    %c0_i32 = arith.constant 0 : i32
    %c0_i32_0 = arith.constant 0 : i32
    %c0_i32_1 = arith.constant 0 : i32
    %c0_i32_2 = arith.constant 0 : i32
    return %c0_i32, %c0_i32_0, %c0_i32_1 : i32, i32, i32
  }
  func.func @transform_5(%arg0: i32, %arg1: i32) -> (i32, i32) {
    %c0_i32 = arith.constant 0 : i32
    %c0_i32_0 = arith.constant 0 : i32
    %c0_i32_1 = arith.constant 0 : i32
    return %c0_i32, %c0_i32_0 : i32, i32
  }
  func.func @transform_6(%arg0: i32, %arg1: i32) -> (i32, i32) {
    %c0_i32 = arith.constant 0 : i32
    %c0_i32_0 = arith.constant 0 : i32
    %c0_i32_1 = arith.constant 0 : i32
    return %c0_i32, %c0_i32_0 : i32, i32
  }
  func.func @transform_7(%arg0: i32, %arg1: i32) -> (i32, i32, i32) {
    %c0_i32 = arith.constant 0 : i32
    %c0_i32_0 = arith.constant 0 : i32
    return %arg0, %arg1, %c0_i32 : i32, i32, i32
  }
  func.func @transform_8(%arg0: i32, %arg1: i32) -> (i32, i32, i32) {
    %c0_i32 = arith.constant 0 : i32
    %c0_i32_0 = arith.constant 0 : i32
    return %arg0, %arg1, %c0_i32 : i32, i32, i32
  }
}

module attributes {stable_mosaic.version = 14 : i64} {
  func.func @_attn_body(%arg0: i32, %arg1: i32, %arg2: memref<1x9x896x128xf32, #tpu.memory_space<vmem>>, %arg3: memref<1x896x128xf32, #tpu.memory_space<vmem>>, %arg4: memref<1x27x896xf32, #tpu.memory_space<vmem>>, %arg5: memref<128x130xf32, #tpu.memory_space<vmem>>, %arg6: memref<128x130xf32, #tpu.memory_space<vmem>>, %arg7: memref<3x130xf32, #tpu.memory_space<vmem>>, %arg8: memref<130x2xf32, #tpu.memory_space<vmem>>, %arg9: memref<1x130xf32, #tpu.memory_space<vmem>>, %arg10: memref<1x2xf32, #tpu.memory_space<vmem>>, %arg11: memref<1x128xf32, #tpu.memory_space<vmem>>, %arg12: memref<1x896x128xf32, #tpu.memory_space<vmem>>) attributes {dimension_semantics = [#tpu.dimension_semantics<arbitrary>, #tpu.dimension_semantics<arbitrary>], iteration_bounds = array<i64: 2, 14>, scalar_prefetch = 0 : i64, scratch_operands = 0 : i64, tpu.core_type = #tpu.core_type<tc>, window_params = [{transform_indices = @transform_0, window_bounds = array<i64: 1, 9, 896, 128>}, {transform_indices = @transform_1, window_bounds = array<i64: 1, 896, 128>}, {transform_indices = @transform_2, window_bounds = array<i64: 1, 27, 896>}, {pipeline_mode = #tpu.pipeline_mode<synchronous>, transform_indices = @transform_3, window_bounds = array<i64: 128, 130>}, {pipeline_mode = #tpu.pipeline_mode<synchronous>, transform_indices = @transform_4, window_bounds = array<i64: 128, 130>}, {pipeline_mode = #tpu.pipeline_mode<synchronous>, transform_indices = @transform_5, window_bounds = array<i64: 3, 130>}, {pipeline_mode = #tpu.pipeline_mode<synchronous>, transform_indices = @transform_6, window_bounds = array<i64: 130, 2>}, {pipeline_mode = #tpu.pipeline_mode<synchronous>, transform_indices = @transform_7, window_bounds = array<i64: 1, 130>}, {pipeline_mode = #tpu.pipeline_mode<synchronous>, transform_indices = @transform_8, window_bounds = array<i64: 1, 2>}, {pipeline_mode = #tpu.pipeline_mode<synchronous>, transform_indices = @transform_9, window_bounds = array<i64: 1, 128>}, {transform_indices = @transform_10, window_bounds = array<i64: 1, 896, 128>}]} {
    %get3A = arith.constant 0 : index
    %get3A_0 = arith.constant 0 : index
    %get3A_1 = arith.constant 0 : index
    %get3A_2 = vector.load %arg3[%get3A, %get3A_0, %get3A_1] : memref<1x896x128xf32, #tpu.memory_space<vmem>>, vector<1x896x128xf32>
    %get3A_3 = vector.shape_cast %get3A_2 : vector<1x896x128xf32> to vector<896x128xf32>
    %get3A_4 = arith.constant 0 : index
    %get3A_5 = arith.constant 0 : index
    %get3A_6 = vector.load %arg6[%get3A_4, %get3A_5] : memref<128x130xf32, #tpu.memory_space<vmem>>, vector<128x130xf32>
    %dot_general3A = arith.constant dense<0.000000e+00> : vector<896x130xf32>
    %dot_general3A_7 = tpu.matmul %get3A_3, %get3A_6, %dot_general3A {dimension_numbers = #tpu.dot_dimension_numbers<[1], [0], [0], [1], [0, 0, 1, 1], [], []>, transpose_lhs_hint = false} : vector<896x128xf32>, vector<128x130xf32>, vector<896x130xf32> -> vector<896x130xf32>
    %get3A_8 = arith.constant 0 : index
    %get3A_9 = arith.constant 0 : index
    %get3A_10 = vector.load %arg9[%get3A_8, %get3A_9] : memref<1x130xf32, #tpu.memory_space<vmem>>, vector<1x130xf32>
    %add3A = vector.broadcast %get3A_10 : vector<1x130xf32> to vector<896x130xf32>
    %add3A_11 = arith.addf %dot_general3A_7, %add3A : vector<896x130xf32>
    %broadcast_in_dim3A = arith.constant 0.000000e+00 : f32
    %broadcast_in_dim3A_12 = vector.broadcast %broadcast_in_dim3A : f32 to vector<896x2xf32>
    %broadcast_in_dim3A_13 = arith.constant 0.000000e+00 : f32
    %broadcast_in_dim3A_14 = vector.broadcast %broadcast_in_dim3A_13 : f32 to vector<896x64xf32>
    %broadcast_in_dim3A_15 = arith.constant 0.000000e+00 : f32
    %broadcast_in_dim3A_16 = vector.broadcast %broadcast_in_dim3A_15 : f32 to vector<896x64xf32>
    %get3A_17 = arith.constant 0 : index
    %get3A_18 = arith.constant 0 : index
    %get3A_19 = arith.constant 0 : index
    %get3A_20 = arith.constant 0 : index
    %get3A_21 = vector.load %arg2[%get3A_17, %get3A_18, %get3A_19, %get3A_20] : memref<1x9x896x128xf32, #tpu.memory_space<vmem>>, vector<1x1x896x128xf32>
    %get3A_22 = vector.shape_cast %get3A_21 : vector<1x1x896x128xf32> to vector<896x128xf32>
    %get3A_23 = arith.constant 0 : index
    %get3A_24 = arith.constant 0 : index
    %get3A_25 = vector.load %arg5[%get3A_23, %get3A_24] : memref<128x130xf32, #tpu.memory_space<vmem>>, vector<128x130xf32>
    %dot_general3A_26 = arith.constant dense<0.000000e+00> : vector<896x130xf32>
    %dot_general3A_27 = tpu.matmul %get3A_22, %get3A_25, %dot_general3A_26 {dimension_numbers = #tpu.dot_dimension_numbers<[1], [0], [0], [1], [0, 0, 1, 1], [], []>, transpose_lhs_hint = false} : vector<896x128xf32>, vector<128x130xf32>, vector<896x130xf32> -> vector<896x130xf32>
    %get3A_28 = arith.constant 0 : index
    %get3A_29 = arith.constant 0 : index
    %get3A_30 = arith.constant 0 : index
    %get3A_31 = vector.load %arg4[%get3A_28, %get3A_29, %get3A_30] : memref<1x27x896xf32, #tpu.memory_space<vmem>>, vector<1x3x896xf32>
    %get3A_32 = vector.shape_cast %get3A_31 : vector<1x3x896xf32> to vector<3x896xf32>
    %get3A_33 = arith.constant 0 : index
    %get3A_34 = arith.constant 0 : index
    %get3A_35 = vector.load %arg7[%get3A_33, %get3A_34] : memref<3x130xf32, #tpu.memory_space<vmem>>, vector<3x130xf32>
    %dot_general3A_36 = arith.constant dense<0.000000e+00> : vector<896x130xf32>
    %dot_general3A_37 = tpu.matmul %get3A_32, %get3A_35, %dot_general3A_36 {dimension_numbers = #tpu.dot_dimension_numbers<[0], [0], [1], [1], [0, 1, 1, 1], [], []>, transpose_lhs_hint = false} : vector<3x896xf32>, vector<3x130xf32>, vector<896x130xf32> -> vector<896x130xf32>
    %add3A_38 = arith.addf %dot_general3A_27, %dot_general3A_37 : vector<896x130xf32>
    %add3A_39 = arith.addf %add3A_38, %add3A_11 : vector<896x130xf32>
    %ge3A = arith.constant 0.000000e+00 : f32
    %ge3A_40 = vector.broadcast %ge3A : f32 to vector<896x130xf32>
    %ge3A_41 = arith.cmpf oge, %add3A_39, %ge3A_40 : vector<896x130xf32>
    %mul3A = arith.constant 2.000000e-01 : f32
    %mul3A_42 = vector.broadcast %mul3A : f32 to vector<896x130xf32>
    %mul3A_43 = arith.mulf %mul3A_42, %add3A_39 : vector<896x130xf32>
    %select_n3A = arith.select %ge3A_41, %add3A_39, %mul3A_43 : vector<896x130xi1>, vector<896x130xf32>
    %get3A_44 = arith.constant 0 : index
    %get3A_45 = arith.constant 0 : index
    %get3A_46 = vector.load %arg8[%get3A_44, %get3A_45] : memref<130x2xf32, #tpu.memory_space<vmem>>, vector<130x2xf32>
    %dot_general3A_47 = arith.constant dense<0.000000e+00> : vector<896x2xf32>
    %dot_general3A_48 = tpu.matmul %select_n3A, %get3A_46, %dot_general3A_47 {dimension_numbers = #tpu.dot_dimension_numbers<[1], [0], [0], [1], [0, 0, 1, 1], [], []>, transpose_lhs_hint = false} : vector<896x130xf32>, vector<130x2xf32>, vector<896x2xf32> -> vector<896x2xf32>
    %get3A_49 = arith.constant 0 : index
    %get3A_50 = arith.constant 0 : index
    %get3A_51 = vector.load %arg10[%get3A_49, %get3A_50] : memref<1x2xf32, #tpu.memory_space<vmem>>, vector<1x2xf32>
    %add3A_52 = vector.broadcast %get3A_51 : vector<1x2xf32> to vector<896x2xf32>
    %add3A_53 = arith.addf %dot_general3A_48, %add3A_52 : vector<896x2xf32>
    %exp3A = math.exp %add3A_53 : vector<896x2xf32>
    %add3A_54 = arith.addf %broadcast_in_dim3A_12, %exp3A : vector<896x2xf32>
    %slice3A = vector.extract_strided_slice %get3A_22 {offsets = [0, 0], sizes = [896, 64], strides = [1, 1]} : vector<896x128xf32> to vector<896x64xf32>
    %slice3A_55 = vector.extract_strided_slice %exp3A {offsets = [0, 0], sizes = [896, 1], strides = [1, 1]} : vector<896x2xf32> to vector<896x1xf32>
    %mul3A_56 = vector.broadcast %slice3A_55 : vector<896x1xf32> to vector<896x64xf32>
    %mul3A_57 = arith.mulf %mul3A_56, %slice3A : vector<896x64xf32>
    %add3A_58 = arith.addf %broadcast_in_dim3A_14, %mul3A_57 : vector<896x64xf32>
    %slice3A_59 = vector.extract_strided_slice %exp3A {offsets = [0, 1], sizes = [896, 1], strides = [1, 1]} : vector<896x2xf32> to vector<896x1xf32>
    %mul3A_60 = vector.broadcast %slice3A_59 : vector<896x1xf32> to vector<896x64xf32>
    %mul3A_61 = arith.mulf %mul3A_60, %slice3A : vector<896x64xf32>
    %add3A_62 = arith.addf %broadcast_in_dim3A_16, %mul3A_61 : vector<896x64xf32>
    %get3A_63 = arith.constant 0 : index
    %get3A_64 = arith.constant 1 : index
    %get3A_65 = arith.constant 0 : index
    %get3A_66 = arith.constant 0 : index
    %get3A_67 = vector.load %arg2[%get3A_63, %get3A_64, %get3A_65, %get3A_66] : memref<1x9x896x128xf32, #tpu.memory_space<vmem>>, vector<1x1x896x128xf32>
    %get3A_68 = vector.shape_cast %get3A_67 : vector<1x1x896x128xf32> to vector<896x128xf32>
    %get3A_69 = arith.constant 0 : index
    %get3A_70 = arith.constant 0 : index
    %get3A_71 = vector.load %arg5[%get3A_69, %get3A_70] : memref<128x130xf32, #tpu.memory_space<vmem>>, vector<128x130xf32>
    %dot_general3A_72 = arith.constant dense<0.000000e+00> : vector<896x130xf32>
    %dot_general3A_73 = tpu.matmul %get3A_68, %get3A_71, %dot_general3A_72 {dimension_numbers = #tpu.dot_dimension_numbers<[1], [0], [0], [1], [0, 0, 1, 1], [], []>, transpose_lhs_hint = false} : vector<896x128xf32>, vector<128x130xf32>, vector<896x130xf32> -> vector<896x130xf32>
    %get3A_74 = arith.constant 0 : index
    %get3A_75 = arith.constant 3 : index
    %get3A_76 = arith.constant 0 : index
    %get3A_77 = vector.load %arg4[%get3A_74, %get3A_75, %get3A_76] : memref<1x27x896xf32, #tpu.memory_space<vmem>>, vector<1x3x896xf32>
    %get3A_78 = vector.shape_cast %get3A_77 : vector<1x3x896xf32> to vector<3x896xf32>
    %get3A_79 = arith.constant 0 : index
    %get3A_80 = arith.constant 0 : index
    %get3A_81 = vector.load %arg7[%get3A_79, %get3A_80] : memref<3x130xf32, #tpu.memory_space<vmem>>, vector<3x130xf32>
    %dot_general3A_82 = arith.constant dense<0.000000e+00> : vector<896x130xf32>
    %dot_general3A_83 = tpu.matmul %get3A_78, %get3A_81, %dot_general3A_82 {dimension_numbers = #tpu.dot_dimension_numbers<[0], [0], [1], [1], [0, 1, 1, 1], [], []>, transpose_lhs_hint = false} : vector<3x896xf32>, vector<3x130xf32>, vector<896x130xf32> -> vector<896x130xf32>
    %add3A_84 = arith.addf %dot_general3A_73, %dot_general3A_83 : vector<896x130xf32>
    %add3A_85 = arith.addf %add3A_84, %add3A_11 : vector<896x130xf32>
    %ge3A_86 = arith.constant 0.000000e+00 : f32
    %ge3A_87 = vector.broadcast %ge3A_86 : f32 to vector<896x130xf32>
    %ge3A_88 = arith.cmpf oge, %add3A_85, %ge3A_87 : vector<896x130xf32>
    %mul3A_89 = arith.constant 2.000000e-01 : f32
    %mul3A_90 = vector.broadcast %mul3A_89 : f32 to vector<896x130xf32>
    %mul3A_91 = arith.mulf %mul3A_90, %add3A_85 : vector<896x130xf32>
    %select_n3A_92 = arith.select %ge3A_88, %add3A_85, %mul3A_91 : vector<896x130xi1>, vector<896x130xf32>
    %get3A_93 = arith.constant 0 : index
    %get3A_94 = arith.constant 0 : index
    %get3A_95 = vector.load %arg8[%get3A_93, %get3A_94] : memref<130x2xf32, #tpu.memory_space<vmem>>, vector<130x2xf32>
    %dot_general3A_96 = arith.constant dense<0.000000e+00> : vector<896x2xf32>
    %dot_general3A_97 = tpu.matmul %select_n3A_92, %get3A_95, %dot_general3A_96 {dimension_numbers = #tpu.dot_dimension_numbers<[1], [0], [0], [1], [0, 0, 1, 1], [], []>, transpose_lhs_hint = false} : vector<896x130xf32>, vector<130x2xf32>, vector<896x2xf32> -> vector<896x2xf32>
    %get3A_98 = arith.constant 0 : index
    %get3A_99 = arith.constant 0 : index
    %get3A_100 = vector.load %arg10[%get3A_98, %get3A_99] : memref<1x2xf32, #tpu.memory_space<vmem>>, vector<1x2xf32>
    %add3A_101 = vector.broadcast %get3A_100 : vector<1x2xf32> to vector<896x2xf32>
    %add3A_102 = arith.addf %dot_general3A_97, %add3A_101 : vector<896x2xf32>
    %exp3A_103 = math.exp %add3A_102 : vector<896x2xf32>
    %add3A_104 = arith.addf %add3A_54, %exp3A_103 : vector<896x2xf32>
    %slice3A_105 = vector.extract_strided_slice %get3A_68 {offsets = [0, 0], sizes = [896, 64], strides = [1, 1]} : vector<896x128xf32> to vector<896x64xf32>
    %slice3A_106 = vector.extract_strided_slice %exp3A_103 {offsets = [0, 0], sizes = [896, 1], strides = [1, 1]} : vector<896x2xf32> to vector<896x1xf32>
    %mul3A_107 = vector.broadcast %slice3A_106 : vector<896x1xf32> to vector<896x64xf32>
    %mul3A_108 = arith.mulf %mul3A_107, %slice3A_105 : vector<896x64xf32>
    %add3A_109 = arith.addf %add3A_58, %mul3A_108 : vector<896x64xf32>
    %slice3A_110 = vector.extract_strided_slice %exp3A_103 {offsets = [0, 1], sizes = [896, 1], strides = [1, 1]} : vector<896x2xf32> to vector<896x1xf32>
    %mul3A_111 = vector.broadcast %slice3A_110 : vector<896x1xf32> to vector<896x64xf32>
    %mul3A_112 = arith.mulf %mul3A_111, %slice3A_105 : vector<896x64xf32>
    %add3A_113 = arith.addf %add3A_62, %mul3A_112 : vector<896x64xf32>
    %get3A_114 = arith.constant 0 : index
    %get3A_115 = arith.constant 2 : index
    %get3A_116 = arith.constant 0 : index
    %get3A_117 = arith.constant 0 : index
    %get3A_118 = vector.load %arg2[%get3A_114, %get3A_115, %get3A_116, %get3A_117] : memref<1x9x896x128xf32, #tpu.memory_space<vmem>>, vector<1x1x896x128xf32>
    %get3A_119 = vector.shape_cast %get3A_118 : vector<1x1x896x128xf32> to vector<896x128xf32>
    %get3A_120 = arith.constant 0 : index
    %get3A_121 = arith.constant 0 : index
    %get3A_122 = vector.load %arg5[%get3A_120, %get3A_121] : memref<128x130xf32, #tpu.memory_space<vmem>>, vector<128x130xf32>
    %dot_general3A_123 = arith.constant dense<0.000000e+00> : vector<896x130xf32>
    %dot_general3A_124 = tpu.matmul %get3A_119, %get3A_122, %dot_general3A_123 {dimension_numbers = #tpu.dot_dimension_numbers<[1], [0], [0], [1], [0, 0, 1, 1], [], []>, transpose_lhs_hint = false} : vector<896x128xf32>, vector<128x130xf32>, vector<896x130xf32> -> vector<896x130xf32>
    %get3A_125 = arith.constant 0 : index
    %get3A_126 = arith.constant 6 : index
    %get3A_127 = arith.constant 0 : index
    %get3A_128 = vector.load %arg4[%get3A_125, %get3A_126, %get3A_127] : memref<1x27x896xf32, #tpu.memory_space<vmem>>, vector<1x3x896xf32>
    %get3A_129 = vector.shape_cast %get3A_128 : vector<1x3x896xf32> to vector<3x896xf32>
    %get3A_130 = arith.constant 0 : index
    %get3A_131 = arith.constant 0 : index
    %get3A_132 = vector.load %arg7[%get3A_130, %get3A_131] : memref<3x130xf32, #tpu.memory_space<vmem>>, vector<3x130xf32>
    %dot_general3A_133 = arith.constant dense<0.000000e+00> : vector<896x130xf32>
    %dot_general3A_134 = tpu.matmul %get3A_129, %get3A_132, %dot_general3A_133 {dimension_numbers = #tpu.dot_dimension_numbers<[0], [0], [1], [1], [0, 1, 1, 1], [], []>, transpose_lhs_hint = false} : vector<3x896xf32>, vector<3x130xf32>, vector<896x130xf32> -> vector<896x130xf32>
    %add3A_135 = arith.addf %dot_general3A_124, %dot_general3A_134 : vector<896x130xf32>
    %add3A_136 = arith.addf %add3A_135, %add3A_11 : vector<896x130xf32>
    %ge3A_137 = arith.constant 0.000000e+00 : f32
    %ge3A_138 = vector.broadcast %ge3A_137 : f32 to vector<896x130xf32>
    %ge3A_139 = arith.cmpf oge, %add3A_136, %ge3A_138 : vector<896x130xf32>
    %mul3A_140 = arith.constant 2.000000e-01 : f32
    %mul3A_141 = vector.broadcast %mul3A_140 : f32 to vector<896x130xf32>
    %mul3A_142 = arith.mulf %mul3A_141, %add3A_136 : vector<896x130xf32>
    %select_n3A_143 = arith.select %ge3A_139, %add3A_136, %mul3A_142 : vector<896x130xi1>, vector<896x130xf32>
    %get3A_144 = arith.constant 0 : index
    %get3A_145 = arith.constant 0 : index
    %get3A_146 = vector.load %arg8[%get3A_144, %get3A_145] : memref<130x2xf32, #tpu.memory_space<vmem>>, vector<130x2xf32>
    %dot_general3A_147 = arith.constant dense<0.000000e+00> : vector<896x2xf32>
    %dot_general3A_148 = tpu.matmul %select_n3A_143, %get3A_146, %dot_general3A_147 {dimension_numbers = #tpu.dot_dimension_numbers<[1], [0], [0], [1], [0, 0, 1, 1], [], []>, transpose_lhs_hint = false} : vector<896x130xf32>, vector<130x2xf32>, vector<896x2xf32> -> vector<896x2xf32>
    %get3A_149 = arith.constant 0 : index
    %get3A_150 = arith.constant 0 : index
    %get3A_151 = vector.load %arg10[%get3A_149, %get3A_150] : memref<1x2xf32, #tpu.memory_space<vmem>>, vector<1x2xf32>
    %add3A_152 = vector.broadcast %get3A_151 : vector<1x2xf32> to vector<896x2xf32>
    %add3A_153 = arith.addf %dot_general3A_148, %add3A_152 : vector<896x2xf32>
    %exp3A_154 = math.exp %add3A_153 : vector<896x2xf32>
    %add3A_155 = arith.addf %add3A_104, %exp3A_154 : vector<896x2xf32>
    %slice3A_156 = vector.extract_strided_slice %get3A_119 {offsets = [0, 0], sizes = [896, 64], strides = [1, 1]} : vector<896x128xf32> to vector<896x64xf32>
    %slice3A_157 = vector.extract_strided_slice %exp3A_154 {offsets = [0, 0], sizes = [896, 1], strides = [1, 1]} : vector<896x2xf32> to vector<896x1xf32>
    %mul3A_158 = vector.broadcast %slice3A_157 : vector<896x1xf32> to vector<896x64xf32>
    %mul3A_159 = arith.mulf %mul3A_158, %slice3A_156 : vector<896x64xf32>
    %add3A_160 = arith.addf %add3A_109, %mul3A_159 : vector<896x64xf32>
    %slice3A_161 = vector.extract_strided_slice %exp3A_154 {offsets = [0, 1], sizes = [896, 1], strides = [1, 1]} : vector<896x2xf32> to vector<896x1xf32>
    %mul3A_162 = vector.broadcast %slice3A_161 : vector<896x1xf32> to vector<896x64xf32>
    %mul3A_163 = arith.mulf %mul3A_162, %slice3A_156 : vector<896x64xf32>
    %add3A_164 = arith.addf %add3A_113, %mul3A_163 : vector<896x64xf32>
    %get3A_165 = arith.constant 0 : index
    %get3A_166 = arith.constant 3 : index
    %get3A_167 = arith.constant 0 : index
    %get3A_168 = arith.constant 0 : index
    %get3A_169 = vector.load %arg2[%get3A_165, %get3A_166, %get3A_167, %get3A_168] : memref<1x9x896x128xf32, #tpu.memory_space<vmem>>, vector<1x1x896x128xf32>
    %get3A_170 = vector.shape_cast %get3A_169 : vector<1x1x896x128xf32> to vector<896x128xf32>
    %get3A_171 = arith.constant 0 : index
    %get3A_172 = arith.constant 0 : index
    %get3A_173 = vector.load %arg5[%get3A_171, %get3A_172] : memref<128x130xf32, #tpu.memory_space<vmem>>, vector<128x130xf32>
    %dot_general3A_174 = arith.constant dense<0.000000e+00> : vector<896x130xf32>
    %dot_general3A_175 = tpu.matmul %get3A_170, %get3A_173, %dot_general3A_174 {dimension_numbers = #tpu.dot_dimension_numbers<[1], [0], [0], [1], [0, 0, 1, 1], [], []>, transpose_lhs_hint = false} : vector<896x128xf32>, vector<128x130xf32>, vector<896x130xf32> -> vector<896x130xf32>
    %get3A_176 = arith.constant 0 : index
    %get3A_177 = arith.constant 9 : index
    %get3A_178 = arith.constant 0 : index
    %get3A_179 = vector.load %arg4[%get3A_176, %get3A_177, %get3A_178] : memref<1x27x896xf32, #tpu.memory_space<vmem>>, vector<1x3x896xf32>
    %get3A_180 = vector.shape_cast %get3A_179 : vector<1x3x896xf32> to vector<3x896xf32>
    %get3A_181 = arith.constant 0 : index
    %get3A_182 = arith.constant 0 : index
    %get3A_183 = vector.load %arg7[%get3A_181, %get3A_182] : memref<3x130xf32, #tpu.memory_space<vmem>>, vector<3x130xf32>
    %dot_general3A_184 = arith.constant dense<0.000000e+00> : vector<896x130xf32>
    %dot_general3A_185 = tpu.matmul %get3A_180, %get3A_183, %dot_general3A_184 {dimension_numbers = #tpu.dot_dimension_numbers<[0], [0], [1], [1], [0, 1, 1, 1], [], []>, transpose_lhs_hint = false} : vector<3x896xf32>, vector<3x130xf32>, vector<896x130xf32> -> vector<896x130xf32>
    %add3A_186 = arith.addf %dot_general3A_175, %dot_general3A_185 : vector<896x130xf32>
    %add3A_187 = arith.addf %add3A_186, %add3A_11 : vector<896x130xf32>
    %ge3A_188 = arith.constant 0.000000e+00 : f32
    %ge3A_189 = vector.broadcast %ge3A_188 : f32 to vector<896x130xf32>
    %ge3A_190 = arith.cmpf oge, %add3A_187, %ge3A_189 : vector<896x130xf32>
    %mul3A_191 = arith.constant 2.000000e-01 : f32
    %mul3A_192 = vector.broadcast %mul3A_191 : f32 to vector<896x130xf32>
    %mul3A_193 = arith.mulf %mul3A_192, %add3A_187 : vector<896x130xf32>
    %select_n3A_194 = arith.select %ge3A_190, %add3A_187, %mul3A_193 : vector<896x130xi1>, vector<896x130xf32>
    %get3A_195 = arith.constant 0 : index
    %get3A_196 = arith.constant 0 : index
    %get3A_197 = vector.load %arg8[%get3A_195, %get3A_196] : memref<130x2xf32, #tpu.memory_space<vmem>>, vector<130x2xf32>
    %dot_general3A_198 = arith.constant dense<0.000000e+00> : vector<896x2xf32>
    %dot_general3A_199 = tpu.matmul %select_n3A_194, %get3A_197, %dot_general3A_198 {dimension_numbers = #tpu.dot_dimension_numbers<[1], [0], [0], [1], [0, 0, 1, 1], [], []>, transpose_lhs_hint = false} : vector<896x130xf32>, vector<130x2xf32>, vector<896x2xf32> -> vector<896x2xf32>
    %get3A_200 = arith.constant 0 : index
    %get3A_201 = arith.constant 0 : index
    %get3A_202 = vector.load %arg10[%get3A_200, %get3A_201] : memref<1x2xf32, #tpu.memory_space<vmem>>, vector<1x2xf32>
    %add3A_203 = vector.broadcast %get3A_202 : vector<1x2xf32> to vector<896x2xf32>
    %add3A_204 = arith.addf %dot_general3A_199, %add3A_203 : vector<896x2xf32>
    %exp3A_205 = math.exp %add3A_204 : vector<896x2xf32>
    %add3A_206 = arith.addf %add3A_155, %exp3A_205 : vector<896x2xf32>
    %slice3A_207 = vector.extract_strided_slice %get3A_170 {offsets = [0, 0], sizes = [896, 64], strides = [1, 1]} : vector<896x128xf32> to vector<896x64xf32>
    %slice3A_208 = vector.extract_strided_slice %exp3A_205 {offsets = [0, 0], sizes = [896, 1], strides = [1, 1]} : vector<896x2xf32> to vector<896x1xf32>
    %mul3A_209 = vector.broadcast %slice3A_208 : vector<896x1xf32> to vector<896x64xf32>
    %mul3A_210 = arith.mulf %mul3A_209, %slice3A_207 : vector<896x64xf32>
    %add3A_211 = arith.addf %add3A_160, %mul3A_210 : vector<896x64xf32>
    %slice3A_212 = vector.extract_strided_slice %exp3A_205 {offsets = [0, 1], sizes = [896, 1], strides = [1, 1]} : vector<896x2xf32> to vector<896x1xf32>
    %mul3A_213 = vector.broadcast %slice3A_212 : vector<896x1xf32> to vector<896x64xf32>
    %mul3A_214 = arith.mulf %mul3A_213, %slice3A_207 : vector<896x64xf32>
    %add3A_215 = arith.addf %add3A_164, %mul3A_214 : vector<896x64xf32>
    %get3A_216 = arith.constant 0 : index
    %get3A_217 = arith.constant 4 : index
    %get3A_218 = arith.constant 0 : index
    %get3A_219 = arith.constant 0 : index
    %get3A_220 = vector.load %arg2[%get3A_216, %get3A_217, %get3A_218, %get3A_219] : memref<1x9x896x128xf32, #tpu.memory_space<vmem>>, vector<1x1x896x128xf32>
    %get3A_221 = vector.shape_cast %get3A_220 : vector<1x1x896x128xf32> to vector<896x128xf32>
    %get3A_222 = arith.constant 0 : index
    %get3A_223 = arith.constant 0 : index
    %get3A_224 = vector.load %arg5[%get3A_222, %get3A_223] : memref<128x130xf32, #tpu.memory_space<vmem>>, vector<128x130xf32>
    %dot_general3A_225 = arith.constant dense<0.000000e+00> : vector<896x130xf32>
    %dot_general3A_226 = tpu.matmul %get3A_221, %get3A_224, %dot_general3A_225 {dimension_numbers = #tpu.dot_dimension_numbers<[1], [0], [0], [1], [0, 0, 1, 1], [], []>, transpose_lhs_hint = false} : vector<896x128xf32>, vector<128x130xf32>, vector<896x130xf32> -> vector<896x130xf32>
    %get3A_227 = arith.constant 0 : index
    %get3A_228 = arith.constant 12 : index
    %get3A_229 = arith.constant 0 : index
    %get3A_230 = vector.load %arg4[%get3A_227, %get3A_228, %get3A_229] : memref<1x27x896xf32, #tpu.memory_space<vmem>>, vector<1x3x896xf32>
    %get3A_231 = vector.shape_cast %get3A_230 : vector<1x3x896xf32> to vector<3x896xf32>
    %get3A_232 = arith.constant 0 : index
    %get3A_233 = arith.constant 0 : index
    %get3A_234 = vector.load %arg7[%get3A_232, %get3A_233] : memref<3x130xf32, #tpu.memory_space<vmem>>, vector<3x130xf32>
    %dot_general3A_235 = arith.constant dense<0.000000e+00> : vector<896x130xf32>
    %dot_general3A_236 = tpu.matmul %get3A_231, %get3A_234, %dot_general3A_235 {dimension_numbers = #tpu.dot_dimension_numbers<[0], [0], [1], [1], [0, 1, 1, 1], [], []>, transpose_lhs_hint = false} : vector<3x896xf32>, vector<3x130xf32>, vector<896x130xf32> -> vector<896x130xf32>
    %add3A_237 = arith.addf %dot_general3A_226, %dot_general3A_236 : vector<896x130xf32>
    %add3A_238 = arith.addf %add3A_237, %add3A_11 : vector<896x130xf32>
    %ge3A_239 = arith.constant 0.000000e+00 : f32
    %ge3A_240 = vector.broadcast %ge3A_239 : f32 to vector<896x130xf32>
    %ge3A_241 = arith.cmpf oge, %add3A_238, %ge3A_240 : vector<896x130xf32>
    %mul3A_242 = arith.constant 2.000000e-01 : f32
    %mul3A_243 = vector.broadcast %mul3A_242 : f32 to vector<896x130xf32>
    %mul3A_244 = arith.mulf %mul3A_243, %add3A_238 : vector<896x130xf32>
    %select_n3A_245 = arith.select %ge3A_241, %add3A_238, %mul3A_244 : vector<896x130xi1>, vector<896x130xf32>
    %get3A_246 = arith.constant 0 : index
    %get3A_247 = arith.constant 0 : index
    %get3A_248 = vector.load %arg8[%get3A_246, %get3A_247] : memref<130x2xf32, #tpu.memory_space<vmem>>, vector<130x2xf32>
    %dot_general3A_249 = arith.constant dense<0.000000e+00> : vector<896x2xf32>
    %dot_general3A_250 = tpu.matmul %select_n3A_245, %get3A_248, %dot_general3A_249 {dimension_numbers = #tpu.dot_dimension_numbers<[1], [0], [0], [1], [0, 0, 1, 1], [], []>, transpose_lhs_hint = false} : vector<896x130xf32>, vector<130x2xf32>, vector<896x2xf32> -> vector<896x2xf32>
    %get3A_251 = arith.constant 0 : index
    %get3A_252 = arith.constant 0 : index
    %get3A_253 = vector.load %arg10[%get3A_251, %get3A_252] : memref<1x2xf32, #tpu.memory_space<vmem>>, vector<1x2xf32>
    %add3A_254 = vector.broadcast %get3A_253 : vector<1x2xf32> to vector<896x2xf32>
    %add3A_255 = arith.addf %dot_general3A_250, %add3A_254 : vector<896x2xf32>
    %exp3A_256 = math.exp %add3A_255 : vector<896x2xf32>
    %add3A_257 = arith.addf %add3A_206, %exp3A_256 : vector<896x2xf32>
    %slice3A_258 = vector.extract_strided_slice %get3A_221 {offsets = [0, 0], sizes = [896, 64], strides = [1, 1]} : vector<896x128xf32> to vector<896x64xf32>
    %slice3A_259 = vector.extract_strided_slice %exp3A_256 {offsets = [0, 0], sizes = [896, 1], strides = [1, 1]} : vector<896x2xf32> to vector<896x1xf32>
    %mul3A_260 = vector.broadcast %slice3A_259 : vector<896x1xf32> to vector<896x64xf32>
    %mul3A_261 = arith.mulf %mul3A_260, %slice3A_258 : vector<896x64xf32>
    %add3A_262 = arith.addf %add3A_211, %mul3A_261 : vector<896x64xf32>
    %slice3A_263 = vector.extract_strided_slice %exp3A_256 {offsets = [0, 1], sizes = [896, 1], strides = [1, 1]} : vector<896x2xf32> to vector<896x1xf32>
    %mul3A_264 = vector.broadcast %slice3A_263 : vector<896x1xf32> to vector<896x64xf32>
    %mul3A_265 = arith.mulf %mul3A_264, %slice3A_258 : vector<896x64xf32>
    %add3A_266 = arith.addf %add3A_215, %mul3A_265 : vector<896x64xf32>
    %get3A_267 = arith.constant 0 : index
    %get3A_268 = arith.constant 5 : index
    %get3A_269 = arith.constant 0 : index
    %get3A_270 = arith.constant 0 : index
    %get3A_271 = vector.load %arg2[%get3A_267, %get3A_268, %get3A_269, %get3A_270] : memref<1x9x896x128xf32, #tpu.memory_space<vmem>>, vector<1x1x896x128xf32>
    %get3A_272 = vector.shape_cast %get3A_271 : vector<1x1x896x128xf32> to vector<896x128xf32>
    %get3A_273 = arith.constant 0 : index
    %get3A_274 = arith.constant 0 : index
    %get3A_275 = vector.load %arg5[%get3A_273, %get3A_274] : memref<128x130xf32, #tpu.memory_space<vmem>>, vector<128x130xf32>
    %dot_general3A_276 = arith.constant dense<0.000000e+00> : vector<896x130xf32>
    %dot_general3A_277 = tpu.matmul %get3A_272, %get3A_275, %dot_general3A_276 {dimension_numbers = #tpu.dot_dimension_numbers<[1], [0], [0], [1], [0, 0, 1, 1], [], []>, transpose_lhs_hint = false} : vector<896x128xf32>, vector<128x130xf32>, vector<896x130xf32> -> vector<896x130xf32>
    %get3A_278 = arith.constant 0 : index
    %get3A_279 = arith.constant 15 : index
    %get3A_280 = arith.constant 0 : index
    %get3A_281 = vector.load %arg4[%get3A_278, %get3A_279, %get3A_280] : memref<1x27x896xf32, #tpu.memory_space<vmem>>, vector<1x3x896xf32>
    %get3A_282 = vector.shape_cast %get3A_281 : vector<1x3x896xf32> to vector<3x896xf32>
    %get3A_283 = arith.constant 0 : index
    %get3A_284 = arith.constant 0 : index
    %get3A_285 = vector.load %arg7[%get3A_283, %get3A_284] : memref<3x130xf32, #tpu.memory_space<vmem>>, vector<3x130xf32>
    %dot_general3A_286 = arith.constant dense<0.000000e+00> : vector<896x130xf32>
    %dot_general3A_287 = tpu.matmul %get3A_282, %get3A_285, %dot_general3A_286 {dimension_numbers = #tpu.dot_dimension_numbers<[0], [0], [1], [1], [0, 1, 1, 1], [], []>, transpose_lhs_hint = false} : vector<3x896xf32>, vector<3x130xf32>, vector<896x130xf32> -> vector<896x130xf32>
    %add3A_288 = arith.addf %dot_general3A_277, %dot_general3A_287 : vector<896x130xf32>
    %add3A_289 = arith.addf %add3A_288, %add3A_11 : vector<896x130xf32>
    %ge3A_290 = arith.constant 0.000000e+00 : f32
    %ge3A_291 = vector.broadcast %ge3A_290 : f32 to vector<896x130xf32>
    %ge3A_292 = arith.cmpf oge, %add3A_289, %ge3A_291 : vector<896x130xf32>
    %mul3A_293 = arith.constant 2.000000e-01 : f32
    %mul3A_294 = vector.broadcast %mul3A_293 : f32 to vector<896x130xf32>
    %mul3A_295 = arith.mulf %mul3A_294, %add3A_289 : vector<896x130xf32>
    %select_n3A_296 = arith.select %ge3A_292, %add3A_289, %mul3A_295 : vector<896x130xi1>, vector<896x130xf32>
    %get3A_297 = arith.constant 0 : index
    %get3A_298 = arith.constant 0 : index
    %get3A_299 = vector.load %arg8[%get3A_297, %get3A_298] : memref<130x2xf32, #tpu.memory_space<vmem>>, vector<130x2xf32>
    %dot_general3A_300 = arith.constant dense<0.000000e+00> : vector<896x2xf32>
    %dot_general3A_301 = tpu.matmul %select_n3A_296, %get3A_299, %dot_general3A_300 {dimension_numbers = #tpu.dot_dimension_numbers<[1], [0], [0], [1], [0, 0, 1, 1], [], []>, transpose_lhs_hint = false} : vector<896x130xf32>, vector<130x2xf32>, vector<896x2xf32> -> vector<896x2xf32>
    %get3A_302 = arith.constant 0 : index
    %get3A_303 = arith.constant 0 : index
    %get3A_304 = vector.load %arg10[%get3A_302, %get3A_303] : memref<1x2xf32, #tpu.memory_space<vmem>>, vector<1x2xf32>
    %add3A_305 = vector.broadcast %get3A_304 : vector<1x2xf32> to vector<896x2xf32>
    %add3A_306 = arith.addf %dot_general3A_301, %add3A_305 : vector<896x2xf32>
    %exp3A_307 = math.exp %add3A_306 : vector<896x2xf32>
    %add3A_308 = arith.addf %add3A_257, %exp3A_307 : vector<896x2xf32>
    %slice3A_309 = vector.extract_strided_slice %get3A_272 {offsets = [0, 0], sizes = [896, 64], strides = [1, 1]} : vector<896x128xf32> to vector<896x64xf32>
    %slice3A_310 = vector.extract_strided_slice %exp3A_307 {offsets = [0, 0], sizes = [896, 1], strides = [1, 1]} : vector<896x2xf32> to vector<896x1xf32>
    %mul3A_311 = vector.broadcast %slice3A_310 : vector<896x1xf32> to vector<896x64xf32>
    %mul3A_312 = arith.mulf %mul3A_311, %slice3A_309 : vector<896x64xf32>
    %add3A_313 = arith.addf %add3A_262, %mul3A_312 : vector<896x64xf32>
    %slice3A_314 = vector.extract_strided_slice %exp3A_307 {offsets = [0, 1], sizes = [896, 1], strides = [1, 1]} : vector<896x2xf32> to vector<896x1xf32>
    %mul3A_315 = vector.broadcast %slice3A_314 : vector<896x1xf32> to vector<896x64xf32>
    %mul3A_316 = arith.mulf %mul3A_315, %slice3A_309 : vector<896x64xf32>
    %add3A_317 = arith.addf %add3A_266, %mul3A_316 : vector<896x64xf32>
    %get3A_318 = arith.constant 0 : index
    %get3A_319 = arith.constant 6 : index
    %get3A_320 = arith.constant 0 : index
    %get3A_321 = arith.constant 0 : index
    %get3A_322 = vector.load %arg2[%get3A_318, %get3A_319, %get3A_320, %get3A_321] : memref<1x9x896x128xf32, #tpu.memory_space<vmem>>, vector<1x1x896x128xf32>
    %get3A_323 = vector.shape_cast %get3A_322 : vector<1x1x896x128xf32> to vector<896x128xf32>
    %get3A_324 = arith.constant 0 : index
    %get3A_325 = arith.constant 0 : index
    %get3A_326 = vector.load %arg5[%get3A_324, %get3A_325] : memref<128x130xf32, #tpu.memory_space<vmem>>, vector<128x130xf32>
    %dot_general3A_327 = arith.constant dense<0.000000e+00> : vector<896x130xf32>
    %dot_general3A_328 = tpu.matmul %get3A_323, %get3A_326, %dot_general3A_327 {dimension_numbers = #tpu.dot_dimension_numbers<[1], [0], [0], [1], [0, 0, 1, 1], [], []>, transpose_lhs_hint = false} : vector<896x128xf32>, vector<128x130xf32>, vector<896x130xf32> -> vector<896x130xf32>
    %get3A_329 = arith.constant 0 : index
    %get3A_330 = arith.constant 18 : index
    %get3A_331 = arith.constant 0 : index
    %get3A_332 = vector.load %arg4[%get3A_329, %get3A_330, %get3A_331] : memref<1x27x896xf32, #tpu.memory_space<vmem>>, vector<1x3x896xf32>
    %get3A_333 = vector.shape_cast %get3A_332 : vector<1x3x896xf32> to vector<3x896xf32>
    %get3A_334 = arith.constant 0 : index
    %get3A_335 = arith.constant 0 : index
    %get3A_336 = vector.load %arg7[%get3A_334, %get3A_335] : memref<3x130xf32, #tpu.memory_space<vmem>>, vector<3x130xf32>
    %dot_general3A_337 = arith.constant dense<0.000000e+00> : vector<896x130xf32>
    %dot_general3A_338 = tpu.matmul %get3A_333, %get3A_336, %dot_general3A_337 {dimension_numbers = #tpu.dot_dimension_numbers<[0], [0], [1], [1], [0, 1, 1, 1], [], []>, transpose_lhs_hint = false} : vector<3x896xf32>, vector<3x130xf32>, vector<896x130xf32> -> vector<896x130xf32>
    %add3A_339 = arith.addf %dot_general3A_328, %dot_general3A_338 : vector<896x130xf32>
    %add3A_340 = arith.addf %add3A_339, %add3A_11 : vector<896x130xf32>
    %ge3A_341 = arith.constant 0.000000e+00 : f32
    %ge3A_342 = vector.broadcast %ge3A_341 : f32 to vector<896x130xf32>
    %ge3A_343 = arith.cmpf oge, %add3A_340, %ge3A_342 : vector<896x130xf32>
    %mul3A_344 = arith.constant 2.000000e-01 : f32
    %mul3A_345 = vector.broadcast %mul3A_344 : f32 to vector<896x130xf32>
    %mul3A_346 = arith.mulf %mul3A_345, %add3A_340 : vector<896x130xf32>
    %select_n3A_347 = arith.select %ge3A_343, %add3A_340, %mul3A_346 : vector<896x130xi1>, vector<896x130xf32>
    %get3A_348 = arith.constant 0 : index
    %get3A_349 = arith.constant 0 : index
    %get3A_350 = vector.load %arg8[%get3A_348, %get3A_349] : memref<130x2xf32, #tpu.memory_space<vmem>>, vector<130x2xf32>
    %dot_general3A_351 = arith.constant dense<0.000000e+00> : vector<896x2xf32>
    %dot_general3A_352 = tpu.matmul %select_n3A_347, %get3A_350, %dot_general3A_351 {dimension_numbers = #tpu.dot_dimension_numbers<[1], [0], [0], [1], [0, 0, 1, 1], [], []>, transpose_lhs_hint = false} : vector<896x130xf32>, vector<130x2xf32>, vector<896x2xf32> -> vector<896x2xf32>
    %get3A_353 = arith.constant 0 : index
    %get3A_354 = arith.constant 0 : index
    %get3A_355 = vector.load %arg10[%get3A_353, %get3A_354] : memref<1x2xf32, #tpu.memory_space<vmem>>, vector<1x2xf32>
    %add3A_356 = vector.broadcast %get3A_355 : vector<1x2xf32> to vector<896x2xf32>
    %add3A_357 = arith.addf %dot_general3A_352, %add3A_356 : vector<896x2xf32>
    %exp3A_358 = math.exp %add3A_357 : vector<896x2xf32>
    %add3A_359 = arith.addf %add3A_308, %exp3A_358 : vector<896x2xf32>
    %slice3A_360 = vector.extract_strided_slice %get3A_323 {offsets = [0, 0], sizes = [896, 64], strides = [1, 1]} : vector<896x128xf32> to vector<896x64xf32>
    %slice3A_361 = vector.extract_strided_slice %exp3A_358 {offsets = [0, 0], sizes = [896, 1], strides = [1, 1]} : vector<896x2xf32> to vector<896x1xf32>
    %mul3A_362 = vector.broadcast %slice3A_361 : vector<896x1xf32> to vector<896x64xf32>
    %mul3A_363 = arith.mulf %mul3A_362, %slice3A_360 : vector<896x64xf32>
    %add3A_364 = arith.addf %add3A_313, %mul3A_363 : vector<896x64xf32>
    %slice3A_365 = vector.extract_strided_slice %exp3A_358 {offsets = [0, 1], sizes = [896, 1], strides = [1, 1]} : vector<896x2xf32> to vector<896x1xf32>
    %mul3A_366 = vector.broadcast %slice3A_365 : vector<896x1xf32> to vector<896x64xf32>
    %mul3A_367 = arith.mulf %mul3A_366, %slice3A_360 : vector<896x64xf32>
    %add3A_368 = arith.addf %add3A_317, %mul3A_367 : vector<896x64xf32>
    %get3A_369 = arith.constant 0 : index
    %get3A_370 = arith.constant 7 : index
    %get3A_371 = arith.constant 0 : index
    %get3A_372 = arith.constant 0 : index
    %get3A_373 = vector.load %arg2[%get3A_369, %get3A_370, %get3A_371, %get3A_372] : memref<1x9x896x128xf32, #tpu.memory_space<vmem>>, vector<1x1x896x128xf32>
    %get3A_374 = vector.shape_cast %get3A_373 : vector<1x1x896x128xf32> to vector<896x128xf32>
    %get3A_375 = arith.constant 0 : index
    %get3A_376 = arith.constant 0 : index
    %get3A_377 = vector.load %arg5[%get3A_375, %get3A_376] : memref<128x130xf32, #tpu.memory_space<vmem>>, vector<128x130xf32>
    %dot_general3A_378 = arith.constant dense<0.000000e+00> : vector<896x130xf32>
    %dot_general3A_379 = tpu.matmul %get3A_374, %get3A_377, %dot_general3A_378 {dimension_numbers = #tpu.dot_dimension_numbers<[1], [0], [0], [1], [0, 0, 1, 1], [], []>, transpose_lhs_hint = false} : vector<896x128xf32>, vector<128x130xf32>, vector<896x130xf32> -> vector<896x130xf32>
    %get3A_380 = arith.constant 0 : index
    %get3A_381 = arith.constant 21 : index
    %get3A_382 = arith.constant 0 : index
    %get3A_383 = vector.load %arg4[%get3A_380, %get3A_381, %get3A_382] : memref<1x27x896xf32, #tpu.memory_space<vmem>>, vector<1x3x896xf32>
    %get3A_384 = vector.shape_cast %get3A_383 : vector<1x3x896xf32> to vector<3x896xf32>
    %get3A_385 = arith.constant 0 : index
    %get3A_386 = arith.constant 0 : index
    %get3A_387 = vector.load %arg7[%get3A_385, %get3A_386] : memref<3x130xf32, #tpu.memory_space<vmem>>, vector<3x130xf32>
    %dot_general3A_388 = arith.constant dense<0.000000e+00> : vector<896x130xf32>
    %dot_general3A_389 = tpu.matmul %get3A_384, %get3A_387, %dot_general3A_388 {dimension_numbers = #tpu.dot_dimension_numbers<[0], [0], [1], [1], [0, 1, 1, 1], [], []>, transpose_lhs_hint = false} : vector<3x896xf32>, vector<3x130xf32>, vector<896x130xf32> -> vector<896x130xf32>
    %add3A_390 = arith.addf %dot_general3A_379, %dot_general3A_389 : vector<896x130xf32>
    %add3A_391 = arith.addf %add3A_390, %add3A_11 : vector<896x130xf32>
    %ge3A_392 = arith.constant 0.000000e+00 : f32
    %ge3A_393 = vector.broadcast %ge3A_392 : f32 to vector<896x130xf32>
    %ge3A_394 = arith.cmpf oge, %add3A_391, %ge3A_393 : vector<896x130xf32>
    %mul3A_395 = arith.constant 2.000000e-01 : f32
    %mul3A_396 = vector.broadcast %mul3A_395 : f32 to vector<896x130xf32>
    %mul3A_397 = arith.mulf %mul3A_396, %add3A_391 : vector<896x130xf32>
    %select_n3A_398 = arith.select %ge3A_394, %add3A_391, %mul3A_397 : vector<896x130xi1>, vector<896x130xf32>
    %get3A_399 = arith.constant 0 : index
    %get3A_400 = arith.constant 0 : index
    %get3A_401 = vector.load %arg8[%get3A_399, %get3A_400] : memref<130x2xf32, #tpu.memory_space<vmem>>, vector<130x2xf32>
    %dot_general3A_402 = arith.constant dense<0.000000e+00> : vector<896x2xf32>
    %dot_general3A_403 = tpu.matmul %select_n3A_398, %get3A_401, %dot_general3A_402 {dimension_numbers = #tpu.dot_dimension_numbers<[1], [0], [0], [1], [0, 0, 1, 1], [], []>, transpose_lhs_hint = false} : vector<896x130xf32>, vector<130x2xf32>, vector<896x2xf32> -> vector<896x2xf32>
    %get3A_404 = arith.constant 0 : index
    %get3A_405 = arith.constant 0 : index
    %get3A_406 = vector.load %arg10[%get3A_404, %get3A_405] : memref<1x2xf32, #tpu.memory_space<vmem>>, vector<1x2xf32>
    %add3A_407 = vector.broadcast %get3A_406 : vector<1x2xf32> to vector<896x2xf32>
    %add3A_408 = arith.addf %dot_general3A_403, %add3A_407 : vector<896x2xf32>
    %exp3A_409 = math.exp %add3A_408 : vector<896x2xf32>
    %add3A_410 = arith.addf %add3A_359, %exp3A_409 : vector<896x2xf32>
    %slice3A_411 = vector.extract_strided_slice %get3A_374 {offsets = [0, 0], sizes = [896, 64], strides = [1, 1]} : vector<896x128xf32> to vector<896x64xf32>
    %slice3A_412 = vector.extract_strided_slice %exp3A_409 {offsets = [0, 0], sizes = [896, 1], strides = [1, 1]} : vector<896x2xf32> to vector<896x1xf32>
    %mul3A_413 = vector.broadcast %slice3A_412 : vector<896x1xf32> to vector<896x64xf32>
    %mul3A_414 = arith.mulf %mul3A_413, %slice3A_411 : vector<896x64xf32>
    %add3A_415 = arith.addf %add3A_364, %mul3A_414 : vector<896x64xf32>
    %slice3A_416 = vector.extract_strided_slice %exp3A_409 {offsets = [0, 1], sizes = [896, 1], strides = [1, 1]} : vector<896x2xf32> to vector<896x1xf32>
    %mul3A_417 = vector.broadcast %slice3A_416 : vector<896x1xf32> to vector<896x64xf32>
    %mul3A_418 = arith.mulf %mul3A_417, %slice3A_411 : vector<896x64xf32>
    %add3A_419 = arith.addf %add3A_368, %mul3A_418 : vector<896x64xf32>
    %get3A_420 = arith.constant 0 : index
    %get3A_421 = arith.constant 8 : index
    %get3A_422 = arith.constant 0 : index
    %get3A_423 = arith.constant 0 : index
    %get3A_424 = vector.load %arg2[%get3A_420, %get3A_421, %get3A_422, %get3A_423] : memref<1x9x896x128xf32, #tpu.memory_space<vmem>>, vector<1x1x896x128xf32>
    %get3A_425 = vector.shape_cast %get3A_424 : vector<1x1x896x128xf32> to vector<896x128xf32>
    %get3A_426 = arith.constant 0 : index
    %get3A_427 = arith.constant 0 : index
    %get3A_428 = vector.load %arg5[%get3A_426, %get3A_427] : memref<128x130xf32, #tpu.memory_space<vmem>>, vector<128x130xf32>
    %dot_general3A_429 = arith.constant dense<0.000000e+00> : vector<896x130xf32>
    %dot_general3A_430 = tpu.matmul %get3A_425, %get3A_428, %dot_general3A_429 {dimension_numbers = #tpu.dot_dimension_numbers<[1], [0], [0], [1], [0, 0, 1, 1], [], []>, transpose_lhs_hint = false} : vector<896x128xf32>, vector<128x130xf32>, vector<896x130xf32> -> vector<896x130xf32>
    %get3A_431 = arith.constant 0 : index
    %get3A_432 = arith.constant 24 : index
    %get3A_433 = arith.constant 0 : index
    %get3A_434 = vector.load %arg4[%get3A_431, %get3A_432, %get3A_433] : memref<1x27x896xf32, #tpu.memory_space<vmem>>, vector<1x3x896xf32>
    %get3A_435 = vector.shape_cast %get3A_434 : vector<1x3x896xf32> to vector<3x896xf32>
    %get3A_436 = arith.constant 0 : index
    %get3A_437 = arith.constant 0 : index
    %get3A_438 = vector.load %arg7[%get3A_436, %get3A_437] : memref<3x130xf32, #tpu.memory_space<vmem>>, vector<3x130xf32>
    %dot_general3A_439 = arith.constant dense<0.000000e+00> : vector<896x130xf32>
    %dot_general3A_440 = tpu.matmul %get3A_435, %get3A_438, %dot_general3A_439 {dimension_numbers = #tpu.dot_dimension_numbers<[0], [0], [1], [1], [0, 1, 1, 1], [], []>, transpose_lhs_hint = false} : vector<3x896xf32>, vector<3x130xf32>, vector<896x130xf32> -> vector<896x130xf32>
    %add3A_441 = arith.addf %dot_general3A_430, %dot_general3A_440 : vector<896x130xf32>
    %add3A_442 = arith.addf %add3A_441, %add3A_11 : vector<896x130xf32>
    %ge3A_443 = arith.constant 0.000000e+00 : f32
    %ge3A_444 = vector.broadcast %ge3A_443 : f32 to vector<896x130xf32>
    %ge3A_445 = arith.cmpf oge, %add3A_442, %ge3A_444 : vector<896x130xf32>
    %mul3A_446 = arith.constant 2.000000e-01 : f32
    %mul3A_447 = vector.broadcast %mul3A_446 : f32 to vector<896x130xf32>
    %mul3A_448 = arith.mulf %mul3A_447, %add3A_442 : vector<896x130xf32>
    %select_n3A_449 = arith.select %ge3A_445, %add3A_442, %mul3A_448 : vector<896x130xi1>, vector<896x130xf32>
    %get3A_450 = arith.constant 0 : index
    %get3A_451 = arith.constant 0 : index
    %get3A_452 = vector.load %arg8[%get3A_450, %get3A_451] : memref<130x2xf32, #tpu.memory_space<vmem>>, vector<130x2xf32>
    %dot_general3A_453 = arith.constant dense<0.000000e+00> : vector<896x2xf32>
    %dot_general3A_454 = tpu.matmul %select_n3A_449, %get3A_452, %dot_general3A_453 {dimension_numbers = #tpu.dot_dimension_numbers<[1], [0], [0], [1], [0, 0, 1, 1], [], []>, transpose_lhs_hint = false} : vector<896x130xf32>, vector<130x2xf32>, vector<896x2xf32> -> vector<896x2xf32>
    %get3A_455 = arith.constant 0 : index
    %get3A_456 = arith.constant 0 : index
    %get3A_457 = vector.load %arg10[%get3A_455, %get3A_456] : memref<1x2xf32, #tpu.memory_space<vmem>>, vector<1x2xf32>
    %add3A_458 = vector.broadcast %get3A_457 : vector<1x2xf32> to vector<896x2xf32>
    %add3A_459 = arith.addf %dot_general3A_454, %add3A_458 : vector<896x2xf32>
    %exp3A_460 = math.exp %add3A_459 : vector<896x2xf32>
    %add3A_461 = arith.addf %add3A_410, %exp3A_460 : vector<896x2xf32>
    %slice3A_462 = vector.extract_strided_slice %get3A_425 {offsets = [0, 0], sizes = [896, 64], strides = [1, 1]} : vector<896x128xf32> to vector<896x64xf32>
    %slice3A_463 = vector.extract_strided_slice %exp3A_460 {offsets = [0, 0], sizes = [896, 1], strides = [1, 1]} : vector<896x2xf32> to vector<896x1xf32>
    %mul3A_464 = vector.broadcast %slice3A_463 : vector<896x1xf32> to vector<896x64xf32>
    %mul3A_465 = arith.mulf %mul3A_464, %slice3A_462 : vector<896x64xf32>
    %add3A_466 = arith.addf %add3A_415, %mul3A_465 : vector<896x64xf32>
    %slice3A_467 = vector.extract_strided_slice %exp3A_460 {offsets = [0, 1], sizes = [896, 1], strides = [1, 1]} : vector<896x2xf32> to vector<896x1xf32>
    %mul3A_468 = vector.broadcast %slice3A_467 : vector<896x1xf32> to vector<896x64xf32>
    %mul3A_469 = arith.mulf %mul3A_468, %slice3A_462 : vector<896x64xf32>
    %add3A_470 = arith.addf %add3A_419, %mul3A_469 : vector<896x64xf32>
    %div3A = arith.constant 1.000000e+00 : f32
    %div3A_471 = vector.broadcast %div3A : f32 to vector<896x2xf32>
    %div3A_472 = arith.divf %div3A_471, %add3A_461 : vector<896x2xf32>
    %slice3A_473 = vector.extract_strided_slice %div3A_472 {offsets = [0, 0], sizes = [896, 1], strides = [1, 1]} : vector<896x2xf32> to vector<896x1xf32>
    %mul3A_474 = vector.broadcast %slice3A_473 : vector<896x1xf32> to vector<896x64xf32>
    %mul3A_475 = arith.mulf %add3A_466, %mul3A_474 : vector<896x64xf32>
    %slice3A_476 = vector.extract_strided_slice %div3A_472 {offsets = [0, 1], sizes = [896, 1], strides = [1, 1]} : vector<896x2xf32> to vector<896x1xf32>
    %mul3A_477 = vector.broadcast %slice3A_476 : vector<896x1xf32> to vector<896x64xf32>
    %mul3A_478 = arith.mulf %add3A_470, %mul3A_477 : vector<896x64xf32>
    %concatenate3A = tpu.concatenate %mul3A_475, %mul3A_478 in 1 : vector<896x64xf32>, vector<896x64xf32> -> vector<896x128xf32>
    %get3A_479 = arith.constant 0 : index
    %get3A_480 = arith.constant 0 : index
    %get3A_481 = vector.load %arg11[%get3A_479, %get3A_480] : memref<1x128xf32, #tpu.memory_space<vmem>>, vector<1x128xf32>
    %add3A_482 = vector.broadcast %get3A_481 : vector<1x128xf32> to vector<896x128xf32>
    %add3A_483 = arith.addf %concatenate3A, %add3A_482 : vector<896x128xf32>
    %iota3A = tpu.iota {dimensions = array<i32: 1>} : vector<896x128xi32>
    %ne3A = arith.constant 0 : i32
    %ne3A_484 = vector.broadcast %ne3A : i32 to vector<896x128xi32>
    %ne3A_485 = arith.cmpi ne, %iota3A, %ne3A_484 : vector<896x128xi32>
    %ne3A_486 = arith.constant 64 : i32
    %ne3A_487 = vector.broadcast %ne3A_486 : i32 to vector<896x128xi32>
    %ne3A_488 = arith.cmpi ne, %iota3A, %ne3A_487 : vector<896x128xi32>
    %and3A = arith.andi %ne3A_485, %ne3A_488 : vector<896x128xi1>
    %jit3A = arith.constant 0.000000e+00 : f32
    %broadcast_in_dim3A_489 = vector.broadcast %jit3A : f32 to vector<896x128xf32>
    %select_n3A_490 = arith.select %and3A, %get3A_3, %broadcast_in_dim3A_489 : vector<896x128xi1>, vector<896x128xf32>
    %add3A_491 = arith.addf %add3A_483, %select_n3A_490 : vector<896x128xf32>
    %swap3A = arith.constant 0 : index
    %swap3A_492 = arith.constant 0 : index
    %swap3A_493 = arith.constant 0 : index
    %swap3A_494 = vector.load %arg12[%swap3A, %swap3A_492, %swap3A_493] : memref<1x896x128xf32, #tpu.memory_space<vmem>>, vector<1x896x128xf32>
    %swap3A_495 = vector.shape_cast %swap3A_494 : vector<1x896x128xf32> to vector<896x128xf32>
    %swap3A_496 = vector.shape_cast %add3A_491 : vector<896x128xf32> to vector<1x896x128xf32>
    tpu.vector_store %arg12[%swap3A, %swap3A_492, %swap3A_493], %swap3A_496 {strides = array<i32>} : memref<1x896x128xf32, #tpu.memory_space<vmem>>, vector<1x896x128xf32>,
    return
  }
  func.func @transform_0(%arg0: i32, %arg1: i32) -> (i32, i32, i32, i32) {
    %c0_i32 = arith.constant 0 : i32
    %c0_i32_0 = arith.constant 0 : i32
    %c0_i32_1 = arith.constant 0 : i32
    return %arg0, %c0_i32, %arg1, %c0_i32_0 : i32, i32, i32, i32
  }
  func.func @transform_1(%arg0: i32, %arg1: i32) -> (i32, i32, i32) {
    %c0_i32 = arith.constant 0 : i32
    %c0_i32_0 = arith.constant 0 : i32
    return %arg0, %arg1, %c0_i32 : i32, i32, i32
  }
  func.func @transform_2(%arg0: i32, %arg1: i32) -> (i32, i32, i32) {
    %c0_i32 = arith.constant 0 : i32
    %c0_i32_0 = arith.constant 0 : i32
    return %arg0, %c0_i32, %arg1 : i32, i32, i32
  }
  func.func @transform_3(%arg0: i32, %arg1: i32) -> (i32, i32) {
    %c0_i32 = arith.constant 0 : i32
    %c0_i32_0 = arith.constant 0 : i32
    %c0_i32_1 = arith.constant 0 : i32
    return %c0_i32, %c0_i32_0 : i32, i32
  }
  func.func @transform_4(%arg0: i32, %arg1: i32) -> (i32, i32) {
    %c0_i32 = arith.constant 0 : i32
    %c0_i32_0 = arith.constant 0 : i32
    %c0_i32_1 = arith.constant 0 : i32
    return %c0_i32, %c0_i32_0 : i32, i32
  }
  func.func @transform_5(%arg0: i32, %arg1: i32) -> (i32, i32) {
    %c0_i32 = arith.constant 0 : i32
    %c0_i32_0 = arith.constant 0 : i32
    %c0_i32_1 = arith.constant 0 : i32
    return %c0_i32, %c0_i32_0 : i32, i32
  }
  func.func @transform_6(%arg0: i32, %arg1: i32) -> (i32, i32) {
    %c0_i32 = arith.constant 0 : i32
    %c0_i32_0 = arith.constant 0 : i32
    %c0_i32_1 = arith.constant 0 : i32
    return %c0_i32, %c0_i32_0 : i32, i32
  }
  func.func @transform_7(%arg0: i32, %arg1: i32) -> (i32, i32) {
    %c0_i32 = arith.constant 0 : i32
    %c0_i32_0 = arith.constant 0 : i32
    %c0_i32_1 = arith.constant 0 : i32
    return %c0_i32, %c0_i32_0 : i32, i32
  }
  func.func @transform_8(%arg0: i32, %arg1: i32) -> (i32, i32) {
    %c0_i32 = arith.constant 0 : i32
    %c0_i32_0 = arith.constant 0 : i32
    %c0_i32_1 = arith.constant 0 : i32
    return %c0_i32, %c0_i32_0 : i32, i32
  }
  func.func @transform_9(%arg0: i32, %arg1: i32) -> (i32, i32) {
    %c0_i32 = arith.constant 0 : i32
    %c0_i32_0 = arith.constant 0 : i32
    %c0_i32_1 = arith.constant 0 : i32
    return %c0_i32, %c0_i32_0 : i32, i32
  }
  func.func @transform_10(%arg0: i32, %arg1: i32) -> (i32, i32, i32) {
    %c0_i32 = arith.constant 0 : i32
    %c0_i32_0 = arith.constant 0 : i32
    return %arg0, %arg1, %c0_i32 : i32, i32, i32
  }
}

module attributes {stable_mosaic.version = 14 : i64} {
  func.func @_conv2_body(%arg0: i32, %arg1: i32, %arg2: memref<1x3584x128xf32, #tpu.memory_space<vmem>>, %arg3: memref<1x3584x128xf32, #tpu.memory_space<vmem>>, %arg4: memref<1x3584x128xf32, #tpu.memory_space<vmem>>, %arg5: memref<1x3584x128xf32, #tpu.memory_space<vmem>>, %arg6: memref<9x128x128xf32, #tpu.memory_space<vmem>>, %arg7: memref<1x128xf32, #tpu.memory_space<vmem>>, %arg8: memref<1x3584x128xf32, #tpu.memory_space<vmem>>, %arg9: memref<10752x128xf32, #tpu.memory_space<vmem>>) attributes {dimension_semantics = [#tpu.dimension_semantics<arbitrary>, #tpu.dimension_semantics<arbitrary>], iteration_bounds = array<i64: 2, 14>, scalar_prefetch = 0 : i64, scratch_operands = 1 : i64, tpu.core_type = #tpu.core_type<tc>, window_params = [{transform_indices = @transform_0, window_bounds = array<i64: 1, 3584, 128>}, {transform_indices = @transform_1, window_bounds = array<i64: 1, 3584, 128>}, {transform_indices = @transform_2, window_bounds = array<i64: 1, 3584, 128>}, {transform_indices = @transform_3, window_bounds = array<i64: 1, 3584, 128>}, {pipeline_mode = #tpu.pipeline_mode<synchronous>, transform_indices = @transform_4, window_bounds = array<i64: 9, 128, 128>}, {pipeline_mode = #tpu.pipeline_mode<synchronous>, transform_indices = @transform_5, window_bounds = array<i64: 1, 128>}, {transform_indices = @transform_6, window_bounds = array<i64: 1, 3584, 128>}]} {
    %broadcast_in_dim3A = arith.constant 0.000000e+00 : f32
    %broadcast_in_dim3A_0 = vector.broadcast %broadcast_in_dim3A : f32 to vector<3584x128xf32>
    %eq3A = arith.constant 0 : i32
    %eq3A_1 = arith.cmpi eq, %arg1, %eq3A : i32
    %get3A = arith.constant 0 : index
    %get3A_2 = arith.constant 0 : index
    %get3A_3 = arith.constant 0 : index
    %get3A_4 = vector.load %arg2[%get3A, %get3A_2, %get3A_3] : memref<1x3584x128xf32, #tpu.memory_space<vmem>>, vector<1x3584x128xf32>
    %get3A_5 = vector.shape_cast %get3A_4 : vector<1x3584x128xf32> to vector<3584x128xf32>
    %select_n3A = arith.select %eq3A_1, %broadcast_in_dim3A_0, %get3A_5 : vector<3584x128xf32>
    %swap3A = arith.constant 0 : index
    %swap3A_6 = arith.constant 0 : index
    %swap3A_7 = vector.load %arg9[%swap3A, %swap3A_6] : memref<10752x128xf32, #tpu.memory_space<vmem>>, vector<3584x128xf32>
    tpu.vector_store %arg9[%swap3A, %swap3A_6], %select_n3A {strides = array<i32>} : memref<10752x128xf32, #tpu.memory_space<vmem>>, vector<3584x128xf32>,
    %get3A_8 = arith.constant 0 : index
    %get3A_9 = arith.constant 0 : index
    %get3A_10 = arith.constant 0 : index
    %get3A_11 = vector.load %arg3[%get3A_8, %get3A_9, %get3A_10] : memref<1x3584x128xf32, #tpu.memory_space<vmem>>, vector<1x3584x128xf32>
    %get3A_12 = vector.shape_cast %get3A_11 : vector<1x3584x128xf32> to vector<3584x128xf32>
    %swap3A_13 = arith.constant 3584 : index
    %swap3A_14 = arith.constant 0 : index
    %swap3A_15 = vector.load %arg9[%swap3A_13, %swap3A_14] : memref<10752x128xf32, #tpu.memory_space<vmem>>, vector<3584x128xf32>
    tpu.vector_store %arg9[%swap3A_13, %swap3A_14], %get3A_12 {strides = array<i32>} : memref<10752x128xf32, #tpu.memory_space<vmem>>, vector<3584x128xf32>,
    %eq3A_16 = arith.constant 13 : i32
    %eq3A_17 = arith.cmpi eq, %arg1, %eq3A_16 : i32
    %get3A_18 = arith.constant 0 : index
    %get3A_19 = arith.constant 0 : index
    %get3A_20 = arith.constant 0 : index
    %get3A_21 = vector.load %arg4[%get3A_18, %get3A_19, %get3A_20] : memref<1x3584x128xf32, #tpu.memory_space<vmem>>, vector<1x3584x128xf32>
    %get3A_22 = vector.shape_cast %get3A_21 : vector<1x3584x128xf32> to vector<3584x128xf32>
    %select_n3A_23 = arith.select %eq3A_17, %broadcast_in_dim3A_0, %get3A_22 : vector<3584x128xf32>
    %swap3A_24 = arith.constant 7168 : index
    %swap3A_25 = arith.constant 0 : index
    %swap3A_26 = vector.load %arg9[%swap3A_24, %swap3A_25] : memref<10752x128xf32, #tpu.memory_space<vmem>>, vector<3584x128xf32>
    tpu.vector_store %arg9[%swap3A_24, %swap3A_25], %select_n3A_23 {strides = array<i32>} : memref<10752x128xf32, #tpu.memory_space<vmem>>, vector<3584x128xf32>,
    %iota3A = tpu.iota {dimensions = array<i32: 0>} : vector<3584x128xi32>
    %jit3A = arith.constant 224 : i32
    %eq3A_27 = arith.constant 0 : i32
    %eq3A_28 = arith.cmpi eq, %jit3A, %eq3A_27 : i32
    %jit3A_29 = arith.constant 1 : i32
    %select_n3A_30 = arith.select %eq3A_28, %jit3A_29, %jit3A : i32
    %rem3A = vector.broadcast %select_n3A_30 : i32 to vector<3584x128xi32>
    %rem3A_31 = arith.remsi %iota3A, %rem3A : vector<3584x128xi32>
    %ne3A = arith.constant 0 : i32
    %ne3A_32 = vector.broadcast %ne3A : i32 to vector<3584x128xi32>
    %ne3A_33 = arith.cmpi ne, %rem3A_31, %ne3A_32 : vector<3584x128xi32>
    %lt3A = arith.constant 0 : i32
    %lt3A_34 = vector.broadcast %lt3A : i32 to vector<3584x128xi32>
    %lt3A_35 = arith.cmpi slt, %rem3A_31, %lt3A_34 : vector<3584x128xi32>
    %lt3A_36 = arith.constant 0 : i32
    %lt3A_37 = arith.cmpi slt, %select_n3A_30, %lt3A_36 : i32
    %ne3A_38 = vector.broadcast %lt3A_37 : i1 to vector<3584x128xi1>
    %ne3A_39 = vector.broadcast %ne3A_38 : vector<3584x128xi1> to vector<3584x128xi1>
    %ne3A_40 = arith.xori %lt3A_35, %ne3A_39 : vector<3584x128xi1>
    %and3A = arith.andi %ne3A_40, %ne3A_33 : vector<3584x128xi1>
    %add3A = vector.broadcast %select_n3A_30 : i32 to vector<3584x128xi32>
    %add3A_41 = arith.addi %rem3A_31, %add3A : vector<3584x128xi32>
    %select_n3A_42 = arith.select %and3A, %add3A_41, %rem3A_31 : vector<3584x128xi1>, vector<3584x128xi32>
    %ne3A_43 = arith.constant 0 : i32
    %ne3A_44 = vector.broadcast %ne3A_43 : i32 to vector<3584x128xi32>
    %ne3A_45 = arith.cmpi ne, %select_n3A_42, %ne3A_44 : vector<3584x128xi32>
    %ne3A_46 = arith.constant 223 : i32
    %ne3A_47 = vector.broadcast %ne3A_46 : i32 to vector<3584x128xi32>
    %ne3A_48 = arith.cmpi ne, %select_n3A_42, %ne3A_47 : vector<3584x128xi32>
    %broadcast_in_dim3A_49 = arith.constant 0.000000e+00 : f32
    %broadcast_in_dim3A_50 = vector.broadcast %broadcast_in_dim3A_49 : f32 to vector<3584x128xf32>
    %get3A_51 = arith.constant 3359 : index
    %get3A_52 = arith.constant 0 : index
    %get3A_53 = vector.load %arg9[%get3A_51, %get3A_52] : memref<10752x128xf32, #tpu.memory_space<vmem>>, vector<3584x128xf32>
    %jit3A_54 = arith.constant 0.000000e+00 : f32
    %broadcast_in_dim3A_55 = vector.broadcast %jit3A_54 : f32 to vector<3584x128xf32>
    %select_n3A_56 = arith.select %ne3A_45, %get3A_53, %broadcast_in_dim3A_55 : vector<3584x128xi1>, vector<3584x128xf32>
    %get3A_57 = arith.constant 0 : index
    %get3A_58 = arith.constant 0 : index
    %get3A_59 = arith.constant 0 : index
    %get3A_60 = vector.load %arg6[%get3A_57, %get3A_58, %get3A_59] : memref<9x128x128xf32, #tpu.memory_space<vmem>>, vector<1x128x128xf32>
    %get3A_61 = vector.shape_cast %get3A_60 : vector<1x128x128xf32> to vector<128x128xf32>
    %dot_general3A = arith.constant dense<0.000000e+00> : vector<3584x128xf32>
    %dot_general3A_62 = tpu.matmul %select_n3A_56, %get3A_61, %dot_general3A {dimension_numbers = #tpu.dot_dimension_numbers<[1], [0], [0], [1], [0, 0, 1, 1], [], []>, transpose_lhs_hint = false} : vector<3584x128xf32>, vector<128x128xf32>, vector<3584x128xf32> -> vector<3584x128xf32>
    %add3A_63 = arith.addf %broadcast_in_dim3A_50, %dot_general3A_62 : vector<3584x128xf32>
    %get3A_64 = arith.constant 3360 : index
    %get3A_65 = arith.constant 0 : index
    %get3A_66 = vector.load %arg9[%get3A_64, %get3A_65] : memref<10752x128xf32, #tpu.memory_space<vmem>>, vector<3584x128xf32>
    %get3A_67 = arith.constant 1 : index
    %get3A_68 = arith.constant 0 : index
    %get3A_69 = arith.constant 0 : index
    %get3A_70 = vector.load %arg6[%get3A_67, %get3A_68, %get3A_69] : memref<9x128x128xf32, #tpu.memory_space<vmem>>, vector<1x128x128xf32>
    %get3A_71 = vector.shape_cast %get3A_70 : vector<1x128x128xf32> to vector<128x128xf32>
    %dot_general3A_72 = arith.constant dense<0.000000e+00> : vector<3584x128xf32>
    %dot_general3A_73 = tpu.matmul %get3A_66, %get3A_71, %dot_general3A_72 {dimension_numbers = #tpu.dot_dimension_numbers<[1], [0], [0], [1], [0, 0, 1, 1], [], []>, transpose_lhs_hint = false} : vector<3584x128xf32>, vector<128x128xf32>, vector<3584x128xf32> -> vector<3584x128xf32>
    %add3A_74 = arith.addf %add3A_63, %dot_general3A_73 : vector<3584x128xf32>
    %get3A_75 = arith.constant 3361 : index
    %get3A_76 = arith.constant 0 : index
    %get3A_77 = vector.load %arg9[%get3A_75, %get3A_76] : memref<10752x128xf32, #tpu.memory_space<vmem>>, vector<3584x128xf32>
    %jit3A_78 = arith.constant 0.000000e+00 : f32
    %broadcast_in_dim3A_79 = vector.broadcast %jit3A_78 : f32 to vector<3584x128xf32>
    %select_n3A_80 = arith.select %ne3A_48, %get3A_77, %broadcast_in_dim3A_79 : vector<3584x128xi1>, vector<3584x128xf32>
    %get3A_81 = arith.constant 2 : index
    %get3A_82 = arith.constant 0 : index
    %get3A_83 = arith.constant 0 : index
    %get3A_84 = vector.load %arg6[%get3A_81, %get3A_82, %get3A_83] : memref<9x128x128xf32, #tpu.memory_space<vmem>>, vector<1x128x128xf32>
    %get3A_85 = vector.shape_cast %get3A_84 : vector<1x128x128xf32> to vector<128x128xf32>
    %dot_general3A_86 = arith.constant dense<0.000000e+00> : vector<3584x128xf32>
    %dot_general3A_87 = tpu.matmul %select_n3A_80, %get3A_85, %dot_general3A_86 {dimension_numbers = #tpu.dot_dimension_numbers<[1], [0], [0], [1], [0, 0, 1, 1], [], []>, transpose_lhs_hint = false} : vector<3584x128xf32>, vector<128x128xf32>, vector<3584x128xf32> -> vector<3584x128xf32>
    %add3A_88 = arith.addf %add3A_74, %dot_general3A_87 : vector<3584x128xf32>
    %get3A_89 = arith.constant 3583 : index
    %get3A_90 = arith.constant 0 : index
    %get3A_91 = vector.load %arg9[%get3A_89, %get3A_90] : memref<10752x128xf32, #tpu.memory_space<vmem>>, vector<3584x128xf32>
    %jit3A_92 = arith.constant 0.000000e+00 : f32
    %broadcast_in_dim3A_93 = vector.broadcast %jit3A_92 : f32 to vector<3584x128xf32>
    %select_n3A_94 = arith.select %ne3A_45, %get3A_91, %broadcast_in_dim3A_93 : vector<3584x128xi1>, vector<3584x128xf32>
    %get3A_95 = arith.constant 3 : index
    %get3A_96 = arith.constant 0 : index
    %get3A_97 = arith.constant 0 : index
    %get3A_98 = vector.load %arg6[%get3A_95, %get3A_96, %get3A_97] : memref<9x128x128xf32, #tpu.memory_space<vmem>>, vector<1x128x128xf32>
    %get3A_99 = vector.shape_cast %get3A_98 : vector<1x128x128xf32> to vector<128x128xf32>
    %dot_general3A_100 = arith.constant dense<0.000000e+00> : vector<3584x128xf32>
    %dot_general3A_101 = tpu.matmul %select_n3A_94, %get3A_99, %dot_general3A_100 {dimension_numbers = #tpu.dot_dimension_numbers<[1], [0], [0], [1], [0, 0, 1, 1], [], []>, transpose_lhs_hint = false} : vector<3584x128xf32>, vector<128x128xf32>, vector<3584x128xf32> -> vector<3584x128xf32>
    %add3A_102 = arith.addf %add3A_88, %dot_general3A_101 : vector<3584x128xf32>
    %get3A_103 = arith.constant 3584 : index
    %get3A_104 = arith.constant 0 : index
    %get3A_105 = vector.load %arg9[%get3A_103, %get3A_104] : memref<10752x128xf32, #tpu.memory_space<vmem>>, vector<3584x128xf32>
    %get3A_106 = arith.constant 4 : index
    %get3A_107 = arith.constant 0 : index
    %get3A_108 = arith.constant 0 : index
    %get3A_109 = vector.load %arg6[%get3A_106, %get3A_107, %get3A_108] : memref<9x128x128xf32, #tpu.memory_space<vmem>>, vector<1x128x128xf32>
    %get3A_110 = vector.shape_cast %get3A_109 : vector<1x128x128xf32> to vector<128x128xf32>
    %dot_general3A_111 = arith.constant dense<0.000000e+00> : vector<3584x128xf32>
    %dot_general3A_112 = tpu.matmul %get3A_105, %get3A_110, %dot_general3A_111 {dimension_numbers = #tpu.dot_dimension_numbers<[1], [0], [0], [1], [0, 0, 1, 1], [], []>, transpose_lhs_hint = false} : vector<3584x128xf32>, vector<128x128xf32>, vector<3584x128xf32> -> vector<3584x128xf32>
    %add3A_113 = arith.addf %add3A_102, %dot_general3A_112 : vector<3584x128xf32>
    %get3A_114 = arith.constant 3585 : index
    %get3A_115 = arith.constant 0 : index
    %get3A_116 = vector.load %arg9[%get3A_114, %get3A_115] : memref<10752x128xf32, #tpu.memory_space<vmem>>, vector<3584x128xf32>
    %jit3A_117 = arith.constant 0.000000e+00 : f32
    %broadcast_in_dim3A_118 = vector.broadcast %jit3A_117 : f32 to vector<3584x128xf32>
    %select_n3A_119 = arith.select %ne3A_48, %get3A_116, %broadcast_in_dim3A_118 : vector<3584x128xi1>, vector<3584x128xf32>
    %get3A_120 = arith.constant 5 : index
    %get3A_121 = arith.constant 0 : index
    %get3A_122 = arith.constant 0 : index
    %get3A_123 = vector.load %arg6[%get3A_120, %get3A_121, %get3A_122] : memref<9x128x128xf32, #tpu.memory_space<vmem>>, vector<1x128x128xf32>
    %get3A_124 = vector.shape_cast %get3A_123 : vector<1x128x128xf32> to vector<128x128xf32>
    %dot_general3A_125 = arith.constant dense<0.000000e+00> : vector<3584x128xf32>
    %dot_general3A_126 = tpu.matmul %select_n3A_119, %get3A_124, %dot_general3A_125 {dimension_numbers = #tpu.dot_dimension_numbers<[1], [0], [0], [1], [0, 0, 1, 1], [], []>, transpose_lhs_hint = false} : vector<3584x128xf32>, vector<128x128xf32>, vector<3584x128xf32> -> vector<3584x128xf32>
    %add3A_127 = arith.addf %add3A_113, %dot_general3A_126 : vector<3584x128xf32>
    %get3A_128 = arith.constant 3807 : index
    %get3A_129 = arith.constant 0 : index
    %get3A_130 = vector.load %arg9[%get3A_128, %get3A_129] : memref<10752x128xf32, #tpu.memory_space<vmem>>, vector<3584x128xf32>
    %jit3A_131 = arith.constant 0.000000e+00 : f32
    %broadcast_in_dim3A_132 = vector.broadcast %jit3A_131 : f32 to vector<3584x128xf32>
    %select_n3A_133 = arith.select %ne3A_45, %get3A_130, %broadcast_in_dim3A_132 : vector<3584x128xi1>, vector<3584x128xf32>
    %get3A_134 = arith.constant 6 : index
    %get3A_135 = arith.constant 0 : index
    %get3A_136 = arith.constant 0 : index
    %get3A_137 = vector.load %arg6[%get3A_134, %get3A_135, %get3A_136] : memref<9x128x128xf32, #tpu.memory_space<vmem>>, vector<1x128x128xf32>
    %get3A_138 = vector.shape_cast %get3A_137 : vector<1x128x128xf32> to vector<128x128xf32>
    %dot_general3A_139 = arith.constant dense<0.000000e+00> : vector<3584x128xf32>
    %dot_general3A_140 = tpu.matmul %select_n3A_133, %get3A_138, %dot_general3A_139 {dimension_numbers = #tpu.dot_dimension_numbers<[1], [0], [0], [1], [0, 0, 1, 1], [], []>, transpose_lhs_hint = false} : vector<3584x128xf32>, vector<128x128xf32>, vector<3584x128xf32> -> vector<3584x128xf32>
    %add3A_141 = arith.addf %add3A_127, %dot_general3A_140 : vector<3584x128xf32>
    %get3A_142 = arith.constant 3808 : index
    %get3A_143 = arith.constant 0 : index
    %get3A_144 = vector.load %arg9[%get3A_142, %get3A_143] : memref<10752x128xf32, #tpu.memory_space<vmem>>, vector<3584x128xf32>
    %get3A_145 = arith.constant 7 : index
    %get3A_146 = arith.constant 0 : index
    %get3A_147 = arith.constant 0 : index
    %get3A_148 = vector.load %arg6[%get3A_145, %get3A_146, %get3A_147] : memref<9x128x128xf32, #tpu.memory_space<vmem>>, vector<1x128x128xf32>
    %get3A_149 = vector.shape_cast %get3A_148 : vector<1x128x128xf32> to vector<128x128xf32>
    %dot_general3A_150 = arith.constant dense<0.000000e+00> : vector<3584x128xf32>
    %dot_general3A_151 = tpu.matmul %get3A_144, %get3A_149, %dot_general3A_150 {dimension_numbers = #tpu.dot_dimension_numbers<[1], [0], [0], [1], [0, 0, 1, 1], [], []>, transpose_lhs_hint = false} : vector<3584x128xf32>, vector<128x128xf32>, vector<3584x128xf32> -> vector<3584x128xf32>
    %add3A_152 = arith.addf %add3A_141, %dot_general3A_151 : vector<3584x128xf32>
    %get3A_153 = arith.constant 3809 : index
    %get3A_154 = arith.constant 0 : index
    %get3A_155 = vector.load %arg9[%get3A_153, %get3A_154] : memref<10752x128xf32, #tpu.memory_space<vmem>>, vector<3584x128xf32>
    %jit3A_156 = arith.constant 0.000000e+00 : f32
    %broadcast_in_dim3A_157 = vector.broadcast %jit3A_156 : f32 to vector<3584x128xf32>
    %select_n3A_158 = arith.select %ne3A_48, %get3A_155, %broadcast_in_dim3A_157 : vector<3584x128xi1>, vector<3584x128xf32>
    %get3A_159 = arith.constant 8 : index
    %get3A_160 = arith.constant 0 : index
    %get3A_161 = arith.constant 0 : index
    %get3A_162 = vector.load %arg6[%get3A_159, %get3A_160, %get3A_161] : memref<9x128x128xf32, #tpu.memory_space<vmem>>, vector<1x128x128xf32>
    %get3A_163 = vector.shape_cast %get3A_162 : vector<1x128x128xf32> to vector<128x128xf32>
    %dot_general3A_164 = arith.constant dense<0.000000e+00> : vector<3584x128xf32>
    %dot_general3A_165 = tpu.matmul %select_n3A_158, %get3A_163, %dot_general3A_164 {dimension_numbers = #tpu.dot_dimension_numbers<[1], [0], [0], [1], [0, 0, 1, 1], [], []>, transpose_lhs_hint = false} : vector<3584x128xf32>, vector<128x128xf32>, vector<3584x128xf32> -> vector<3584x128xf32>
    %add3A_166 = arith.addf %add3A_152, %dot_general3A_165 : vector<3584x128xf32>
    %get3A_167 = arith.constant 0 : index
    %get3A_168 = arith.constant 0 : index
    %get3A_169 = vector.load %arg7[%get3A_167, %get3A_168] : memref<1x128xf32, #tpu.memory_space<vmem>>, vector<1x128xf32>
    %add3A_170 = vector.broadcast %get3A_169 : vector<1x128xf32> to vector<3584x128xf32>
    %add3A_171 = arith.addf %add3A_166, %add3A_170 : vector<3584x128xf32>
    %get3A_172 = arith.constant 0 : index
    %get3A_173 = arith.constant 0 : index
    %get3A_174 = arith.constant 0 : index
    %get3A_175 = vector.load %arg5[%get3A_172, %get3A_173, %get3A_174] : memref<1x3584x128xf32, #tpu.memory_space<vmem>>, vector<1x3584x128xf32>
    %get3A_176 = vector.shape_cast %get3A_175 : vector<1x3584x128xf32> to vector<3584x128xf32>
    %add3A_177 = arith.addf %add3A_171, %get3A_176 : vector<3584x128xf32>
    %max3A = arith.constant 0.000000e+00 : f32
    %max3A_178 = vector.broadcast %max3A : f32 to vector<3584x128xf32>
    %max3A_179 = arith.maximumf %add3A_177, %max3A_178 : vector<3584x128xf32>
    %swap3A_180 = arith.constant 0 : index
    %swap3A_181 = arith.constant 0 : index
    %swap3A_182 = arith.constant 0 : index
    %swap3A_183 = vector.load %arg8[%swap3A_180, %swap3A_181, %swap3A_182] : memref<1x3584x128xf32, #tpu.memory_space<vmem>>, vector<1x3584x128xf32>
    %swap3A_184 = vector.shape_cast %swap3A_183 : vector<1x3584x128xf32> to vector<3584x128xf32>
    %swap3A_185 = vector.shape_cast %max3A_179 : vector<3584x128xf32> to vector<1x3584x128xf32>
    tpu.vector_store %arg8[%swap3A_180, %swap3A_181, %swap3A_182], %swap3A_185 {strides = array<i32>} : memref<1x3584x128xf32, #tpu.memory_space<vmem>>, vector<1x3584x128xf32>,
    return
  }
  func.func @transform_0(%arg0: i32, %arg1: i32) -> (i32, i32, i32) {
    %sub3A = arith.constant 1 : i32
    %sub3A_0 = arith.subi %arg1, %sub3A : i32
    %max3A = arith.constant 0 : i32
    %max3A_1 = arith.maxsi %sub3A_0, %max3A : i32
    %c0_i32 = arith.constant 0 : i32
    %c0_i32_2 = arith.constant 0 : i32
    return %arg0, %max3A_1, %c0_i32 : i32, i32, i32
  }
  func.func @transform_1(%arg0: i32, %arg1: i32) -> (i32, i32, i32) {
    %c0_i32 = arith.constant 0 : i32
    %c0_i32_0 = arith.constant 0 : i32
    return %arg0, %arg1, %c0_i32 : i32, i32, i32
  }
  func.func @transform_2(%arg0: i32, %arg1: i32) -> (i32, i32, i32) {
    %add3A = arith.constant 1 : i32
    %add3A_0 = arith.addi %arg1, %add3A : i32
    %min3A = arith.constant 13 : i32
    %min3A_1 = arith.minsi %add3A_0, %min3A : i32
    %c0_i32 = arith.constant 0 : i32
    %c0_i32_2 = arith.constant 0 : i32
    return %arg0, %min3A_1, %c0_i32 : i32, i32, i32
  }
  func.func @transform_3(%arg0: i32, %arg1: i32) -> (i32, i32, i32) {
    %c0_i32 = arith.constant 0 : i32
    %c0_i32_0 = arith.constant 0 : i32
    return %arg0, %arg1, %c0_i32 : i32, i32, i32
  }
  func.func @transform_4(%arg0: i32, %arg1: i32) -> (i32, i32, i32) {
    %c0_i32 = arith.constant 0 : i32
    %c0_i32_0 = arith.constant 0 : i32
    %c0_i32_1 = arith.constant 0 : i32
    %c0_i32_2 = arith.constant 0 : i32
    return %c0_i32, %c0_i32_0, %c0_i32_1 : i32, i32, i32
  }
  func.func @transform_5(%arg0: i32, %arg1: i32) -> (i32, i32) {
    %c0_i32 = arith.constant 0 : i32
    %c0_i32_0 = arith.constant 0 : i32
    %c0_i32_1 = arith.constant 0 : i32
    return %c0_i32, %c0_i32_0 : i32, i32
  }
  func.func @transform_6(%arg0: i32, %arg1: i32) -> (i32, i32, i32) {
    %c0_i32 = arith.constant 0 : i32
    %c0_i32_0 = arith.constant 0 : i32
    return %arg0, %arg1, %c0_i32 : i32, i32, i32
  }
}

</mosaic_0001>

<sc_bundles>
// kernel: kernel.10.cloned.1.call-start
scs
__scs_entry_jumppad:
0x0: {  	(pc) =	sbr.rel $0x88, $3  }
0x1: {  	(tag) =	ssettag $0x0;
	lr =	simm.s32 $0x1  }
0x2: {  	[smem:$0x3F86] =	sst lr;
	_ =	strace $0xD0000000  }
0x3: {  	_ = 	snop  }
0x4: {  	_ = 	snop  }
0x5: {  	_ = 	snop  }
0x6: {  	_ = 	snop  }
0x7: {  	_ = 	snop  }
__scs_overlays_trampoline_lowered:
0x8: {  	[smem:$0x3F95] =	sst s0  }
0x9: {  	[smem:$0x3F96] =	sst s1  }
0xa: {  	[smem:$0x3F97] =	sst s2  }
0xb: {  	[smem:$0x3F98] =	sst s3  }
0xc: {  	[smem:$0x3F99] =	sst s4  }
0xd: {  	[smem:$0x3F9A] =	sst s5  }
0xe: {  	[smem:$0x3F9B] =	sst s6  }
0xf: {  	[smem:$0x3F9C] =	sst s7  }
0x10: {  	[smem:$0x3F9D] =	sst s8  }
0x11: {  	[smem:$0x3F9E] =	sst s9;
	s0 =	simm.s32 @!p0 $0x0  }
0x12: {  	s1 =	sld [smem:$0x3F84];
	s0 =	simm.s32 @p0 $0x1  }
0x13: {  	[smem:$0x3F9F] =	sst s0;
	s0 =	simm.s32 @!p1 $0x0  }
0x14: {  	s2 =	sld [smem:$0x3F83];
	s0 =	simm.s32 @p1 $0x1  }
0x15: {  	[smem:$0x3FA0] =	sst s0;
	s0 =	simm.s32 @!p2 $0x0  }
0x16: {  	s3 =	sld [smem:$0x3FDB];
	s0 =	simm.s32 @p2 $0x1  }
0x17: {  	s4 =	simm.s32 $0x1BF5;
	[smem:$0x3FA2] =	sst s0  }
0x18: {  	s0 =	sld [smem:$0x3F85];
	_ =	swait.ge [sflag:s4], $0x0  }
0x19: {  	s7 =	sld [smem:$0x3F86]  }
0x1a: {  	s8 =	sadd.s32 $0xFFFFE003, lr  }
0x1b: {  	s9 =	sadd.s32 $0xFFFFFEF7, lr;
	s5 =	simm.s32 $0xFFFFFFFF;
	p2 =	slt.u32 s8, $0xFFFFF086  }
0x1c: {  	p1 =	slt.u32 s9, $0xF7A;
	s5 =	simm.s32 @!p2 $0x0  }
0x1d: {  	s5 =	simm.s32 @p1 $0x1;
	p0 =	seq.s32 s7, s2  }
0x1e: {  	s7 =	smul.u32 @!p0 $0xF7A, s2;
	p2 =	seq.s32 @!p0 s5, $0x0  }
0x1f: {  	s9 =	smul.u32 $0xF7A, s1;
	s8 =	simm.s32 @!p0 $0x1BF5;
	p2 =	por !p2, p0  }
0x20: {  	[sflag:s8] =	ssyncset.s32 @!p0 $0xFFFFF086;
	s6 =	sadd.s32 @!p0 s3, s7;
	s7 =	simm.s32 @!p0 $0x108  }
0x21: {  	s3 =	sadd.s32 s3, s9;
	s6 =	sadd.s32 @!p0 $0x88, s6;
	s7 =	simm.s32 @p2 $0x1082  }
0x22: {  	[simem:s7], [sflag:s8] =	dma.local @!p0 [hbm:s6], $0xF7A  }
0x23: {  	s9 =	sor.u32 $0xD0000000, s2;
	s6 =	simm.s32 $0x108;
	_ =	swait.ge @!p0 [sflag:s8], $0x0  }
0x24: {  	s3 =	sadd.s32 $0x88, s3;
	s6 =	simm.s32 @!p1 $0x1082;
	[sflag:s4] =	ssyncset.s32 $0xFFFFF086  }
0x25: {  	[simem:s6], [sflag:s4] =	dma.local [hbm:s3], $0xF7A  }
0x26: {  	[smem:$0x3F86] =	sst s1;
	(tag) =	ssettag s2;
	_ =	strace s9  }
0x27: {  	s1 =	sld [smem:$0x3F96]  }
0x28: {  	s2 =	sld [smem:$0x3F97]  }
0x29: {  	s4 =	sld [smem:$0x3F99]  }
0x2a: {  	p0 =	seq.s32 s5, $0x0;
	s5 =	sld [smem:$0x3F9A]  }
0x2b: {  	s6 =	sld [smem:$0x3F9B]  }
0x2c: {  	s7 =	sld [smem:$0x3F9C]  }
0x2d: {  	s3 =	simm.s32 $0x108;
	s8 =	sld [smem:$0x3F9D]  }
0x2e: {  	s3 =	simm.s32 @!p0 $0x1082;
	s9 =	sld [smem:$0x3F9E]  }
0x2f: {  	lr =	sadd.s32 s0, s3;
	s0 =	sld [smem:$0x3F95]  }
0x30: {  	s3 =	sld [smem:$0x3F98]  }
0x31: {  	[smem:$0x3FA1] =	sst s10  }
0x32: {  	s10 =	sld [smem:$0x3F9F];
	_ =	sdelay $0x3  }
0x33: {  	p0 =	seq.s32 s10, $0x1;
	s10 =	sld [smem:$0x3FA1];
	_ =	sdelay $0x3  }
0x34: {  	[smem:$0x3FA1] =	sst s10  }
0x35: {  	s10 =	sld [smem:$0x3FA0];
	_ =	sdelay $0x3  }
0x36: {  	p1 =	seq.s32 s10, $0x1;
	s10 =	sld [smem:$0x3FA1];
	_ =	sdelay $0x3  }
0x37: {  	[smem:$0x3FA1] =	sst s10  }
0x38: {  	s10 =	sld [smem:$0x3FA2]  }
0x39: {  	_ = 	snop;
	(pc) =	sbr.ind lr, $3  }
0x3a: {  	_ = 	snop  }
0x3b: {  	_ = 	snop  }
0x3c: {  	p2 =	seq.s32 s10, $0x1;
	s10 =	sld [smem:$0x3FA1]  }
0x3d: {  	_ =	shalt  }
0x3e: {  	_ =	shalt  }
0x3f: {  	_ =	shalt  }
0x40: {  	_ =	shalt  }
0x41: {  	_ =	shalt  }
0x42: {  	_ =	shalt  }
0x43: {  	_ =	shalt  }
0x44: {  	_ =	shalt  }
0x45: {  	_ =	shalt  }
0x46: {  	_ =	shalt  }
0x47: {  	_ =	shalt  }
0x48: {  	_ =	shalt  }
0x49: {  	_ =	shalt  }
0x4a: {  	_ =	shalt  }
0x4b: {  	_ =	shalt  }
0x4c: {  	_ =	shalt  }
0x4d: {  	_ =	shalt  }
0x4e: {  	_ =	shalt  }
0x4f: {  	_ =	shalt  }
0x50: {  	_ =	shalt  }
0x51: {  	_ =	shalt  }
0x52: {  	_ =	shalt  }
0x53: {  	_ =	shalt  }
0x54: {  	_ =	shalt  }
0x55: {  	_ =	shalt  }
0x56: {  	_ =	shalt  }
0x57: {  	_ =	shalt  }
0x58: {  	_ =	shalt  }
0x59: {  	_ =	shalt  }
0x5a: {  	_ =	shalt  }
0x5b: {  	_ =	shalt  }
0x5c: {  	_ =	shalt  }
0x5d: {  	_ =	shalt  }
0x5e: {  	_ =	shalt  }
0x5f: {  	_ =	shalt  }
0x60: {  	_ =	shalt  }
0x61: {  	_ =	shalt  }
0x62: {  	_ =	shalt  }
0x63: {  	_ =	shalt  }
0x64: {  	_ =	shalt  }
0x65: {  	_ =	shalt  }
0x66: {  	_ =	shalt  }
0x67: {  	_ =	shalt  }
0x68: {  	_ =	shalt  }
0x69: {  	_ =	shalt  }
0x6a: {  	_ =	shalt  }
0x6b: {  	_ =	shalt  }
0x6c: {  	_ =	shalt  }
0x6d: {  	_ =	shalt  }
0x6e: {  	_ =	shalt  }
0x6f: {  	_ =	shalt  }
0x70: {  	_ =	shalt  }
0x71: {  	_ =	shalt  }
0x72: {  	_ =	shalt  }
0x73: {  	_ =	shalt  }
0x74: {  	_ =	shalt  }
0x75: {  	_ =	shalt  }
0x76: {  	_ =	shalt  }
0x77: {  	_ =	shalt  }
0x78: {  	_ =	shalt  }
0x79: {  	_ =	shalt  }
0x7a: {  	_ =	shalt  }
0x7b: {  	_ =	shalt  }
0x7c: {  	_ =	shalt  }
0x7d: {  	_ =	shalt  }
0x7e: {  	_ =	shalt  }
0x7f: {  	_ =	shalt  }
0x80: {  	_ =	shalt  }
0x81: {  	_ =	shalt  }
0x82: {  	_ =	shalt  }
0x83: {  	_ =	shalt  }
0x84: {  	_ =	shalt  }
0x85: {  	_ =	shalt  }
0x86: {  	_ =	shalt  }
0x87: {  	_ =	shalt  }
.Lfunc_end0:
.L_simem_size_0:
called_computation.2_lowered:
.L_overlay_start_0:
0x88: {  	s2 =	sld [smem:$0x3FD9]  }
0x89: {  	s3 =	sld [smem:$0x3FFE];
	_ =	sdelay $0x1  }
0x8a: {  	s1 =	srdreg.scid  }
0x8b: {  	s0 =	sand.u32 $0x1, s1  }
0x8c: {  	s14 =	sshll.u32 s0, $0xA;
	s2 =	sadd.s32 s3, s2  }
0x8d: {  	s2 =	sadd.s32 s2, s14  }
0x8e: {  	[smem:$0x3FAD] =	sst s2  }
0x8f: {  	_ = 	snop  }
0x90: {  	s2 =	sld [smem:$0x3FD0];
	_ =	sdelay $0x2  }
0x91: {  	s15 =	simm.s32 $0xA;
	s4 =	simm.s32 $0x10  }
0x92: {  	[smem:s4], [sflag:s15] =	dma.local [hbm:s2], $0x1  }
0x93: {  	_ =	swait.eq [sflag:s15], $0x1  }
0x94: {  	[sflag:s15] =	ssyncset.done $0x0  }
0x95: {  	[sflag:s15] =	ssyncadd.s32 $0xFFFFFFFF  }
0x96: {  	s16 =	sld [smem:$0x11];
	(tm) =	ssettm $0x1  }
0x97: {  	s17 =	sld [smem:$0x3FFB];
	_ =	sdelay $0x3  }
0x98: {  	_ =	strace s17  }
0x99: {  	s3 =	sld [smem:$0x3FFC];
	_ =	sdelay $0x3  }
0x9a: {  	_ =	strace s3  }
0x9b: {  	s3 =	sld [smem:$0x3FFD];
	_ =	sdelay $0x3  }
0x9c: {  	_ =	strace s3  }
0x9d: {  	_ =	strace $0x8FFFFFFF  }
0x9e: {  	s18 =	sld [smem:$0x3FDB];
	_ =	sdelay $0x1  }
0x9f: {  	s19 =	simm.s32 $_scs_section_size  }
0xa0: {  	s5 =	simm.s32 $_size__tile_overlayer_lowered;
	s6 =	simm.s32 $_tile_overlayer_lowered  }
0xa1: {  	s22 =	simm.s32 $0x1BFF;
	s21 =	sshll.u32 s6, $0x1;
	s3 =	sadd.s32 s19, s18  }
0xa2: {  	s7 =	simm.s32 $0x0;
	s20 =	sshll.u32 s5, $0x1;
	s5 =	sadd.s32 s21, s3  }
0xa3: {  	[timem:s7], [sflag:s22] =	dma.local [hbm:s5], s20  }
0xa4: {  	_ =	swait.ge [sflag:s22], s20  }
0xa5: {  	s4 =	ssub.s32 $0x0, s20;
	[sflag:s22] =	ssyncset.done $0x0  }
0xa6: {  	[sflag:s22] =	ssyncadd.s32 s4;
	_ =	sdelay $0x1  }
0xa7: {  	s23 =	simm.s32 $0x1B8B  }
0xa8: {  	_ =	swait.ge [sflag:s23], $0x1  }
0xa9: {  	[sflag:s23] =	ssyncset.done $0x0  }
0xaa: {  	s25 =	simm.s32 $0x1B8E;
	s24 =	sld [smem:$0x3FFE];
	[sflag:s23] =	ssyncadd.s32 $0xFFFFFFFF  }
0xab: {  	s26 =	simm.s32 $execute0_lowered;
	[smem:$0x3FD2] =	sst s25  }
0xac: {  	s5 =	sshll.u32 s26, $0x1;
	_ =	strace $0x8000004C;
	[dreg:$0x1] =	wrdreg $0xFFFFFFFF  }
0xad: {  	s28 =	simm.s32 $_size_execute0_lowered;
	s3 =	sadd.s32 s3, s5;
	[dreg:$0x0] =	wrdreg $0x0  }
0xae: {  	s5 =	sshll.u32 s28, $0x1;
	[dreg:$0x2] =	wrdreg s3  }
0xaf: {  	[dreg:$0x3] =	wrdreg s5  }
0xb0: {  	[dreg:$0x4] =	wrdreg $0xC0  }
0xb1: {  	_ =	task [dreg:s7], $0x5FFFF  }
0xb2: {  	[dreg:$0x1] =	wrdreg $0xFFFFFFFF  }
0xb3: {  	[dreg:$0x0] =	wrdreg $0x60  }
0xb4: {  	[dreg:$0x2] =	wrdreg s24  }
0xb5: {  	[dreg:$0x3] =	wrdreg s16  }
0xb6: {  	[dreg:$0x4] =	wrdreg $0x9  }
0xb7: {  	_ =	task.clear_ibuf [dreg:s7], $0x5FFFF;
	_ =	strace $0x9000004C  }
0xb8: {  	s29 =	simm.s32 $0x9;
	_ =	strace $0x8000004E  }
0xb9: {  	_ =	swait.ge [sflag:s29], $0x1  }
0xba: {  	[sflag:s29] =	ssyncadd.s32 $0xFFFFFFFF  }
0xbb: {  	_ =	strace $0x9000004E  }
0xbc: {  	_ =	sfence  }
0xbd: {  	s30 =	sld [smem:$0x0];
	_ =	sdelay $0x2  }
0xbe: {  	s31 =	sshll.u32 s1, $0xD;
	s1 =	sshrl.u32 s1, $0x2  }
0xbf: {  	s3 =	sand.u32 $0x4000, s31;
	s1 =	sadd.s32 s1, s30  }
0xc0: {  	s0 =	sor.u32 s3, s0;
	s1 =	sshll.u32 s1, $0x11  }
0xc1: {  	s0 =	sor.u32 s1, s0  }
0xc2: {  	s0 =	sadd.s32 $0x8F2B, s0  }
0xc3: {  	[sflag:s0] =	ssyncadd.remote.s32 $0x1  }
0xc4: {  	_ =	sfence.sel $0xFFFF  }
0xc5: {  	[dreg:$0x0] =	wrdreg $0xFFFFFFFF;
	(pc) =	sbr.abs _section_cstart, $3  }
0xc6: {  	[dreg:$0x1] =	wrdreg $0xFFFFFFFF  }
0xc7: {  	_ =	task.clear_ibuf [dreg:s7], $0x2FFFF;
	_ =	strace $0x9FFFFFFF  }
0xc8: {  	(tm) =	ssettm $0x7FFFFFFF  }
0xc9: {  	_ =	shalt  }
tec
execute0_lowered:
.L_overlay_start_1:
0x0: {  	(tag) =	ssettag $0x1  }
0x1: {  	s0 =	rddreg [dreg:$0x0]  }
0x2: {  	s1 =	srdreg.scid;
	s17 =	stileid.u32  }
0x3: {  	s4 =	rddreg [dreg:$0x1];
	s13 =	smul.u32 $0xC40, s17  }
0x4: {  	s2 =	simm.s32 $0x0;
	s1 =	sand.u32 $0x1, s1;
	s24 =	smul.u32 $0x310, s17  }
0x5: {  	[smem:$0x7FF] =	sst s2;
	s5 =	smul.u32 $0x3100, s1  }
0x6: {  	s8 =	sadd.s32 $0x4C00, s0;
	s12 =	smul.u32 $0xC410, s1;
	s1 =	ssub.s32 $0x2, s1  }
0x7: {  	_ =	strace $0x8000004D;
	s9 =	sshrl.u32 s1, $0x1;
	s3 =	sshrl.u32 s5, $0x3  }
0x8: {  	s6 =	sadd.s32 s13, s12;
	s14 =	ssub.s32 s1, s9;
	s5 =	sadd.s32 s24, s5  }
0x9: {  	s7 =	sshll.u32 s6, $0x4;
	s6 =	sadd.s32 $0x34DA00, s0;
	s19 =	sshrl.u32 s5, $0x3  }
0xa: {  	s11 =	sadd.s32 s3, s0;
	s10 =	sadd.s32 $0x700, s7;
	s9 =	sadd.s32 s6, s19  }
0xb: {  	s23 =	sadd.s32 $0xE00, s7;
	s22 =	sadd.s32 s8, s10;
	[dreg:$0x8] =	wrdreg s9  }
0xc: {  	s3 =	sadd.s32 $0x18CE00, s0;
	s26 =	sadd.s32 s8, s23;
	[dreg:$0x3] =	wrdreg s22  }
0xd: {  	s25 =	sadd.s32 $0x1500, s7;
	s15 =	sadd.s32 s3, s10;
	[dreg:$0x4] =	wrdreg s26  }
0xe: {  	s20 =	sadd.s32 $0x180, s5;
	s16 =	sadd.s32 s8, s25;
	[dreg:$0x5] =	wrdreg s15  }
0xf: {  	s21 =	sshrl.u32 s20, $0x3;
	s0 =	sadd.s32 s3, s23;
	[dreg:$0x6] =	wrdreg s16  }
0x10: {  	s13 =	sshrl.u32 s13, $0x2;
	s9 =	sadd.s32 s6, s21;
	[dreg:$0x7] =	wrdreg s0  }
0x11: {  	s18 =	sadd.s32 $0x1C00, s7;
	s1 =	sadd.s32 s3, s25;
	[dreg:$0x9] =	wrdreg s9  }
0x12: {  	s23 =	sshll.u32 s5, $0x4;
	s22 =	sadd.s32 s8, s18;
	[dreg:$0xc] =	wrdreg s1  }
0x13: {  	s25 =	sshll.u32 s20, $0x4;
	s1 =	sadd.s32 s4, s23;
	[dreg:$0xb] =	wrdreg s22  }
0x14: {  	s20 =	sadd.s32 $0x3800, s7;
	s26 =	sadd.s32 s4, s25;
	[dreg:$0xd] =	wrdreg s1  }
0x15: {  	s15 =	sadd.s32 $0x300, s5;
	s0 =	sadd.s32 s3, s18;
	[dreg:$0xe] =	wrdreg s26  }
0x16: {  	s18 =	sadd.s32 $0x3100, s7;
	s21 =	sadd.s32 s8, s20;
	[dreg:$0x10] =	wrdreg s0  }
0x17: {  	s25 =	sadd.s32 $0x4600, s7;
	s19 =	sadd.s32 s8, s18;
	[dreg:$0x17] =	wrdreg s21  }
0x18: {  	s16 =	sshrl.u32 s15, $0x3;
	s26 =	sadd.s32 s8, s25;
	[dreg:$0x15] =	wrdreg s19  }
0x19: {  	s5 =	sshll.u32 s15, $0x4;
	s6 =	sadd.s32 s6, s16;
	[dreg:$0x1b] =	wrdreg s26  }
0x1a: {  	s15 =	sadd.s32 $0x2A00, s7;
	s1 =	sadd.s32 s4, s5;
	[dreg:$0xa] =	wrdreg s6  }
0x1b: {  	s11 =	sadd.s32 $0x34CC00, s11;
	s16 =	sadd.s32 s8, s15;
	[dreg:$0xf] =	wrdreg s1  }
0x1c: {  	s22 =	sadd.s32 $0x3F00, s7;
	s0 =	sadd.s32 s3, s15;
	[dreg:$0x13] =	wrdreg s16  }
0x1d: {  	s21 =	sadd.s32 $0x7000, s7;
	s23 =	sadd.s32 s8, s22;
	[dreg:$0x14] =	wrdreg s0  }
0x1e: {  	s4 =	sadd.s32 $0x4D00, s7;
	s0 =	sadd.s32 s3, s18;
	[dreg:$0x19] =	wrdreg s23  }
0x1f: {  	s6 =	sadd.s32 $0x2300, s7;
	s5 =	sadd.s32 s8, s4;
	[dreg:$0x16] =	wrdreg s0  }
0x20: {  	s19 =	sadd.s32 $0x6900, s7;
	s9 =	sadd.s32 s8, s6;
	[dreg:$0x1d] =	wrdreg s5  }
0x21: {  	s26 =	sadd.s32 $0x7E00, s7;
	s10 =	sadd.s32 s3, s6;
	[dreg:$0x11] =	wrdreg s9  }
0x22: {  	s16 =	sadd.s32 $0x6200, s7;
	s0 =	sadd.s32 s3, s20;
	[dreg:$0x12] =	wrdreg s10  }
0x23: {  	s23 =	sadd.s32 $0x7700, s7;
	s18 =	sadd.s32 s8, s16;
	[dreg:$0x18] =	wrdreg s0  }
0x24: {  	s6 =	sadd.s32 $0x5400, s7;
	s20 =	sadd.s32 s8, s19;
	[smem:$0x7EC] =	sst s18  }
0x25: {  	s5 =	sadd.s32 $0x8500, s7;
	s0 =	sadd.s32 s3, s22;
	[smem:$0x7EE] =	sst s20  }
0x26: {  	s9 =	sadd.s32 s8, s6;
	s10 =	sadd.s32 $0x5B00, s7;
	[dreg:$0x1a] =	wrdreg s0  }
0x27: {  	s22 =	sadd.s32 s8, s21;
	s18 =	sadd.s32 $0x9A00, s7;
	[dreg:$0x1f] =	wrdreg s9  }
0x28: {  	s20 =	sadd.s32 $0xA100, s7;
	s0 =	sadd.s32 s3, s25;
	[smem:$0x7F0] =	sst s22  }
0x29: {  	s15 =	sadd.s32 s8, s10;
	s25 =	sadd.s32 s8, s23;
	[dreg:$0x1c] =	wrdreg s0  }
0x2a: {  	s9 =	sadd.s32 $0x8C00, s7;
	s28 =	sadd.s32 s8, s20;
	[smem:$0x7EA] =	sst s15  }
0x2b: {  	s29 =	sadd.s32 s3, s20;
	s0 =	sadd.s32 s3, s4;
	[smem:$0x7F2] =	sst s25  }
0x2c: {  	s22 =	sadd.s32 $0xAF00, s7;
	s4 =	sadd.s32 s8, s26;
	[dreg:$0x1e] =	wrdreg s0  }
0x2d: {  	s20 =	simm.s32 $0xF880;
	s0 =	sadd.s32 s3, s6;
	[smem:$0x7F4] =	sst s4  }
0x2e: {  	s15 =	sadd.s32 $0x9300, s7;
	s6 =	sadd.s32 s8, s5;
	[smem:$0x7E9] =	sst s0  }
0x2f: {  	s1 =	sadd.s32 s3, s22;
	s0 =	sadd.s32 s3, s10;
	[smem:$0x7F6] =	sst s6  }
0x30: {  	s25 =	sadd.s32 $0xBD00, s7;
	s10 =	sadd.s32 s8, s9;
	[smem:$0x7EB] =	sst s0  }
0x31: {  	s4 =	sadd.s32 s8, s7;
	s0 =	sadd.s32 s3, s16;
	[smem:$0x7F8] =	sst s10  }
0x32: {  	s6 =	sadd.s32 s3, s7;
	s16 =	sadd.s32 s8, s15;
	[smem:$0x7ED] =	sst s0  }
0x33: {  	s10 =	sadd.s32 s3, s25;
	s0 =	sadd.s32 s3, s19;
	[smem:$0x7FA] =	sst s16  }
0x34: {  	s19 =	sadd.s32 s8, s18;
	s16 =	simm.s32 $0x3;
	[smem:$0x7EF] =	sst s0  }
0x35: {  	s0 =	sadd.s32 s3, s21;
	[smem:$0x7FC] =	sst s19;
	s21 =	sadd.s32 $0xA800, s7  }
0x36: {  	s19 =	simm.s32 $0x5;
	[smem:$0x7F1] =	sst s0;
	s0 =	sadd.s32 s3, s23  }
0x37: {  	s30 =	sadd.s32 s8, s21;
	s31 =	sadd.s32 s3, s21;
	s23 =	sadd.s32 $0xB600, s7  }
0x38: {  	s21 =	sadd.s32 $0xC400, s13;
	s13 =	simm.s32 $0xFA00;
	[smem:$0x7F3] =	sst s0  }
0x39: {  	s0 =	sadd.s32 s3, s26;
	s7 =	sadd.s32 s8, s23;
	s26 =	sor.u32 s17, s12  }
0x3a: {  	s12 =	smax.u32 s14, $0x1;
	s14 =	simm.s32 $0x1BA00;
	s17 =	simm.s32 $0x2  }
0x3b: {  	v1 =	vmov s21;
	s21 =	simm.s32 $0x180;
	[smem:$0x7F5] =	sst s0;
	s0 =	sadd.s32 s3, s5  }
0x3c: {  	s5 =	sadd.s32 $0xC400, s26;
	[smem:$0x7F7] =	sst s0;
	s0 =	sadd.s32 s3, s9  }
0x3d: {  	s26 =	simm.s32 $0x0;
	[smem:$0x7F9] =	sst s0;
	s0 =	sadd.s32 s3, s15  }
0x3e: {  	s9 =	sadd.s32 s3, s23;
	[smem:$0x7FB] =	sst s0;
	s0 =	sadd.s32 s3, s18  }
0x3f: {  	s15 =	simm.s32 $0x1;
	s18 =	simm.s32 $0x4;
	[smem:$0x7FD] =	sst s0  }
0x40: {  	v2 =	vlaneseq.u32;
	v3 =	vimm.s32 $0x0;
	v0 =	vmov s5;
	s0 =	sadd.s32 s8, s22;
	s8 =	sadd.s32 s8, s25;
	s22 =	simm.s32 $0x0  }
.LBB2_1:
0x41: {  	[tilespmem:s13], [sflag:$0x1] =	stream.linear.gather [hbm4b:s4+s2], $0x3800, $0x38;
	[tilespmem:$0x1F200] =	vst v63  }
0x42: {  	s5 =	rddreg [dreg:$0x3]  }
0x43: {  	[tilespmem:s14], [sflag:$0x2] =	stream.linear.gather [hbm4b:s5+s2], $0x3800, $0x38;
	[tilespmem:$0x1F200] =	vst v63  }
0x44: {  	_ =	swait.ge [sflag:s15], $0x3800  }
0x45: {  	[sflag:s15] =	ssyncset.done $0x0  }
0x46: {  	[sflag:s15] =	ssyncadd.s32 $0xFFFFC800  }
0x47: {  	[hbm4b:s6+s2] =	stream.linear.scatter [tilespmem:s13], [sflag:$0x3], $0x3800, $0x38;
	[tilespmem:$0x1F200] =	vst v63  }
0x48: {  	_ =	swait.ge [sflag:s16], $0x3800  }
0x49: {  	[sflag:s16] =	ssyncset.done $0x0  }
0x4a: {  	s25 =	rddreg [dreg:$0x4];
	[sflag:s16] =	ssyncadd.s32 $0xFFFFC800  }
0x4b: {  	[tilespmem:s13], [sflag:$0x1] =	stream.linear.gather [hbm4b:s25+s2], $0x3800, $0x38;
	[tilespmem:$0x1F200] =	vst v63  }
0x4c: {  	_ =	swait.ge [sflag:s17], $0x3800  }
0x4d: {  	[sflag:s17] =	ssyncset.done $0x0  }
0x4e: {  	s23 =	rddreg [dreg:$0x5];
	[sflag:s17] =	ssyncadd.s32 $0xFFFFC800  }
0x4f: {  	[hbm4b:s23+s2] =	stream.linear.scatter [tilespmem:s14], [sflag:$0x4], $0x3800, $0x38;
	[tilespmem:$0x1F200] =	vst v63  }
0x50: {  	_ =	swait.ge [sflag:s18], $0x3800  }
0x51: {  	[sflag:s18] =	ssyncset.done $0x0  }
0x52: {  	s25 =	rddreg [dreg:$0x6];
	[sflag:s18] =	ssyncadd.s32 $0xFFFFC800  }
0x53: {  	[tilespmem:s14], [sflag:$0x2] =	stream.linear.gather [hbm4b:s25+s2], $0x3800, $0x38;
	[tilespmem:$0x1F200] =	vst v63  }
0x54: {  	_ =	swait.ge [sflag:s15], $0x3800  }
0x55: {  	[sflag:s15] =	ssyncset.done $0x0  }
0x56: {  	s23 =	rddreg [dreg:$0x7];
	[sflag:s15] =	ssyncadd.s32 $0xFFFFC800  }
0x57: {  	[hbm4b:s23+s2] =	stream.linear.scatter [tilespmem:s13], [sflag:$0x3], $0x3800, $0x38;
	[tilespmem:$0x1F200] =	vst v63  }
0x58: {  	_ =	swait.ge [sflag:s16], $0x3800  }
0x59: {  	[sflag:s16] =	ssyncset.done $0x0  }
0x5a: {  	s25 =	rddreg [dreg:$0xb];
	[sflag:s16] =	ssyncadd.s32 $0xFFFFC800  }
0x5b: {  	[tilespmem:s13], [sflag:$0x1] =	stream.linear.gather [hbm4b:s25+s2], $0x3800, $0x38;
	[tilespmem:$0x1F200] =	vst v63  }
0x5c: {  	_ =	swait.ge [sflag:s17], $0x3800  }
0x5d: {  	[sflag:s17] =	ssyncset.done $0x0  }
0x5e: {  	s23 =	rddreg [dreg:$0xc];
	[sflag:s17] =	ssyncadd.s32 $0xFFFFC800  }
0x5f: {  	[hbm4b:s23+s2] =	stream.linear.scatter [tilespmem:s14], [sflag:$0x4], $0x3800, $0x38;
	[tilespmem:$0x1F200] =	vst v63  }
0x60: {  	_ =	swait.ge [sflag:s18], $0x3800  }
0x61: {  	[sflag:s18] =	ssyncset.done $0x0  }
0x62: {  	s25 =	rddreg [dreg:$0x11];
	[sflag:s18] =	ssyncadd.s32 $0xFFFFC800  }
0x63: {  	[tilespmem:s14], [sflag:$0x2] =	stream.linear.gather [hbm4b:s25+s2], $0x3800, $0x38;
	[tilespmem:$0x1F200] =	vst v63  }
0x64: {  	_ =	swait.ge [sflag:s15], $0x3800  }
0x65: {  	[sflag:s15] =	ssyncset.done $0x0  }
0x66: {  	s23 =	rddreg [dreg:$0x10];
	[sflag:s15] =	ssyncadd.s32 $0xFFFFC800  }
0x67: {  	[hbm4b:s23+s2] =	stream.linear.scatter [tilespmem:s13], [sflag:$0x3], $0x3800, $0x38;
	[tilespmem:$0x1F200] =	vst v63  }
0x68: {  	_ =	swait.ge [sflag:s16], $0x3800  }
0x69: {  	[sflag:s16] =	ssyncset.done $0x0  }
0x6a: {  	s25 =	rddreg [dreg:$0x13];
	[sflag:s16] =	ssyncadd.s32 $0xFFFFC800  }
0x6b: {  	[tilespmem:s13], [sflag:$0x1] =	stream.linear.gather [hbm4b:s25+s2], $0x3800, $0x38;
	[tilespmem:$0x1F200] =	vst v63  }
0x6c: {  	_ =	swait.ge [sflag:s17], $0x3800  }
0x6d: {  	[sflag:s17] =	ssyncset.done $0x0  }
0x6e: {  	s23 =	rddreg [dreg:$0x12];
	[sflag:s17] =	ssyncadd.s32 $0xFFFFC800  }
0x6f: {  	[hbm4b:s23+s2] =	stream.linear.scatter [tilespmem:s14], [sflag:$0x4], $0x3800, $0x38;
	[tilespmem:$0x1F200] =	vst v63  }
0x70: {  	_ =	swait.ge [sflag:s18], $0x3800  }
0x71: {  	[sflag:s18] =	ssyncset.done $0x0  }
0x72: {  	s25 =	rddreg [dreg:$0x15];
	[sflag:s18] =	ssyncadd.s32 $0xFFFFC800  }
0x73: {  	[tilespmem:s14], [sflag:$0x2] =	stream.linear.gather [hbm4b:s25+s2], $0x3800, $0x38;
	[tilespmem:$0x1F200] =	vst v63  }
0x74: {  	_ =	swait.ge [sflag:s15], $0x3800  }
0x75: {  	[sflag:s15] =	ssyncset.done $0x0  }
0x76: {  	s23 =	rddreg [dreg:$0x14];
	[sflag:s15] =	ssyncadd.s32 $0xFFFFC800  }
0x77: {  	[hbm4b:s23+s2] =	stream.linear.scatter [tilespmem:s13], [sflag:$0x3], $0x3800, $0x38;
	[tilespmem:$0x1F200] =	vst v63  }
0x78: {  	_ =	swait.ge [sflag:s16], $0x3800  }
0x79: {  	[sflag:s16] =	ssyncset.done $0x0  }
0x7a: {  	s25 =	rddreg [dreg:$0x17];
	[sflag:s16] =	ssyncadd.s32 $0xFFFFC800  }
0x7b: {  	[tilespmem:s13], [sflag:$0x1] =	stream.linear.gather [hbm4b:s25+s2], $0x3800, $0x38;
	[tilespmem:$0x1F200] =	vst v63  }
0x7c: {  	_ =	swait.ge [sflag:s17], $0x3800  }
0x7d: {  	[sflag:s17] =	ssyncset.done $0x0  }
0x7e: {  	s23 =	rddreg [dreg:$0x16];
	[sflag:s17] =	ssyncadd.s32 $0xFFFFC800  }
0x7f: {  	[hbm4b:s23+s2] =	stream.linear.scatter [tilespmem:s14], [sflag:$0x4], $0x3800, $0x38;
	[tilespmem:$0x1F200] =	vst v63  }
0x80: {  	_ =	swait.ge [sflag:s18], $0x3800  }
0x81: {  	[sflag:s18] =	ssyncset.done $0x0  }
0x82: {  	s25 =	rddreg [dreg:$0x19];
	[sflag:s18] =	ssyncadd.s32 $0xFFFFC800  }
0x83: {  	[tilespmem:s14], [sflag:$0x2] =	stream.linear.gather [hbm4b:s25+s2], $0x3800, $0x38;
	[tilespmem:$0x1F200] =	vst v63  }
0x84: {  	_ =	swait.ge [sflag:s15], $0x3800  }
0x85: {  	[sflag:s15] =	ssyncset.done $0x0  }
0x86: {  	s23 =	rddreg [dreg:$0x18];
	[sflag:s15] =	ssyncadd.s32 $0xFFFFC800  }
0x87: {  	[hbm4b:s23+s2] =	stream.linear.scatter [tilespmem:s13], [sflag:$0x3], $0x3800, $0x38;
	[tilespmem:$0x1F200] =	vst v63  }
0x88: {  	_ =	swait.ge [sflag:s16], $0x3800  }
0x89: {  	[sflag:s16] =	ssyncset.done $0x0  }
0x8a: {  	s25 =	rddreg [dreg:$0x1b];
	[sflag:s16] =	ssyncadd.s32 $0xFFFFC800  }
0x8b: {  	[tilespmem:s13], [sflag:$0x1] =	stream.linear.gather [hbm4b:s25+s2], $0x3800, $0x38;
	[tilespmem:$0x1F200] =	vst v63  }
0x8c: {  	_ =	swait.ge [sflag:s17], $0x3800  }
0x8d: {  	[sflag:s17] =	ssyncset.done $0x0  }
0x8e: {  	s23 =	rddreg [dreg:$0x1a];
	[sflag:s17] =	ssyncadd.s32 $0xFFFFC800  }
0x8f: {  	[hbm4b:s23+s2] =	stream.linear.scatter [tilespmem:s14], [sflag:$0x4], $0x3800, $0x38;
	[tilespmem:$0x1F200] =	vst v63  }
0x90: {  	_ =	swait.ge [sflag:s18], $0x3800  }
0x91: {  	[sflag:s18] =	ssyncset.done $0x0  }
0x92: {  	s25 =	rddreg [dreg:$0x1d];
	[sflag:s18] =	ssyncadd.s32 $0xFFFFC800  }
0x93: {  	[tilespmem:s14], [sflag:$0x2] =	stream.linear.gather [hbm4b:s25+s2], $0x3800, $0x38;
	[tilespmem:$0x1F200] =	vst v63  }
0x94: {  	_ =	swait.ge [sflag:s15], $0x3800  }
0x95: {  	[sflag:s15] =	ssyncset.done $0x0  }
0x96: {  	s23 =	rddreg [dreg:$0x1c];
	[sflag:s15] =	ssyncadd.s32 $0xFFFFC800  }
0x97: {  	[hbm4b:s23+s2] =	stream.linear.scatter [tilespmem:s13], [sflag:$0x3], $0x3800, $0x38;
	[tilespmem:$0x1F200] =	vst v63  }
0x98: {  	_ =	swait.ge [sflag:s16], $0x3800  }
0x99: {  	[sflag:s16] =	ssyncset.done $0x0  }
0x9a: {  	s25 =	rddreg [dreg:$0x1f];
	[sflag:s16] =	ssyncadd.s32 $0xFFFFC800  }
0x9b: {  	[tilespmem:s13], [sflag:$0x1] =	stream.linear.gather [hbm4b:s25+s2], $0x3800, $0x38;
	[tilespmem:$0x1F200] =	vst v63  }
0x9c: {  	_ =	swait.ge [sflag:s17], $0x3800  }
0x9d: {  	[sflag:s17] =	ssyncset.done $0x0  }
0x9e: {  	s23 =	rddreg [dreg:$0x1e];
	[sflag:s17] =	ssyncadd.s32 $0xFFFFC800  }
0x9f: {  	[hbm4b:s23+s2] =	stream.linear.scatter [tilespmem:s14], [sflag:$0x4], $0x3800, $0x38;
	[tilespmem:$0x1F200] =	vst v63  }
0xa0: {  	_ =	swait.ge [sflag:s18], $0x3800  }
0xa1: {  	s25 =	sld [smem:$0x7EA]  }
0xa2: {  	[sflag:s18] =	ssyncset.done $0x0  }
0xa3: {  	[sflag:s18] =	ssyncadd.s32 $0xFFFFC800  }
0xa4: {  	[tilespmem:s14], [sflag:$0x2] =	stream.linear.gather [hbm4b:s25+s2], $0x3800, $0x38;
	[tilespmem:$0x1F200] =	vst v63  }
0xa5: {  	_ =	swait.ge [sflag:s15], $0x3800  }
0xa6: {  	s23 =	sld [smem:$0x7E9]  }
0xa7: {  	[sflag:s15] =	ssyncset.done $0x0  }
0xa8: {  	[sflag:s15] =	ssyncadd.s32 $0xFFFFC800  }
0xa9: {  	[hbm4b:s23+s2] =	stream.linear.scatter [tilespmem:s13], [sflag:$0x3], $0x3800, $0x38;
	[tilespmem:$0x1F200] =	vst v63  }
0xaa: {  	_ =	swait.ge [sflag:s16], $0x3800  }
0xab: {  	s25 =	sld [smem:$0x7EC]  }
0xac: {  	[sflag:s16] =	ssyncset.done $0x0  }
0xad: {  	[sflag:s16] =	ssyncadd.s32 $0xFFFFC800  }
0xae: {  	[tilespmem:s13], [sflag:$0x1] =	stream.linear.gather [hbm4b:s25+s2], $0x3800, $0x38;
	[tilespmem:$0x1F200] =	vst v63  }
0xaf: {  	_ =	swait.ge [sflag:s17], $0x3800  }
0xb0: {  	s23 =	sld [smem:$0x7EB]  }
0xb1: {  	[sflag:s17] =	ssyncset.done $0x0  }
0xb2: {  	[sflag:s17] =	ssyncadd.s32 $0xFFFFC800  }
0xb3: {  	[hbm4b:s23+s2] =	stream.linear.scatter [tilespmem:s14], [sflag:$0x4], $0x3800, $0x38;
	[tilespmem:$0x1F200] =	vst v63  }
0xb4: {  	_ =	swait.ge [sflag:s18], $0x3800  }
0xb5: {  	s25 =	sld [smem:$0x7EE]  }
0xb6: {  	[sflag:s18] =	ssyncset.done $0x0  }
0xb7: {  	[sflag:s18] =	ssyncadd.s32 $0xFFFFC800  }
0xb8: {  	[tilespmem:s14], [sflag:$0x2] =	stream.linear.gather [hbm4b:s25+s2], $0x3800, $0x38;
	[tilespmem:$0x1F200] =	vst v63  }
0xb9: {  	_ =	swait.ge [sflag:s15], $0x3800  }
0xba: {  	s23 =	sld [smem:$0x7ED]  }
0xbb: {  	[sflag:s15] =	ssyncset.done $0x0  }
0xbc: {  	[sflag:s15] =	ssyncadd.s32 $0xFFFFC800  }
0xbd: {  	[hbm4b:s23+s2] =	stream.linear.scatter [tilespmem:s13], [sflag:$0x3], $0x3800, $0x38;
	[tilespmem:$0x1F200] =	vst v63  }
0xbe: {  	_ =	swait.ge [sflag:s16], $0x3800  }
0xbf: {  	s25 =	sld [smem:$0x7F0]  }
0xc0: {  	[sflag:s16] =	ssyncset.done $0x0  }
0xc1: {  	[sflag:s16] =	ssyncadd.s32 $0xFFFFC800  }
0xc2: {  	[tilespmem:s13], [sflag:$0x1] =	stream.linear.gather [hbm4b:s25+s2], $0x3800, $0x38;
	[tilespmem:$0x1F200] =	vst v63  }
0xc3: {  	_ =	swait.ge [sflag:s17], $0x3800  }
0xc4: {  	s23 =	sld [smem:$0x7EF]  }
0xc5: {  	[sflag:s17] =	ssyncset.done $0x0  }
0xc6: {  	[sflag:s17] =	ssyncadd.s32 $0xFFFFC800  }
0xc7: {  	[hbm4b:s23+s2] =	stream.linear.scatter [tilespmem:s14], [sflag:$0x4], $0x3800, $0x38;
	[tilespmem:$0x1F200] =	vst v63  }
0xc8: {  	_ =	swait.ge [sflag:s18], $0x3800  }
0xc9: {  	s25 =	sld [smem:$0x7F2]  }
0xca: {  	[sflag:s18] =	ssyncset.done $0x0  }
0xcb: {  	[sflag:s18] =	ssyncadd.s32 $0xFFFFC800  }
0xcc: {  	[tilespmem:s14], [sflag:$0x2] =	stream.linear.gather [hbm4b:s25+s2], $0x3800, $0x38;
	[tilespmem:$0x1F200] =	vst v63  }
0xcd: {  	_ =	swait.ge [sflag:s15], $0x3800  }
0xce: {  	s23 =	sld [smem:$0x7F1]  }
0xcf: {  	[sflag:s15] =	ssyncset.done $0x0  }
0xd0: {  	[sflag:s15] =	ssyncadd.s32 $0xFFFFC800  }
0xd1: {  	[hbm4b:s23+s2] =	stream.linear.scatter [tilespmem:s13], [sflag:$0x3], $0x3800, $0x38;
	[tilespmem:$0x1F200] =	vst v63  }
0xd2: {  	_ =	swait.ge [sflag:s16], $0x3800  }
0xd3: {  	s25 =	sld [smem:$0x7F4]  }
0xd4: {  	[sflag:s16] =	ssyncset.done $0x0  }
0xd5: {  	[sflag:s16] =	ssyncadd.s32 $0xFFFFC800  }
0xd6: {  	[tilespmem:s13], [sflag:$0x1] =	stream.linear.gather [hbm4b:s25+s2], $0x3800, $0x38;
	[tilespmem:$0x1F200] =	vst v63  }
0xd7: {  	_ =	swait.ge [sflag:s17], $0x3800  }
0xd8: {  	s23 =	sld [smem:$0x7F3]  }
0xd9: {  	[sflag:s17] =	ssyncset.done $0x0  }
0xda: {  	[sflag:s17] =	ssyncadd.s32 $0xFFFFC800  }
0xdb: {  	[hbm4b:s23+s2] =	stream.linear.scatter [tilespmem:s14], [sflag:$0x4], $0x3800, $0x38;
	[tilespmem:$0x1F200] =	vst v63  }
0xdc: {  	_ =	swait.ge [sflag:s18], $0x3800  }
0xdd: {  	s25 =	sld [smem:$0x7F6]  }
0xde: {  	[sflag:s18] =	ssyncset.done $0x0  }
0xdf: {  	[sflag:s18] =	ssyncadd.s32 $0xFFFFC800  }
0xe0: {  	[tilespmem:s14], [sflag:$0x2] =	stream.linear.gather [hbm4b:s25+s2], $0x3800, $0x38;
	[tilespmem:$0x1F200] =	vst v63  }
0xe1: {  	_ =	swait.ge [sflag:s15], $0x3800  }
0xe2: {  	s23 =	sld [smem:$0x7F5]  }
0xe3: {  	[sflag:s15] =	ssyncset.done $0x0  }
0xe4: {  	[sflag:s15] =	ssyncadd.s32 $0xFFFFC800  }
0xe5: {  	[hbm4b:s23+s2] =	stream.linear.scatter [tilespmem:s13], [sflag:$0x3], $0x3800, $0x38;
	[tilespmem:$0x1F200] =	vst v63  }
0xe6: {  	_ =	swait.ge [sflag:s16], $0x3800  }
0xe7: {  	s25 =	sld [smem:$0x7F8]  }
0xe8: {  	[sflag:s16] =	ssyncset.done $0x0  }
0xe9: {  	[sflag:s16] =	ssyncadd.s32 $0xFFFFC800  }
0xea: {  	[tilespmem:s13], [sflag:$0x1] =	stream.linear.gather [hbm4b:s25+s2], $0x3800, $0x38;
	[tilespmem:$0x1F200] =	vst v63  }
0xeb: {  	_ =	swait.ge [sflag:s17], $0x3800  }
0xec: {  	s23 =	sld [smem:$0x7F7]  }
0xed: {  	[sflag:s17] =	ssyncset.done $0x0  }
0xee: {  	[sflag:s17] =	ssyncadd.s32 $0xFFFFC800  }
0xef: {  	[hbm4b:s23+s2] =	stream.linear.scatter [tilespmem:s14], [sflag:$0x4], $0x3800, $0x38;
	[tilespmem:$0x1F200] =	vst v63  }
0xf0: {  	_ =	swait.ge [sflag:s18], $0x3800  }
0xf1: {  	s25 =	sld [smem:$0x7FA]  }
0xf2: {  	[sflag:s18] =	ssyncset.done $0x0  }
0xf3: {  	[sflag:s18] =	ssyncadd.s32 $0xFFFFC800  }
0xf4: {  	[tilespmem:s14], [sflag:$0x2] =	stream.linear.gather [hbm4b:s25+s2], $0x3800, $0x38;
	[tilespmem:$0x1F200] =	vst v63  }
0xf5: {  	_ =	swait.ge [sflag:s15], $0x3800  }
0xf6: {  	s23 =	sld [smem:$0x7F9]  }
0xf7: {  	[sflag:s15] =	ssyncset.done $0x0  }
0xf8: {  	[sflag:s15] =	ssyncadd.s32 $0xFFFFC800  }
0xf9: {  	[hbm4b:s23+s2] =	stream.linear.scatter [tilespmem:s13], [sflag:$0x3], $0x3800, $0x38;
	[tilespmem:$0x1F200] =	vst v63  }
0xfa: {  	_ =	swait.ge [sflag:s16], $0x3800  }
0xfb: {  	s25 =	sld [smem:$0x7FC]  }
0xfc: {  	[sflag:s16] =	ssyncset.done $0x0  }
0xfd: {  	[sflag:s16] =	ssyncadd.s32 $0xFFFFC800  }
0xfe: {  	[tilespmem:s13], [sflag:$0x1] =	stream.linear.gather [hbm4b:s25+s2], $0x3800, $0x38;
	[tilespmem:$0x1F200] =	vst v63  }
0xff: {  	_ =	swait.ge [sflag:s17], $0x3800  }
0x100: {  	s23 =	sld [smem:$0x7FB]  }
0x101: {  	[sflag:s17] =	ssyncset.done $0x0  }
0x102: {  	[sflag:s17] =	ssyncadd.s32 $0xFFFFC800  }
0x103: {  	[hbm4b:s23+s2] =	stream.linear.scatter [tilespmem:s14], [sflag:$0x4], $0x3800, $0x38;
	[tilespmem:$0x1F200] =	vst v63  }
0x104: {  	_ =	swait.ge [sflag:s18], $0x3800  }
0x105: {  	[sflag:s18] =	ssyncset.done $0x0  }
0x106: {  	[sflag:s18] =	ssyncadd.s32 $0xFFFFC800  }
0x107: {  	[tilespmem:s14], [sflag:$0x2] =	stream.linear.gather [hbm4b:s28+s2], $0x3800, $0x38;
	[tilespmem:$0x1F200] =	vst v63  }
0x108: {  	_ =	swait.ge [sflag:s15], $0x3800  }
0x109: {  	s25 =	sld [smem:$0x7FD]  }
0x10a: {  	[sflag:s15] =	ssyncset.done $0x0  }
0x10b: {  	[sflag:s15] =	ssyncadd.s32 $0xFFFFC800  }
0x10c: {  	[hbm4b:s25+s2] =	stream.linear.scatter [tilespmem:s13], [sflag:$0x3], $0x3800, $0x38;
	[tilespmem:$0x1F200] =	vst v63  }
0x10d: {  	_ =	swait.ge [sflag:s16], $0x3800  }
0x10e: {  	[sflag:s16] =	ssyncset.done $0x0  }
0x10f: {  	[sflag:s16] =	ssyncadd.s32 $0xFFFFC800  }
0x110: {  	[tilespmem:s13], [sflag:$0x1] =	stream.linear.gather [hbm4b:s30+s2], $0x3800, $0x38;
	[tilespmem:$0x1F200] =	vst v63  }
0x111: {  	_ =	swait.ge [sflag:s17], $0x3800  }
0x112: {  	[sflag:s17] =	ssyncset.done $0x0  }
0x113: {  	[sflag:s17] =	ssyncadd.s32 $0xFFFFC800  }
0x114: {  	[hbm4b:s29+s2] =	stream.linear.scatter [tilespmem:s14], [sflag:$0x4], $0x3800, $0x38;
	[tilespmem:$0x1F200] =	vst v63  }
0x115: {  	_ =	swait.ge [sflag:s18], $0x3800  }
0x116: {  	[sflag:s18] =	ssyncset.done $0x0  }
0x117: {  	[sflag:s18] =	ssyncadd.s32 $0xFFFFC800  }
0x118: {  	[tilespmem:s14], [sflag:$0x2] =	stream.linear.gather [hbm4b:s0+s2], $0x3800, $0x38;
	[tilespmem:$0x1F200] =	vst v63  }
0x119: {  	_ =	swait.ge [sflag:s15], $0x3800  }
0x11a: {  	[sflag:s15] =	ssyncset.done $0x0  }
0x11b: {  	[sflag:s15] =	ssyncadd.s32 $0xFFFFC800  }
0x11c: {  	[hbm4b:s31+s2] =	stream.linear.scatter [tilespmem:s13], [sflag:$0x3], $0x3800, $0x38;
	[tilespmem:$0x1F200] =	vst v63  }
0x11d: {  	_ =	swait.ge [sflag:s16], $0x3800  }
0x11e: {  	[sflag:s16] =	ssyncset.done $0x0  }
0x11f: {  	[sflag:s16] =	ssyncadd.s32 $0xFFFFC800  }
0x120: {  	[tilespmem:s13], [sflag:$0x1] =	stream.linear.gather [hbm4b:s7+s2], $0x3800, $0x38;
	[tilespmem:$0x1F200] =	vst v63  }
0x121: {  	_ =	swait.ge [sflag:s17], $0x3800  }
0x122: {  	[sflag:s17] =	ssyncset.done $0x0  }
0x123: {  	[sflag:s17] =	ssyncadd.s32 $0xFFFFC800  }
0x124: {  	[hbm4b:s1+s2] =	stream.linear.scatter [tilespmem:s14], [sflag:$0x4], $0x3800, $0x38;
	[tilespmem:$0x1F200] =	vst v63  }
0x125: {  	_ =	swait.ge [sflag:s18], $0x3800  }
0x126: {  	[sflag:s18] =	ssyncset.done $0x0  }
0x127: {  	[sflag:s18] =	ssyncadd.s32 $0xFFFFC800  }
0x128: {  	[tilespmem:s14], [sflag:$0x2] =	stream.linear.gather [hbm4b:s8+s2], $0x3800, $0x38;
	[tilespmem:$0x1F200] =	vst v63  }
0x129: {  	_ =	swait.ge [sflag:s15], $0x3800  }
0x12a: {  	[sflag:s15] =	ssyncset.done $0x0  }
0x12b: {  	[sflag:s15] =	ssyncadd.s32 $0xFFFFC800  }
0x12c: {  	[hbm4b:s9+s2] =	stream.linear.scatter [tilespmem:s13], [sflag:$0x3], $0x3800, $0x38;
	[tilespmem:$0x1F200] =	vst v63  }
0x12d: {  	_ =	swait.ge [sflag:s17], $0x3800  }
0x12e: {  	[sflag:s17] =	ssyncset.done $0x0  }
0x12f: {  	[sflag:s17] =	ssyncadd.s32 $0xFFFFC800  }
0x130: {  	[hbm4b:s10+s2] =	stream.linear.scatter [tilespmem:s14], [sflag:$0x4], $0x3800, $0x38;
	[tilespmem:$0x1F200] =	vst v63  }
0x131: {  	_ =	swait.ge [sflag:s16], $0x3800  }
0x132: {  	[sflag:s16] =	ssyncset.done $0x0  }
0x133: {  	[sflag:s16] =	ssyncadd.s32 $0xFFFFC800  }
0x134: {  	_ =	swait.ge [sflag:s18], $0x3800  }
0x135: {  	[sflag:s18] =	ssyncset.done $0x0  }
0x136: {  	s5 =	simm.s32 $0xC400;
	[sflag:s18] =	ssyncadd.s32 $0xFFFFC800  }
0x137: {  	[tilespmem:s5], [sflag:$0x5] =	stream.linear.gather [hbm4b:s11+s2], $0x3100, $0x38;
	[tilespmem:$0x1F200] =	vst v63  }
0x138: {  	_ =	swait.ge [sflag:s19], $0x3100  }
0x139: {  	[sflag:s19] =	ssyncset.done $0x0  }
0x13a: {  	[sflag:s19] =	ssyncadd.s32 $0xFFFFCF00  }
0x13b: {  	s23 =	simm.s32 $0x10;
	s25 =	simm.s32 $0x0;
	v4 =	vld [tilespmem:s5+$0x0]  }
.LBB2_2:
0x13c: {  	p0 =	sne.s32 s23, $0x30F0;
	_ =	sdelay $0x3  }
.Ltmp0:
0x13d: {  	(pc) =	sbr.rel @p0 .LBB2_2-.Ltmp0, $4  }
0x13e: {  	_ = 	snop  }
0x13f: {  	v5 =	vor.u32 s25, v2;
	s25 =	smov.u32 s23  }
0x140: {  	s5 =	sadd.s32 $0x10, s5;
	[tilespmem:v4+s26+$0x0] =	vst.idx.msk $0xffff, v5  }
0x141: {  	s23 =	sadd.s32 $0x10, s23;
	v4 =	vld [tilespmem:s5+$0x0]  }
0x142: {  	_ =	sdelay $0x6  }
0x143: {  	v5 =	vor.u32 s25, v2  }
0x144: {  	s5 =	simm.s32 $0x0;
	[tilespmem:v4+s26+$0x0] =	vst.idx.msk $0xffff, v5  }
0x145: {  	v4 =	vld.idx.msk [tilespmem:v1+s5+$0x0 ss:$0x1], $0xffff;
	_ =	sdelay $0x7  }
0x146: {  	v4 =	vld.idx.msk [tilespmem:v4+s2+$0x0], $0xffff;
	_ =	sdelay $0x3  }
0x147: {  	v5 =	vor.u32 s24, v2  }
0x148: {  	vm0 =	veq.s32 v4, v5  }
0x149: {  	v4 =	vsel vm0, $0x1, v3  }
0x14a: {  	s23 =	simm.s32 $0x10;
	s25 =	simm.s32 $0x80;
	[tilespmem:s5+$0xF500] =	vst v4;
	s5 =	smov.u32 s24  }
.LBB2_4:
0x14b: {  	p0 =	sne.s32 s25, $0xC00;
	v4 =	vld.idx.msk [tilespmem:v1+s23+$0x0 ss:$0x1], $0xffff;
	_ =	sdelay $0x7  }
0x14c: {  	v4 =	vld.idx.msk [tilespmem:v4+s2+$0x0], $0xffff;
	_ =	sdelay $0x3  }
.Ltmp1:
0x14d: {  	s5 =	sadd.s32 $0x10, s5;
	(pc) =	sbr.rel @p0 .LBB2_4-.Ltmp1, $4  }
0x14e: {  	v5 =	vor.u32 s5, v2  }
0x14f: {  	vm0 =	veq.s32 v4, v5  }
0x150: {  	v4 =	vsel vm0, $0x1, v3  }
0x151: {  	[tilespmem:s23+$0xF500] =	vst v4;
	s23 =	sshra.s32 s25, $0x2;
	s25 =	sadd.s32 $0x40, s25  }
0x152: {  	_ =	sdelay $0x3  }
0x153: {  	v4 =	vld.idx.msk [tilespmem:v1+s23+$0x0 ss:$0x1], $0xffff;
	_ =	sdelay $0x7  }
0x154: {  	v4 =	vld.idx.msk [tilespmem:v4+s2+$0x0], $0xffff;
	_ =	sdelay $0x2  }
0x155: {  	s5 =	sadd.s32 $0x10, s5  }
0x156: {  	v5 =	vor.u32 s5, v2  }
0x157: {  	vm0 =	veq.s32 v4, v5  }
0x158: {  	v4 =	vsel vm0, $0x1, v3  }
0x159: {  	[tilespmem:s23+$0xF500] =	vst v4  }
0x15a: {  	[bflag:$0x0] =	sbarrier.arrive $0xFFFF  }
0x15b: {  	s5 =	simm.s32 $0x0;
	s25 =	rddreg [dreg:$0x8]  }
0x15c: {  	[tilespmem:s20], [sflag:$0x5] =	stream.linear.gather [hbm4b:s25+s5], $0x180, $0x38;
	[tilespmem:$0x1F200] =	vst v63  }
0x15d: {  	_ =	swait.ge [sflag:s19], $0x180  }
0x15e: {  	[sflag:s19] =	ssyncset.done $0x0  }
0x15f: {  	s25 =	rddreg [dreg:$0xd];
	[sflag:s19] =	ssyncadd.s32 $0xFFFFFE80  }
0x160: {  	[tilespmem:s13], [sflag:$0x5] =	stream.linear.gather [hbm4b:s25+s5], $0xC000, $0x38;
	[tilespmem:$0x1F200] =	vst v63  }
0x161: {  	_ =	swait.ge [sflag:s19], $0xC000  }
0x162: {  	[sflag:s19] =	ssyncset.done $0x0  }
0x163: {  	s5 =	simm.s32 $0x0;
	[sflag:s19] =	ssyncadd.s32 $0xFFFF4000  }
0x164: {  	v4 =	vld [tilespmem:s5+$0xF500]  }
0x165: {  	v5 =	vld [tilespmem:s5+$0xF880];
	_ =	sdelay $0x3  }
0x166: {  	vm15 =	veq.s32 v4, $0x1  }
0x167: {  	s23 =	simm.s32 $0x80;
	s25 =	simm.s32 $0x10;
	v4 =	vsel vm15, v5, v0  }
.LBB2_6:
0x168: {  	p0 =	sne.s32 s23, $0x5C0;
	v5 =	vld [tilespmem:s25+$0xF500];
	[tilespmem:s5+$0xF880] =	vst v4;
	s5 =	smov.u32 s25  }
0x169: {  	v4 =	vld [tilespmem:s5+$0xF880]  }
.Ltmp2:
0x16a: {  	(pc) =	sbr.rel @p0 .LBB2_6-.Ltmp2, $3  }
0x16b: {  	_ =	sdelay $0x1  }
0x16c: {  	vm0 =	veq.s32 v5, $0x1  }
0x16d: {  	s25 =	sshra.s32 s23, $0x2;
	s23 =	sadd.s32 $0x40, s23;
	v4 =	vsel vm0, v4, v0  }
0x16e: {  	v5 =	vld [tilespmem:s25+$0xF500];
	[tilespmem:s5+$0xF880] =	vst v4  }
0x16f: {  	v4 =	vld [tilespmem:s25+$0xF880];
	_ =	sdelay $0x3  }
0x170: {  	vm0 =	veq.s32 v5, $0x1  }
0x171: {  	v4 =	vsel vm0, v4, v0  }
0x172: {  	s23 =	simm.s32 $0xF880;
	[tilespmem:s25+$0xF880] =	vst v4  }
0x173: {  	[hbm4b:s3+s21] =	stream.indirect.scatter [tilespmem:s13], [sflag:$0x4], $0x80, s23, s21, $0xb8;
	[tilespmem:$0x1F200] =	vst v63  }
0x174: {  	_ =	swait.ge [sflag:s18], $0xC000  }
0x175: {  	[sflag:s18] =	ssyncset.done $0x0  }
0x176: {  	s5 =	simm.s32 $0x0;
	s25 =	rddreg [dreg:$0x9];
	[sflag:s18] =	ssyncadd.s32 $0xFFFF4000  }
0x177: {  	[tilespmem:s23], [sflag:$0x5] =	stream.linear.gather [hbm4b:s25+s5], $0x180, $0x38;
	[tilespmem:$0x1F200] =	vst v63  }
0x178: {  	_ =	swait.ge [sflag:s19], $0x180  }
0x179: {  	[sflag:s19] =	ssyncset.done $0x0  }
0x17a: {  	s25 =	rddreg [dreg:$0xe];
	[sflag:s19] =	ssyncadd.s32 $0xFFFFFE80  }
0x17b: {  	[tilespmem:s13], [sflag:$0x5] =	stream.linear.gather [hbm4b:s25+s5], $0xC000, $0x38;
	[tilespmem:$0x1F200] =	vst v63  }
0x17c: {  	_ =	swait.ge [sflag:s19], $0xC000  }
0x17d: {  	[sflag:s19] =	ssyncset.done $0x0  }
0x17e: {  	s5 =	sand.u32 $0x1F0, s5;
	[sflag:s19] =	ssyncadd.s32 $0xFFFF4000  }
0x17f: {  	v4 =	vld [tilespmem:s5+$0xF680]  }
0x180: {  	v5 =	vld [tilespmem:s23+$0x0];
	_ =	sdelay $0x3  }
0x181: {  	vm15 =	veq.s32 v4, $0x1  }
0x182: {  	s25 =	simm.s32 $0x10;
	v4 =	vsel vm15, v5, v0  }
0x183: {  	s25 =	sand.u32 $0x1F0, s25;
	s5 =	simm.s32 $0x20;
	[tilespmem:s23+$0x0] =	vst v4  }
.LBB2_8:
0x184: {  	p0 =	sne.s32 s5, $0x170;
	v4 =	vld [tilespmem:s25+$0xF680];
	s23 =	sadd.s32 $0x10, s23  }
0x185: {  	v5 =	vld [tilespmem:s23+$0x0];
	_ =	sdelay $0x1  }
.Ltmp3:
0x186: {  	(pc) =	sbr.rel @p0 .LBB2_8-.Ltmp3, $4  }
0x187: {  	_ = 	snop  }
0x188: {  	vm0 =	veq.s32 v4, $0x1  }
0x189: {  	v4 =	vsel vm0, v5, v0  }
0x18a: {  	s25 =	sand.u32 $0x1F0, s5;
	s5 =	sadd.s32 $0x10, s5;
	[tilespmem:s23+$0x0] =	vst v4  }
0x18b: {  	v4 =	vld [tilespmem:s25+$0xF680];
	s5 =	sadd.s32 $0x10, s23  }
0x18c: {  	v5 =	vld [tilespmem:s5+$0x0];
	_ =	sdelay $0x3  }
0x18d: {  	vm0 =	veq.s32 v4, $0x1  }
0x18e: {  	v4 =	vsel vm0, v5, v0  }
0x18f: {  	[tilespmem:s5+$0x0] =	vst v4  }
0x190: {  	[hbm4b:s3+s21] =	stream.indirect.scatter [tilespmem:s13], [sflag:$0x4], $0x80, s20, s21, $0xb8;
	[tilespmem:$0x1F200] =	vst v63  }
0x191: {  	_ =	swait.ge [sflag:s18], $0xC000  }
0x192: {  	[sflag:s18] =	ssyncset.done $0x0  }
0x193: {  	s25 =	rddreg [dreg:$0xa];
	[sflag:s18] =	ssyncadd.s32 $0xFFFF4000  }
0x194: {  	[tilespmem:s20], [sflag:$0x5] =	stream.linear.gather [hbm4b:s25+s2], $0x10, $0x38;
	[tilespmem:$0x1F200] =	vst v63  }
0x195: {  	_ =	swait.ge [sflag:s19], $0x10  }
0x196: {  	[sflag:s19] =	ssyncset.done $0x0  }
0x197: {  	s23 =	rddreg [dreg:$0xf];
	[sflag:s19] =	ssyncadd.s32 $0xFFFFFFF0  }
0x198: {  	[tilespmem:s13], [sflag:$0x5] =	stream.linear.gather [hbm4b:s23+s2], $0x800, $0x38;
	[tilespmem:$0x1F200] =	vst v63  }
0x199: {  	_ =	swait.ge [sflag:s19], $0x800  }
0x19a: {  	[sflag:s19] =	ssyncset.done $0x0  }
0x19b: {  	[sflag:s19] =	ssyncadd.s32 $0xFFFFF800  }
0x19c: {  	v4 =	vld [tilespmem:$0xF800]  }
0x19d: {  	v5 =	vld [tilespmem:$0xF880];
	_ =	sdelay $0x3  }
0x19e: {  	s22 =	sadd.s32 $0x1, s22;
	vm15 =	veq.s32 v4, $0x1  }
0x19f: {  	p0 =	sne.s32 s22, s12;
	v4 =	vsel vm15, v5, v0  }
.Ltmp4:
0x1a0: {  	s25 =	simm.s32 $0x10;
	[tilespmem:$0xF880] =	vst v4;
	(pc) =	sbr.rel @p0 .LBB2_1-.Ltmp4, $4  }
0x1a1: {  	[hbm4b:s3+s25] =	stream.indirect.scatter [tilespmem:s13], [sflag:$0x4], $0x80, s20, s25, $0xb8;
	[tilespmem:$0x1F200] =	vst v63  }
0x1a2: {  	_ =	swait.ge [sflag:s18], $0x800  }
0x1a3: {  	[sflag:s18] =	ssyncset.done $0x0  }
0x1a4: {  	[sflag:s18] =	ssyncadd.s32 $0xFFFFF800  }
0x1a5: {  	_ =	sfence.sel $0x180000  }
0x1a6: {  	[bflag:$0x0] =	sbarrier.arrive $0xFFFF  }
0x1a7: {  	_ =	strace $0x9000004D  }
0x1a8: {  	s0 =	stileid.u32;
	[bflag:$0x2] =	sbarrier.arrive $0xFFFF  }
0x1a9: {  	p0 =	sne.s32 s0, $0x0;
	s0 =	rddreg [dreg:$0x2]  }
0x1aa: {  	s0 =	sadd.s32 @!p0 $0x100000, s0  }
0x1ab: {  	[sflag:s0] =	ssyncadd.tile.s32 @!p0 $0x1;
	_ =	shalt  }
.Lfunc_end2:
_tile_overlayer_lowered:
.L_overlay_start_2:
0x1ac: {  	(tag) =	ssettag $0x2  }
0x1ad: {  	s0 =	rddreg [dreg:$0x0];
	s2 =	stileid.u32  }
0x1ae: {  	s1 =	rddreg [dreg:$0x1];
	p0 =	sne.s32 s2, $0x0  }
0x1af: {  	s3 =	rddreg [dreg:$0x2];
	[bflag:$0x3] =	sbarrier.arrive $0xFFFF;
	s2 =	simm.s32 @!p0 $0x1C05  }
0x1b0: {  	[timem:s3], [sflag:s2] =	dma.local @!p0 [hbm:s0], s1  }
0x1b1: {  	s0 =	simm.s32 @!p0 $0x5  }
0x1b2: {  	_ =	swait.ge @!p0 [sflag:s0], s1  }
0x1b3: {  	s1 =	ssub.s32 @!p0 $0x0, s1;
	[sflag:s0] =	ssyncset.done @!p0 $0x0  }
0x1b4: {  	[sflag:s0] =	ssyncadd.s32 @!p0 s1  }
0x1b5: {  	[bflag:$0x3] =	sbarrier.arrive $0xFFFF  }
0x1b6: {  	_ =	shalt  }

// kernel: kernel.7.cloned.1.call-start
scs
__scs_entry_jumppad:
0x0: {  	(pc) =	sbr.rel $0x88, $3  }
0x1: {  	(tag) =	ssettag $0x0;
	lr =	simm.s32 $0x1  }
0x2: {  	[smem:$0x3F86] =	sst lr;
	_ =	strace $0xD0000000  }
0x3: {  	_ = 	snop  }
0x4: {  	_ = 	snop  }
0x5: {  	_ = 	snop  }
0x6: {  	_ = 	snop  }
0x7: {  	_ = 	snop  }
__scs_overlays_trampoline_lowered:
0x8: {  	[smem:$0x3F95] =	sst s0  }
0x9: {  	[smem:$0x3F96] =	sst s1  }
0xa: {  	[smem:$0x3F97] =	sst s2  }
0xb: {  	[smem:$0x3F98] =	sst s3  }
0xc: {  	[smem:$0x3F99] =	sst s4  }
0xd: {  	[smem:$0x3F9A] =	sst s5  }
0xe: {  	[smem:$0x3F9B] =	sst s6  }
0xf: {  	[smem:$0x3F9C] =	sst s7  }
0x10: {  	[smem:$0x3F9D] =	sst s8  }
0x11: {  	[smem:$0x3F9E] =	sst s9;
	s0 =	simm.s32 @!p0 $0x0  }
0x12: {  	s1 =	sld [smem:$0x3F84];
	s0 =	simm.s32 @p0 $0x1  }
0x13: {  	[smem:$0x3F9F] =	sst s0;
	s0 =	simm.s32 @!p1 $0x0  }
0x14: {  	s2 =	sld [smem:$0x3F83];
	s0 =	simm.s32 @p1 $0x1  }
0x15: {  	[smem:$0x3FA0] =	sst s0;
	s0 =	simm.s32 @!p2 $0x0  }
0x16: {  	s3 =	sld [smem:$0x3FDB];
	s0 =	simm.s32 @p2 $0x1  }
0x17: {  	s4 =	simm.s32 $0x1BF5;
	[smem:$0x3FA2] =	sst s0  }
0x18: {  	s0 =	sld [smem:$0x3F85];
	_ =	swait.ge [sflag:s4], $0x0  }
0x19: {  	s7 =	sld [smem:$0x3F86]  }
0x1a: {  	s8 =	sadd.s32 $0xFFFFE003, lr  }
0x1b: {  	s9 =	sadd.s32 $0xFFFFFEF7, lr;
	s5 =	simm.s32 $0xFFFFFFFF;
	p2 =	slt.u32 s8, $0xFFFFF086  }
0x1c: {  	p1 =	slt.u32 s9, $0xF7A;
	s5 =	simm.s32 @!p2 $0x0  }
0x1d: {  	s5 =	simm.s32 @p1 $0x1;
	p0 =	seq.s32 s7, s2  }
0x1e: {  	s7 =	smul.u32 @!p0 $0xF7A, s2;
	p2 =	seq.s32 @!p0 s5, $0x0  }
0x1f: {  	s9 =	smul.u32 $0xF7A, s1;
	s8 =	simm.s32 @!p0 $0x1BF5;
	p2 =	por !p2, p0  }
0x20: {  	[sflag:s8] =	ssyncset.s32 @!p0 $0xFFFFF086;
	s6 =	sadd.s32 @!p0 s3, s7;
	s7 =	simm.s32 @!p0 $0x108  }
0x21: {  	s3 =	sadd.s32 s3, s9;
	s6 =	sadd.s32 @!p0 $0x88, s6;
	s7 =	simm.s32 @p2 $0x1082  }
0x22: {  	[simem:s7], [sflag:s8] =	dma.local @!p0 [hbm:s6], $0xF7A  }
0x23: {  	s9 =	sor.u32 $0xD0000000, s2;
	s6 =	simm.s32 $0x108;
	_ =	swait.ge @!p0 [sflag:s8], $0x0  }
0x24: {  	s3 =	sadd.s32 $0x88, s3;
	s6 =	simm.s32 @!p1 $0x1082;
	[sflag:s4] =	ssyncset.s32 $0xFFFFF086  }
0x25: {  	[simem:s6], [sflag:s4] =	dma.local [hbm:s3], $0xF7A  }
0x26: {  	[smem:$0x3F86] =	sst s1;
	(tag) =	ssettag s2;
	_ =	strace s9  }
0x27: {  	s1 =	sld [smem:$0x3F96]  }
0x28: {  	s2 =	sld [smem:$0x3F97]  }
0x29: {  	s4 =	sld [smem:$0x3F99]  }
0x2a: {  	p0 =	seq.s32 s5, $0x0;
	s5 =	sld [smem:$0x3F9A]  }
0x2b: {  	s6 =	sld [smem:$0x3F9B]  }
0x2c: {  	s7 =	sld [smem:$0x3F9C]  }
0x2d: {  	s3 =	simm.s32 $0x108;
	s8 =	sld [smem:$0x3F9D]  }
0x2e: {  	s3 =	simm.s32 @!p0 $0x1082;
	s9 =	sld [smem:$0x3F9E]  }
0x2f: {  	lr =	sadd.s32 s0, s3;
	s0 =	sld [smem:$0x3F95]  }
0x30: {  	s3 =	sld [smem:$0x3F98]  }
0x31: {  	[smem:$0x3FA1] =	sst s10  }
0x32: {  	s10 =	sld [smem:$0x3F9F];
	_ =	sdelay $0x3  }
0x33: {  	p0 =	seq.s32 s10, $0x1;
	s10 =	sld [smem:$0x3FA1];
	_ =	sdelay $0x3  }
0x34: {  	[smem:$0x3FA1] =	sst s10  }
0x35: {  	s10 =	sld [smem:$0x3FA0];
	_ =	sdelay $0x3  }
0x36: {  	p1 =	seq.s32 s10, $0x1;
	s10 =	sld [smem:$0x3FA1];
	_ =	sdelay $0x3  }
0x37: {  	[smem:$0x3FA1] =	sst s10  }
0x38: {  	s10 =	sld [smem:$0x3FA2]  }
0x39: {  	_ = 	snop;
	(pc) =	sbr.ind lr, $3  }
0x3a: {  	_ = 	snop  }
0x3b: {  	_ = 	snop  }
0x3c: {  	p2 =	seq.s32 s10, $0x1;
	s10 =	sld [smem:$0x3FA1]  }
0x3d: {  	_ =	shalt  }
0x3e: {  	_ =	shalt  }
0x3f: {  	_ =	shalt  }
0x40: {  	_ =	shalt  }
0x41: {  	_ =	shalt  }
0x42: {  	_ =	shalt  }
0x43: {  	_ =	shalt  }
0x44: {  	_ =	shalt  }
0x45: {  	_ =	shalt  }
0x46: {  	_ =	shalt  }
0x47: {  	_ =	shalt  }
0x48: {  	_ =	shalt  }
0x49: {  	_ =	shalt  }
0x4a: {  	_ =	shalt  }
0x4b: {  	_ =	shalt  }
0x4c: {  	_ =	shalt  }
0x4d: {  	_ =	shalt  }
0x4e: {  	_ =	shalt  }
0x4f: {  	_ =	shalt  }
0x50: {  	_ =	shalt  }
0x51: {  	_ =	shalt  }
0x52: {  	_ =	shalt  }
0x53: {  	_ =	shalt  }
0x54: {  	_ =	shalt  }
0x55: {  	_ =	shalt  }
0x56: {  	_ =	shalt  }
0x57: {  	_ =	shalt  }
0x58: {  	_ =	shalt  }
0x59: {  	_ =	shalt  }
0x5a: {  	_ =	shalt  }
0x5b: {  	_ =	shalt  }
0x5c: {  	_ =	shalt  }
0x5d: {  	_ =	shalt  }
0x5e: {  	_ =	shalt  }
0x5f: {  	_ =	shalt  }
0x60: {  	_ =	shalt  }
0x61: {  	_ =	shalt  }
0x62: {  	_ =	shalt  }
0x63: {  	_ =	shalt  }
0x64: {  	_ =	shalt  }
0x65: {  	_ =	shalt  }
0x66: {  	_ =	shalt  }
0x67: {  	_ =	shalt  }
0x68: {  	_ =	shalt  }
0x69: {  	_ =	shalt  }
0x6a: {  	_ =	shalt  }
0x6b: {  	_ =	shalt  }
0x6c: {  	_ =	shalt  }
0x6d: {  	_ =	shalt  }
0x6e: {  	_ =	shalt  }
0x6f: {  	_ =	shalt  }
0x70: {  	_ =	shalt  }
0x71: {  	_ =	shalt  }
0x72: {  	_ =	shalt  }
0x73: {  	_ =	shalt  }
0x74: {  	_ =	shalt  }
0x75: {  	_ =	shalt  }
0x76: {  	_ =	shalt  }
0x77: {  	_ =	shalt  }
0x78: {  	_ =	shalt  }
0x79: {  	_ =	shalt  }
0x7a: {  	_ =	shalt  }
0x7b: {  	_ =	shalt  }
0x7c: {  	_ =	shalt  }
0x7d: {  	_ =	shalt  }
0x7e: {  	_ =	shalt  }
0x7f: {  	_ =	shalt  }
0x80: {  	_ =	shalt  }
0x81: {  	_ =	shalt  }
0x82: {  	_ =	shalt  }
0x83: {  	_ =	shalt  }
0x84: {  	_ =	shalt  }
0x85: {  	_ =	shalt  }
0x86: {  	_ =	shalt  }
0x87: {  	_ =	shalt  }
.Lfunc_end0:
.L_simem_size_0:
called_computation.1_lowered:
.L_overlay_start_0:
0x88: {  	s2 =	sld [smem:$0x3FD9]  }
0x89: {  	s3 =	sld [smem:$0x3FFE];
	_ =	sdelay $0x1  }
0x8a: {  	s1 =	srdreg.scid  }
0x8b: {  	s0 =	sand.u32 $0x1, s1  }
0x8c: {  	s14 =	sshll.u32 s0, $0xA;
	s2 =	sadd.s32 s3, s2  }
0x8d: {  	s2 =	sadd.s32 s2, s14  }
0x8e: {  	[smem:$0x3FAD] =	sst s2  }
0x8f: {  	_ = 	snop  }
0x90: {  	s2 =	sld [smem:$0x3FD0];
	_ =	sdelay $0x2  }
0x91: {  	s15 =	simm.s32 $0xA;
	s4 =	simm.s32 $0x10  }
0x92: {  	[smem:s4], [sflag:s15] =	dma.local [hbm:s2], $0x1  }
0x93: {  	_ =	swait.eq [sflag:s15], $0x1  }
0x94: {  	[sflag:s15] =	ssyncset.done $0x0  }
0x95: {  	s16 =	sld [smem:$0x10];
	[sflag:s15] =	ssyncadd.s32 $0xFFFFFFFF  }
0x96: {  	s17 =	sld [smem:$0x11];
	(tm) =	ssettm $0x1  }
0x97: {  	s18 =	sld [smem:$0x3FFB];
	_ =	sdelay $0x3  }
0x98: {  	_ =	strace s18  }
0x99: {  	s4 =	sld [smem:$0x3FFC];
	_ =	sdelay $0x3  }
0x9a: {  	_ =	strace s4  }
0x9b: {  	s4 =	sld [smem:$0x3FFD];
	_ =	sdelay $0x3  }
0x9c: {  	_ =	strace s4  }
0x9d: {  	_ =	strace $0x8FFFFFFF  }
0x9e: {  	s19 =	sld [smem:$0x3FDB];
	_ =	sdelay $0x1  }
0x9f: {  	s5 =	simm.s32 $_scs_section_size  }
0xa0: {  	s6 =	simm.s32 $_size__tile_overlayer_lowered;
	s7 =	simm.s32 $_tile_overlayer_lowered  }
0xa1: {  	s22 =	simm.s32 $0x1BFF;
	s21 =	sshll.u32 s7, $0x1;
	s4 =	sadd.s32 s5, s19  }
0xa2: {  	s8 =	simm.s32 $0x0;
	s20 =	sshll.u32 s6, $0x1;
	s6 =	sadd.s32 s21, s4  }
0xa3: {  	[timem:s8], [sflag:s22] =	dma.local [hbm:s6], s20  }
0xa4: {  	_ =	swait.ge [sflag:s22], s20  }
0xa5: {  	s5 =	ssub.s32 $0x0, s20;
	[sflag:s22] =	ssyncset.done $0x0  }
0xa6: {  	[sflag:s22] =	ssyncadd.s32 s5;
	_ =	sdelay $0x1  }
0xa7: {  	s23 =	simm.s32 $0x1B8B  }
0xa8: {  	_ =	swait.ge [sflag:s23], $0x1  }
0xa9: {  	[sflag:s23] =	ssyncset.done $0x0  }
0xaa: {  	s25 =	simm.s32 $0x1B8E;
	s24 =	sld [smem:$0x3FFE];
	[sflag:s23] =	ssyncadd.s32 $0xFFFFFFFF  }
0xab: {  	s26 =	simm.s32 $execute0_lowered;
	[smem:$0x3FD2] =	sst s25  }
0xac: {  	s6 =	sshll.u32 s26, $0x1;
	_ =	strace $0x80000049;
	[dreg:$0x1] =	wrdreg $0xFFFFFFFF  }
0xad: {  	s28 =	simm.s32 $_size_execute0_lowered;
	s4 =	sadd.s32 s4, s6;
	[dreg:$0x0] =	wrdreg $0x0  }
0xae: {  	s6 =	sshll.u32 s28, $0x1;
	[dreg:$0x2] =	wrdreg s4  }
0xaf: {  	[dreg:$0x3] =	wrdreg s6  }
0xb0: {  	[dreg:$0x4] =	wrdreg $0xC0  }
0xb1: {  	_ =	task [dreg:s8], $0x5FFFF  }
0xb2: {  	[dreg:$0x1] =	wrdreg $0xFFFFFFFF  }
0xb3: {  	[dreg:$0x0] =	wrdreg $0x60  }
0xb4: {  	[dreg:$0x2] =	wrdreg s24  }
0xb5: {  	[dreg:$0x3] =	wrdreg s16  }
0xb6: {  	[dreg:$0x4] =	wrdreg s17  }
0xb7: {  	[dreg:$0x5] =	wrdreg $0x9  }
0xb8: {  	_ =	task.clear_ibuf [dreg:s8], $0x6FFFF;
	_ =	strace $0x90000049  }
0xb9: {  	s29 =	simm.s32 $0x9;
	_ =	strace $0x8000004B  }
0xba: {  	_ =	swait.ge [sflag:s29], $0x1  }
0xbb: {  	[sflag:s29] =	ssyncadd.s32 $0xFFFFFFFF  }
0xbc: {  	_ =	strace $0x9000004B  }
0xbd: {  	_ =	sfence  }
0xbe: {  	s30 =	sld [smem:$0x0];
	_ =	sdelay $0x2  }
0xbf: {  	s31 =	sshll.u32 s1, $0xD;
	s1 =	sshrl.u32 s1, $0x2  }
0xc0: {  	s3 =	sand.u32 $0x4000, s31;
	s1 =	sadd.s32 s1, s30  }
0xc1: {  	s0 =	sor.u32 s3, s0;
	s1 =	sshll.u32 s1, $0x11  }
0xc2: {  	s0 =	sor.u32 s1, s0  }
0xc3: {  	s0 =	sadd.s32 $0x8F2B, s0  }
0xc4: {  	[sflag:s0] =	ssyncadd.remote.s32 $0x1  }
0xc5: {  	_ =	sfence.sel $0xFFFF  }
0xc6: {  	[dreg:$0x0] =	wrdreg $0xFFFFFFFF;
	(pc) =	sbr.abs _section_cstart, $3  }
0xc7: {  	[dreg:$0x1] =	wrdreg $0xFFFFFFFF  }
0xc8: {  	_ =	task.clear_ibuf [dreg:s8], $0x2FFFF;
	_ =	strace $0x9FFFFFFF  }
0xc9: {  	(tm) =	ssettm $0x7FFFFFFF  }
tec
execute0_lowered:
.L_overlay_start_1:
0x0: {  	(tag) =	ssettag $0x1  }
0x1: {  	s1 =	rddreg [dreg:$0x0];
	s0 =	srdreg.scid  }
0x2: {  	s4 =	rddreg [dreg:$0x1];
	s9 =	sand.u32 $0x1, s0  }
0x3: {  	s5 =	stileid.u32;
	s2 =	simm.s32 $0x0;
	s3 =	sshll.u32 s9, $0x4  }
0x4: {  	p0 =	por $0x0, $0x0;
	[smem:$0x7FF] =	sst s2;
	s5 =	sor.u32 s5, s3  }
0x5: {  	s0 =	rddreg [dreg:$0x2];
	_ =	strace $0x8000004A;
	s7 =	smul.u32 $0x1B90, s5  }
0x6: {  	s9 =	ssub.s32 $0x2, s9;
	s3 =	sadd.s32 $0x4C00, s1;
	s12 =	smul.u32 $0x1B900, s5  }
0x7: {  	s6 =	sshrl.u32 s7, $0x3;
	s10 =	sadd.s32 $0x188, s7;
	s22 =	sadd.s32 $0x310, s7  }
0x8: {  	s24 =	sadd.s32 $0x498, s7;
	s15 =	sadd.s32 $0x620, s7;
	s17 =	sadd.s32 $0x7A8, s7  }
0x9: {  	s8 =	sadd.s32 s4, s6;
	s11 =	sshrl.u32 s10, $0x3;
	s6 =	sadd.s32 $0x4D6800, s1  }
0xa: {  	s23 =	sshrl.u32 s22, $0x3;
	s10 =	sshll.u32 s10, $0x4;
	s26 =	sshrl.u32 s24, $0x3  }
0xb: {  	s13 =	sshll.u32 s22, $0x4;
	s16 =	sshrl.u32 s15, $0x3;
	s19 =	sshrl.u32 s17, $0x3  }
0xc: {  	s22 =	sadd.s32 $0x930, s7;
	[dreg:$0x4] =	wrdreg s8;
	s20 =	sadd.s32 s4, s11  }
0xd: {  	s21 =	sadd.s32 s6, s12;
	s8 =	sadd.s32 $0x34DA00, s1;
	[dreg:$0x5] =	wrdreg s20  }
0xe: {  	s1 =	sadd.s32 s4, s23;
	s25 =	sadd.s32 s6, s10;
	[dreg:$0x6] =	wrdreg s21  }
0xf: {  	s10 =	sadd.s32 s4, s26;
	s14 =	sadd.s32 s6, s13;
	[dreg:$0x7] =	wrdreg s1  }
0x10: {  	s11 =	sshll.u32 s24, $0x4;
	s23 =	sshrl.u32 s9, $0x1;
	[dreg:$0x8] =	wrdreg s25  }
0x11: {  	s24 =	sshrl.u32 s22, $0x3;
	s12 =	sshll.u32 s17, $0x4;
	[dreg:$0x9] =	wrdreg s10  }
0x12: {  	s13 =	sadd.s32 $0xAB8, s7;
	[dreg:$0xa] =	wrdreg s14;
	s1 =	sadd.s32 s4, s16  }
0x13: {  	s18 =	sadd.s32 s6, s11;
	s20 =	sadd.s32 s4, s19;
	s10 =	sshll.u32 s15, $0x4  }
0x14: {  	s25 =	sadd.s32 s6, s12;
	s26 =	sshrl.u32 s13, $0x3;
	s16 =	sadd.s32 $0xC40, s7  }
0x15: {  	s9 =	ssub.s32 s9, s23;
	s11 =	smul.u32 $0x310, s5;
	[dreg:$0xb] =	wrdreg s1  }
0x16: {  	s19 =	sadd.s32 $0xDC8, s7;
	s5 =	smul.u32 $0x3100, s5;
	[dreg:$0xc] =	wrdreg s18  }
0x17: {  	[dreg:$0xd] =	wrdreg s20;
	s21 =	sadd.s32 s6, s10;
	s1 =	sadd.s32 s4, s24  }
0x18: {  	[dreg:$0x10] =	wrdreg s25;
	s14 =	sadd.s32 s4, s26;
	s10 =	sshll.u32 s22, $0x4  }
0x19: {  	s17 =	sshrl.u32 s16, $0x3;
	s18 =	sshll.u32 s13, $0x4;
	[dreg:$0xe] =	wrdreg s21  }
0x1a: {  	s24 =	sadd.s32 $0xF50, s7;
	s12 =	sshll.u32 s19, $0x4;
	[dreg:$0xf] =	wrdreg s1  }
0x1b: {  	s26 =	sadd.s32 $0x10D8, s7;
	s13 =	sadd.s32 $0x16F8, s7;
	[dreg:$0x11] =	wrdreg s14  }
0x1c: {  	s15 =	sadd.s32 s6, s10;
	s1 =	sadd.s32 s4, s17;
	s20 =	sadd.s32 s6, s18  }
0x1d: {  	s21 =	sshrl.u32 s19, $0x3;
	s10 =	sshll.u32 s16, $0x4;
	s25 =	sshrl.u32 s24, $0x3  }
0x1e: {  	s14 =	sadd.s32 s6, s12;
	s17 =	sadd.s32 $0x1260, s7;
	[dreg:$0x12] =	wrdreg s15  }
0x1f: {  	s19 =	sshll.u32 s26, $0x4;
	s5 =	sadd.s32 s0, s5;
	[dreg:$0x13] =	wrdreg s1  }
0x20: {  	[dreg:$0x14] =	wrdreg s20;
	s22 =	sadd.s32 s4, s21;
	s23 =	sadd.s32 s6, s10  }
0x21: {  	s1 =	sadd.s32 s4, s25;
	s15 =	sshrl.u32 s26, $0x3;
	[dreg:$0x18] =	wrdreg s14  }
0x22: {  	s10 =	sshll.u32 s24, $0x4;
	s18 =	sshrl.u32 s17, $0x3;
	[dreg:$0x15] =	wrdreg s22  }
0x23: {  	s20 =	sadd.s32 $0x13E8, s7;
	s28 =	sadd.s32 s6, s19;
	[dreg:$0x16] =	wrdreg s23  }
0x24: {  	s14 =	sshrl.u32 s13, $0x3;
	[dreg:$0x17] =	wrdreg s1;
	s16 =	sadd.s32 s4, s15  }
0x25: {  	s30 =	sadd.s32 s6, s10;
	s31 =	sadd.s32 s4, s18;
	s21 =	sshrl.u32 s20, $0x3  }
0x26: {  	s1 =	sshll.u32 s17, $0x4;
	s22 =	sadd.s32 $0x1570, s7;
	s24 =	sshll.u32 s20, $0x4  }
0x27: {  	s15 =	sadd.s32 $0x1880, s7;
	s7 =	sadd.s32 $0x1A08, s7;
	[dreg:$0x19] =	wrdreg s16  }
0x28: {  	s29 =	sadd.s32 s4, s21;
	s25 =	sadd.s32 s6, s1;
	s23 =	sshrl.u32 s22, $0x3  }
0x29: {  	s10 =	sshll.u32 s22, $0x4;
	s16 =	sshrl.u32 s15, $0x3;
	s1 =	sshll.u32 s13, $0x4  }
0x2a: {  	s17 =	sshrl.u32 s7, $0x3;
	s18 =	sshll.u32 s15, $0x4;
	s12 =	sshll.u32 s7, $0x4  }
0x2b: {  	s13 =	sadd.s32 $0x188, s11;
	s7 =	simm.s32 $0x400;
	s26 =	sadd.s32 s4, s23  }
0x2c: {  	s23 =	sadd.s32 s6, s24;
	s24 =	sadd.s32 s4, s14;
	s21 =	sadd.s32 s6, s10  }
0x2d: {  	s22 =	sadd.s32 s4, s16;
	s19 =	sadd.s32 s6, s1;
	s20 =	sadd.s32 s4, s17  }
0x2e: {  	s17 =	sadd.s32 s6, s18;
	s10 =	sshrl.u32 s11, $0x3;
	s16 =	smax.u32 s9, $0x1  }
0x2f: {  	s14 =	sshrl.u32 s13, $0x3;
	s15 =	sshll.u32 s13, $0x4;
	p1 =	sne.s32 s16, $0x1  }
.Ltmp0:
0x30: {  	s11 =	simm.s32 $0x188;
	s9 =	simm.s32 $0xC800;
	(pc) =	sbr.rel @!p1 .LBB2_3-.Ltmp0, $4  }
0x31: {  	s13 =	simm.s32 $0x2;
	s1 =	rddreg [dreg:$0x4];
	s18 =	sadd.s32 s8, s10  }
0x32: {  	s10 =	sadd.s32 s6, s12;
	s12 =	sadd.s32 s8, s14;
	s4 =	sadd.s32 s0, s15  }
0x33: {  	s14 =	simm.s32 $0x5;
	s0 =	sadd.s32 $0xFFFFFFFF, s16;
	s16 =	simm.s32 $0x200  }
0x34: {  	s15 =	simm.s32 $0x1;
	s8 =	simm.s32 $0x3;
	s6 =	simm.s32 $0x4  }
0x35: {  	[tilespmem:s2], [sflag:$0x5] =	stream.linear.gather [hbm4b:s1+s2], $0x188, $0x38;
	[tilespmem:$0x18C00] =	vst v63  }
0x36: {  	_ =	swait.ge [sflag:s14], $0x188  }
0x37: {  	[sflag:s14] =	ssyncset.done $0x0  }
0x38: {  	[sflag:s14] =	ssyncadd.s32 $0xFFFFFE78  }
0x39: {  	[tilespmem:s7], [sflag:$0x1] =	stream.indirect.gather [hbm4b:s3+s11], $0x80, s2, s11, $0xb8;
	[tilespmem:$0x18C00] =	vst v63  }
0x3a: {  	s1 =	rddreg [dreg:$0x5]  }
0x3b: {  	[tilespmem:s16], [sflag:$0x5] =	stream.linear.gather [hbm4b:s1+s2], $0x188, $0x38;
	[tilespmem:$0x18C00] =	vst v63  }
0x3c: {  	_ =	swait.ge [sflag:s14], $0x188  }
0x3d: {  	[sflag:s14] =	ssyncset.done $0x0  }
0x3e: {  	[sflag:s14] =	ssyncadd.s32 $0xFFFFFE78  }
0x3f: {  	[tilespmem:s9], [sflag:$0x2] =	stream.indirect.gather [hbm4b:s3+s11], $0x80, s16, s11, $0xb8;
	[tilespmem:$0x18C00] =	vst v63  }
0x40: {  	_ =	swait.ge [sflag:s15], $0xC400  }
0x41: {  	[dreg:$0x1b] =	wrdreg s0;
	[sflag:s15] =	ssyncset.done $0x0  }
0x42: {  	s1 =	rddreg [dreg:$0x6];
	[sflag:s15] =	ssyncadd.s32 $0xFFFF3C00  }
0x43: {  	[hbm4b:s1+s2] =	stream.linear.scatter [tilespmem:s7], [sflag:$0x3], $0xC400, $0x38;
	[tilespmem:$0x18C00] =	vst v63  }
0x44: {  	s0 =	rddreg [dreg:$0x7]  }
0x45: {  	[tilespmem:s2], [sflag:$0x5] =	stream.linear.gather [hbm4b:s0+s2], $0x188, $0x38;
	[tilespmem:$0x18C00] =	vst v63  }
0x46: {  	_ =	swait.ge [sflag:s14], $0x188  }
0x47: {  	[sflag:s14] =	ssyncset.done $0x0  }
0x48: {  	[sflag:s14] =	ssyncadd.s32 $0xFFFFFE78  }
0x49: {  	_ =	swait.ge [sflag:s8], $0xC400  }
0x4a: {  	[sflag:s8] =	ssyncset.done $0x0  }
0x4b: {  	[sflag:s8] =	ssyncadd.s32 $0xFFFF3C00  }
0x4c: {  	[tilespmem:s7], [sflag:$0x1] =	stream.indirect.gather [hbm4b:s3+s11], $0x80, s2, s11, $0xb8;
	[tilespmem:$0x18C00] =	vst v63  }
0x4d: {  	_ =	swait.ge [sflag:s13], $0xC400  }
0x4e: {  	[sflag:s13] =	ssyncset.done $0x0  }
0x4f: {  	s0 =	rddreg [dreg:$0x8];
	[sflag:s13] =	ssyncadd.s32 $0xFFFF3C00  }
0x50: {  	[hbm4b:s0+s2] =	stream.linear.scatter [tilespmem:s9], [sflag:$0x4], $0xC400, $0x38;
	[tilespmem:$0x18C00] =	vst v63  }
0x51: {  	s1 =	rddreg [dreg:$0x9]  }
0x52: {  	[tilespmem:s16], [sflag:$0x5] =	stream.linear.gather [hbm4b:s1+s2], $0x188, $0x38;
	[tilespmem:$0x18C00] =	vst v63  }
0x53: {  	_ =	swait.ge [sflag:s14], $0x188  }
0x54: {  	[sflag:s14] =	ssyncset.done $0x0  }
0x55: {  	[sflag:s14] =	ssyncadd.s32 $0xFFFFFE78  }
0x56: {  	_ =	swait.ge [sflag:s6], $0xC400  }
0x57: {  	[sflag:s6] =	ssyncset.done $0x0  }
0x58: {  	[sflag:s6] =	ssyncadd.s32 $0xFFFF3C00  }
0x59: {  	[tilespmem:s9], [sflag:$0x2] =	stream.indirect.gather [hbm4b:s3+s11], $0x80, s16, s11, $0xb8;
	[tilespmem:$0x18C00] =	vst v63  }
0x5a: {  	_ =	swait.ge [sflag:s15], $0xC400  }
0x5b: {  	[sflag:s15] =	ssyncset.done $0x0  }
0x5c: {  	s0 =	rddreg [dreg:$0xa];
	[sflag:s15] =	ssyncadd.s32 $0xFFFF3C00  }
0x5d: {  	[hbm4b:s0+s2] =	stream.linear.scatter [tilespmem:s7], [sflag:$0x3], $0xC400, $0x38;
	[tilespmem:$0x18C00] =	vst v63  }
0x5e: {  	s1 =	rddreg [dreg:$0xb]  }
0x5f: {  	[tilespmem:s2], [sflag:$0x5] =	stream.linear.gather [hbm4b:s1+s2], $0x188, $0x38;
	[tilespmem:$0x18C00] =	vst v63  }
0x60: {  	_ =	swait.ge [sflag:s14], $0x188  }
0x61: {  	[sflag:s14] =	ssyncset.done $0x0  }
0x62: {  	[sflag:s14] =	ssyncadd.s32 $0xFFFFFE78  }
0x63: {  	_ =	swait.ge [sflag:s8], $0xC400  }
0x64: {  	[sflag:s8] =	ssyncset.done $0x0  }
0x65: {  	[sflag:s8] =	ssyncadd.s32 $0xFFFF3C00  }
0x66: {  	[tilespmem:s7], [sflag:$0x1] =	stream.indirect.gather [hbm4b:s3+s11], $0x80, s2, s11, $0xb8;
	[tilespmem:$0x18C00] =	vst v63  }
0x67: {  	_ =	swait.ge [sflag:s13], $0xC400  }
0x68: {  	[sflag:s13] =	ssyncset.done $0x0  }
0x69: {  	s0 =	rddreg [dreg:$0xc];
	[sflag:s13] =	ssyncadd.s32 $0xFFFF3C00  }
0x6a: {  	[hbm4b:s0+s2] =	stream.linear.scatter [tilespmem:s9], [sflag:$0x4], $0xC400, $0x38;
	[tilespmem:$0x18C00] =	vst v63  }
0x6b: {  	s1 =	rddreg [dreg:$0xd]  }
0x6c: {  	[tilespmem:s16], [sflag:$0x5] =	stream.linear.gather [hbm4b:s1+s2], $0x188, $0x38;
	[tilespmem:$0x18C00] =	vst v63  }
0x6d: {  	_ =	swait.ge [sflag:s14], $0x188  }
0x6e: {  	[sflag:s14] =	ssyncset.done $0x0  }
0x6f: {  	[sflag:s14] =	ssyncadd.s32 $0xFFFFFE78  }
0x70: {  	_ =	swait.ge [sflag:s6], $0xC400  }
0x71: {  	[sflag:s6] =	ssyncset.done $0x0  }
0x72: {  	[sflag:s6] =	ssyncadd.s32 $0xFFFF3C00  }
0x73: {  	[tilespmem:s9], [sflag:$0x2] =	stream.indirect.gather [hbm4b:s3+s11], $0x80, s16, s11, $0xb8;
	[tilespmem:$0x18C00] =	vst v63  }
0x74: {  	_ =	swait.ge [sflag:s15], $0xC400  }
0x75: {  	[sflag:s15] =	ssyncset.done $0x0  }
0x76: {  	s0 =	rddreg [dreg:$0xe];
	[sflag:s15] =	ssyncadd.s32 $0xFFFF3C00  }
0x77: {  	[hbm4b:s0+s2] =	stream.linear.scatter [tilespmem:s7], [sflag:$0x3], $0xC400, $0x38;
	[tilespmem:$0x18C00] =	vst v63  }
0x78: {  	s1 =	rddreg [dreg:$0xf]  }
0x79: {  	[tilespmem:s2], [sflag:$0x5] =	stream.linear.gather [hbm4b:s1+s2], $0x188, $0x38;
	[tilespmem:$0x18C00] =	vst v63  }
0x7a: {  	_ =	swait.ge [sflag:s14], $0x188  }
0x7b: {  	[sflag:s14] =	ssyncset.done $0x0  }
0x7c: {  	[sflag:s14] =	ssyncadd.s32 $0xFFFFFE78  }
0x7d: {  	_ =	swait.ge [sflag:s8], $0xC400  }
0x7e: {  	[sflag:s8] =	ssyncset.done $0x0  }
0x7f: {  	[sflag:s8] =	ssyncadd.s32 $0xFFFF3C00  }
0x80: {  	[tilespmem:s7], [sflag:$0x1] =	stream.indirect.gather [hbm4b:s3+s11], $0x80, s2, s11, $0xb8;
	[tilespmem:$0x18C00] =	vst v63  }
0x81: {  	_ =	swait.ge [sflag:s13], $0xC400  }
0x82: {  	[sflag:s13] =	ssyncset.done $0x0  }
0x83: {  	s0 =	rddreg [dreg:$0x10];
	[sflag:s13] =	ssyncadd.s32 $0xFFFF3C00  }
0x84: {  	[hbm4b:s0+s2] =	stream.linear.scatter [tilespmem:s9], [sflag:$0x4], $0xC400, $0x38;
	[tilespmem:$0x18C00] =	vst v63  }
0x85: {  	s1 =	rddreg [dreg:$0x11]  }
0x86: {  	[tilespmem:s16], [sflag:$0x5] =	stream.linear.gather [hbm4b:s1+s2], $0x188, $0x38;
	[tilespmem:$0x18C00] =	vst v63  }
0x87: {  	_ =	swait.ge [sflag:s14], $0x188  }
0x88: {  	[sflag:s14] =	ssyncset.done $0x0  }
0x89: {  	[sflag:s14] =	ssyncadd.s32 $0xFFFFFE78  }
0x8a: {  	_ =	swait.ge [sflag:s6], $0xC400  }
0x8b: {  	[sflag:s6] =	ssyncset.done $0x0  }
0x8c: {  	[sflag:s6] =	ssyncadd.s32 $0xFFFF3C00  }
0x8d: {  	[tilespmem:s9], [sflag:$0x2] =	stream.indirect.gather [hbm4b:s3+s11], $0x80, s16, s11, $0xb8;
	[tilespmem:$0x18C00] =	vst v63  }
0x8e: {  	_ =	swait.ge [sflag:s15], $0xC400  }
0x8f: {  	[sflag:s15] =	ssyncset.done $0x0  }
0x90: {  	s0 =	rddreg [dreg:$0x12];
	[sflag:s15] =	ssyncadd.s32 $0xFFFF3C00  }
0x91: {  	[hbm4b:s0+s2] =	stream.linear.scatter [tilespmem:s7], [sflag:$0x3], $0xC400, $0x38;
	[tilespmem:$0x18C00] =	vst v63  }
0x92: {  	s1 =	rddreg [dreg:$0x13]  }
0x93: {  	[tilespmem:s2], [sflag:$0x5] =	stream.linear.gather [hbm4b:s1+s2], $0x188, $0x38;
	[tilespmem:$0x18C00] =	vst v63  }
0x94: {  	_ =	swait.ge [sflag:s14], $0x188  }
0x95: {  	[sflag:s14] =	ssyncset.done $0x0  }
0x96: {  	[sflag:s14] =	ssyncadd.s32 $0xFFFFFE78  }
0x97: {  	_ =	swait.ge [sflag:s8], $0xC400  }
0x98: {  	[sflag:s8] =	ssyncset.done $0x0  }
0x99: {  	[sflag:s8] =	ssyncadd.s32 $0xFFFF3C00  }
0x9a: {  	[tilespmem:s7], [sflag:$0x1] =	stream.indirect.gather [hbm4b:s3+s11], $0x80, s2, s11, $0xb8;
	[tilespmem:$0x18C00] =	vst v63  }
0x9b: {  	_ =	swait.ge [sflag:s13], $0xC400  }
0x9c: {  	[sflag:s13] =	ssyncset.done $0x0  }
0x9d: {  	s0 =	rddreg [dreg:$0x14];
	[sflag:s13] =	ssyncadd.s32 $0xFFFF3C00  }
0x9e: {  	[hbm4b:s0+s2] =	stream.linear.scatter [tilespmem:s9], [sflag:$0x4], $0xC400, $0x38;
	[tilespmem:$0x18C00] =	vst v63  }
0x9f: {  	s1 =	rddreg [dreg:$0x15]  }
0xa0: {  	[tilespmem:s16], [sflag:$0x5] =	stream.linear.gather [hbm4b:s1+s2], $0x188, $0x38;
	[tilespmem:$0x18C00] =	vst v63  }
0xa1: {  	_ =	swait.ge [sflag:s14], $0x188  }
0xa2: {  	[sflag:s14] =	ssyncset.done $0x0  }
0xa3: {  	[sflag:s14] =	ssyncadd.s32 $0xFFFFFE78  }
0xa4: {  	_ =	swait.ge [sflag:s6], $0xC400  }
0xa5: {  	[sflag:s6] =	ssyncset.done $0x0  }
0xa6: {  	[sflag:s6] =	ssyncadd.s32 $0xFFFF3C00  }
0xa7: {  	[tilespmem:s9], [sflag:$0x2] =	stream.indirect.gather [hbm4b:s3+s11], $0x80, s16, s11, $0xb8;
	[tilespmem:$0x18C00] =	vst v63  }
0xa8: {  	_ =	swait.ge [sflag:s15], $0xC400  }
0xa9: {  	[sflag:s15] =	ssyncset.done $0x0  }
0xaa: {  	s0 =	rddreg [dreg:$0x16];
	[sflag:s15] =	ssyncadd.s32 $0xFFFF3C00  }
0xab: {  	[hbm4b:s0+s2] =	stream.linear.scatter [tilespmem:s7], [sflag:$0x3], $0xC400, $0x38;
	[tilespmem:$0x18C00] =	vst v63  }
0xac: {  	s1 =	rddreg [dreg:$0x17]  }
0xad: {  	[tilespmem:s2], [sflag:$0x5] =	stream.linear.gather [hbm4b:s1+s2], $0x188, $0x38;
	[tilespmem:$0x18C00] =	vst v63  }
0xae: {  	_ =	swait.ge [sflag:s14], $0x188  }
0xaf: {  	[sflag:s14] =	ssyncset.done $0x0  }
0xb0: {  	[sflag:s14] =	ssyncadd.s32 $0xFFFFFE78  }
0xb1: {  	_ =	swait.ge [sflag:s8], $0xC400  }
0xb2: {  	[sflag:s8] =	ssyncset.done $0x0  }
0xb3: {  	[sflag:s8] =	ssyncadd.s32 $0xFFFF3C00  }
0xb4: {  	[tilespmem:s7], [sflag:$0x1] =	stream.indirect.gather [hbm4b:s3+s11], $0x80, s2, s11, $0xb8;
	[tilespmem:$0x18C00] =	vst v63  }
0xb5: {  	_ =	swait.ge [sflag:s13], $0xC400  }
0xb6: {  	[sflag:s13] =	ssyncset.done $0x0  }
0xb7: {  	s0 =	rddreg [dreg:$0x18];
	[sflag:s13] =	ssyncadd.s32 $0xFFFF3C00  }
0xb8: {  	[hbm4b:s0+s2] =	stream.linear.scatter [tilespmem:s9], [sflag:$0x4], $0xC400, $0x38;
	[tilespmem:$0x18C00] =	vst v63  }
0xb9: {  	s1 =	rddreg [dreg:$0x19]  }
0xba: {  	[tilespmem:s16], [sflag:$0x5] =	stream.linear.gather [hbm4b:s1+s2], $0x188, $0x38;
	[tilespmem:$0x18C00] =	vst v63  }
0xbb: {  	_ =	swait.ge [sflag:s14], $0x188  }
0xbc: {  	[sflag:s14] =	ssyncset.done $0x0  }
0xbd: {  	[sflag:s14] =	ssyncadd.s32 $0xFFFFFE78  }
0xbe: {  	_ =	swait.ge [sflag:s6], $0xC400  }
0xbf: {  	[sflag:s6] =	ssyncset.done $0x0  }
0xc0: {  	[sflag:s6] =	ssyncadd.s32 $0xFFFF3C00  }
0xc1: {  	[tilespmem:s9], [sflag:$0x2] =	stream.indirect.gather [hbm4b:s3+s11], $0x80, s16, s11, $0xb8;
	[tilespmem:$0x18C00] =	vst v63  }
0xc2: {  	_ =	swait.ge [sflag:s15], $0xC400  }
0xc3: {  	[sflag:s15] =	ssyncset.done $0x0  }
0xc4: {  	[sflag:s15] =	ssyncadd.s32 $0xFFFF3C00  }
0xc5: {  	[hbm4b:s30+s2] =	stream.linear.scatter [tilespmem:s7], [sflag:$0x3], $0xC400, $0x38;
	[tilespmem:$0x18C00] =	vst v63  }
0xc6: {  	_ = 	snop  }
0xc7: {  	[tilespmem:s2], [sflag:$0x5] =	stream.linear.gather [hbm4b:s31+s2], $0x188, $0x38;
	[tilespmem:$0x18C00] =	vst v63  }
0xc8: {  	_ =	swait.ge [sflag:s14], $0x188  }
0xc9: {  	[sflag:s14] =	ssyncset.done $0x0  }
0xca: {  	[sflag:s14] =	ssyncadd.s32 $0xFFFFFE78  }
0xcb: {  	_ =	swait.ge [sflag:s8], $0xC400  }
0xcc: {  	[sflag:s8] =	ssyncset.done $0x0  }
0xcd: {  	[sflag:s8] =	ssyncadd.s32 $0xFFFF3C00  }
0xce: {  	[tilespmem:s7], [sflag:$0x1] =	stream.indirect.gather [hbm4b:s3+s11], $0x80, s2, s11, $0xb8;
	[tilespmem:$0x18C00] =	vst v63  }
0xcf: {  	_ =	swait.ge [sflag:s13], $0xC400  }
0xd0: {  	[sflag:s13] =	ssyncset.done $0x0  }
0xd1: {  	[sflag:s13] =	ssyncadd.s32 $0xFFFF3C00  }
0xd2: {  	[hbm4b:s28+s2] =	stream.linear.scatter [tilespmem:s9], [sflag:$0x4], $0xC400, $0x38;
	[tilespmem:$0x18C00] =	vst v63  }
0xd3: {  	_ = 	snop  }
0xd4: {  	[tilespmem:s16], [sflag:$0x5] =	stream.linear.gather [hbm4b:s29+s2], $0x188, $0x38;
	[tilespmem:$0x18C00] =	vst v63  }
0xd5: {  	_ =	swait.ge [sflag:s14], $0x188  }
0xd6: {  	[sflag:s14] =	ssyncset.done $0x0  }
0xd7: {  	[sflag:s14] =	ssyncadd.s32 $0xFFFFFE78  }
0xd8: {  	_ =	swait.ge [sflag:s6], $0xC400  }
0xd9: {  	[sflag:s6] =	ssyncset.done $0x0  }
0xda: {  	[sflag:s6] =	ssyncadd.s32 $0xFFFF3C00  }
0xdb: {  	[tilespmem:s9], [sflag:$0x2] =	stream.indirect.gather [hbm4b:s3+s11], $0x80, s16, s11, $0xb8;
	[tilespmem:$0x18C00] =	vst v63  }
0xdc: {  	_ =	swait.ge [sflag:s15], $0xC400  }
0xdd: {  	[sflag:s15] =	ssyncset.done $0x0  }
0xde: {  	[sflag:s15] =	ssyncadd.s32 $0xFFFF3C00  }
0xdf: {  	[hbm4b:s25+s2] =	stream.linear.scatter [tilespmem:s7], [sflag:$0x3], $0xC400, $0x38;
	[tilespmem:$0x18C00] =	vst v63  }
0xe0: {  	_ = 	snop  }
0xe1: {  	[tilespmem:s2], [sflag:$0x5] =	stream.linear.gather [hbm4b:s26+s2], $0x188, $0x38;
	[tilespmem:$0x18C00] =	vst v63  }
0xe2: {  	_ =	swait.ge [sflag:s14], $0x188  }
0xe3: {  	[sflag:s14] =	ssyncset.done $0x0  }
0xe4: {  	[sflag:s14] =	ssyncadd.s32 $0xFFFFFE78  }
0xe5: {  	_ =	swait.ge [sflag:s8], $0xC400  }
0xe6: {  	[sflag:s8] =	ssyncset.done $0x0  }
0xe7: {  	[sflag:s8] =	ssyncadd.s32 $0xFFFF3C00  }
0xe8: {  	[tilespmem:s7], [sflag:$0x1] =	stream.indirect.gather [hbm4b:s3+s11], $0x80, s2, s11, $0xb8;
	[tilespmem:$0x18C00] =	vst v63  }
0xe9: {  	_ =	swait.ge [sflag:s13], $0xC400  }
0xea: {  	[sflag:s13] =	ssyncset.done $0x0  }
0xeb: {  	[sflag:s13] =	ssyncadd.s32 $0xFFFF3C00  }
0xec: {  	[hbm4b:s23+s2] =	stream.linear.scatter [tilespmem:s9], [sflag:$0x4], $0xC400, $0x38;
	[tilespmem:$0x18C00] =	vst v63  }
0xed: {  	_ = 	snop  }
0xee: {  	[tilespmem:s16], [sflag:$0x5] =	stream.linear.gather [hbm4b:s24+s2], $0x188, $0x38;
	[tilespmem:$0x18C00] =	vst v63  }
0xef: {  	_ =	swait.ge [sflag:s14], $0x188  }
0xf0: {  	[sflag:s14] =	ssyncset.done $0x0  }
0xf1: {  	[sflag:s14] =	ssyncadd.s32 $0xFFFFFE78  }
0xf2: {  	_ =	swait.ge [sflag:s6], $0xC400  }
0xf3: {  	[sflag:s6] =	ssyncset.done $0x0  }
0xf4: {  	[sflag:s6] =	ssyncadd.s32 $0xFFFF3C00  }
0xf5: {  	[tilespmem:s9], [sflag:$0x2] =	stream.indirect.gather [hbm4b:s3+s11], $0x80, s16, s11, $0xb8;
	[tilespmem:$0x18C00] =	vst v63  }
0xf6: {  	_ =	swait.ge [sflag:s15], $0xC400  }
0xf7: {  	[sflag:s15] =	ssyncset.done $0x0  }
0xf8: {  	[sflag:s15] =	ssyncadd.s32 $0xFFFF3C00  }
0xf9: {  	[hbm4b:s21+s2] =	stream.linear.scatter [tilespmem:s7], [sflag:$0x3], $0xC400, $0x38;
	[tilespmem:$0x18C00] =	vst v63  }
0xfa: {  	_ = 	snop  }
0xfb: {  	[tilespmem:s2], [sflag:$0x5] =	stream.linear.gather [hbm4b:s22+s2], $0x188, $0x38;
	[tilespmem:$0x18C00] =	vst v63  }
0xfc: {  	_ =	swait.ge [sflag:s14], $0x188  }
0xfd: {  	[sflag:s14] =	ssyncset.done $0x0  }
0xfe: {  	[sflag:s14] =	ssyncadd.s32 $0xFFFFFE78  }
0xff: {  	_ =	swait.ge [sflag:s8], $0xC400  }
0x100: {  	[sflag:s8] =	ssyncset.done $0x0  }
0x101: {  	[sflag:s8] =	ssyncadd.s32 $0xFFFF3C00  }
0x102: {  	[tilespmem:s7], [sflag:$0x1] =	stream.indirect.gather [hbm4b:s3+s11], $0x80, s2, s11, $0xb8;
	[tilespmem:$0x18C00] =	vst v63  }
0x103: {  	_ =	swait.ge [sflag:s13], $0xC400  }
0x104: {  	[sflag:s13] =	ssyncset.done $0x0  }
0x105: {  	[sflag:s13] =	ssyncadd.s32 $0xFFFF3C00  }
0x106: {  	[hbm4b:s19+s2] =	stream.linear.scatter [tilespmem:s9], [sflag:$0x4], $0xC400, $0x38;
	[tilespmem:$0x18C00] =	vst v63  }
0x107: {  	_ = 	snop  }
0x108: {  	[tilespmem:s16], [sflag:$0x5] =	stream.linear.gather [hbm4b:s20+s2], $0x188, $0x38;
	[tilespmem:$0x18C00] =	vst v63  }
0x109: {  	_ =	swait.ge [sflag:s14], $0x188  }
0x10a: {  	[sflag:s14] =	ssyncset.done $0x0  }
0x10b: {  	[sflag:s14] =	ssyncadd.s32 $0xFFFFFE78  }
0x10c: {  	_ =	swait.ge [sflag:s6], $0xC400  }
0x10d: {  	[sflag:s6] =	ssyncset.done $0x0  }
0x10e: {  	[sflag:s6] =	ssyncadd.s32 $0xFFFF3C00  }
0x10f: {  	[tilespmem:s9], [sflag:$0x2] =	stream.indirect.gather [hbm4b:s3+s11], $0x80, s16, s11, $0xb8;
	[tilespmem:$0x18C00] =	vst v63  }
0x110: {  	_ =	swait.ge [sflag:s15], $0xC400  }
0x111: {  	[sflag:s15] =	ssyncset.done $0x0  }
0x112: {  	[sflag:s15] =	ssyncadd.s32 $0xFFFF3C00  }
0x113: {  	[hbm4b:s17+s2] =	stream.linear.scatter [tilespmem:s7], [sflag:$0x3], $0xC400, $0x38;
	[tilespmem:$0x18C00] =	vst v63  }
0x114: {  	_ = 	snop  }
0x115: {  	[tilespmem:s2], [sflag:$0x5] =	stream.linear.gather [hbm4b:s18+s2], $0x188, $0x38;
	[tilespmem:$0x18C00] =	vst v63  }
0x116: {  	_ =	swait.ge [sflag:s14], $0x188  }
0x117: {  	[sflag:s14] =	ssyncset.done $0x0  }
0x118: {  	[sflag:s14] =	ssyncadd.s32 $0xFFFFFE78  }
0x119: {  	_ =	swait.ge [sflag:s8], $0xC400  }
0x11a: {  	[sflag:s8] =	ssyncset.done $0x0  }
0x11b: {  	[sflag:s8] =	ssyncadd.s32 $0xFFFF3C00  }
0x11c: {  	[tilespmem:s7], [sflag:$0x1] =	stream.indirect.gather [hbm4b:s3+s11], $0x80, s2, s11, $0xb8;
	[tilespmem:$0x18C00] =	vst v63  }
0x11d: {  	_ =	swait.ge [sflag:s13], $0xC400  }
0x11e: {  	[sflag:s13] =	ssyncset.done $0x0  }
0x11f: {  	[sflag:s13] =	ssyncadd.s32 $0xFFFF3C00  }
0x120: {  	[hbm4b:s10+s2] =	stream.linear.scatter [tilespmem:s9], [sflag:$0x4], $0xC400, $0x38;
	[tilespmem:$0x18C00] =	vst v63  }
0x121: {  	_ = 	snop  }
0x122: {  	[tilespmem:s16], [sflag:$0x5] =	stream.linear.gather [hbm4b:s12+s2], $0x188, $0x38;
	[tilespmem:$0x18C00] =	vst v63  }
0x123: {  	_ =	swait.ge [sflag:s14], $0x188  }
0x124: {  	[sflag:s14] =	ssyncset.done $0x0  }
0x125: {  	[sflag:s14] =	ssyncadd.s32 $0xFFFFFE78  }
0x126: {  	_ =	swait.ge [sflag:s6], $0xC400  }
0x127: {  	[sflag:s6] =	ssyncset.done $0x0  }
0x128: {  	[sflag:s6] =	ssyncadd.s32 $0xFFFF3C00  }
0x129: {  	[tilespmem:s9], [sflag:$0x2] =	stream.indirect.gather [hbm4b:s3+s11], $0x80, s16, s11, $0xb8;
	[tilespmem:$0x18C00] =	vst v63  }
0x12a: {  	_ =	swait.ge [sflag:s15], $0xC400  }
0x12b: {  	[sflag:s15] =	ssyncset.done $0x0  }
0x12c: {  	[sflag:s15] =	ssyncadd.s32 $0xFFFF3C00  }
0x12d: {  	[hbm4b:s5+s2] =	stream.linear.scatter [tilespmem:s7], [sflag:$0x3], $0xC400, $0x38;
	[tilespmem:$0x18C00] =	vst v63  }
0x12e: {  	_ =	swait.ge [sflag:s13], $0xC400  }
0x12f: {  	[sflag:s13] =	ssyncset.done $0x0  }
0x130: {  	[sflag:s13] =	ssyncadd.s32 $0xFFFF3C00  }
0x131: {  	[hbm4b:s4+s2] =	stream.linear.scatter [tilespmem:s9], [sflag:$0x4], $0xC400, $0x38;
	[tilespmem:$0x18C00] =	vst v63  }
0x132: {  	_ =	swait.ge [sflag:s8], $0xC400  }
0x133: {  	s1 =	rddreg [dreg:$0x1b]  }
0x134: {  	p1 =	sne.s32 s1, $0x1  }
.Ltmp1:
0x135: {  	_ = 	snop;
	(pc) =	sbr.rel @!p1 .LBB2_3-.Ltmp1, $4  }
0x136: {  	[sflag:s8] =	ssyncset.done $0x0  }
0x137: {  	[sflag:s8] =	ssyncadd.s32 $0xFFFF3C00  }
0x138: {  	p0 =	por $0x1, $0x1;
	_ =	swait.ge [sflag:s6], $0xC400;
	[dreg:$0x1a] =	wrdreg s31  }
0x139: {  	s0 =	sadd.s32 $0xFFFFFFFF, s1;
	s1 =	rddreg [dreg:$0x4];
	[sflag:s6] =	ssyncset.done $0x0  }
.LBB2_2:
0x13a: {  	[sflag:s6] =	ssyncadd.s32 $0xFFFF3C00  }
0x13b: {  	[tilespmem:s2], [sflag:$0x5] =	stream.linear.gather [hbm4b:s1+s2], $0x188, $0x38;
	[tilespmem:$0x18C00] =	vst v63  }
0x13c: {  	_ =	swait.ge [sflag:s14], $0x188  }
0x13d: {  	[sflag:s14] =	ssyncset.done $0x0  }
0x13e: {  	s31 =	smov.u32 s30;
	s30 =	smov.u32 s29;
	[sflag:s14] =	ssyncadd.s32 $0xFFFFFE78  }
0x13f: {  	[tilespmem:s7], [sflag:$0x1] =	stream.indirect.gather [hbm4b:s3+s11], $0x80, s2, s11, $0xb8;
	[tilespmem:$0x18C00] =	vst v63  }
0x140: {  	s29 =	smov.u32 s28;
	s28 =	smov.u32 s26;
	s1 =	rddreg [dreg:$0x5]  }
0x141: {  	[tilespmem:s16], [sflag:$0x5] =	stream.linear.gather [hbm4b:s1+s2], $0x188, $0x38;
	[tilespmem:$0x18C00] =	vst v63  }
0x142: {  	s26 =	smov.u32 s25;
	s25 =	smov.u32 s24;
	_ =	swait.ge [sflag:s14], $0x188  }
0x143: {  	s24 =	smov.u32 s23;
	s23 =	smov.u32 s22;
	[sflag:s14] =	ssyncset.done $0x0  }
0x144: {  	s22 =	smov.u32 s21;
	s21 =	smov.u32 s20;
	[sflag:s14] =	ssyncadd.s32 $0xFFFFFE78  }
0x145: {  	[tilespmem:s9], [sflag:$0x2] =	stream.indirect.gather [hbm4b:s3+s11], $0x80, s16, s11, $0xb8;
	[tilespmem:$0x18C00] =	vst v63  }
0x146: {  	s20 =	smov.u32 s19;
	s19 =	smov.u32 s18;
	_ =	swait.ge [sflag:s15], $0xC400  }
0x147: {  	s18 =	smov.u32 s17;
	s17 =	smov.u32 s12;
	[sflag:s15] =	ssyncset.done $0x0  }
0x148: {  	s12 =	smov.u32 s10;
	s1 =	rddreg [dreg:$0x6];
	[sflag:s15] =	ssyncadd.s32 $0xFFFF3C00  }
0x149: {  	[hbm4b:s1+s2] =	stream.linear.scatter [tilespmem:s7], [sflag:$0x3], $0xC400, $0x38;
	[tilespmem:$0x18C00] =	vst v63  }
0x14a: {  	s10 =	smov.u32 s5;
	s5 =	smov.u32 s4;
	s4 =	rddreg [dreg:$0x7]  }
0x14b: {  	[tilespmem:s2], [sflag:$0x5] =	stream.linear.gather [hbm4b:s4+s2], $0x188, $0x38;
	[tilespmem:$0x18C00] =	vst v63  }
0x14c: {  	_ =	swait.ge [sflag:s14], $0x188  }
0x14d: {  	[sflag:s14] =	ssyncset.done $0x0  }
0x14e: {  	[sflag:s14] =	ssyncadd.s32 $0xFFFFFE78  }
0x14f: {  	_ =	swait.ge [sflag:s8], $0xC400  }
0x150: {  	[sflag:s8] =	ssyncset.done $0x0  }
0x151: {  	[sflag:s8] =	ssyncadd.s32 $0xFFFF3C00  }
0x152: {  	[tilespmem:s7], [sflag:$0x1] =	stream.indirect.gather [hbm4b:s3+s11], $0x80, s2, s11, $0xb8;
	[tilespmem:$0x18C00] =	vst v63  }
0x153: {  	_ =	swait.ge [sflag:s13], $0xC400  }
0x154: {  	[sflag:s13] =	ssyncset.done $0x0  }
0x155: {  	s1 =	rddreg [dreg:$0x8];
	[sflag:s13] =	ssyncadd.s32 $0xFFFF3C00  }
0x156: {  	[hbm4b:s1+s2] =	stream.linear.scatter [tilespmem:s9], [sflag:$0x4], $0xC400, $0x38;
	[tilespmem:$0x18C00] =	vst v63  }
0x157: {  	s4 =	rddreg [dreg:$0x9]  }
0x158: {  	[tilespmem:s16], [sflag:$0x5] =	stream.linear.gather [hbm4b:s4+s2], $0x188, $0x38;
	[tilespmem:$0x18C00] =	vst v63  }
0x159: {  	_ =	swait.ge [sflag:s14], $0x188  }
0x15a: {  	[sflag:s14] =	ssyncset.done $0x0  }
0x15b: {  	[sflag:s14] =	ssyncadd.s32 $0xFFFFFE78  }
0x15c: {  	_ =	swait.ge [sflag:s6], $0xC400  }
0x15d: {  	[sflag:s6] =	ssyncset.done $0x0  }
0x15e: {  	[sflag:s6] =	ssyncadd.s32 $0xFFFF3C00  }
0x15f: {  	[tilespmem:s9], [sflag:$0x2] =	stream.indirect.gather [hbm4b:s3+s11], $0x80, s16, s11, $0xb8;
	[tilespmem:$0x18C00] =	vst v63  }
0x160: {  	_ =	swait.ge [sflag:s15], $0xC400  }
0x161: {  	[sflag:s15] =	ssyncset.done $0x0  }
0x162: {  	s1 =	rddreg [dreg:$0xa];
	[sflag:s15] =	ssyncadd.s32 $0xFFFF3C00  }
0x163: {  	[hbm4b:s1+s2] =	stream.linear.scatter [tilespmem:s7], [sflag:$0x3], $0xC400, $0x38;
	[tilespmem:$0x18C00] =	vst v63  }
0x164: {  	s4 =	rddreg [dreg:$0xb]  }
0x165: {  	[tilespmem:s2], [sflag:$0x5] =	stream.linear.gather [hbm4b:s4+s2], $0x188, $0x38;
	[tilespmem:$0x18C00] =	vst v63  }
0x166: {  	_ =	swait.ge [sflag:s14], $0x188  }
0x167: {  	[sflag:s14] =	ssyncset.done $0x0  }
0x168: {  	[sflag:s14] =	ssyncadd.s32 $0xFFFFFE78  }
0x169: {  	_ =	swait.ge [sflag:s8], $0xC400  }
0x16a: {  	[sflag:s8] =	ssyncset.done $0x0  }
0x16b: {  	[sflag:s8] =	ssyncadd.s32 $0xFFFF3C00  }
0x16c: {  	[tilespmem:s7], [sflag:$0x1] =	stream.indirect.gather [hbm4b:s3+s11], $0x80, s2, s11, $0xb8;
	[tilespmem:$0x18C00] =	vst v63  }
0x16d: {  	_ =	swait.ge [sflag:s13], $0xC400  }
0x16e: {  	[sflag:s13] =	ssyncset.done $0x0  }
0x16f: {  	s1 =	rddreg [dreg:$0xc];
	[sflag:s13] =	ssyncadd.s32 $0xFFFF3C00  }
0x170: {  	[hbm4b:s1+s2] =	stream.linear.scatter [tilespmem:s9], [sflag:$0x4], $0xC400, $0x38;
	[tilespmem:$0x18C00] =	vst v63  }
0x171: {  	s4 =	rddreg [dreg:$0xd]  }
0x172: {  	[tilespmem:s16], [sflag:$0x5] =	stream.linear.gather [hbm4b:s4+s2], $0x188, $0x38;
	[tilespmem:$0x18C00] =	vst v63  }
0x173: {  	_ =	swait.ge [sflag:s14], $0x188  }
0x174: {  	[sflag:s14] =	ssyncset.done $0x0  }
0x175: {  	[sflag:s14] =	ssyncadd.s32 $0xFFFFFE78  }
0x176: {  	_ =	swait.ge [sflag:s6], $0xC400  }
0x177: {  	[sflag:s6] =	ssyncset.done $0x0  }
0x178: {  	[sflag:s6] =	ssyncadd.s32 $0xFFFF3C00  }
0x179: {  	[tilespmem:s9], [sflag:$0x2] =	stream.indirect.gather [hbm4b:s3+s11], $0x80, s16, s11, $0xb8;
	[tilespmem:$0x18C00] =	vst v63  }
0x17a: {  	_ =	swait.ge [sflag:s15], $0xC400  }
0x17b: {  	[sflag:s15] =	ssyncset.done $0x0  }
0x17c: {  	s1 =	rddreg [dreg:$0xe];
	[sflag:s15] =	ssyncadd.s32 $0xFFFF3C00  }
0x17d: {  	[hbm4b:s1+s2] =	stream.linear.scatter [tilespmem:s7], [sflag:$0x3], $0xC400, $0x38;
	[tilespmem:$0x18C00] =	vst v63  }
0x17e: {  	s4 =	rddreg [dreg:$0xf]  }
0x17f: {  	[tilespmem:s2], [sflag:$0x5] =	stream.linear.gather [hbm4b:s4+s2], $0x188, $0x38;
	[tilespmem:$0x18C00] =	vst v63  }
0x180: {  	_ =	swait.ge [sflag:s14], $0x188  }
0x181: {  	[sflag:s14] =	ssyncset.done $0x0  }
0x182: {  	[sflag:s14] =	ssyncadd.s32 $0xFFFFFE78  }
0x183: {  	_ =	swait.ge [sflag:s8], $0xC400  }
0x184: {  	[sflag:s8] =	ssyncset.done $0x0  }
0x185: {  	[sflag:s8] =	ssyncadd.s32 $0xFFFF3C00  }
0x186: {  	[tilespmem:s7], [sflag:$0x1] =	stream.indirect.gather [hbm4b:s3+s11], $0x80, s2, s11, $0xb8;
	[tilespmem:$0x18C00] =	vst v63  }
0x187: {  	_ =	swait.ge [sflag:s13], $0xC400  }
0x188: {  	[sflag:s13] =	ssyncset.done $0x0  }
0x189: {  	s1 =	rddreg [dreg:$0x10];
	[sflag:s13] =	ssyncadd.s32 $0xFFFF3C00  }
0x18a: {  	[hbm4b:s1+s2] =	stream.linear.scatter [tilespmem:s9], [sflag:$0x4], $0xC400, $0x38;
	[tilespmem:$0x18C00] =	vst v63  }
0x18b: {  	s4 =	rddreg [dreg:$0x11]  }
0x18c: {  	[tilespmem:s16], [sflag:$0x5] =	stream.linear.gather [hbm4b:s4+s2], $0x188, $0x38;
	[tilespmem:$0x18C00] =	vst v63  }
0x18d: {  	_ =	swait.ge [sflag:s14], $0x188  }
0x18e: {  	[sflag:s14] =	ssyncset.done $0x0  }
0x18f: {  	[sflag:s14] =	ssyncadd.s32 $0xFFFFFE78  }
0x190: {  	_ =	swait.ge [sflag:s6], $0xC400  }
0x191: {  	[sflag:s6] =	ssyncset.done $0x0  }
0x192: {  	[sflag:s6] =	ssyncadd.s32 $0xFFFF3C00  }
0x193: {  	[tilespmem:s9], [sflag:$0x2] =	stream.indirect.gather [hbm4b:s3+s11], $0x80, s16, s11, $0xb8;
	[tilespmem:$0x18C00] =	vst v63  }
0x194: {  	_ =	swait.ge [sflag:s15], $0xC400  }
0x195: {  	[sflag:s15] =	ssyncset.done $0x0  }
0x196: {  	s1 =	rddreg [dreg:$0x12];
	[sflag:s15] =	ssyncadd.s32 $0xFFFF3C00  }
0x197: {  	[hbm4b:s1+s2] =	stream.linear.scatter [tilespmem:s7], [sflag:$0x3], $0xC400, $0x38;
	[tilespmem:$0x18C00] =	vst v63  }
0x198: {  	s4 =	rddreg [dreg:$0x13]  }
0x199: {  	[tilespmem:s2], [sflag:$0x5] =	stream.linear.gather [hbm4b:s4+s2], $0x188, $0x38;
	[tilespmem:$0x18C00] =	vst v63  }
0x19a: {  	_ =	swait.ge [sflag:s14], $0x188  }
0x19b: {  	[sflag:s14] =	ssyncset.done $0x0  }
0x19c: {  	[sflag:s14] =	ssyncadd.s32 $0xFFFFFE78  }
0x19d: {  	_ =	swait.ge [sflag:s8], $0xC400  }
0x19e: {  	[sflag:s8] =	ssyncset.done $0x0  }
0x19f: {  	[sflag:s8] =	ssyncadd.s32 $0xFFFF3C00  }
0x1a0: {  	[tilespmem:s7], [sflag:$0x1] =	stream.indirect.gather [hbm4b:s3+s11], $0x80, s2, s11, $0xb8;
	[tilespmem:$0x18C00] =	vst v63  }
0x1a1: {  	_ =	swait.ge [sflag:s13], $0xC400  }
0x1a2: {  	[sflag:s13] =	ssyncset.done $0x0  }
0x1a3: {  	s1 =	rddreg [dreg:$0x14];
	[sflag:s13] =	ssyncadd.s32 $0xFFFF3C00  }
0x1a4: {  	[hbm4b:s1+s2] =	stream.linear.scatter [tilespmem:s9], [sflag:$0x4], $0xC400, $0x38;
	[tilespmem:$0x18C00] =	vst v63  }
0x1a5: {  	s4 =	rddreg [dreg:$0x15]  }
0x1a6: {  	[tilespmem:s16], [sflag:$0x5] =	stream.linear.gather [hbm4b:s4+s2], $0x188, $0x38;
	[tilespmem:$0x18C00] =	vst v63  }
0x1a7: {  	_ =	swait.ge [sflag:s14], $0x188  }
0x1a8: {  	[sflag:s14] =	ssyncset.done $0x0  }
0x1a9: {  	[sflag:s14] =	ssyncadd.s32 $0xFFFFFE78  }
0x1aa: {  	_ =	swait.ge [sflag:s6], $0xC400  }
0x1ab: {  	[sflag:s6] =	ssyncset.done $0x0  }
0x1ac: {  	[sflag:s6] =	ssyncadd.s32 $0xFFFF3C00  }
0x1ad: {  	[tilespmem:s9], [sflag:$0x2] =	stream.indirect.gather [hbm4b:s3+s11], $0x80, s16, s11, $0xb8;
	[tilespmem:$0x18C00] =	vst v63  }
0x1ae: {  	_ =	swait.ge [sflag:s15], $0xC400  }
0x1af: {  	[sflag:s15] =	ssyncset.done $0x0  }
0x1b0: {  	s1 =	rddreg [dreg:$0x16];
	[sflag:s15] =	ssyncadd.s32 $0xFFFF3C00  }
0x1b1: {  	[hbm4b:s1+s2] =	stream.linear.scatter [tilespmem:s7], [sflag:$0x3], $0xC400, $0x38;
	[tilespmem:$0x18C00] =	vst v63  }
0x1b2: {  	s4 =	rddreg [dreg:$0x17]  }
0x1b3: {  	[tilespmem:s2], [sflag:$0x5] =	stream.linear.gather [hbm4b:s4+s2], $0x188, $0x38;
	[tilespmem:$0x18C00] =	vst v63  }
0x1b4: {  	_ =	swait.ge [sflag:s14], $0x188  }
0x1b5: {  	[sflag:s14] =	ssyncset.done $0x0  }
0x1b6: {  	[sflag:s14] =	ssyncadd.s32 $0xFFFFFE78  }
0x1b7: {  	_ =	swait.ge [sflag:s8], $0xC400  }
0x1b8: {  	[sflag:s8] =	ssyncset.done $0x0  }
0x1b9: {  	[sflag:s8] =	ssyncadd.s32 $0xFFFF3C00  }
0x1ba: {  	[tilespmem:s7], [sflag:$0x1] =	stream.indirect.gather [hbm4b:s3+s11], $0x80, s2, s11, $0xb8;
	[tilespmem:$0x18C00] =	vst v63  }
0x1bb: {  	_ =	swait.ge [sflag:s13], $0xC400  }
0x1bc: {  	[sflag:s13] =	ssyncset.done $0x0  }
0x1bd: {  	s1 =	rddreg [dreg:$0x18];
	[sflag:s13] =	ssyncadd.s32 $0xFFFF3C00  }
0x1be: {  	[hbm4b:s1+s2] =	stream.linear.scatter [tilespmem:s9], [sflag:$0x4], $0xC400, $0x38;
	[tilespmem:$0x18C00] =	vst v63  }
0x1bf: {  	s4 =	rddreg [dreg:$0x19]  }
0x1c0: {  	[tilespmem:s16], [sflag:$0x5] =	stream.linear.gather [hbm4b:s4+s2], $0x188, $0x38;
	[tilespmem:$0x18C00] =	vst v63  }
0x1c1: {  	s4 =	smov.u32 s5  }
0x1c2: {  	s5 =	smov.u32 s10;
	s10 =	smov.u32 s12;
	s12 =	smov.u32 s17  }
0x1c3: {  	s17 =	smov.u32 s18;
	s18 =	smov.u32 s19;
	s19 =	smov.u32 s20  }
0x1c4: {  	s20 =	smov.u32 s21;
	s21 =	smov.u32 s22;
	s22 =	smov.u32 s23  }
0x1c5: {  	s23 =	smov.u32 s24;
	s24 =	smov.u32 s25;
	s25 =	smov.u32 s26  }
0x1c6: {  	s26 =	smov.u32 s28;
	s28 =	smov.u32 s29;
	s29 =	smov.u32 s30  }
0x1c7: {  	s30 =	smov.u32 s31;
	s31 =	rddreg [dreg:$0x1a];
	_ =	swait.ge [sflag:s14], $0x188  }
0x1c8: {  	[sflag:s14] =	ssyncset.done $0x0  }
0x1c9: {  	[sflag:s14] =	ssyncadd.s32 $0xFFFFFE78  }
0x1ca: {  	_ =	swait.ge [sflag:s6], $0xC400  }
0x1cb: {  	[sflag:s6] =	ssyncset.done $0x0  }
0x1cc: {  	[sflag:s6] =	ssyncadd.s32 $0xFFFF3C00  }
0x1cd: {  	[tilespmem:s9], [sflag:$0x2] =	stream.indirect.gather [hbm4b:s3+s11], $0x80, s16, s11, $0xb8;
	[tilespmem:$0x18C00] =	vst v63  }
0x1ce: {  	_ =	swait.ge [sflag:s15], $0xC400  }
0x1cf: {  	[sflag:s15] =	ssyncset.done $0x0  }
0x1d0: {  	[sflag:s15] =	ssyncadd.s32 $0xFFFF3C00  }
0x1d1: {  	[hbm4b:s30+s2] =	stream.linear.scatter [tilespmem:s7], [sflag:$0x3], $0xC400, $0x38;
	[tilespmem:$0x18C00] =	vst v63  }
0x1d2: {  	_ = 	snop  }
0x1d3: {  	[tilespmem:s2], [sflag:$0x5] =	stream.linear.gather [hbm4b:s31+s2], $0x188, $0x38;
	[tilespmem:$0x18C00] =	vst v63  }
0x1d4: {  	_ =	swait.ge [sflag:s14], $0x188  }
0x1d5: {  	[sflag:s14] =	ssyncset.done $0x0  }
0x1d6: {  	[sflag:s14] =	ssyncadd.s32 $0xFFFFFE78  }
0x1d7: {  	_ =	swait.ge [sflag:s8], $0xC400  }
0x1d8: {  	[sflag:s8] =	ssyncset.done $0x0  }
0x1d9: {  	[sflag:s8] =	ssyncadd.s32 $0xFFFF3C00  }
0x1da: {  	[tilespmem:s7], [sflag:$0x1] =	stream.indirect.gather [hbm4b:s3+s11], $0x80, s2, s11, $0xb8;
	[tilespmem:$0x18C00] =	vst v63  }
0x1db: {  	_ =	swait.ge [sflag:s13], $0xC400  }
0x1dc: {  	[sflag:s13] =	ssyncset.done $0x0  }
0x1dd: {  	[sflag:s13] =	ssyncadd.s32 $0xFFFF3C00  }
0x1de: {  	[hbm4b:s28+s2] =	stream.linear.scatter [tilespmem:s9], [sflag:$0x4], $0xC400, $0x38;
	[tilespmem:$0x18C00] =	vst v63  }
0x1df: {  	_ = 	snop  }
0x1e0: {  	[tilespmem:s16], [sflag:$0x5] =	stream.linear.gather [hbm4b:s29+s2], $0x188, $0x38;
	[tilespmem:$0x18C00] =	vst v63  }
0x1e1: {  	_ =	swait.ge [sflag:s14], $0x188  }
0x1e2: {  	[sflag:s14] =	ssyncset.done $0x0  }
0x1e3: {  	[sflag:s14] =	ssyncadd.s32 $0xFFFFFE78  }
0x1e4: {  	_ =	swait.ge [sflag:s6], $0xC400  }
0x1e5: {  	[sflag:s6] =	ssyncset.done $0x0  }
0x1e6: {  	[sflag:s6] =	ssyncadd.s32 $0xFFFF3C00  }
0x1e7: {  	[tilespmem:s9], [sflag:$0x2] =	stream.indirect.gather [hbm4b:s3+s11], $0x80, s16, s11, $0xb8;
	[tilespmem:$0x18C00] =	vst v63  }
0x1e8: {  	_ =	swait.ge [sflag:s15], $0xC400  }
0x1e9: {  	[sflag:s15] =	ssyncset.done $0x0  }
0x1ea: {  	[sflag:s15] =	ssyncadd.s32 $0xFFFF3C00  }
0x1eb: {  	[hbm4b:s25+s2] =	stream.linear.scatter [tilespmem:s7], [sflag:$0x3], $0xC400, $0x38;
	[tilespmem:$0x18C00] =	vst v63  }
0x1ec: {  	_ = 	snop  }
0x1ed: {  	[tilespmem:s2], [sflag:$0x5] =	stream.linear.gather [hbm4b:s26+s2], $0x188, $0x38;
	[tilespmem:$0x18C00] =	vst v63  }
0x1ee: {  	_ =	swait.ge [sflag:s14], $0x188  }
0x1ef: {  	[sflag:s14] =	ssyncset.done $0x0  }
0x1f0: {  	[sflag:s14] =	ssyncadd.s32 $0xFFFFFE78  }
0x1f1: {  	_ =	swait.ge [sflag:s8], $0xC400  }
0x1f2: {  	[sflag:s8] =	ssyncset.done $0x0  }
0x1f3: {  	[sflag:s8] =	ssyncadd.s32 $0xFFFF3C00  }
0x1f4: {  	[tilespmem:s7], [sflag:$0x1] =	stream.indirect.gather [hbm4b:s3+s11], $0x80, s2, s11, $0xb8;
	[tilespmem:$0x18C00] =	vst v63  }
0x1f5: {  	_ =	swait.ge [sflag:s13], $0xC400  }
0x1f6: {  	[sflag:s13] =	ssyncset.done $0x0  }
0x1f7: {  	[sflag:s13] =	ssyncadd.s32 $0xFFFF3C00  }
0x1f8: {  	[hbm4b:s23+s2] =	stream.linear.scatter [tilespmem:s9], [sflag:$0x4], $0xC400, $0x38;
	[tilespmem:$0x18C00] =	vst v63  }
0x1f9: {  	_ = 	snop  }
0x1fa: {  	[tilespmem:s16], [sflag:$0x5] =	stream.linear.gather [hbm4b:s24+s2], $0x188, $0x38;
	[tilespmem:$0x18C00] =	vst v63  }
0x1fb: {  	_ =	swait.ge [sflag:s14], $0x188  }
0x1fc: {  	[sflag:s14] =	ssyncset.done $0x0  }
0x1fd: {  	[sflag:s14] =	ssyncadd.s32 $0xFFFFFE78  }
0x1fe: {  	_ =	swait.ge [sflag:s6], $0xC400  }
0x1ff: {  	[sflag:s6] =	ssyncset.done $0x0  }
0x200: {  	[sflag:s6] =	ssyncadd.s32 $0xFFFF3C00  }
0x201: {  	[tilespmem:s9], [sflag:$0x2] =	stream.indirect.gather [hbm4b:s3+s11], $0x80, s16, s11, $0xb8;
	[tilespmem:$0x18C00] =	vst v63  }
0x202: {  	_ =	swait.ge [sflag:s15], $0xC400  }
0x203: {  	[sflag:s15] =	ssyncset.done $0x0  }
0x204: {  	[sflag:s15] =	ssyncadd.s32 $0xFFFF3C00  }
0x205: {  	[hbm4b:s21+s2] =	stream.linear.scatter [tilespmem:s7], [sflag:$0x3], $0xC400, $0x38;
	[tilespmem:$0x18C00] =	vst v63  }
0x206: {  	_ = 	snop  }
0x207: {  	[tilespmem:s2], [sflag:$0x5] =	stream.linear.gather [hbm4b:s22+s2], $0x188, $0x38;
	[tilespmem:$0x18C00] =	vst v63  }
0x208: {  	_ =	swait.ge [sflag:s14], $0x188  }
0x209: {  	[sflag:s14] =	ssyncset.done $0x0  }
0x20a: {  	[sflag:s14] =	ssyncadd.s32 $0xFFFFFE78  }
0x20b: {  	_ =	swait.ge [sflag:s8], $0xC400  }
0x20c: {  	[sflag:s8] =	ssyncset.done $0x0  }
0x20d: {  	[sflag:s8] =	ssyncadd.s32 $0xFFFF3C00  }
0x20e: {  	[tilespmem:s7], [sflag:$0x1] =	stream.indirect.gather [hbm4b:s3+s11], $0x80, s2, s11, $0xb8;
	[tilespmem:$0x18C00] =	vst v63  }
0x20f: {  	_ =	swait.ge [sflag:s13], $0xC400  }
0x210: {  	[sflag:s13] =	ssyncset.done $0x0  }
0x211: {  	[sflag:s13] =	ssyncadd.s32 $0xFFFF3C00  }
0x212: {  	[hbm4b:s19+s2] =	stream.linear.scatter [tilespmem:s9], [sflag:$0x4], $0xC400, $0x38;
	[tilespmem:$0x18C00] =	vst v63  }
0x213: {  	_ = 	snop  }
0x214: {  	[tilespmem:s16], [sflag:$0x5] =	stream.linear.gather [hbm4b:s20+s2], $0x188, $0x38;
	[tilespmem:$0x18C00] =	vst v63  }
0x215: {  	_ =	swait.ge [sflag:s14], $0x188  }
0x216: {  	[sflag:s14] =	ssyncset.done $0x0  }
0x217: {  	[sflag:s14] =	ssyncadd.s32 $0xFFFFFE78  }
0x218: {  	_ =	swait.ge [sflag:s6], $0xC400  }
0x219: {  	[sflag:s6] =	ssyncset.done $0x0  }
0x21a: {  	[sflag:s6] =	ssyncadd.s32 $0xFFFF3C00  }
0x21b: {  	[tilespmem:s9], [sflag:$0x2] =	stream.indirect.gather [hbm4b:s3+s11], $0x80, s16, s11, $0xb8;
	[tilespmem:$0x18C00] =	vst v63  }
0x21c: {  	_ =	swait.ge [sflag:s15], $0xC400  }
0x21d: {  	[sflag:s15] =	ssyncset.done $0x0  }
0x21e: {  	[sflag:s15] =	ssyncadd.s32 $0xFFFF3C00  }
0x21f: {  	[hbm4b:s17+s2] =	stream.linear.scatter [tilespmem:s7], [sflag:$0x3], $0xC400, $0x38;
	[tilespmem:$0x18C00] =	vst v63  }
0x220: {  	_ = 	snop  }
0x221: {  	[tilespmem:s2], [sflag:$0x5] =	stream.linear.gather [hbm4b:s18+s2], $0x188, $0x38;
	[tilespmem:$0x18C00] =	vst v63  }
0x222: {  	_ =	swait.ge [sflag:s14], $0x188  }
0x223: {  	[sflag:s14] =	ssyncset.done $0x0  }
0x224: {  	[sflag:s14] =	ssyncadd.s32 $0xFFFFFE78  }
0x225: {  	_ =	swait.ge [sflag:s8], $0xC400  }
0x226: {  	[sflag:s8] =	ssyncset.done $0x0  }
0x227: {  	[sflag:s8] =	ssyncadd.s32 $0xFFFF3C00  }
0x228: {  	[tilespmem:s7], [sflag:$0x1] =	stream.indirect.gather [hbm4b:s3+s11], $0x80, s2, s11, $0xb8;
	[tilespmem:$0x18C00] =	vst v63  }
0x229: {  	_ =	swait.ge [sflag:s13], $0xC400  }
0x22a: {  	[sflag:s13] =	ssyncset.done $0x0  }
0x22b: {  	[sflag:s13] =	ssyncadd.s32 $0xFFFF3C00  }
0x22c: {  	[hbm4b:s10+s2] =	stream.linear.scatter [tilespmem:s9], [sflag:$0x4], $0xC400, $0x38;
	[tilespmem:$0x18C00] =	vst v63  }
0x22d: {  	_ = 	snop  }
0x22e: {  	[tilespmem:s16], [sflag:$0x5] =	stream.linear.gather [hbm4b:s12+s2], $0x188, $0x38;
	[tilespmem:$0x18C00] =	vst v63  }
0x22f: {  	_ =	swait.ge [sflag:s14], $0x188  }
0x230: {  	[sflag:s14] =	ssyncset.done $0x0  }
0x231: {  	[sflag:s14] =	ssyncadd.s32 $0xFFFFFE78  }
0x232: {  	_ =	swait.ge [sflag:s6], $0xC400  }
0x233: {  	[sflag:s6] =	ssyncset.done $0x0  }
0x234: {  	[sflag:s6] =	ssyncadd.s32 $0xFFFF3C00  }
0x235: {  	[tilespmem:s9], [sflag:$0x2] =	stream.indirect.gather [hbm4b:s3+s11], $0x80, s16, s11, $0xb8;
	[tilespmem:$0x18C00] =	vst v63  }
0x236: {  	_ =	swait.ge [sflag:s15], $0xC400  }
0x237: {  	[sflag:s15] =	ssyncset.done $0x0  }
0x238: {  	[sflag:s15] =	ssyncadd.s32 $0xFFFF3C00  }
0x239: {  	[hbm4b:s5+s2] =	stream.linear.scatter [tilespmem:s7], [sflag:$0x3], $0xC400, $0x38;
	[tilespmem:$0x18C00] =	vst v63  }
0x23a: {  	_ =	swait.ge [sflag:s13], $0xC400  }
0x23b: {  	[sflag:s13] =	ssyncset.done $0x0  }
0x23c: {  	p1 =	sne.s32 s0, $0x1;
	[sflag:s13] =	ssyncadd.s32 $0xFFFF3C00  }
0x23d: {  	[hbm4b:s4+s2] =	stream.linear.scatter [tilespmem:s9], [sflag:$0x4], $0xC400, $0x38;
	[tilespmem:$0x18C00] =	vst v63  }
.Ltmp2:
0x23e: {  	_ =	swait.ge [sflag:s8], $0xC400;
	(pc) =	sbr.rel @p1 .LBB2_2-.Ltmp2, $4  }
0x23f: {  	[sflag:s8] =	ssyncset.done $0x0  }
0x240: {  	[sflag:s8] =	ssyncadd.s32 $0xFFFF3C00  }
0x241: {  	_ =	swait.ge [sflag:s6], $0xC400  }
0x242: {  	s0 =	sadd.s32 $0xFFFFFFFF, s0;
	s1 =	rddreg [dreg:$0x4];
	[sflag:s6] =	ssyncset.done $0x0  }
.LBB2_3:
0x243: {  	[sflag:s6] =	ssyncadd.s32 @p0 $0xFFFF3C00  }
0x244: {  	[tilespmem:s2], [sflag:$0x5] =	stream.linear.gather [hbm4b:s1+s2], $0x188, $0x38;
	[tilespmem:$0x18C00] =	vst v63  }
0x245: {  	_ =	swait.ge [sflag:s14], $0x188  }
0x246: {  	[sflag:s14] =	ssyncset.done $0x0  }
0x247: {  	[sflag:s14] =	ssyncadd.s32 $0xFFFFFE78  }
0x248: {  	[tilespmem:s7], [sflag:$0x1] =	stream.indirect.gather [hbm4b:s3+s11], $0x80, s2, s11, $0xb8;
	[tilespmem:$0x18C00] =	vst v63  }
0x249: {  	s0 =	rddreg [dreg:$0x5]  }
0x24a: {  	[tilespmem:s16], [sflag:$0x5] =	stream.linear.gather [hbm4b:s0+s2], $0x188, $0x38;
	[tilespmem:$0x18C00] =	vst v63  }
0x24b: {  	_ =	swait.ge [sflag:s14], $0x188  }
0x24c: {  	[sflag:s14] =	ssyncset.done $0x0  }
0x24d: {  	[sflag:s14] =	ssyncadd.s32 $0xFFFFFE78  }
0x24e: {  	[tilespmem:s9], [sflag:$0x2] =	stream.indirect.gather [hbm4b:s3+s11], $0x80, s16, s11, $0xb8;
	[tilespmem:$0x18C00] =	vst v63  }
0x24f: {  	_ =	swait.ge [sflag:s15], $0xC400  }
0x250: {  	[sflag:s15] =	ssyncset.done $0x0  }
0x251: {  	s0 =	rddreg [dreg:$0x6];
	[sflag:s15] =	ssyncadd.s32 $0xFFFF3C00  }
0x252: {  	[hbm4b:s0+s2] =	stream.linear.scatter [tilespmem:s7], [sflag:$0x3], $0xC400, $0x38;
	[tilespmem:$0x18C00] =	vst v63  }
0x253: {  	s1 =	rddreg [dreg:$0x7]  }
0x254: {  	[tilespmem:s2], [sflag:$0x5] =	stream.linear.gather [hbm4b:s1+s2], $0x188, $0x38;
	[tilespmem:$0x18C00] =	vst v63  }
0x255: {  	_ =	swait.ge [sflag:s14], $0x188  }
0x256: {  	[sflag:s14] =	ssyncset.done $0x0  }
0x257: {  	[sflag:s14] =	ssyncadd.s32 $0xFFFFFE78  }
0x258: {  	_ =	swait.ge [sflag:s8], $0xC400  }
0x259: {  	[sflag:s8] =	ssyncset.done $0x0  }
0x25a: {  	[sflag:s8] =	ssyncadd.s32 $0xFFFF3C00  }
0x25b: {  	[tilespmem:s7], [sflag:$0x1] =	stream.indirect.gather [hbm4b:s3+s11], $0x80, s2, s11, $0xb8;
	[tilespmem:$0x18C00] =	vst v63  }
0x25c: {  	_ =	swait.ge [sflag:s13], $0xC400  }
0x25d: {  	[sflag:s13] =	ssyncset.done $0x0  }
0x25e: {  	s0 =	rddreg [dreg:$0x8];
	[sflag:s13] =	ssyncadd.s32 $0xFFFF3C00  }
0x25f: {  	[hbm4b:s0+s2] =	stream.linear.scatter [tilespmem:s9], [sflag:$0x4], $0xC400, $0x38;
	[tilespmem:$0x18C00] =	vst v63  }
0x260: {  	s1 =	rddreg [dreg:$0x9]  }
0x261: {  	[tilespmem:s16], [sflag:$0x5] =	stream.linear.gather [hbm4b:s1+s2], $0x188, $0x38;
	[tilespmem:$0x18C00] =	vst v63  }
0x262: {  	_ =	swait.ge [sflag:s14], $0x188  }
0x263: {  	[sflag:s14] =	ssyncset.done $0x0  }
0x264: {  	[sflag:s14] =	ssyncadd.s32 $0xFFFFFE78  }
0x265: {  	_ =	swait.ge [sflag:s6], $0xC400  }
0x266: {  	[sflag:s6] =	ssyncset.done $0x0  }
0x267: {  	[sflag:s6] =	ssyncadd.s32 $0xFFFF3C00  }
0x268: {  	[tilespmem:s9], [sflag:$0x2] =	stream.indirect.gather [hbm4b:s3+s11], $0x80, s16, s11, $0xb8;
	[tilespmem:$0x18C00] =	vst v63  }
0x269: {  	_ =	swait.ge [sflag:s15], $0xC400  }
0x26a: {  	[sflag:s15] =	ssyncset.done $0x0  }
0x26b: {  	s0 =	rddreg [dreg:$0xa];
	[sflag:s15] =	ssyncadd.s32 $0xFFFF3C00  }
0x26c: {  	[hbm4b:s0+s2] =	stream.linear.scatter [tilespmem:s7], [sflag:$0x3], $0xC400, $0x38;
	[tilespmem:$0x18C00] =	vst v63  }
0x26d: {  	s1 =	rddreg [dreg:$0xb]  }
0x26e: {  	[tilespmem:s2], [sflag:$0x5] =	stream.linear.gather [hbm4b:s1+s2], $0x188, $0x38;
	[tilespmem:$0x18C00] =	vst v63  }
0x26f: {  	_ =	swait.ge [sflag:s14], $0x188  }
0x270: {  	[sflag:s14] =	ssyncset.done $0x0  }
0x271: {  	[sflag:s14] =	ssyncadd.s32 $0xFFFFFE78  }
0x272: {  	_ =	swait.ge [sflag:s8], $0xC400  }
0x273: {  	[sflag:s8] =	ssyncset.done $0x0  }
0x274: {  	[sflag:s8] =	ssyncadd.s32 $0xFFFF3C00  }
0x275: {  	[tilespmem:s7], [sflag:$0x1] =	stream.indirect.gather [hbm4b:s3+s11], $0x80, s2, s11, $0xb8;
	[tilespmem:$0x18C00] =	vst v63  }
0x276: {  	_ =	swait.ge [sflag:s13], $0xC400  }
0x277: {  	[sflag:s13] =	ssyncset.done $0x0  }
0x278: {  	s0 =	rddreg [dreg:$0xc];
	[sflag:s13] =	ssyncadd.s32 $0xFFFF3C00  }
0x279: {  	[hbm4b:s0+s2] =	stream.linear.scatter [tilespmem:s9], [sflag:$0x4], $0xC400, $0x38;
	[tilespmem:$0x18C00] =	vst v63  }
0x27a: {  	s1 =	rddreg [dreg:$0xd]  }
0x27b: {  	[tilespmem:s16], [sflag:$0x5] =	stream.linear.gather [hbm4b:s1+s2], $0x188, $0x38;
	[tilespmem:$0x18C00] =	vst v63  }
0x27c: {  	_ =	swait.ge [sflag:s14], $0x188  }
0x27d: {  	[sflag:s14] =	ssyncset.done $0x0  }
0x27e: {  	[sflag:s14] =	ssyncadd.s32 $0xFFFFFE78  }
0x27f: {  	_ =	swait.ge [sflag:s6], $0xC400  }
0x280: {  	[sflag:s6] =	ssyncset.done $0x0  }
0x281: {  	[sflag:s6] =	ssyncadd.s32 $0xFFFF3C00  }
0x282: {  	[tilespmem:s9], [sflag:$0x2] =	stream.indirect.gather [hbm4b:s3+s11], $0x80, s16, s11, $0xb8;
	[tilespmem:$0x18C00] =	vst v63  }
0x283: {  	_ =	swait.ge [sflag:s15], $0xC400  }
0x284: {  	[sflag:s15] =	ssyncset.done $0x0  }
0x285: {  	s0 =	rddreg [dreg:$0xe];
	[sflag:s15] =	ssyncadd.s32 $0xFFFF3C00  }
0x286: {  	[hbm4b:s0+s2] =	stream.linear.scatter [tilespmem:s7], [sflag:$0x3], $0xC400, $0x38;
	[tilespmem:$0x18C00] =	vst v63  }
0x287: {  	s1 =	rddreg [dreg:$0xf]  }
0x288: {  	[tilespmem:s2], [sflag:$0x5] =	stream.linear.gather [hbm4b:s1+s2], $0x188, $0x38;
	[tilespmem:$0x18C00] =	vst v63  }
0x289: {  	_ =	swait.ge [sflag:s14], $0x188  }
0x28a: {  	[sflag:s14] =	ssyncset.done $0x0  }
0x28b: {  	[sflag:s14] =	ssyncadd.s32 $0xFFFFFE78  }
0x28c: {  	_ =	swait.ge [sflag:s8], $0xC400  }
0x28d: {  	[sflag:s8] =	ssyncset.done $0x0  }
0x28e: {  	[sflag:s8] =	ssyncadd.s32 $0xFFFF3C00  }
0x28f: {  	[tilespmem:s7], [sflag:$0x1] =	stream.indirect.gather [hbm4b:s3+s11], $0x80, s2, s11, $0xb8;
	[tilespmem:$0x18C00] =	vst v63  }
0x290: {  	_ =	swait.ge [sflag:s13], $0xC400  }
0x291: {  	[sflag:s13] =	ssyncset.done $0x0  }
0x292: {  	s0 =	rddreg [dreg:$0x10];
	[sflag:s13] =	ssyncadd.s32 $0xFFFF3C00  }
0x293: {  	[hbm4b:s0+s2] =	stream.linear.scatter [tilespmem:s9], [sflag:$0x4], $0xC400, $0x38;
	[tilespmem:$0x18C00] =	vst v63  }
0x294: {  	s1 =	rddreg [dreg:$0x11]  }
0x295: {  	[tilespmem:s16], [sflag:$0x5] =	stream.linear.gather [hbm4b:s1+s2], $0x188, $0x38;
	[tilespmem:$0x18C00] =	vst v63  }
0x296: {  	_ =	swait.ge [sflag:s14], $0x188  }
0x297: {  	[sflag:s14] =	ssyncset.done $0x0  }
0x298: {  	[sflag:s14] =	ssyncadd.s32 $0xFFFFFE78  }
0x299: {  	_ =	swait.ge [sflag:s6], $0xC400  }
0x29a: {  	[sflag:s6] =	ssyncset.done $0x0  }
0x29b: {  	[sflag:s6] =	ssyncadd.s32 $0xFFFF3C00  }
0x29c: {  	[tilespmem:s9], [sflag:$0x2] =	stream.indirect.gather [hbm4b:s3+s11], $0x80, s16, s11, $0xb8;
	[tilespmem:$0x18C00] =	vst v63  }
0x29d: {  	_ =	swait.ge [sflag:s15], $0xC400  }
0x29e: {  	[sflag:s15] =	ssyncset.done $0x0  }
0x29f: {  	s0 =	rddreg [dreg:$0x12];
	[sflag:s15] =	ssyncadd.s32 $0xFFFF3C00  }
0x2a0: {  	[hbm4b:s0+s2] =	stream.linear.scatter [tilespmem:s7], [sflag:$0x3], $0xC400, $0x38;
	[tilespmem:$0x18C00] =	vst v63  }
0x2a1: {  	s1 =	rddreg [dreg:$0x13]  }
0x2a2: {  	[tilespmem:s2], [sflag:$0x5] =	stream.linear.gather [hbm4b:s1+s2], $0x188, $0x38;
	[tilespmem:$0x18C00] =	vst v63  }
0x2a3: {  	_ =	swait.ge [sflag:s14], $0x188  }
0x2a4: {  	[sflag:s14] =	ssyncset.done $0x0  }
0x2a5: {  	[sflag:s14] =	ssyncadd.s32 $0xFFFFFE78  }
0x2a6: {  	_ =	swait.ge [sflag:s8], $0xC400  }
0x2a7: {  	[sflag:s8] =	ssyncset.done $0x0  }
0x2a8: {  	[sflag:s8] =	ssyncadd.s32 $0xFFFF3C00  }
0x2a9: {  	[tilespmem:s7], [sflag:$0x1] =	stream.indirect.gather [hbm4b:s3+s11], $0x80, s2, s11, $0xb8;
	[tilespmem:$0x18C00] =	vst v63  }
0x2aa: {  	_ =	swait.ge [sflag:s13], $0xC400  }
0x2ab: {  	[sflag:s13] =	ssyncset.done $0x0  }
0x2ac: {  	s0 =	rddreg [dreg:$0x14];
	[sflag:s13] =	ssyncadd.s32 $0xFFFF3C00  }
0x2ad: {  	[hbm4b:s0+s2] =	stream.linear.scatter [tilespmem:s9], [sflag:$0x4], $0xC400, $0x38;
	[tilespmem:$0x18C00] =	vst v63  }
0x2ae: {  	s1 =	rddreg [dreg:$0x15]  }
0x2af: {  	[tilespmem:s16], [sflag:$0x5] =	stream.linear.gather [hbm4b:s1+s2], $0x188, $0x38;
	[tilespmem:$0x18C00] =	vst v63  }
0x2b0: {  	_ =	swait.ge [sflag:s14], $0x188  }
0x2b1: {  	[sflag:s14] =	ssyncset.done $0x0  }
0x2b2: {  	[sflag:s14] =	ssyncadd.s32 $0xFFFFFE78  }
0x2b3: {  	_ =	swait.ge [sflag:s6], $0xC400  }
0x2b4: {  	[sflag:s6] =	ssyncset.done $0x0  }
0x2b5: {  	[sflag:s6] =	ssyncadd.s32 $0xFFFF3C00  }
0x2b6: {  	[tilespmem:s9], [sflag:$0x2] =	stream.indirect.gather [hbm4b:s3+s11], $0x80, s16, s11, $0xb8;
	[tilespmem:$0x18C00] =	vst v63  }
0x2b7: {  	_ =	swait.ge [sflag:s15], $0xC400  }
0x2b8: {  	[sflag:s15] =	ssyncset.done $0x0  }
0x2b9: {  	s0 =	rddreg [dreg:$0x16];
	[sflag:s15] =	ssyncadd.s32 $0xFFFF3C00  }
0x2ba: {  	[hbm4b:s0+s2] =	stream.linear.scatter [tilespmem:s7], [sflag:$0x3], $0xC400, $0x38;
	[tilespmem:$0x18C00] =	vst v63  }
0x2bb: {  	s1 =	rddreg [dreg:$0x17]  }
0x2bc: {  	[tilespmem:s2], [sflag:$0x5] =	stream.linear.gather [hbm4b:s1+s2], $0x188, $0x38;
	[tilespmem:$0x18C00] =	vst v63  }
0x2bd: {  	_ =	swait.ge [sflag:s14], $0x188  }
0x2be: {  	[sflag:s14] =	ssyncset.done $0x0  }
0x2bf: {  	[sflag:s14] =	ssyncadd.s32 $0xFFFFFE78  }
0x2c0: {  	_ =	swait.ge [sflag:s8], $0xC400  }
0x2c1: {  	[sflag:s8] =	ssyncset.done $0x0  }
0x2c2: {  	[sflag:s8] =	ssyncadd.s32 $0xFFFF3C00  }
0x2c3: {  	[tilespmem:s7], [sflag:$0x1] =	stream.indirect.gather [hbm4b:s3+s11], $0x80, s2, s11, $0xb8;
	[tilespmem:$0x18C00] =	vst v63  }
0x2c4: {  	_ =	swait.ge [sflag:s13], $0xC400  }
0x2c5: {  	[sflag:s13] =	ssyncset.done $0x0  }
0x2c6: {  	s0 =	rddreg [dreg:$0x18];
	[sflag:s13] =	ssyncadd.s32 $0xFFFF3C00  }
0x2c7: {  	[hbm4b:s0+s2] =	stream.linear.scatter [tilespmem:s9], [sflag:$0x4], $0xC400, $0x38;
	[tilespmem:$0x18C00] =	vst v63  }
0x2c8: {  	s1 =	rddreg [dreg:$0x19]  }
0x2c9: {  	[tilespmem:s16], [sflag:$0x5] =	stream.linear.gather [hbm4b:s1+s2], $0x188, $0x38;
	[tilespmem:$0x18C00] =	vst v63  }
0x2ca: {  	_ =	swait.ge [sflag:s14], $0x188  }
0x2cb: {  	[sflag:s14] =	ssyncset.done $0x0  }
0x2cc: {  	[sflag:s14] =	ssyncadd.s32 $0xFFFFFE78  }
0x2cd: {  	_ =	swait.ge [sflag:s6], $0xC400  }
0x2ce: {  	[sflag:s6] =	ssyncset.done $0x0  }
0x2cf: {  	[sflag:s6] =	ssyncadd.s32 $0xFFFF3C00  }
0x2d0: {  	[tilespmem:s9], [sflag:$0x2] =	stream.indirect.gather [hbm4b:s3+s11], $0x80, s16, s11, $0xb8;
	[tilespmem:$0x18C00] =	vst v63  }
0x2d1: {  	_ =	swait.ge [sflag:s15], $0xC400  }
0x2d2: {  	[sflag:s15] =	ssyncset.done $0x0  }
0x2d3: {  	[sflag:s15] =	ssyncadd.s32 $0xFFFF3C00  }
0x2d4: {  	[hbm4b:s30+s2] =	stream.linear.scatter [tilespmem:s7], [sflag:$0x3], $0xC400, $0x38;
	[tilespmem:$0x18C00] =	vst v63  }
0x2d5: {  	_ = 	snop  }
0x2d6: {  	[tilespmem:s2], [sflag:$0x5] =	stream.linear.gather [hbm4b:s31+s2], $0x188, $0x38;
	[tilespmem:$0x18C00] =	vst v63  }
0x2d7: {  	_ =	swait.ge [sflag:s14], $0x188  }
0x2d8: {  	[sflag:s14] =	ssyncset.done $0x0  }
0x2d9: {  	[sflag:s14] =	ssyncadd.s32 $0xFFFFFE78  }
0x2da: {  	_ =	swait.ge [sflag:s8], $0xC400  }
0x2db: {  	[sflag:s8] =	ssyncset.done $0x0  }
0x2dc: {  	[sflag:s8] =	ssyncadd.s32 $0xFFFF3C00  }
0x2dd: {  	[tilespmem:s7], [sflag:$0x1] =	stream.indirect.gather [hbm4b:s3+s11], $0x80, s2, s11, $0xb8;
	[tilespmem:$0x18C00] =	vst v63  }
0x2de: {  	_ =	swait.ge [sflag:s13], $0xC400  }
0x2df: {  	[sflag:s13] =	ssyncset.done $0x0  }
0x2e0: {  	[sflag:s13] =	ssyncadd.s32 $0xFFFF3C00  }
0x2e1: {  	[hbm4b:s28+s2] =	stream.linear.scatter [tilespmem:s9], [sflag:$0x4], $0xC400, $0x38;
	[tilespmem:$0x18C00] =	vst v63  }
0x2e2: {  	_ = 	snop  }
0x2e3: {  	[tilespmem:s16], [sflag:$0x5] =	stream.linear.gather [hbm4b:s29+s2], $0x188, $0x38;
	[tilespmem:$0x18C00] =	vst v63  }
0x2e4: {  	_ =	swait.ge [sflag:s14], $0x188  }
0x2e5: {  	[sflag:s14] =	ssyncset.done $0x0  }
0x2e6: {  	[sflag:s14] =	ssyncadd.s32 $0xFFFFFE78  }
0x2e7: {  	_ =	swait.ge [sflag:s6], $0xC400  }
0x2e8: {  	[sflag:s6] =	ssyncset.done $0x0  }
0x2e9: {  	[sflag:s6] =	ssyncadd.s32 $0xFFFF3C00  }
0x2ea: {  	[tilespmem:s9], [sflag:$0x2] =	stream.indirect.gather [hbm4b:s3+s11], $0x80, s16, s11, $0xb8;
	[tilespmem:$0x18C00] =	vst v63  }
0x2eb: {  	_ =	swait.ge [sflag:s15], $0xC400  }
0x2ec: {  	[sflag:s15] =	ssyncset.done $0x0  }
0x2ed: {  	[sflag:s15] =	ssyncadd.s32 $0xFFFF3C00  }
0x2ee: {  	[hbm4b:s25+s2] =	stream.linear.scatter [tilespmem:s7], [sflag:$0x3], $0xC400, $0x38;
	[tilespmem:$0x18C00] =	vst v63  }
0x2ef: {  	_ = 	snop  }
0x2f0: {  	[tilespmem:s2], [sflag:$0x5] =	stream.linear.gather [hbm4b:s26+s2], $0x188, $0x38;
	[tilespmem:$0x18C00] =	vst v63  }
0x2f1: {  	_ =	swait.ge [sflag:s14], $0x188  }
0x2f2: {  	[sflag:s14] =	ssyncset.done $0x0  }
0x2f3: {  	[sflag:s14] =	ssyncadd.s32 $0xFFFFFE78  }
0x2f4: {  	_ =	swait.ge [sflag:s8], $0xC400  }
0x2f5: {  	[sflag:s8] =	ssyncset.done $0x0  }
0x2f6: {  	[sflag:s8] =	ssyncadd.s32 $0xFFFF3C00  }
0x2f7: {  	[tilespmem:s7], [sflag:$0x1] =	stream.indirect.gather [hbm4b:s3+s11], $0x80, s2, s11, $0xb8;
	[tilespmem:$0x18C00] =	vst v63  }
0x2f8: {  	_ =	swait.ge [sflag:s13], $0xC400  }
0x2f9: {  	[sflag:s13] =	ssyncset.done $0x0  }
0x2fa: {  	[sflag:s13] =	ssyncadd.s32 $0xFFFF3C00  }
0x2fb: {  	[hbm4b:s23+s2] =	stream.linear.scatter [tilespmem:s9], [sflag:$0x4], $0xC400, $0x38;
	[tilespmem:$0x18C00] =	vst v63  }
0x2fc: {  	_ = 	snop  }
0x2fd: {  	[tilespmem:s16], [sflag:$0x5] =	stream.linear.gather [hbm4b:s24+s2], $0x188, $0x38;
	[tilespmem:$0x18C00] =	vst v63  }
0x2fe: {  	_ =	swait.ge [sflag:s14], $0x188  }
0x2ff: {  	[sflag:s14] =	ssyncset.done $0x0  }
0x300: {  	[sflag:s14] =	ssyncadd.s32 $0xFFFFFE78  }
0x301: {  	_ =	swait.ge [sflag:s6], $0xC400  }
0x302: {  	[sflag:s6] =	ssyncset.done $0x0  }
0x303: {  	[sflag:s6] =	ssyncadd.s32 $0xFFFF3C00  }
0x304: {  	[tilespmem:s9], [sflag:$0x2] =	stream.indirect.gather [hbm4b:s3+s11], $0x80, s16, s11, $0xb8;
	[tilespmem:$0x18C00] =	vst v63  }
0x305: {  	_ =	swait.ge [sflag:s15], $0xC400  }
0x306: {  	[sflag:s15] =	ssyncset.done $0x0  }
0x307: {  	[sflag:s15] =	ssyncadd.s32 $0xFFFF3C00  }
0x308: {  	[hbm4b:s21+s2] =	stream.linear.scatter [tilespmem:s7], [sflag:$0x3], $0xC400, $0x38;
	[tilespmem:$0x18C00] =	vst v63  }
0x309: {  	_ = 	snop  }
0x30a: {  	[tilespmem:s2], [sflag:$0x5] =	stream.linear.gather [hbm4b:s22+s2], $0x188, $0x38;
	[tilespmem:$0x18C00] =	vst v63  }
0x30b: {  	_ =	swait.ge [sflag:s14], $0x188  }
0x30c: {  	[sflag:s14] =	ssyncset.done $0x0  }
0x30d: {  	[sflag:s14] =	ssyncadd.s32 $0xFFFFFE78  }
0x30e: {  	_ =	swait.ge [sflag:s8], $0xC400  }
0x30f: {  	[sflag:s8] =	ssyncset.done $0x0  }
0x310: {  	[sflag:s8] =	ssyncadd.s32 $0xFFFF3C00  }
0x311: {  	[tilespmem:s7], [sflag:$0x1] =	stream.indirect.gather [hbm4b:s3+s11], $0x80, s2, s11, $0xb8;
	[tilespmem:$0x18C00] =	vst v63  }
0x312: {  	_ =	swait.ge [sflag:s13], $0xC400  }
0x313: {  	[sflag:s13] =	ssyncset.done $0x0  }
0x314: {  	[sflag:s13] =	ssyncadd.s32 $0xFFFF3C00  }
0x315: {  	[hbm4b:s19+s2] =	stream.linear.scatter [tilespmem:s9], [sflag:$0x4], $0xC400, $0x38;
	[tilespmem:$0x18C00] =	vst v63  }
0x316: {  	_ = 	snop  }
0x317: {  	[tilespmem:s16], [sflag:$0x5] =	stream.linear.gather [hbm4b:s20+s2], $0x188, $0x38;
	[tilespmem:$0x18C00] =	vst v63  }
0x318: {  	_ =	swait.ge [sflag:s14], $0x188  }
0x319: {  	[sflag:s14] =	ssyncset.done $0x0  }
0x31a: {  	[sflag:s14] =	ssyncadd.s32 $0xFFFFFE78  }
0x31b: {  	_ =	swait.ge [sflag:s6], $0xC400  }
0x31c: {  	[sflag:s6] =	ssyncset.done $0x0  }
0x31d: {  	[sflag:s6] =	ssyncadd.s32 $0xFFFF3C00  }
0x31e: {  	[tilespmem:s9], [sflag:$0x2] =	stream.indirect.gather [hbm4b:s3+s11], $0x80, s16, s11, $0xb8;
	[tilespmem:$0x18C00] =	vst v63  }
0x31f: {  	_ =	swait.ge [sflag:s15], $0xC400  }
0x320: {  	[sflag:s15] =	ssyncset.done $0x0  }
0x321: {  	[sflag:s15] =	ssyncadd.s32 $0xFFFF3C00  }
0x322: {  	[hbm4b:s17+s2] =	stream.linear.scatter [tilespmem:s7], [sflag:$0x3], $0xC400, $0x38;
	[tilespmem:$0x18C00] =	vst v63  }
0x323: {  	_ = 	snop  }
0x324: {  	[tilespmem:s2], [sflag:$0x5] =	stream.linear.gather [hbm4b:s18+s2], $0x188, $0x38;
	[tilespmem:$0x18C00] =	vst v63  }
0x325: {  	_ =	swait.ge [sflag:s14], $0x188  }
0x326: {  	[sflag:s14] =	ssyncset.done $0x0  }
0x327: {  	[sflag:s14] =	ssyncadd.s32 $0xFFFFFE78  }
0x328: {  	_ =	swait.ge [sflag:s8], $0xC400  }
0x329: {  	[sflag:s8] =	ssyncset.done $0x0  }
0x32a: {  	[sflag:s8] =	ssyncadd.s32 $0xFFFF3C00  }
0x32b: {  	[tilespmem:s7], [sflag:$0x1] =	stream.indirect.gather [hbm4b:s3+s11], $0x80, s2, s11, $0xb8;
	[tilespmem:$0x18C00] =	vst v63  }
0x32c: {  	_ =	swait.ge [sflag:s13], $0xC400  }
0x32d: {  	[sflag:s13] =	ssyncset.done $0x0  }
0x32e: {  	[sflag:s13] =	ssyncadd.s32 $0xFFFF3C00  }
0x32f: {  	[hbm4b:s10+s2] =	stream.linear.scatter [tilespmem:s9], [sflag:$0x4], $0xC400, $0x38;
	[tilespmem:$0x18C00] =	vst v63  }
0x330: {  	_ = 	snop  }
0x331: {  	[tilespmem:s16], [sflag:$0x5] =	stream.linear.gather [hbm4b:s12+s2], $0x188, $0x38;
	[tilespmem:$0x18C00] =	vst v63  }
0x332: {  	_ =	swait.ge [sflag:s14], $0x188  }
0x333: {  	[sflag:s14] =	ssyncset.done $0x0  }
0x334: {  	[sflag:s14] =	ssyncadd.s32 $0xFFFFFE78  }
0x335: {  	_ =	swait.ge [sflag:s6], $0xC400  }
0x336: {  	[sflag:s6] =	ssyncset.done $0x0  }
0x337: {  	[sflag:s6] =	ssyncadd.s32 $0xFFFF3C00  }
0x338: {  	[tilespmem:s9], [sflag:$0x2] =	stream.indirect.gather [hbm4b:s3+s11], $0x80, s16, s11, $0xb8;
	[tilespmem:$0x18C00] =	vst v63  }
0x339: {  	_ =	swait.ge [sflag:s15], $0xC400  }
0x33a: {  	[sflag:s15] =	ssyncset.done $0x0  }
0x33b: {  	[sflag:s15] =	ssyncadd.s32 $0xFFFF3C00  }
0x33c: {  	[hbm4b:s5+s2] =	stream.linear.scatter [tilespmem:s7], [sflag:$0x3], $0xC400, $0x38;
	[tilespmem:$0x18C00] =	vst v63  }
0x33d: {  	_ =	swait.ge [sflag:s13], $0xC400  }
0x33e: {  	[sflag:s13] =	ssyncset.done $0x0  }
0x33f: {  	[sflag:s13] =	ssyncadd.s32 $0xFFFF3C00  }
0x340: {  	[hbm4b:s4+s2] =	stream.linear.scatter [tilespmem:s9], [sflag:$0x4], $0xC400, $0x38;
	[tilespmem:$0x18C00] =	vst v63  }
0x341: {  	_ =	swait.ge [sflag:s8], $0xC400  }
0x342: {  	[sflag:s8] =	ssyncset.done $0x0  }
0x343: {  	[sflag:s8] =	ssyncadd.s32 $0xFFFF3C00  }
0x344: {  	_ =	swait.ge [sflag:s6], $0xC400  }
0x345: {  	[sflag:s6] =	ssyncset.done $0x0  }
0x346: {  	[sflag:s6] =	ssyncadd.s32 $0xFFFF3C00  }
0x347: {  	_ =	sfence.sel $0x180000  }
0x348: {  	[bflag:$0x0] =	sbarrier.arrive $0xFFFF  }
0x349: {  	_ =	strace $0x9000004A  }
0x34a: {  	s31 =	stileid.u32;
	[bflag:$0x2] =	sbarrier.arrive $0xFFFF  }
0x34b: {  	p0 =	sne.s32 s31, $0x0;
	s0 =	rddreg [dreg:$0x3]  }
0x34c: {  	s0 =	sadd.s32 @!p0 $0x100000, s0  }
0x34d: {  	[sflag:s0] =	ssyncadd.tile.s32 @!p0 $0x1;
	_ =	shalt  }
.Lfunc_end2:
_tile_overlayer_lowered:
.L_overlay_start_2:
0x34e: {  	(tag) =	ssettag $0x2  }
0x34f: {  	s0 =	rddreg [dreg:$0x0];
	s2 =	stileid.u32  }
0x350: {  	s1 =	rddreg [dreg:$0x1];
	p0 =	sne.s32 s2, $0x0  }
0x351: {  	s3 =	rddreg [dreg:$0x2];
	[bflag:$0x3] =	sbarrier.arrive $0xFFFF;
	s2 =	simm.s32 @!p0 $0x1C05  }
0x352: {  	[timem:s3], [sflag:s2] =	dma.local @!p0 [hbm:s0], s1  }
0x353: {  	s0 =	simm.s32 @!p0 $0x5  }
0x354: {  	_ =	swait.ge @!p0 [sflag:s0], s1  }
0x355: {  	s1 =	ssub.s32 @!p0 $0x0, s1;
	[sflag:s0] =	ssyncset.done @!p0 $0x0  }
0x356: {  	[sflag:s0] =	ssyncadd.s32 @!p0 s1  }
0x357: {  	[bflag:$0x3] =	sbarrier.arrive $0xFFFF  }
0x358: {  	_ =	shalt  }

// kernel: sparse-core-data-format-call.cloned.1.call-start
scs
called_computation_lowered:
.L_overlay_start_0:
0x0: {  	s1 =	sld [smem:$0x3FD9]  }
0x1: {  	s2 =	sld [smem:$0x3FFE];
	_ =	sdelay $0x1  }
0x2: {  	s3 =	srdreg.scid  }
0x3: {  	s0 =	sand.u32 $0x1, s3  }
0x4: {  	s17 =	sshll.u32 s0, $0xA;
	s1 =	sadd.s32 s2, s1  }
0x5: {  	s1 =	sadd.s32 s1, s17  }
0x6: {  	[smem:$0x3FAD] =	sst s1  }
0x7: {  	_ = 	snop  }
0x8: {  	(tm) =	ssettm $0x1  }
0x9: {  	s18 =	sld [smem:$0x3FFB];
	_ =	sdelay $0x3  }
0xa: {  	_ =	strace s18  }
0xb: {  	s1 =	sld [smem:$0x3FFC];
	_ =	sdelay $0x3  }
0xc: {  	_ =	strace s1  }
0xd: {  	s1 =	sld [smem:$0x3FFD];
	_ =	sdelay $0x3  }
0xe: {  	_ =	strace s1  }
0xf: {  	_ =	strace $0x8FFFFFFF  }
0x10: {  	s19 =	sld [smem:$0x3FDB];
	_ =	sdelay $0x1  }
0x11: {  	s20 =	simm.s32 $_scs_section_size  }
0x12: {  	s4 =	simm.s32 $_size__tile_overlayer_lowered;
	s5 =	simm.s32 $_tile_overlayer_lowered  }
0x13: {  	s23 =	simm.s32 $0x1BFF;
	s22 =	sshll.u32 s5, $0x1;
	s1 =	sadd.s32 s20, s19  }
0x14: {  	s6 =	simm.s32 $0x0;
	s21 =	sshll.u32 s4, $0x1;
	s4 =	sadd.s32 s22, s1  }
0x15: {  	[timem:s6], [sflag:s23] =	dma.local [hbm:s4], s21  }
0x16: {  	_ =	swait.ge [sflag:s23], s21  }
0x17: {  	s2 =	ssub.s32 $0x0, s21;
	[sflag:s23] =	ssyncset.done $0x0  }
0x18: {  	[sflag:s23] =	ssyncadd.s32 s2;
	_ =	sdelay $0x1  }
0x19: {  	s24 =	simm.s32 $0x1B8B  }
0x1a: {  	_ =	swait.ge [sflag:s24], $0x1  }
0x1b: {  	[sflag:s24] =	ssyncset.done $0x0  }
0x1c: {  	s26 =	simm.s32 $0x1B8E;
	s25 =	sld [smem:$0x3FFE];
	[sflag:s24] =	ssyncadd.s32 $0xFFFFFFFF  }
0x1d: {  	s27 =	simm.s32 $execute0_lowered;
	[smem:$0x3FD2] =	sst s26  }
0x1e: {  	s4 =	sshll.u32 s27, $0x1;
	_ =	strace $0x80000046;
	[dreg:$0x1] =	wrdreg $0xFFFFFFFF  }
0x1f: {  	s28 =	simm.s32 $_size_execute0_lowered;
	s1 =	sadd.s32 s1, s4;
	[dreg:$0x0] =	wrdreg $0x0  }
0x20: {  	s4 =	sshll.u32 s28, $0x1;
	[dreg:$0x2] =	wrdreg s1  }
0x21: {  	[dreg:$0x3] =	wrdreg s4  }
0x22: {  	[dreg:$0x4] =	wrdreg $0xC0  }
0x23: {  	_ =	task [dreg:s6], $0x5FFFF  }
0x24: {  	[dreg:$0x1] =	wrdreg $0xFFFFFFFF  }
0x25: {  	[dreg:$0x0] =	wrdreg $0x60  }
0x26: {  	[dreg:$0x2] =	wrdreg s25  }
0x27: {  	[dreg:$0x3] =	wrdreg $0x9  }
0x28: {  	_ =	task.clear_ibuf [dreg:s6], $0x4FFFF;
	_ =	strace $0x90000046  }
0x29: {  	s29 =	simm.s32 $0x9;
	_ =	strace $0x80000048  }
0x2a: {  	_ =	swait.ge [sflag:s29], $0x1  }
0x2b: {  	[sflag:s29] =	ssyncadd.s32 $0xFFFFFFFF  }
0x2c: {  	_ =	strace $0x90000048  }
0x2d: {  	_ =	sfence  }
0x2e: {  	s30 =	sld [smem:$0x0];
	_ =	sdelay $0x2  }
0x2f: {  	s31 =	sshll.u32 s3, $0xD;
	s3 =	sshrl.u32 s3, $0x2  }
0x30: {  	s2 =	sand.u32 $0x4000, s31;
	s1 =	sadd.s32 s3, s30  }
0x31: {  	s0 =	sor.u32 s2, s0;
	s1 =	sshll.u32 s1, $0x11  }
0x32: {  	s0 =	sor.u32 s1, s0  }
0x33: {  	s0 =	sadd.s32 $0x8F2B, s0  }
0x34: {  	[sflag:s0] =	ssyncadd.remote.s32 $0x1  }
0x35: {  	_ =	sfence.sel $0xFFFF  }
0x36: {  	[dreg:$0x0] =	wrdreg $0xFFFFFFFF;
	(pc) =	sbr.abs _section_cstart, $3  }
0x37: {  	[dreg:$0x1] =	wrdreg $0xFFFFFFFF  }
0x38: {  	_ =	task.clear_ibuf [dreg:s6], $0x2FFFF;
	_ =	strace $0x9FFFFFFF  }
0x39: {  	(tm) =	ssettm $0x7FFFFFFF  }
tec
execute0_lowered:
.L_overlay_start_1:
0x0: {  	(tag) =	ssettag $0x1  }
0x1: {  	s4 =	rddreg [dreg:$0x0]  }
0x2: {  	s1 =	stileid.u32;
	s0 =	rddreg [dreg:$0x1];
	_ =	strace $0x80000047  }
0x3: {  	s6 =	srdreg.scid;
	s31 =	simm.s32 $0x2;
	s18 =	simm.s32 $0x0  }
0x4: {  	p0 =	por $0x0, $0x0;
	s20 =	simm.s32 $0x0;
	s19 =	simm.s32 $0x0  }
0x5: {  	s21 =	simm.s32 $0x0;
	s9 =	simm.s32 $0x0;
	s10 =	simm.s32 $0x0  }
0x6: {  	s11 =	simm.s32 $0x0;
	s12 =	simm.s32 $0x0;
	s13 =	simm.s32 $0x0  }
0x7: {  	s15 =	simm.s32 $0x0;
	s17 =	simm.s32 $0x0;
	s2 =	sand.u32 $0x1, s1  }
0x8: {  	s3 =	sadd.s32 $0x4C00, s4;
	s6 =	sshll.u32 s6, $0x4;
	s5 =	ssub.s32 $0x2, s2  }
.Ltmp0:
0x9: {  	s7 =	sshrl.u32 s5, $0x1;
	s5 =	sand.u32 $0x1, s5;
	(pc) =	sbr.rel .LBB1_1-.Ltmp0, $4  }
0xa: {  	s4 =	sadd.s32 $0x1C4C00, s4;
	s8 =	sand.u32 $0x10, s6;
	s7 =	sadd.s32 s5, s7  }
0xb: {  	s30 =	sor.u32 s1, s8;
	s5 =	simm.s32 $0x1;
	s6 =	smul.u32 $0x1C, s7  }
0xc: {  	s16 =	smov.u32 s2;
	[sflag:s5] =	ssyncpa.u1 $0x0;
	s7 =	sshrl.u32 s30, $0x1  }
0xd: {  	[sflag:s31] =	ssyncpa.u1 $0x0;
	s14 =	smov.u32 s7;
	s8 =	sor.u32 $0x1, s6  }
.LBB1_4:
0xe: {  	[tilespmem:s24+$0x2040 ss:$0x81] =	vst.msk $0xffff, v4  }
0xf: {  	s27 =	sshll.u32 s9, $0x7;
	s28 =	sshll.u32 s11, $0x3;
	[tilespmem:s24+$0x2850 ss:$0x81] =	vst.msk $0xffff, v3  }
0x10: {  	s26 =	sshra.s32 s26, $0x2;
	p1 =	sgt.s32 s12, $0x1;
	s31 =	sshra.s32 s12, $0x1F;
	[tilespmem:s24+$0x3060 ss:$0x81] =	vst.msk $0xffff, v2  }
0x11: {  	s30 =	smov.u32 s10;
	[tilespmem:s24+$0x0 ss:$0x81] =	vst.msk $0xffff, v1;
	s24 =	smov.u32 s9;
	s29 =	sand.u32 $0xFFFFFC00, s27  }
0x12: {  	s28 =	sand.u32 $0xFFFFFC00, s28;
	s25 =	sadd.s32 s26, s25;
	s27 =	sand.u32 $0x380, s27  }
0x13: {  	s26 =	sadd.s32 s28, s29;
	s28 =	smov.u32 s12;
	s29 =	sand.u32 s31, s12  }
0x14: {  	s31 =	sshra.s32 s10, $0x1F;
	s28 =	simm.s32 @!p1 $0x1;
	p1 =	sgt.s32 s10, $0xDF  }
0x15: {  	s29 =	sxor.u32 $0xFFFFFFFF, s29;
	s31 =	sand.u32 s31, s10;
	s26 =	sor.u32 s27, s26  }
0x16: {  	s30 =	simm.s32 @!p1 $0xDF;
	s27 =	sadd.s32 s29, s28;
	s26 =	sshrl.u32 s26, $0x7  }
0x17: {  	s29 =	ssub.s32 $0x0, s11;
	s28 =	ssub.s32 s30, s31;
	p1 =	sgt.s32 s27, $0x0  }
0x18: {  	s27 =	ssub.s32 $0x1, s27;
	s31 =	smulhi.u32 $0x2492493, s26;
	s29 =	smin.u32 s11, s29  }
0x19: {  	v5 =	vld [tilespmem:s23+$0xFFFFFFD0];
	s30 =	sadd.s32 $0xFFFFFF21, s28;
	s27 =	simm.s32 @p1 $0x0;
	s28 =	ssub.s32 $0xE0, s28  }
0x1a: {  	v58 =	vld [tilespmem:s23+$0xFFFFFFE0];
	p1 =	sgt.s32 s29, $0x7F;
	s29 =	ssub.s32 $0x80, s29;
	p2 =	sgt.s32 s30, $0x0  }
0x1b: {  	v59 =	vld [tilespmem:s23+$0xFFFFFFF0];
	s30 =	sshrl.u32 s31, $0x1;
	s29 =	simm.s32 @p1 $0x0;
	p1 =	sgt.s32 s9, $0x60  }
0x1c: {  	v60 =	vld [tilespmem:s23+$0x0];
	s31 =	sshra.s32 s9, $0x1F;
	s28 =	simm.s32 @p2 $0x0;
	s27 =	smul.u32 s27, s29  }
0x1d: {  	v61 =	vld [tilespmem:s23+$0x10];
	[tilespmem:s25+$0x3870 ss:$0x81] =	vst.msk $0xffff, v0;
	s30 =	smul.u32 $0xE0, s30;
	s24 =	simm.s32 @!p1 $0x60;
	s29 =	sand.u32 s31, s9  }
0x1e: {  	v62 =	vld [tilespmem:s23+$0x20];
	[tilespmem:s25+$0x810 ss:$0x81] =	vst.msk $0xffff, v5;
	s24 =	ssub.s32 s24, s29;
	s27 =	smul.u32 s28, s27  }
0x1f: {  	v63 =	vld [tilespmem:s23+$0xFFFFFFC0];
	[tilespmem:s25+$0x1020 ss:$0x81] =	vst.msk $0xffff, v58;
	s23 =	ssub.s32 s26, s30;
	s29 =	sadd.s32 $0xFFFFFFA0, s24;
	s28 =	smul.u32 $0xC4000, s12  }
0x20: {  	[tilespmem:s25+$0x1830 ss:$0x81] =	vst.msk $0xffff, v59;
	s24 =	ssub.s32 $0xE0, s24;
	s30 =	smul.u32 $0xE00, s10;
	p1 =	sgt.s32 s29, $0x7F  }
0x21: {  	[tilespmem:s25+$0x2040 ss:$0x81] =	vst.msk $0xffff, v60;
	s31 =	sshrl.u32 s11, $0x3;
	s24 =	simm.s32 @p1 $0x0;
	s28 =	sadd.s32 s4, s28  }
0x22: {  	[tilespmem:s25+$0x2850 ss:$0x81] =	vst.msk $0xffff, v61;
	s24 =	smul.u32 s24, s27;
	s26 =	sadd.s32 s30, s28;
	s30 =	sand.u32 $0xF, s31  }
0x23: {  	[tilespmem:s25+$0x3060 ss:$0x81] =	vst.msk $0xffff, v62;
	s23 =	sshll.u32 s23, $0x4;
	s26 =	sadd.s32 s30, s26  }
0x24: {  	[tilespmem:s25+$0x0 ss:$0x81] =	vst.msk $0xffff, v63;
	s31 =	sand.u32 $0x7, s11;
	s24 =	sand.u32 $0x3FFFFFFF, s24;
	s23 =	sadd.s32 s23, s26  }
0x25: {  	[hbm4b:s23+s31] =	stream.linear.scatter [tilespmem:s22], [sflag:$0x2], s24, $0x20;
	[tilespmem:$0x10100] =	vst v63  }
.LBB1_5:
0x26: {  	p1 =	slt.u32 s17, $0x2;
	s22 =	smov.u32 s21  }
0x27: {  	s25 =	smov.u32 s16;
	p0 =	por !p0, !p0;
	p2 =	sgt.s32 @!p1 s21, $0x1  }
0x28: {  	s23 =	sshra.s32 @!p1 s21, $0x1F;
	s24 =	sshra.s32 @!p1 s20, $0x1F;
	p3 =	sgt.s32 @!p1 s18, $0x60  }
0x29: {  	s26 =	simm.s32 @!p1 $0x2;
	p2 =	por !p2, p1;
	s21 =	sand.u32 @!p1 s23, s21  }
0x2a: {  	s23 =	smov.u32 s20;
	p3 =	por !p3, p1;
	s22 =	simm.s32 @p2 $0x1  }
0x2b: {  	p2 =	sgt.s32 @!p1 s20, $0xDF;
	s21 =	sxor.u32 @!p1 $0xFFFFFFFF, s21;
	s20 =	sand.u32 @!p1 s24, s20  }
0x2c: {  	s24 =	smov.u32 s15;
	p2 =	por !p2, p1;
	s21 =	sadd.s32 @!p1 s21, s22  }
0x2d: {  	s23 =	simm.s32 @p2 $0xDF;
	p2 =	sgt.s32 @!p1 s21, $0x0;
	s21 =	ssub.s32 @!p1 $0x1, s21  }
0x2e: {  	s20 =	ssub.s32 @!p1 s23, s20;
	p2 =	por !p2, p1;
	s23 =	smov.u32 s18  }
0x2f: {  	s22 =	sadd.s32 @!p1 $0xFFFFFF21, s20;
	s21 =	simm.s32 @!p2 $0x0;
	s20 =	ssub.s32 @!p1 $0xE0, s20  }
0x30: {  	s23 =	simm.s32 @p3 $0x60;
	p2 =	sgt.s32 @!p1 s22, $0x0;
	s22 =	ssub.s32 @!p1 $0x0, s19  }
0x31: {  	p2 =	por !p2, p1;
	s19 =	smin.u32 @!p1 s19, s22;
	s22 =	sshra.s32 @!p1 s18, $0x1F  }
0x32: {  	s18 =	sand.u32 @!p1 s22, s18;
	p3 =	sgt.s32 @!p1 s19, $0x7F;
	s19 =	ssub.s32 @!p1 $0x80, s19  }
0x33: {  	s20 =	simm.s32 @!p2 $0x0;
	s18 =	ssub.s32 @!p1 s23, s18;
	p3 =	por !p3, p1  }
0x34: {  	s23 =	smov.u32 s14;
	s22 =	sadd.s32 @!p1 $0xFFFFFFA0, s18;
	s19 =	simm.s32 @!p3 $0x0  }
0x35: {  	p2 =	sgt.s32 @!p1 s22, $0x7F;
	s19 =	smul.u32 @!p1 s21, s19;
	s22 =	sadd.s32 $0x80, s13  }
0x36: {  	s18 =	ssub.s32 @!p1 $0xE0, s18;
	s21 =	sadd.s32 $0x10, s14;
	p3 =	sgt.s32 s22, $0xDF  }
0x37: {  	p2 =	por !p2, p1;
	s19 =	smul.u32 @!p1 s20, s19;
	s23 =	smov.u32 @p3 s21  }
0x38: {  	s18 =	simm.s32 @!p2 $0x0;
	s20 =	sadd.s32 $0x80, s15;
	p2 =	sgt.s32 s23, $0xDF  }
0x39: {  	s22 =	simm.s32 @p3 $0x0;
	s21 =	smov.u32 s12;
	s24 =	smov.u32 @p2 s20  }
0x3a: {  	s18 =	smul.u32 @!p1 s18, s19;
	s19 =	sadd.s32 $0x2, s16;
	p3 =	sgt.s32 s24, $0x7F  }
0x3b: {  	s12 =	smov.u32 s16;
	s23 =	smov.u32 @p2 s7;
	s25 =	smov.u32 @p3 s19  }
0x3c: {  	s20 =	smov.u32 s10;
	s10 =	smov.u32 s14;
	p2 =	sgt.s32 s25, $0x1  }
0x3d: {  	s14 =	smov.u32 s23;
	s25 =	smov.u32 @p2 s2;
	p2 =	sne.s32 s17, s8  }
.Ltmp1:
0x3e: {  	s18 =	sand.u32 @!p1 $0x3FFFFFFF, s18;
	s24 =	simm.s32 @p3 $0x0;
	(pc) =	sbr.rel @!p2 .LBB1_6-.Ltmp1, $4  }
0x3f: {  	s19 =	smov.u32 s11;
	s11 =	smov.u32 s15;
	_ =	swait.ge @!p1 [sflag:s26], s18  }
0x40: {  	s27 =	ssub.s32 @!p1 $0x0, s18;
	s18 =	smov.u32 s9;
	s9 =	smov.u32 s13  }
0x41: {  	s13 =	smov.u32 s22;
	s15 =	smov.u32 s24;
	[sflag:s26] =	ssyncset.done @!p1 $0x0  }
0x42: {  	s17 =	sadd.s32 $0x1, s17;
	[sflag:s26] =	ssyncadd.s32 @!p1 s27;
	s16 =	smov.u32 s25  }
.LBB1_1:
0x43: {  	p1 =	sge.u32 s17, s6  }
0x44: {  	s22 =	sshll.u32 @!p1 s14, $0x8;
	s23 =	sshll.u32 @!p1 s13, $0x3  }
0x45: {  	s24 =	sshll.u32 @!p1 s14, $0x7;
	s22 =	sand.u32 @!p1 $0xFFFFF800, s22;
	s23 =	sand.u32 @!p1 $0xFFFFFC00, s23  }
0x46: {  	s22 =	sadd.s32 @!p1 s22, s23;
	s23 =	sand.u32 @!p1 $0x300, s24  }
0x47: {  	s22 =	sor.u32 @!p1 s23, s22  }
0x48: {  	s22 =	sshrl.u32 @!p1 s22, $0x8  }
0x49: {  	s23 =	smulhi.u32 @!p1 $0x124924A, s22  }
0x4a: {  	s31 =	sadd.s32 $0xFFFFFFFF, s17;
	s25 =	sxor.u32 @!p1 $0xFFFFFFFF, s17;
	s27 =	smul.u32 @!p1 $0xE0000, s16  }
0x4b: {  	s26 =	sand.u32 @!p1 $0x78, s13;
	s24 =	sand.u32 @!p1 $0x80, s24;
	s23 =	smul.u32 @!p1 $0xE0, s23  }
0x4c: {  	s25 =	sshll.u32 @!p1 s25, $0xE;
	s24 =	sor.u32 @!p1 s26, s24;
	s26 =	smul.u32 @!p1 $0x1C00, s15  }
0x4d: {  	s22 =	ssub.s32 @!p1 s22, s23;
	s23 =	sand.u32 @!p1 $0x4000, s25;
	s25 =	sadd.s32 @!p1 s3, s27  }
0x4e: {  	s24 =	sshrl.u32 @!p1 s24, $0x3;
	s25 =	sadd.s32 @!p1 s26, s25;
	s26 =	sand.u32 @!p1 $0x7, s13  }
0x4f: {  	s22 =	sshll.u32 @!p1 s22, $0x5;
	s24 =	sadd.s32 @!p1 s24, s25;
	s25 =	sshll.u32 @!p1 s26, $0x12  }
0x50: {  	s22 =	sadd.s32 @!p1 s22, s24;
	s24 =	sor.u32 @!p1 $0x80, s25;
	s25 =	simm.s32 @!p1 $0xE000  }
0x51: {  	[tilespmem:s23], [sflag:$0x1] =	stream.strided.gather @!p1 [hbm4b:s22+s24], $0x4000, s25, s24, $0x38;
	[tilespmem:$0x10100] =	vst v63  }
0x52: {  	p1 =	sge.u32 s31, s6  }
.Ltmp2:
0x53: {  	_ = 	snop;
	(pc) =	sbr.rel @p1 .LBB1_5-.Ltmp2, $1  }
0x54: {  	_ =	sdelay $0x3  }
0x55: {  	s22 =	simm.s32 $0x1  }
0x56: {  	_ =	swait.ge [sflag:s5], $0x4000;
	s22 =	simm.s32 @!p0 $0x0  }
0x57: {  	[sflag:s5] =	ssyncset.done $0x0;
	s23 =	sshll.u32 s22, $0xE  }
0x58: {  	[sflag:s5] =	ssyncadd.s32 $0xFFFFC000;
	s23 =	sor.u32 $0x40, s23  }
0x59: {  	s22 =	smul.u32 $0x10200, s22;
	v0 =	vld [tilespmem:s23+$0x30]  }
0x5a: {  	v1 =	vld [tilespmem:s23+$0xFFFFFFD0]  }
0x5b: {  	s22 =	sshrl.u32 s22, $0x2;
	v5 =	vld [tilespmem:s23+$0xFFFFFFE0]  }
0x5c: {  	v6 =	vld [tilespmem:s23+$0xFFFFFFF0];
	s25 =	sor.u32 $0x8000, s22  }
0x5d: {  	s31 =	sand.u32 $0x1, s17;
	v4 =	vld [tilespmem:s23+$0x0];
	s24 =	sadd.s32 $0x0, s25  }
0x5e: {  	v3 =	vld [tilespmem:s23+$0x10];
	s22 =	smul.u32 $0x10200, s31;
	[tilespmem:s24+$0x3870 ss:$0x81] =	vst.msk $0xffff, v0  }
0x5f: {  	v2 =	vld [tilespmem:s23+$0x20];
	[tilespmem:s24+$0x810 ss:$0x81] =	vst.msk $0xffff, v1  }
0x60: {  	s22 =	sshrl.u32 s22, $0x2;
	v1 =	vld [tilespmem:s23+$0xFFFFFFC0];
	[tilespmem:s24+$0x1020 ss:$0x81] =	vst.msk $0xffff, v5;
	s23 =	sadd.s32 $0x80, s23  }
0x61: {  	s26 =	simm.s32 $0x4;
	s27 =	simm.s32 $0x8;
	s22 =	sor.u32 $0x8000, s22;
	[tilespmem:s24+$0x1830 ss:$0x81] =	vst.msk $0xffff, v6;
	v0 =	vld [tilespmem:s23+$0x30]  }
.LBB1_3:
0x62: {  	p1 =	sne.s32 s27, $0x1FC;
	v5 =	vld [tilespmem:s23+$0xFFFFFFD0];
	[tilespmem:s24+$0x2040 ss:$0x81] =	vst.msk $0xffff, v4  }
0x63: {  	v6 =	vld [tilespmem:s23+$0xFFFFFFE0];
	[tilespmem:s24+$0x2850 ss:$0x81] =	vst.msk $0xffff, v3  }
0x64: {  	s28 =	sshra.s32 s26, $0x2;
	s26 =	smov.u32 s27;
	v7 =	vld [tilespmem:s23+$0xFFFFFFF0];
	[tilespmem:s24+$0x3060 ss:$0x81] =	vst.msk $0xffff, v2  }
.Ltmp3:
0x65: {  	v4 =	vld [tilespmem:s23+$0x0];
	[tilespmem:s24+$0x0 ss:$0x81] =	vst.msk $0xffff, v1;
	s24 =	sadd.s32 s28, s25;
	(pc) =	sbr.rel @p1 .LBB1_3-.Ltmp3, $4  }
0x66: {  	v3 =	vld [tilespmem:s23+$0x10];
	[tilespmem:s24+$0x3870 ss:$0x81] =	vst.msk $0xffff, v0  }
0x67: {  	[tilespmem:s24+$0x810 ss:$0x81] =	vst.msk $0xffff, v5;
	v2 =	vld [tilespmem:s23+$0x20]  }
0x68: {  	v1 =	vld [tilespmem:s23+$0xFFFFFFC0];
	[tilespmem:s24+$0x1020 ss:$0x81] =	vst.msk $0xffff, v6;
	s23 =	sadd.s32 $0x80, s23  }
0x69: {  	s27 =	sadd.s32 $0x4, s27;
	v0 =	vld [tilespmem:s23+$0x30];
	[tilespmem:s24+$0x1830 ss:$0x81] =	vst.msk $0xffff, v7  }
.Ltmp4:
0x6a: {  	_ = 	snop;
	(pc) =	sbr.rel .LBB1_4-.Ltmp4, $1  }
0x6b: {  	_ =	sdelay $0x3  }
.LBB1_6:
0x6c: {  	_ =	sfence.sel $0x180000  }
0x6d: {  	s2 =	simm.s32 $0x1;
	[bflag:$0x0] =	sbarrier.arrive $0xFFFF  }
0x6e: {  	s31 =	simm.s32 $0x2;
	[sflag:s2] =	ssyncpa.u1 $0x1  }
0x6f: {  	[sflag:s31] =	ssyncpa.u1 $0x1  }
0x70: {  	p0 =	sne.s32 s1, $0x0;
	_ =	strace $0x90000047  }
0x71: {  	s0 =	sadd.s32 @!p0 $0x100000, s0;
	[bflag:$0x2] =	sbarrier.arrive $0xFFFF  }
0x72: {  	[sflag:s0] =	ssyncadd.tile.s32 @!p0 $0x1;
	_ =	shalt  }
.Lfunc_end1:
_tile_overlayer_lowered:
.L_overlay_start_2:
0x73: {  	(tag) =	ssettag $0x2  }
0x74: {  	s0 =	rddreg [dreg:$0x0];
	s2 =	stileid.u32  }
0x75: {  	s1 =	rddreg [dreg:$0x1];
	p0 =	sne.s32 s2, $0x0  }
0x76: {  	s3 =	rddreg [dreg:$0x2];
	[bflag:$0x3] =	sbarrier.arrive $0xFFFF;
	s2 =	simm.s32 @!p0 $0x1C01  }
0x77: {  	[timem:s3], [sflag:s2] =	dma.local @!p0 [hbm:s0], s1  }
0x78: {  	s0 =	simm.s32 @!p0 $0x1  }
0x79: {  	_ =	swait.ge @!p0 [sflag:s0], s1  }
0x7a: {  	s1 =	ssub.s32 @!p0 $0x0, s1;
	[sflag:s0] =	ssyncset.done @!p0 $0x0  }
0x7b: {  	[sflag:s0] =	ssyncadd.s32 @!p0 s1  }
0x7c: {  	[bflag:$0x3] =	sbarrier.arrive $0xFFFF  }
0x7d: {  	_ =	shalt  }

</sc_bundles>
